<compile_context>
chip_gen: v7x
topology: tpu7x:2x2x1
jax: 0.10.2.dev20260603
libtpu: 0.0.44.dev20260713+nightly
codegen_flags: <defaults>
</compile_context>

<pallas_src>
import functools

import jax
import jax.numpy as jnp
from jax import lax
from jax.experimental import pallas as pl
from jax.experimental.pallas import tpu as pltpu
from jax.experimental.pallas import tpu_sc as plsc

BATCH = 1024
MAX_LEN = 200
D = 128
NSL = D // 16

_info = plsc.get_sparse_core_info()
_NC, _NS = _info.num_cores, _info.num_subcores
NW = _NC * _NS
ROWS = BATCH * MAX_LEN
RPW = ROWS // NW
SPW = RPW // MAX_LEN
CH = MAX_LEN // 2
NBUF = 3


def _pe_body(o_ref):
    pos = lax.broadcasted_iota(jnp.int32, (MAX_LEN, D), 0).astype(jnp.float32)
    di = lax.broadcasted_iota(jnp.int32, (MAX_LEN, D), 1)
    deven = ((di // 2) * 2).astype(jnp.float32)
    ang = pos * jnp.exp(-(jnp.log(10000.0) / D) * deven)
    o_ref[...] = jnp.where(di % 2 == 0, jnp.sin(ang), jnp.cos(ang))


_pe_call = pl.pallas_call(
    _pe_body, out_shape=jax.ShapeDtypeStruct((MAX_LEN, D), jnp.float32))


_mesh = plsc.VectorSubcoreMesh(core_axis_name="c", subcore_axis_name="s")


@functools.partial(
    pl.kernel,
    mesh=_mesh,
    out_type=jax.ShapeDtypeStruct((ROWS, D), jnp.float32),
    scratch_types=[
        pltpu.VMEM((SPW, MAX_LEN), jnp.int32),
        pltpu.VMEM((MAX_LEN, D), jnp.float32),
        pltpu.VMEM((NBUF, MAX_LEN, D), jnp.float32),
        pltpu.VMEM((NBUF, CH), jnp.int32),
        pltpu.VMEM((NBUF, CH), jnp.int32),
        pltpu.VMEM_SHARED((_NS * D, D), jnp.float32),
    ] + [pltpu.SemaphoreType.DMA] * (2 * NBUF),
)
def _sc_embed(idx_hbm, table_hbm, pe_hbm, out_hbm,
              idx_v, pe_v, bufs, adj_a, adj_b, shared, *sems):
    gsem = sems[:NBUF]
    ssem = sems[NBUF:]
    sid = lax.axis_index("s")
    wid = sid * _NC + lax.axis_index("c")
    pltpu.sync_copy(idx_hbm.at[pl.ds(wid * SPW, SPW)], idx_v)
    pltpu.sync_copy(pe_hbm, pe_v)
    pltpu.sync_copy(table_hbm, shared.at[pl.ds(sid * D, D)])
    plsc.subcore_barrier()
    wbase = wid * RPW
    rebase = sid * D

    def prep_ids(s, b):
        for half, adj in ((0, adj_a), (1, adj_b)):
            for k in range(0, CH, 16):
                o = min(k, CH - 16)
                sl = pl.ds(half * CH + o, 16)
                adj[b, pl.ds(o, 16)] = idx_v[s, sl] + rebase

    def start_gathers(b):
        pltpu.async_copy(
            shared.at[adj_a.at[b]], bufs.at[b, pl.ds(0, CH)], gsem[b])
        pltpu.async_copy(
            shared.at[adj_b.at[b]], bufs.at[b, pl.ds(CH, CH)], gsem[b])

    def wait_gathers(b):
        pltpu.make_async_copy(
            shared.at[adj_a.at[b]], bufs.at[b, pl.ds(0, CH)],
            gsem[b]).wait()
        pltpu.make_async_copy(
            shared.at[adj_b.at[b]], bufs.at[b, pl.ds(CH, CH)],
            gsem[b]).wait()

    def start_scatter(s, b):
        pltpu.async_copy(
            bufs.at[b], out_hbm.at[pl.ds(wbase + s * MAX_LEN, MAX_LEN)],
            ssem[b])

    def wait_scatter(b):
        pltpu.make_async_copy(
            bufs.at[b], out_hbm.at[pl.ds(0, MAX_LEN)], ssem[b]).wait()

    def add_pe(b):
        def row(r, rc):
            for u in range(2):
                for c in range(NSL):
                    sl = pl.ds(c * 16, 16)
                    plsc.addupdate(
                        bufs.at[b, 2 * r + u, sl], pe_v[2 * r + u, sl])
            return rc

        lax.fori_loop(0, MAX_LEN // 2, row, 0)

    def slot(s, b, wait_prev, next_s):
        bn = (b + 1) % NBUF
        if wait_prev:
            wait_scatter(bn)
        if next_s is not None:
            prep_ids(next_s, bn)
            start_gathers(bn)
        wait_gathers(b)
        add_pe(b)
        start_scatter(s, b)

    prep_ids(0, 0)
    start_gathers(0)
    slot(0, 0, False, 1)
    slot(1, 1, False, 2)
    slot(2, 2, True, 3)

    def body(g, carry):
        s0 = 3 * g + 3
        for b in range(NBUF):
            slot(s0 + b, b, True, s0 + b + 1)
        return carry

    lax.fori_loop(0, (SPW - 5) // 3, body, 0)

    slot(SPW - 2, (SPW - 2) % NBUF, True, SPW - 1)
    slot(SPW - 1, (SPW - 1) % NBUF, True, None)
    wait_scatter((SPW - 2) % NBUF)
    wait_scatter((SPW - 1) % NBUF)


def kernel(batch, table):
    pe = _pe_call()
    idx = batch.astype(jnp.int32)
    out = _sc_embed(idx, table, pe)
    return out.reshape(BATCH, MAX_LEN, D)

# --- scband reference (transcript-rebuilt; emitter-appended) ---
"""Pipeline reference for scband-sentence-embedding-13305808683272 (READ-ONLY COPY).

The authoritative reference and input builder live on the scoring server;
editing this copy changes nothing except your own understanding.
"""

import jax, jax.numpy as jnp
import numpy as np

BATCH = 1024
MAX_LEN = 200
D_MODEL = 128
VOCAB = 128
PAD_IDX = 0


def _positional_encoding(L, d):
    pos = jnp.arange(L, dtype=jnp.float32)[:, None]
    i = jnp.arange(0, d, 2, dtype=jnp.float32)
    div = jnp.exp(-(jnp.log(10000.0) / d) * i)
    ang = pos * div[None, :]
    pe = jnp.zeros((L, d), dtype=jnp.float32)
    pe = pe.at[:, 0::2].set(jnp.sin(ang))
    pe = pe.at[:, 1::2].set(jnp.cos(ang))
    return pe


def setup_inputs(seed: int = 0):
    key = jax.random.key(seed)
    k1, k2 = jax.random.split(key)
    # pre-tokenized token ids (batch_tokenize output); values in [0, VOCAB)
    batch = jax.random.randint(k1, (BATCH, MAX_LEN), 0, VOCAB)
    # learned embedding table, padding row zeroed (nn.Embedding padding_idx semantics)
    table = jax.random.normal(k2, (VOCAB, D_MODEL), dtype=jnp.float32)
    table = table.at[PAD_IDX].set(0.0)
    return {"batch": batch, "table": table}


def reference(batch, table):
    # embedding lookup (SparseCore gather)
    emb = jnp.take(table, batch, axis=0)
    # sinusoidal positional encoding (non-learned)
    pe = _positional_encoding(MAX_LEN, D_MODEL)
    out = emb + pe[None, :, :]
    # dropout(p=0.1) is identity in eval mode
    return out

if __name__ == "__main__":
    import jax
    _d = setup_inputs()
    print(jax.jit(kernel)(*tuple(_d.values())))

</pallas_src>

<mosaic_0001>
#map = affine_map<(d0, d1) -> (0, 0)>
module attributes {stable_mosaic.version = 14 : i64} {
  func.func @_sc_embed(%arg0: i32, %arg1: i32, %arg2: memref<1024x200xi32, #tpu.memory_space<hbm>>, %arg3: memref<128x128xf32, #tpu.memory_space<hbm>>, %arg4: memref<200x128xf32, #tpu.memory_space<hbm>>, %arg5: memref<204800x128xf32, #tpu.memory_space<hbm>>, %arg6: memref<32x200xi32, #tpu.memory_space<vmem>>, %arg7: memref<200x128xf32, #tpu.memory_space<vmem>>, %arg8: memref<3x200x128xf32, #tpu.memory_space<vmem>>, %arg9: memref<3x100xi32, #tpu.memory_space<vmem>>, %arg10: memref<3x100xi32, #tpu.memory_space<vmem>>, %arg11: memref<2048x128xf32, #tpu.memory_space<vmem_shared>>, %arg12: memref<!tpu.dma_semaphore, #tpu.memory_space<semaphore_mem>>, %arg13: memref<!tpu.dma_semaphore, #tpu.memory_space<semaphore_mem>>, %arg14: memref<!tpu.dma_semaphore, #tpu.memory_space<semaphore_mem>>, %arg15: memref<!tpu.dma_semaphore, #tpu.memory_space<semaphore_mem>>, %arg16: memref<!tpu.dma_semaphore, #tpu.memory_space<semaphore_mem>>, %arg17: memref<!tpu.dma_semaphore, #tpu.memory_space<semaphore_mem>>) attributes {dimension_semantics = [#tpu.dimension_semantics<core_parallel>, #tpu.dimension_semantics<subcore_parallel>], iteration_bounds = array<i64: 2, 16>, scalar_prefetch = 0 : i64, scratch_operands = 12 : i64, tpu.core_type = #tpu.core_type<sc_vector_subcore>, window_params = [{transform_indices = #map}, {transform_indices = #map}, {transform_indices = #map}, {transform_indices = #map}]} {
    %mul3A = arith.constant 2 : i32
    %mul3A_0 = arith.muli %arg1, %mul3A : i32
    %add3A = arith.addi %mul3A_0, %arg0 : i32
    %mul3A_1 = arith.constant 32 : i32
    %mul3A_2 = arith.muli %add3A, %mul3A_1 : i32
    "tpu.region"() ({
      %run_scoped3A = tpu.sem_alloc : memref<!tpu.dma_semaphore, #tpu.memory_space<semaphore_mem>>
      %dma_start3A_1340 = arith.constant 0 : i32
      %dma_start3A_1341 = tpu.memref_slice %arg2[%mul3A_2, %dma_start3A_1340] : memref<1024x200xi32, #tpu.memory_space<hbm>> -> memref<32x200xi32, #tpu.memory_space<hbm>>
      %dma_start3A_1342 = arith.constant 0 : i32
      %dma_start3A_1343 = tpu.memref_slice %arg2[%mul3A_2, %dma_start3A_1342] : memref<1024x200xi32, #tpu.memory_space<hbm>> -> memref<32x200xi32, #tpu.memory_space<hbm>>
      tpu.enqueue_dma source(%dma_start3A_1343 : memref<32x200xi32, #tpu.memory_space<hbm>>) target(%arg6 : memref<32x200xi32, #tpu.memory_space<vmem>>) target_semaphore(%run_scoped3A : memref<!tpu.dma_semaphore, #tpu.memory_space<semaphore_mem>>)
      %dma_wait3A_1344 = arith.constant 0 : i32
      %dma_wait3A_1345 = tpu.memref_slice %arg2[%mul3A_2, %dma_wait3A_1344] : memref<1024x200xi32, #tpu.memory_space<hbm>> -> memref<32x200xi32, #tpu.memory_space<hbm>>
      %dma_wait3A_1346 = arith.constant 0 : i32
      %dma_wait3A_1347 = tpu.memref_slice %arg2[%mul3A_2, %dma_wait3A_1346] : memref<1024x200xi32, #tpu.memory_space<hbm>> -> memref<32x200xi32, #tpu.memory_space<hbm>>
      tpu.wait_dma2 semaphore(%run_scoped3A : memref<!tpu.dma_semaphore, #tpu.memory_space<semaphore_mem>>) src(%dma_wait3A_1347 : memref<32x200xi32, #tpu.memory_space<hbm>>) dst(%arg6 : memref<32x200xi32, #tpu.memory_space<vmem>>)
      tpu.yield
    }) : () -> ()
    "tpu.region"() ({
      %run_scoped3A = tpu.sem_alloc : memref<!tpu.dma_semaphore, #tpu.memory_space<semaphore_mem>>
      tpu.enqueue_dma source(%arg4 : memref<200x128xf32, #tpu.memory_space<hbm>>) target(%arg7 : memref<200x128xf32, #tpu.memory_space<vmem>>) target_semaphore(%run_scoped3A : memref<!tpu.dma_semaphore, #tpu.memory_space<semaphore_mem>>)
      tpu.wait_dma2 semaphore(%run_scoped3A : memref<!tpu.dma_semaphore, #tpu.memory_space<semaphore_mem>>) src(%arg4 : memref<200x128xf32, #tpu.memory_space<hbm>>) dst(%arg7 : memref<200x128xf32, #tpu.memory_space<vmem>>)
      tpu.yield
    }) : () -> ()
    %mul3A_3 = arith.constant 128 : i32
    %mul3A_4 = arith.muli %arg1, %mul3A_3 : i32
    "tpu.region"() ({
      %run_scoped3A = tpu.sem_alloc : memref<!tpu.dma_semaphore, #tpu.memory_space<semaphore_mem>>
      %dma_start3A_1340 = arith.constant 0 : i32
      %dma_start3A_1341 = tpu.memref_slice %arg11[%mul3A_4, %dma_start3A_1340] : memref<2048x128xf32, #tpu.memory_space<vmem_shared>> -> memref<128x128xf32, #tpu.memory_space<vmem_shared>>
      tpu.enqueue_dma source(%arg3 : memref<128x128xf32, #tpu.memory_space<hbm>>) target(%dma_start3A_1341 : memref<128x128xf32, #tpu.memory_space<vmem_shared>>) target_semaphore(%run_scoped3A : memref<!tpu.dma_semaphore, #tpu.memory_space<semaphore_mem>>)
      %dma_wait3A_1342 = arith.constant 0 : i32
      %dma_wait3A_1343 = tpu.memref_slice %arg11[%mul3A_4, %dma_wait3A_1342] : memref<2048x128xf32, #tpu.memory_space<vmem_shared>> -> memref<128x128xf32, #tpu.memory_space<vmem_shared>>
      tpu.wait_dma2 semaphore(%run_scoped3A : memref<!tpu.dma_semaphore, #tpu.memory_space<semaphore_mem>>) src(%arg3 : memref<128x128xf32, #tpu.memory_space<hbm>>) dst(%dma_wait3A_1343 : memref<128x128xf32, #tpu.memory_space<vmem_shared>>)
      tpu.yield
    }) : () -> ()
    %barrier3A = arith.constant 0 : index
    tpu.barrier barrier_id(%barrier3A)
    %mul3A_5 = arith.constant 6400 : i32
    %mul3A_6 = arith.muli %add3A, %mul3A_5 : i32
    %mul3A_7 = arith.constant 128 : i32
    %mul3A_8 = arith.muli %arg1, %mul3A_7 : i32
    %get3A = arith.constant 0 : i32
    %get3A_9 = arith.index_cast %get3A : i32 to index
    %get3A_10 = arith.constant 0 : index
    %get3A_11 = tpu.vector_load %arg6[%get3A_9, %get3A_10] {strides = array<i32>} : memref<32x200xi32, #tpu.memory_space<vmem>>, vector<1x16xi32>,
    %get3A_12 = vector.shape_cast %get3A_11 : vector<1x16xi32> to vector<16xi32>
    %add3A_13 = vector.broadcast %mul3A_8 : i32 to vector<16xi32>
    %add3A_14 = arith.addi %get3A_12, %add3A_13 : vector<16xi32>
    %swap3A = arith.constant 0 : i32
    %swap3A_15 = arith.index_cast %swap3A : i32 to index
    %swap3A_16 = arith.constant 0 : index
    %swap3A_17 = tpu.vector_load %arg9[%swap3A_15, %swap3A_16] {strides = array<i32>} : memref<3x100xi32, #tpu.memory_space<vmem>>, vector<1x16xi32>,
    %swap3A_18 = vector.shape_cast %swap3A_17 : vector<1x16xi32> to vector<16xi32>
    %swap3A_19 = vector.shape_cast %add3A_14 : vector<16xi32> to vector<1x16xi32>
    tpu.vector_store %arg9[%swap3A_15, %swap3A_16], %swap3A_19 {strides = array<i32>} : memref<3x100xi32, #tpu.memory_space<vmem>>, vector<1x16xi32>,
    %get3A_20 = arith.constant 0 : i32
    %get3A_21 = arith.index_cast %get3A_20 : i32 to index
    %get3A_22 = arith.constant 16 : index
    %get3A_23 = tpu.vector_load %arg6[%get3A_21, %get3A_22] {strides = array<i32>} : memref<32x200xi32, #tpu.memory_space<vmem>>, vector<1x16xi32>,
    %get3A_24 = vector.shape_cast %get3A_23 : vector<1x16xi32> to vector<16xi32>
    %add3A_25 = vector.broadcast %mul3A_8 : i32 to vector<16xi32>
    %add3A_26 = arith.addi %get3A_24, %add3A_25 : vector<16xi32>
    %swap3A_27 = arith.constant 0 : i32
    %swap3A_28 = arith.index_cast %swap3A_27 : i32 to index
    %swap3A_29 = arith.constant 16 : index
    %swap3A_30 = tpu.vector_load %arg9[%swap3A_28, %swap3A_29] {strides = array<i32>} : memref<3x100xi32, #tpu.memory_space<vmem>>, vector<1x16xi32>,
    %swap3A_31 = vector.shape_cast %swap3A_30 : vector<1x16xi32> to vector<16xi32>
    %swap3A_32 = vector.shape_cast %add3A_26 : vector<16xi32> to vector<1x16xi32>
    tpu.vector_store %arg9[%swap3A_28, %swap3A_29], %swap3A_32 {strides = array<i32>} : memref<3x100xi32, #tpu.memory_space<vmem>>, vector<1x16xi32>,
    %get3A_33 = arith.constant 0 : i32
    %get3A_34 = arith.index_cast %get3A_33 : i32 to index
    %get3A_35 = arith.constant 32 : index
    %get3A_36 = tpu.vector_load %arg6[%get3A_34, %get3A_35] {strides = array<i32>} : memref<32x200xi32, #tpu.memory_space<vmem>>, vector<1x16xi32>,
    %get3A_37 = vector.shape_cast %get3A_36 : vector<1x16xi32> to vector<16xi32>
    %add3A_38 = vector.broadcast %mul3A_8 : i32 to vector<16xi32>
    %add3A_39 = arith.addi %get3A_37, %add3A_38 : vector<16xi32>
    %swap3A_40 = arith.constant 0 : i32
    %swap3A_41 = arith.index_cast %swap3A_40 : i32 to index
    %swap3A_42 = arith.constant 32 : index
    %swap3A_43 = tpu.vector_load %arg9[%swap3A_41, %swap3A_42] {strides = array<i32>} : memref<3x100xi32, #tpu.memory_space<vmem>>, vector<1x16xi32>,
    %swap3A_44 = vector.shape_cast %swap3A_43 : vector<1x16xi32> to vector<16xi32>
    %swap3A_45 = vector.shape_cast %add3A_39 : vector<16xi32> to vector<1x16xi32>
    tpu.vector_store %arg9[%swap3A_41, %swap3A_42], %swap3A_45 {strides = array<i32>} : memref<3x100xi32, #tpu.memory_space<vmem>>, vector<1x16xi32>,
    %get3A_46 = arith.constant 0 : i32
    %get3A_47 = arith.index_cast %get3A_46 : i32 to index
    %get3A_48 = arith.constant 48 : index
    %get3A_49 = tpu.vector_load %arg6[%get3A_47, %get3A_48] {strides = array<i32>} : memref<32x200xi32, #tpu.memory_space<vmem>>, vector<1x16xi32>,
    %get3A_50 = vector.shape_cast %get3A_49 : vector<1x16xi32> to vector<16xi32>
    %add3A_51 = vector.broadcast %mul3A_8 : i32 to vector<16xi32>
    %add3A_52 = arith.addi %get3A_50, %add3A_51 : vector<16xi32>
    %swap3A_53 = arith.constant 0 : i32
    %swap3A_54 = arith.index_cast %swap3A_53 : i32 to index
    %swap3A_55 = arith.constant 48 : index
    %swap3A_56 = tpu.vector_load %arg9[%swap3A_54, %swap3A_55] {strides = array<i32>} : memref<3x100xi32, #tpu.memory_space<vmem>>, vector<1x16xi32>,
    %swap3A_57 = vector.shape_cast %swap3A_56 : vector<1x16xi32> to vector<16xi32>
    %swap3A_58 = vector.shape_cast %add3A_52 : vector<16xi32> to vector<1x16xi32>
    tpu.vector_store %arg9[%swap3A_54, %swap3A_55], %swap3A_58 {strides = array<i32>} : memref<3x100xi32, #tpu.memory_space<vmem>>, vector<1x16xi32>,
    %get3A_59 = arith.constant 0 : i32
    %get3A_60 = arith.index_cast %get3A_59 : i32 to index
    %get3A_61 = arith.constant 64 : index
    %get3A_62 = tpu.vector_load %arg6[%get3A_60, %get3A_61] {strides = array<i32>} : memref<32x200xi32, #tpu.memory_space<vmem>>, vector<1x16xi32>,
    %get3A_63 = vector.shape_cast %get3A_62 : vector<1x16xi32> to vector<16xi32>
    %add3A_64 = vector.broadcast %mul3A_8 : i32 to vector<16xi32>
    %add3A_65 = arith.addi %get3A_63, %add3A_64 : vector<16xi32>
    %swap3A_66 = arith.constant 0 : i32
    %swap3A_67 = arith.index_cast %swap3A_66 : i32 to index
    %swap3A_68 = arith.constant 64 : index
    %swap3A_69 = tpu.vector_load %arg9[%swap3A_67, %swap3A_68] {strides = array<i32>} : memref<3x100xi32, #tpu.memory_space<vmem>>, vector<1x16xi32>,
    %swap3A_70 = vector.shape_cast %swap3A_69 : vector<1x16xi32> to vector<16xi32>
    %swap3A_71 = vector.shape_cast %add3A_65 : vector<16xi32> to vector<1x16xi32>
    tpu.vector_store %arg9[%swap3A_67, %swap3A_68], %swap3A_71 {strides = array<i32>} : memref<3x100xi32, #tpu.memory_space<vmem>>, vector<1x16xi32>,
    %get3A_72 = arith.constant 0 : i32
    %get3A_73 = arith.index_cast %get3A_72 : i32 to index
    %get3A_74 = arith.constant 80 : index
    %get3A_75 = tpu.vector_load %arg6[%get3A_73, %get3A_74] {strides = array<i32>} : memref<32x200xi32, #tpu.memory_space<vmem>>, vector<1x16xi32>,
    %get3A_76 = vector.shape_cast %get3A_75 : vector<1x16xi32> to vector<16xi32>
    %add3A_77 = vector.broadcast %mul3A_8 : i32 to vector<16xi32>
    %add3A_78 = arith.addi %get3A_76, %add3A_77 : vector<16xi32>
    %swap3A_79 = arith.constant 0 : i32
    %swap3A_80 = arith.index_cast %swap3A_79 : i32 to index
    %swap3A_81 = arith.constant 80 : index
    %swap3A_82 = tpu.vector_load %arg9[%swap3A_80, %swap3A_81] {strides = array<i32>} : memref<3x100xi32, #tpu.memory_space<vmem>>, vector<1x16xi32>,
    %swap3A_83 = vector.shape_cast %swap3A_82 : vector<1x16xi32> to vector<16xi32>
    %swap3A_84 = vector.shape_cast %add3A_78 : vector<16xi32> to vector<1x16xi32>
    tpu.vector_store %arg9[%swap3A_80, %swap3A_81], %swap3A_84 {strides = array<i32>} : memref<3x100xi32, #tpu.memory_space<vmem>>, vector<1x16xi32>,
    %get3A_85 = arith.constant 0 : i32
    %get3A_86 = arith.index_cast %get3A_85 : i32 to index
    %get3A_87 = arith.constant 84 : index
    %get3A_88 = tpu.vector_load %arg6[%get3A_86, %get3A_87] {strides = array<i32>} : memref<32x200xi32, #tpu.memory_space<vmem>>, vector<1x16xi32>,
    %get3A_89 = vector.shape_cast %get3A_88 : vector<1x16xi32> to vector<16xi32>
    %add3A_90 = vector.broadcast %mul3A_8 : i32 to vector<16xi32>
    %add3A_91 = arith.addi %get3A_89, %add3A_90 : vector<16xi32>
    %swap3A_92 = arith.constant 0 : i32
    %swap3A_93 = arith.index_cast %swap3A_92 : i32 to index
    %swap3A_94 = arith.constant 84 : index
    %swap3A_95 = tpu.vector_load %arg9[%swap3A_93, %swap3A_94] {strides = array<i32>} : memref<3x100xi32, #tpu.memory_space<vmem>>, vector<1x16xi32>,
    %swap3A_96 = vector.shape_cast %swap3A_95 : vector<1x16xi32> to vector<16xi32>
    %swap3A_97 = vector.shape_cast %add3A_91 : vector<16xi32> to vector<1x16xi32>
    tpu.vector_store %arg9[%swap3A_93, %swap3A_94], %swap3A_97 {strides = array<i32>} : memref<3x100xi32, #tpu.memory_space<vmem>>, vector<1x16xi32>,
    %get3A_98 = arith.constant 0 : i32
    %get3A_99 = arith.index_cast %get3A_98 : i32 to index
    %get3A_100 = arith.constant 100 : index
    %get3A_101 = tpu.vector_load %arg6[%get3A_99, %get3A_100] {strides = array<i32>} : memref<32x200xi32, #tpu.memory_space<vmem>>, vector<1x16xi32>,
    %get3A_102 = vector.shape_cast %get3A_101 : vector<1x16xi32> to vector<16xi32>
    %add3A_103 = vector.broadcast %mul3A_8 : i32 to vector<16xi32>
    %add3A_104 = arith.addi %get3A_102, %add3A_103 : vector<16xi32>
    %swap3A_105 = arith.constant 0 : i32
    %swap3A_106 = arith.index_cast %swap3A_105 : i32 to index
    %swap3A_107 = arith.constant 0 : index
    %swap3A_108 = tpu.vector_load %arg10[%swap3A_106, %swap3A_107] {strides = array<i32>} : memref<3x100xi32, #tpu.memory_space<vmem>>, vector<1x16xi32>,
    %swap3A_109 = vector.shape_cast %swap3A_108 : vector<1x16xi32> to vector<16xi32>
    %swap3A_110 = vector.shape_cast %add3A_104 : vector<16xi32> to vector<1x16xi32>
    tpu.vector_store %arg10[%swap3A_106, %swap3A_107], %swap3A_110 {strides = array<i32>} : memref<3x100xi32, #tpu.memory_space<vmem>>, vector<1x16xi32>,
    %get3A_111 = arith.constant 0 : i32
    %get3A_112 = arith.index_cast %get3A_111 : i32 to index
    %get3A_113 = arith.constant 116 : index
    %get3A_114 = tpu.vector_load %arg6[%get3A_112, %get3A_113] {strides = array<i32>} : memref<32x200xi32, #tpu.memory_space<vmem>>, vector<1x16xi32>,
    %get3A_115 = vector.shape_cast %get3A_114 : vector<1x16xi32> to vector<16xi32>
    %add3A_116 = vector.broadcast %mul3A_8 : i32 to vector<16xi32>
    %add3A_117 = arith.addi %get3A_115, %add3A_116 : vector<16xi32>
    %swap3A_118 = arith.constant 0 : i32
    %swap3A_119 = arith.index_cast %swap3A_118 : i32 to index
    %swap3A_120 = arith.constant 16 : index
    %swap3A_121 = tpu.vector_load %arg10[%swap3A_119, %swap3A_120] {strides = array<i32>} : memref<3x100xi32, #tpu.memory_space<vmem>>, vector<1x16xi32>,
    %swap3A_122 = vector.shape_cast %swap3A_121 : vector<1x16xi32> to vector<16xi32>
    %swap3A_123 = vector.shape_cast %add3A_117 : vector<16xi32> to vector<1x16xi32>
    tpu.vector_store %arg10[%swap3A_119, %swap3A_120], %swap3A_123 {strides = array<i32>} : memref<3x100xi32, #tpu.memory_space<vmem>>, vector<1x16xi32>,
    %get3A_124 = arith.constant 0 : i32
    %get3A_125 = arith.index_cast %get3A_124 : i32 to index
    %get3A_126 = arith.constant 132 : index
    %get3A_127 = tpu.vector_load %arg6[%get3A_125, %get3A_126] {strides = array<i32>} : memref<32x200xi32, #tpu.memory_space<vmem>>, vector<1x16xi32>,
    %get3A_128 = vector.shape_cast %get3A_127 : vector<1x16xi32> to vector<16xi32>
    %add3A_129 = vector.broadcast %mul3A_8 : i32 to vector<16xi32>
    %add3A_130 = arith.addi %get3A_128, %add3A_129 : vector<16xi32>
    %swap3A_131 = arith.constant 0 : i32
    %swap3A_132 = arith.index_cast %swap3A_131 : i32 to index
    %swap3A_133 = arith.constant 32 : index
    %swap3A_134 = tpu.vector_load %arg10[%swap3A_132, %swap3A_133] {strides = array<i32>} : memref<3x100xi32, #tpu.memory_space<vmem>>, vector<1x16xi32>,
    %swap3A_135 = vector.shape_cast %swap3A_134 : vector<1x16xi32> to vector<16xi32>
    %swap3A_136 = vector.shape_cast %add3A_130 : vector<16xi32> to vector<1x16xi32>
    tpu.vector_store %arg10[%swap3A_132, %swap3A_133], %swap3A_136 {strides = array<i32>} : memref<3x100xi32, #tpu.memory_space<vmem>>, vector<1x16xi32>,
    %get3A_137 = arith.constant 0 : i32
    %get3A_138 = arith.index_cast %get3A_137 : i32 to index
    %get3A_139 = arith.constant 148 : index
    %get3A_140 = tpu.vector_load %arg6[%get3A_138, %get3A_139] {strides = array<i32>} : memref<32x200xi32, #tpu.memory_space<vmem>>, vector<1x16xi32>,
    %get3A_141 = vector.shape_cast %get3A_140 : vector<1x16xi32> to vector<16xi32>
    %add3A_142 = vector.broadcast %mul3A_8 : i32 to vector<16xi32>
    %add3A_143 = arith.addi %get3A_141, %add3A_142 : vector<16xi32>
    %swap3A_144 = arith.constant 0 : i32
    %swap3A_145 = arith.index_cast %swap3A_144 : i32 to index
    %swap3A_146 = arith.constant 48 : index
    %swap3A_147 = tpu.vector_load %arg10[%swap3A_145, %swap3A_146] {strides = array<i32>} : memref<3x100xi32, #tpu.memory_space<vmem>>, vector<1x16xi32>,
    %swap3A_148 = vector.shape_cast %swap3A_147 : vector<1x16xi32> to vector<16xi32>
    %swap3A_149 = vector.shape_cast %add3A_143 : vector<16xi32> to vector<1x16xi32>
    tpu.vector_store %arg10[%swap3A_145, %swap3A_146], %swap3A_149 {strides = array<i32>} : memref<3x100xi32, #tpu.memory_space<vmem>>, vector<1x16xi32>,
    %get3A_150 = arith.constant 0 : i32
    %get3A_151 = arith.index_cast %get3A_150 : i32 to index
    %get3A_152 = arith.constant 164 : index
    %get3A_153 = tpu.vector_load %arg6[%get3A_151, %get3A_152] {strides = array<i32>} : memref<32x200xi32, #tpu.memory_space<vmem>>, vector<1x16xi32>,
    %get3A_154 = vector.shape_cast %get3A_153 : vector<1x16xi32> to vector<16xi32>
    %add3A_155 = vector.broadcast %mul3A_8 : i32 to vector<16xi32>
    %add3A_156 = arith.addi %get3A_154, %add3A_155 : vector<16xi32>
    %swap3A_157 = arith.constant 0 : i32
    %swap3A_158 = arith.index_cast %swap3A_157 : i32 to index
    %swap3A_159 = arith.constant 64 : index
    %swap3A_160 = tpu.vector_load %arg10[%swap3A_158, %swap3A_159] {strides = array<i32>} : memref<3x100xi32, #tpu.memory_space<vmem>>, vector<1x16xi32>,
    %swap3A_161 = vector.shape_cast %swap3A_160 : vector<1x16xi32> to vector<16xi32>
    %swap3A_162 = vector.shape_cast %add3A_156 : vector<16xi32> to vector<1x16xi32>
    tpu.vector_store %arg10[%swap3A_158, %swap3A_159], %swap3A_162 {strides = array<i32>} : memref<3x100xi32, #tpu.memory_space<vmem>>, vector<1x16xi32>,
    %get3A_163 = arith.constant 0 : i32
    %get3A_164 = arith.index_cast %get3A_163 : i32 to index
    %get3A_165 = arith.constant 180 : index
    %get3A_166 = tpu.vector_load %arg6[%get3A_164, %get3A_165] {strides = array<i32>} : memref<32x200xi32, #tpu.memory_space<vmem>>, vector<1x16xi32>,
    %get3A_167 = vector.shape_cast %get3A_166 : vector<1x16xi32> to vector<16xi32>
    %add3A_168 = vector.broadcast %mul3A_8 : i32 to vector<16xi32>
    %add3A_169 = arith.addi %get3A_167, %add3A_168 : vector<16xi32>
    %swap3A_170 = arith.constant 0 : i32
    %swap3A_171 = arith.index_cast %swap3A_170 : i32 to index
    %swap3A_172 = arith.constant 80 : index
    %swap3A_173 = tpu.vector_load %arg10[%swap3A_171, %swap3A_172] {strides = array<i32>} : memref<3x100xi32, #tpu.memory_space<vmem>>, vector<1x16xi32>,
    %swap3A_174 = vector.shape_cast %swap3A_173 : vector<1x16xi32> to vector<16xi32>
    %swap3A_175 = vector.shape_cast %add3A_169 : vector<16xi32> to vector<1x16xi32>
    tpu.vector_store %arg10[%swap3A_171, %swap3A_172], %swap3A_175 {strides = array<i32>} : memref<3x100xi32, #tpu.memory_space<vmem>>, vector<1x16xi32>,
    %get3A_176 = arith.constant 0 : i32
    %get3A_177 = arith.index_cast %get3A_176 : i32 to index
    %get3A_178 = arith.constant 184 : index
    %get3A_179 = tpu.vector_load %arg6[%get3A_177, %get3A_178] {strides = array<i32>} : memref<32x200xi32, #tpu.memory_space<vmem>>, vector<1x16xi32>,
    %get3A_180 = vector.shape_cast %get3A_179 : vector<1x16xi32> to vector<16xi32>
    %add3A_181 = vector.broadcast %mul3A_8 : i32 to vector<16xi32>
    %add3A_182 = arith.addi %get3A_180, %add3A_181 : vector<16xi32>
    %swap3A_183 = arith.constant 0 : i32
    %swap3A_184 = arith.index_cast %swap3A_183 : i32 to index
    %swap3A_185 = arith.constant 84 : index
    %swap3A_186 = tpu.vector_load %arg10[%swap3A_184, %swap3A_185] {strides = array<i32>} : memref<3x100xi32, #tpu.memory_space<vmem>>, vector<1x16xi32>,
    %swap3A_187 = vector.shape_cast %swap3A_186 : vector<1x16xi32> to vector<16xi32>
    %swap3A_188 = vector.shape_cast %add3A_182 : vector<16xi32> to vector<1x16xi32>
    tpu.vector_store %arg10[%swap3A_184, %swap3A_185], %swap3A_188 {strides = array<i32>} : memref<3x100xi32, #tpu.memory_space<vmem>>, vector<1x16xi32>,
    %dma_start3A = arith.constant 0 : i32
    %dma_start3A_189 = arith.constant 0 : i32
    %dma_start3A_190 = arith.constant 0 : i32
    %dma_start3A_191 = arith.constant 0 : i32
    %dma_start3A_192 = tpu.memref_slice %arg8[%dma_start3A_189, %dma_start3A_190, %dma_start3A_191] : memref<3x200x128xf32, #tpu.memory_space<vmem>> -> memref<1x100x128xf32, #tpu.memory_space<vmem>>
    %dma_start3A_193 = tpu.memref_squeeze %dma_start3A_192 : memref<1x100x128xf32, #tpu.memory_space<vmem>> -> memref<100x128xf32, #tpu.memory_space<vmem>>
    %dma_start3A_194 = arith.constant 0 : i32
    %dma_start3A_195 = tpu.memref_slice %arg9[%dma_start3A, %dma_start3A_194] : memref<3x100xi32, #tpu.memory_space<vmem>> -> memref<1x100xi32, #tpu.memory_space<vmem>>
    %dma_start3A_196 = tpu.memref_squeeze %dma_start3A_195 : memref<1x100xi32, #tpu.memory_space<vmem>> -> memref<100xi32, #tpu.memory_space<vmem>>
    %dma_start3A_197 = arith.constant 0 : i32
    %dma_start3A_198 = arith.constant 0 : i32
    %dma_start3A_199 = tpu.memref_slice %arg11[%dma_start3A_197, %dma_start3A_198] : memref<2048x128xf32, #tpu.memory_space<vmem_shared>> -> memref<2048x128xf32, #tpu.memory_space<vmem_shared>>
    tpu.enqueue_indirect_dma source(%dma_start3A_199 : memref<2048x128xf32, #tpu.memory_space<vmem_shared>>) target(%dma_start3A_193 : memref<100x128xf32, #tpu.memory_space<vmem>>) offsets(%dma_start3A_196 : memref<100xi32, #tpu.memory_space<vmem>>) semaphore(%arg12 : memref<!tpu.dma_semaphore, #tpu.memory_space<semaphore_mem>>)
    %dma_start3A_200 = arith.constant 0 : i32
    %dma_start3A_201 = arith.constant 0 : i32
    %dma_start3A_202 = arith.constant 100 : i32
    %dma_start3A_203 = arith.constant 0 : i32
    %dma_start3A_204 = tpu.memref_slice %arg8[%dma_start3A_201, %dma_start3A_202, %dma_start3A_203] : memref<3x200x128xf32, #tpu.memory_space<vmem>> -> memref<1x100x128xf32, #tpu.memory_space<vmem>>
    %dma_start3A_205 = tpu.memref_squeeze %dma_start3A_204 : memref<1x100x128xf32, #tpu.memory_space<vmem>> -> memref<100x128xf32, #tpu.memory_space<vmem>>
    %dma_start3A_206 = arith.constant 0 : i32
    %dma_start3A_207 = tpu.memref_slice %arg10[%dma_start3A_200, %dma_start3A_206] : memref<3x100xi32, #tpu.memory_space<vmem>> -> memref<1x100xi32, #tpu.memory_space<vmem>>
    %dma_start3A_208 = tpu.memref_squeeze %dma_start3A_207 : memref<1x100xi32, #tpu.memory_space<vmem>> -> memref<100xi32, #tpu.memory_space<vmem>>
    %dma_start3A_209 = arith.constant 0 : i32
    %dma_start3A_210 = arith.constant 0 : i32
    %dma_start3A_211 = tpu.memref_slice %arg11[%dma_start3A_209, %dma_start3A_210] : memref<2048x128xf32, #tpu.memory_space<vmem_shared>> -> memref<2048x128xf32, #tpu.memory_space<vmem_shared>>
    tpu.enqueue_indirect_dma source(%dma_start3A_211 : memref<2048x128xf32, #tpu.memory_space<vmem_shared>>) target(%dma_start3A_205 : memref<100x128xf32, #tpu.memory_space<vmem>>) offsets(%dma_start3A_208 : memref<100xi32, #tpu.memory_space<vmem>>) semaphore(%arg12 : memref<!tpu.dma_semaphore, #tpu.memory_space<semaphore_mem>>)
    %get3A_212 = arith.constant 1 : i32
    %get3A_213 = arith.index_cast %get3A_212 : i32 to index
    %get3A_214 = arith.constant 0 : index
    %get3A_215 = tpu.vector_load %arg6[%get3A_213, %get3A_214] {strides = array<i32>} : memref<32x200xi32, #tpu.memory_space<vmem>>, vector<1x16xi32>,
    %get3A_216 = vector.shape_cast %get3A_215 : vector<1x16xi32> to vector<16xi32>
    %add3A_217 = vector.broadcast %mul3A_8 : i32 to vector<16xi32>
    %add3A_218 = arith.addi %get3A_216, %add3A_217 : vector<16xi32>
    %swap3A_219 = arith.constant 1 : i32
    %swap3A_220 = arith.index_cast %swap3A_219 : i32 to index
    %swap3A_221 = arith.constant 0 : index
    %swap3A_222 = tpu.vector_load %arg9[%swap3A_220, %swap3A_221] {strides = array<i32>} : memref<3x100xi32, #tpu.memory_space<vmem>>, vector<1x16xi32>,
    %swap3A_223 = vector.shape_cast %swap3A_222 : vector<1x16xi32> to vector<16xi32>
    %swap3A_224 = vector.shape_cast %add3A_218 : vector<16xi32> to vector<1x16xi32>
    tpu.vector_store %arg9[%swap3A_220, %swap3A_221], %swap3A_224 {strides = array<i32>} : memref<3x100xi32, #tpu.memory_space<vmem>>, vector<1x16xi32>,
    %get3A_225 = arith.constant 1 : i32
    %get3A_226 = arith.index_cast %get3A_225 : i32 to index
    %get3A_227 = arith.constant 16 : index
    %get3A_228 = tpu.vector_load %arg6[%get3A_226, %get3A_227] {strides = array<i32>} : memref<32x200xi32, #tpu.memory_space<vmem>>, vector<1x16xi32>,
    %get3A_229 = vector.shape_cast %get3A_228 : vector<1x16xi32> to vector<16xi32>
    %add3A_230 = vector.broadcast %mul3A_8 : i32 to vector<16xi32>
    %add3A_231 = arith.addi %get3A_229, %add3A_230 : vector<16xi32>
    %swap3A_232 = arith.constant 1 : i32
    %swap3A_233 = arith.index_cast %swap3A_232 : i32 to index
    %swap3A_234 = arith.constant 16 : index
    %swap3A_235 = tpu.vector_load %arg9[%swap3A_233, %swap3A_234] {strides = array<i32>} : memref<3x100xi32, #tpu.memory_space<vmem>>, vector<1x16xi32>,
    %swap3A_236 = vector.shape_cast %swap3A_235 : vector<1x16xi32> to vector<16xi32>
    %swap3A_237 = vector.shape_cast %add3A_231 : vector<16xi32> to vector<1x16xi32>
    tpu.vector_store %arg9[%swap3A_233, %swap3A_234], %swap3A_237 {strides = array<i32>} : memref<3x100xi32, #tpu.memory_space<vmem>>, vector<1x16xi32>,
    %get3A_238 = arith.constant 1 : i32
    %get3A_239 = arith.index_cast %get3A_238 : i32 to index
    %get3A_240 = arith.constant 32 : index
    %get3A_241 = tpu.vector_load %arg6[%get3A_239, %get3A_240] {strides = array<i32>} : memref<32x200xi32, #tpu.memory_space<vmem>>, vector<1x16xi32>,
    %get3A_242 = vector.shape_cast %get3A_241 : vector<1x16xi32> to vector<16xi32>
    %add3A_243 = vector.broadcast %mul3A_8 : i32 to vector<16xi32>
    %add3A_244 = arith.addi %get3A_242, %add3A_243 : vector<16xi32>
    %swap3A_245 = arith.constant 1 : i32
    %swap3A_246 = arith.index_cast %swap3A_245 : i32 to index
    %swap3A_247 = arith.constant 32 : index
    %swap3A_248 = tpu.vector_load %arg9[%swap3A_246, %swap3A_247] {strides = array<i32>} : memref<3x100xi32, #tpu.memory_space<vmem>>, vector<1x16xi32>,
    %swap3A_249 = vector.shape_cast %swap3A_248 : vector<1x16xi32> to vector<16xi32>
    %swap3A_250 = vector.shape_cast %add3A_244 : vector<16xi32> to vector<1x16xi32>
    tpu.vector_store %arg9[%swap3A_246, %swap3A_247], %swap3A_250 {strides = array<i32>} : memref<3x100xi32, #tpu.memory_space<vmem>>, vector<1x16xi32>,
    %get3A_251 = arith.constant 1 : i32
    %get3A_252 = arith.index_cast %get3A_251 : i32 to index
    %get3A_253 = arith.constant 48 : index
    %get3A_254 = tpu.vector_load %arg6[%get3A_252, %get3A_253] {strides = array<i32>} : memref<32x200xi32, #tpu.memory_space<vmem>>, vector<1x16xi32>,
    %get3A_255 = vector.shape_cast %get3A_254 : vector<1x16xi32> to vector<16xi32>
    %add3A_256 = vector.broadcast %mul3A_8 : i32 to vector<16xi32>
    %add3A_257 = arith.addi %get3A_255, %add3A_256 : vector<16xi32>
    %swap3A_258 = arith.constant 1 : i32
    %swap3A_259 = arith.index_cast %swap3A_258 : i32 to index
    %swap3A_260 = arith.constant 48 : index
    %swap3A_261 = tpu.vector_load %arg9[%swap3A_259, %swap3A_260] {strides = array<i32>} : memref<3x100xi32, #tpu.memory_space<vmem>>, vector<1x16xi32>,
    %swap3A_262 = vector.shape_cast %swap3A_261 : vector<1x16xi32> to vector<16xi32>
    %swap3A_263 = vector.shape_cast %add3A_257 : vector<16xi32> to vector<1x16xi32>
    tpu.vector_store %arg9[%swap3A_259, %swap3A_260], %swap3A_263 {strides = array<i32>} : memref<3x100xi32, #tpu.memory_space<vmem>>, vector<1x16xi32>,
    %get3A_264 = arith.constant 1 : i32
    %get3A_265 = arith.index_cast %get3A_264 : i32 to index
    %get3A_266 = arith.constant 64 : index
    %get3A_267 = tpu.vector_load %arg6[%get3A_265, %get3A_266] {strides = array<i32>} : memref<32x200xi32, #tpu.memory_space<vmem>>, vector<1x16xi32>,
    %get3A_268 = vector.shape_cast %get3A_267 : vector<1x16xi32> to vector<16xi32>
    %add3A_269 = vector.broadcast %mul3A_8 : i32 to vector<16xi32>
    %add3A_270 = arith.addi %get3A_268, %add3A_269 : vector<16xi32>
    %swap3A_271 = arith.constant 1 : i32
    %swap3A_272 = arith.index_cast %swap3A_271 : i32 to index
    %swap3A_273 = arith.constant 64 : index
    %swap3A_274 = tpu.vector_load %arg9[%swap3A_272, %swap3A_273] {strides = array<i32>} : memref<3x100xi32, #tpu.memory_space<vmem>>, vector<1x16xi32>,
    %swap3A_275 = vector.shape_cast %swap3A_274 : vector<1x16xi32> to vector<16xi32>
    %swap3A_276 = vector.shape_cast %add3A_270 : vector<16xi32> to vector<1x16xi32>
    tpu.vector_store %arg9[%swap3A_272, %swap3A_273], %swap3A_276 {strides = array<i32>} : memref<3x100xi32, #tpu.memory_space<vmem>>, vector<1x16xi32>,
    %get3A_277 = arith.constant 1 : i32
    %get3A_278 = arith.index_cast %get3A_277 : i32 to index
    %get3A_279 = arith.constant 80 : index
    %get3A_280 = tpu.vector_load %arg6[%get3A_278, %get3A_279] {strides = array<i32>} : memref<32x200xi32, #tpu.memory_space<vmem>>, vector<1x16xi32>,
    %get3A_281 = vector.shape_cast %get3A_280 : vector<1x16xi32> to vector<16xi32>
    %add3A_282 = vector.broadcast %mul3A_8 : i32 to vector<16xi32>
    %add3A_283 = arith.addi %get3A_281, %add3A_282 : vector<16xi32>
    %swap3A_284 = arith.constant 1 : i32
    %swap3A_285 = arith.index_cast %swap3A_284 : i32 to index
    %swap3A_286 = arith.constant 80 : index
    %swap3A_287 = tpu.vector_load %arg9[%swap3A_285, %swap3A_286] {strides = array<i32>} : memref<3x100xi32, #tpu.memory_space<vmem>>, vector<1x16xi32>,
    %swap3A_288 = vector.shape_cast %swap3A_287 : vector<1x16xi32> to vector<16xi32>
    %swap3A_289 = vector.shape_cast %add3A_283 : vector<16xi32> to vector<1x16xi32>
    tpu.vector_store %arg9[%swap3A_285, %swap3A_286], %swap3A_289 {strides = array<i32>} : memref<3x100xi32, #tpu.memory_space<vmem>>, vector<1x16xi32>,
    %get3A_290 = arith.constant 1 : i32
    %get3A_291 = arith.index_cast %get3A_290 : i32 to index
    %get3A_292 = arith.constant 84 : index
    %get3A_293 = tpu.vector_load %arg6[%get3A_291, %get3A_292] {strides = array<i32>} : memref<32x200xi32, #tpu.memory_space<vmem>>, vector<1x16xi32>,
    %get3A_294 = vector.shape_cast %get3A_293 : vector<1x16xi32> to vector<16xi32>
    %add3A_295 = vector.broadcast %mul3A_8 : i32 to vector<16xi32>
    %add3A_296 = arith.addi %get3A_294, %add3A_295 : vector<16xi32>
    %swap3A_297 = arith.constant 1 : i32
    %swap3A_298 = arith.index_cast %swap3A_297 : i32 to index
    %swap3A_299 = arith.constant 84 : index
    %swap3A_300 = tpu.vector_load %arg9[%swap3A_298, %swap3A_299] {strides = array<i32>} : memref<3x100xi32, #tpu.memory_space<vmem>>, vector<1x16xi32>,
    %swap3A_301 = vector.shape_cast %swap3A_300 : vector<1x16xi32> to vector<16xi32>
    %swap3A_302 = vector.shape_cast %add3A_296 : vector<16xi32> to vector<1x16xi32>
    tpu.vector_store %arg9[%swap3A_298, %swap3A_299], %swap3A_302 {strides = array<i32>} : memref<3x100xi32, #tpu.memory_space<vmem>>, vector<1x16xi32>,
    %get3A_303 = arith.constant 1 : i32
    %get3A_304 = arith.index_cast %get3A_303 : i32 to index
    %get3A_305 = arith.constant 100 : index
    %get3A_306 = tpu.vector_load %arg6[%get3A_304, %get3A_305] {strides = array<i32>} : memref<32x200xi32, #tpu.memory_space<vmem>>, vector<1x16xi32>,
    %get3A_307 = vector.shape_cast %get3A_306 : vector<1x16xi32> to vector<16xi32>
    %add3A_308 = vector.broadcast %mul3A_8 : i32 to vector<16xi32>
    %add3A_309 = arith.addi %get3A_307, %add3A_308 : vector<16xi32>
    %swap3A_310 = arith.constant 1 : i32
    %swap3A_311 = arith.index_cast %swap3A_310 : i32 to index
    %swap3A_312 = arith.constant 0 : index
    %swap3A_313 = tpu.vector_load %arg10[%swap3A_311, %swap3A_312] {strides = array<i32>} : memref<3x100xi32, #tpu.memory_space<vmem>>, vector<1x16xi32>,
    %swap3A_314 = vector.shape_cast %swap3A_313 : vector<1x16xi32> to vector<16xi32>
    %swap3A_315 = vector.shape_cast %add3A_309 : vector<16xi32> to vector<1x16xi32>
    tpu.vector_store %arg10[%swap3A_311, %swap3A_312], %swap3A_315 {strides = array<i32>} : memref<3x100xi32, #tpu.memory_space<vmem>>, vector<1x16xi32>,
    %get3A_316 = arith.constant 1 : i32
    %get3A_317 = arith.index_cast %get3A_316 : i32 to index
    %get3A_318 = arith.constant 116 : index
    %get3A_319 = tpu.vector_load %arg6[%get3A_317, %get3A_318] {strides = array<i32>} : memref<32x200xi32, #tpu.memory_space<vmem>>, vector<1x16xi32>,
    %get3A_320 = vector.shape_cast %get3A_319 : vector<1x16xi32> to vector<16xi32>
    %add3A_321 = vector.broadcast %mul3A_8 : i32 to vector<16xi32>
    %add3A_322 = arith.addi %get3A_320, %add3A_321 : vector<16xi32>
    %swap3A_323 = arith.constant 1 : i32
    %swap3A_324 = arith.index_cast %swap3A_323 : i32 to index
    %swap3A_325 = arith.constant 16 : index
    %swap3A_326 = tpu.vector_load %arg10[%swap3A_324, %swap3A_325] {strides = array<i32>} : memref<3x100xi32, #tpu.memory_space<vmem>>, vector<1x16xi32>,
    %swap3A_327 = vector.shape_cast %swap3A_326 : vector<1x16xi32> to vector<16xi32>
    %swap3A_328 = vector.shape_cast %add3A_322 : vector<16xi32> to vector<1x16xi32>
    tpu.vector_store %arg10[%swap3A_324, %swap3A_325], %swap3A_328 {strides = array<i32>} : memref<3x100xi32, #tpu.memory_space<vmem>>, vector<1x16xi32>,
    %get3A_329 = arith.constant 1 : i32
    %get3A_330 = arith.index_cast %get3A_329 : i32 to index
    %get3A_331 = arith.constant 132 : index
    %get3A_332 = tpu.vector_load %arg6[%get3A_330, %get3A_331] {strides = array<i32>} : memref<32x200xi32, #tpu.memory_space<vmem>>, vector<1x16xi32>,
    %get3A_333 = vector.shape_cast %get3A_332 : vector<1x16xi32> to vector<16xi32>
    %add3A_334 = vector.broadcast %mul3A_8 : i32 to vector<16xi32>
    %add3A_335 = arith.addi %get3A_333, %add3A_334 : vector<16xi32>
    %swap3A_336 = arith.constant 1 : i32
    %swap3A_337 = arith.index_cast %swap3A_336 : i32 to index
    %swap3A_338 = arith.constant 32 : index
    %swap3A_339 = tpu.vector_load %arg10[%swap3A_337, %swap3A_338] {strides = array<i32>} : memref<3x100xi32, #tpu.memory_space<vmem>>, vector<1x16xi32>,
    %swap3A_340 = vector.shape_cast %swap3A_339 : vector<1x16xi32> to vector<16xi32>
    %swap3A_341 = vector.shape_cast %add3A_335 : vector<16xi32> to vector<1x16xi32>
    tpu.vector_store %arg10[%swap3A_337, %swap3A_338], %swap3A_341 {strides = array<i32>} : memref<3x100xi32, #tpu.memory_space<vmem>>, vector<1x16xi32>,
    %get3A_342 = arith.constant 1 : i32
    %get3A_343 = arith.index_cast %get3A_342 : i32 to index
    %get3A_344 = arith.constant 148 : index
    %get3A_345 = tpu.vector_load %arg6[%get3A_343, %get3A_344] {strides = array<i32>} : memref<32x200xi32, #tpu.memory_space<vmem>>, vector<1x16xi32>,
    %get3A_346 = vector.shape_cast %get3A_345 : vector<1x16xi32> to vector<16xi32>
    %add3A_347 = vector.broadcast %mul3A_8 : i32 to vector<16xi32>
    %add3A_348 = arith.addi %get3A_346, %add3A_347 : vector<16xi32>
    %swap3A_349 = arith.constant 1 : i32
    %swap3A_350 = arith.index_cast %swap3A_349 : i32 to index
    %swap3A_351 = arith.constant 48 : index
    %swap3A_352 = tpu.vector_load %arg10[%swap3A_350, %swap3A_351] {strides = array<i32>} : memref<3x100xi32, #tpu.memory_space<vmem>>, vector<1x16xi32>,
    %swap3A_353 = vector.shape_cast %swap3A_352 : vector<1x16xi32> to vector<16xi32>
    %swap3A_354 = vector.shape_cast %add3A_348 : vector<16xi32> to vector<1x16xi32>
    tpu.vector_store %arg10[%swap3A_350, %swap3A_351], %swap3A_354 {strides = array<i32>} : memref<3x100xi32, #tpu.memory_space<vmem>>, vector<1x16xi32>,
    %get3A_355 = arith.constant 1 : i32
    %get3A_356 = arith.index_cast %get3A_355 : i32 to index
    %get3A_357 = arith.constant 164 : index
    %get3A_358 = tpu.vector_load %arg6[%get3A_356, %get3A_357] {strides = array<i32>} : memref<32x200xi32, #tpu.memory_space<vmem>>, vector<1x16xi32>,
    %get3A_359 = vector.shape_cast %get3A_358 : vector<1x16xi32> to vector<16xi32>
    %add3A_360 = vector.broadcast %mul3A_8 : i32 to vector<16xi32>
    %add3A_361 = arith.addi %get3A_359, %add3A_360 : vector<16xi32>
    %swap3A_362 = arith.constant 1 : i32
    %swap3A_363 = arith.index_cast %swap3A_362 : i32 to index
    %swap3A_364 = arith.constant 64 : index
    %swap3A_365 = tpu.vector_load %arg10[%swap3A_363, %swap3A_364] {strides = array<i32>} : memref<3x100xi32, #tpu.memory_space<vmem>>, vector<1x16xi32>,
    %swap3A_366 = vector.shape_cast %swap3A_365 : vector<1x16xi32> to vector<16xi32>
    %swap3A_367 = vector.shape_cast %add3A_361 : vector<16xi32> to vector<1x16xi32>
    tpu.vector_store %arg10[%swap3A_363, %swap3A_364], %swap3A_367 {strides = array<i32>} : memref<3x100xi32, #tpu.memory_space<vmem>>, vector<1x16xi32>,
    %get3A_368 = arith.constant 1 : i32
    %get3A_369 = arith.index_cast %get3A_368 : i32 to index
    %get3A_370 = arith.constant 180 : index
    %get3A_371 = tpu.vector_load %arg6[%get3A_369, %get3A_370] {strides = array<i32>} : memref<32x200xi32, #tpu.memory_space<vmem>>, vector<1x16xi32>,
    %get3A_372 = vector.shape_cast %get3A_371 : vector<1x16xi32> to vector<16xi32>
    %add3A_373 = vector.broadcast %mul3A_8 : i32 to vector<16xi32>
    %add3A_374 = arith.addi %get3A_372, %add3A_373 : vector<16xi32>
    %swap3A_375 = arith.constant 1 : i32
    %swap3A_376 = arith.index_cast %swap3A_375 : i32 to index
    %swap3A_377 = arith.constant 80 : index
    %swap3A_378 = tpu.vector_load %arg10[%swap3A_376, %swap3A_377] {strides = array<i32>} : memref<3x100xi32, #tpu.memory_space<vmem>>, vector<1x16xi32>,
    %swap3A_379 = vector.shape_cast %swap3A_378 : vector<1x16xi32> to vector<16xi32>
    %swap3A_380 = vector.shape_cast %add3A_374 : vector<16xi32> to vector<1x16xi32>
    tpu.vector_store %arg10[%swap3A_376, %swap3A_377], %swap3A_380 {strides = array<i32>} : memref<3x100xi32, #tpu.memory_space<vmem>>, vector<1x16xi32>,
    %get3A_381 = arith.constant 1 : i32
    %get3A_382 = arith.index_cast %get3A_381 : i32 to index
    %get3A_383 = arith.constant 184 : index
    %get3A_384 = tpu.vector_load %arg6[%get3A_382, %get3A_383] {strides = array<i32>} : memref<32x200xi32, #tpu.memory_space<vmem>>, vector<1x16xi32>,
    %get3A_385 = vector.shape_cast %get3A_384 : vector<1x16xi32> to vector<16xi32>
    %add3A_386 = vector.broadcast %mul3A_8 : i32 to vector<16xi32>
    %add3A_387 = arith.addi %get3A_385, %add3A_386 : vector<16xi32>
    %swap3A_388 = arith.constant 1 : i32
    %swap3A_389 = arith.index_cast %swap3A_388 : i32 to index
    %swap3A_390 = arith.constant 84 : index
    %swap3A_391 = tpu.vector_load %arg10[%swap3A_389, %swap3A_390] {strides = array<i32>} : memref<3x100xi32, #tpu.memory_space<vmem>>, vector<1x16xi32>,
    %swap3A_392 = vector.shape_cast %swap3A_391 : vector<1x16xi32> to vector<16xi32>
    %swap3A_393 = vector.shape_cast %add3A_387 : vector<16xi32> to vector<1x16xi32>
    tpu.vector_store %arg10[%swap3A_389, %swap3A_390], %swap3A_393 {strides = array<i32>} : memref<3x100xi32, #tpu.memory_space<vmem>>, vector<1x16xi32>,
    %dma_start3A_394 = arith.constant 1 : i32
    %dma_start3A_395 = arith.constant 1 : i32
    %dma_start3A_396 = arith.constant 0 : i32
    %dma_start3A_397 = arith.constant 0 : i32
    %dma_start3A_398 = tpu.memref_slice %arg8[%dma_start3A_395, %dma_start3A_396, %dma_start3A_397] : memref<3x200x128xf32, #tpu.memory_space<vmem>> -> memref<1x100x128xf32, #tpu.memory_space<vmem>>
    %dma_start3A_399 = tpu.memref_squeeze %dma_start3A_398 : memref<1x100x128xf32, #tpu.memory_space<vmem>> -> memref<100x128xf32, #tpu.memory_space<vmem>>
    %dma_start3A_400 = arith.constant 0 : i32
    %dma_start3A_401 = tpu.memref_slice %arg9[%dma_start3A_394, %dma_start3A_400] : memref<3x100xi32, #tpu.memory_space<vmem>> -> memref<1x100xi32, #tpu.memory_space<vmem>>
    %dma_start3A_402 = tpu.memref_squeeze %dma_start3A_401 : memref<1x100xi32, #tpu.memory_space<vmem>> -> memref<100xi32, #tpu.memory_space<vmem>>
    %dma_start3A_403 = arith.constant 0 : i32
    %dma_start3A_404 = arith.constant 0 : i32
    %dma_start3A_405 = tpu.memref_slice %arg11[%dma_start3A_403, %dma_start3A_404] : memref<2048x128xf32, #tpu.memory_space<vmem_shared>> -> memref<2048x128xf32, #tpu.memory_space<vmem_shared>>
    tpu.enqueue_indirect_dma source(%dma_start3A_405 : memref<2048x128xf32, #tpu.memory_space<vmem_shared>>) target(%dma_start3A_399 : memref<100x128xf32, #tpu.memory_space<vmem>>) offsets(%dma_start3A_402 : memref<100xi32, #tpu.memory_space<vmem>>) semaphore(%arg13 : memref<!tpu.dma_semaphore, #tpu.memory_space<semaphore_mem>>)
    %dma_start3A_406 = arith.constant 1 : i32
    %dma_start3A_407 = arith.constant 1 : i32
    %dma_start3A_408 = arith.constant 100 : i32
    %dma_start3A_409 = arith.constant 0 : i32
    %dma_start3A_410 = tpu.memref_slice %arg8[%dma_start3A_407, %dma_start3A_408, %dma_start3A_409] : memref<3x200x128xf32, #tpu.memory_space<vmem>> -> memref<1x100x128xf32, #tpu.memory_space<vmem>>
    %dma_start3A_411 = tpu.memref_squeeze %dma_start3A_410 : memref<1x100x128xf32, #tpu.memory_space<vmem>> -> memref<100x128xf32, #tpu.memory_space<vmem>>
    %dma_start3A_412 = arith.constant 0 : i32
    %dma_start3A_413 = tpu.memref_slice %arg10[%dma_start3A_406, %dma_start3A_412] : memref<3x100xi32, #tpu.memory_space<vmem>> -> memref<1x100xi32, #tpu.memory_space<vmem>>
    %dma_start3A_414 = tpu.memref_squeeze %dma_start3A_413 : memref<1x100xi32, #tpu.memory_space<vmem>> -> memref<100xi32, #tpu.memory_space<vmem>>
    %dma_start3A_415 = arith.constant 0 : i32
    %dma_start3A_416 = arith.constant 0 : i32
    %dma_start3A_417 = tpu.memref_slice %arg11[%dma_start3A_415, %dma_start3A_416] : memref<2048x128xf32, #tpu.memory_space<vmem_shared>> -> memref<2048x128xf32, #tpu.memory_space<vmem_shared>>
    tpu.enqueue_indirect_dma source(%dma_start3A_417 : memref<2048x128xf32, #tpu.memory_space<vmem_shared>>) target(%dma_start3A_411 : memref<100x128xf32, #tpu.memory_space<vmem>>) offsets(%dma_start3A_414 : memref<100xi32, #tpu.memory_space<vmem>>) semaphore(%arg13 : memref<!tpu.dma_semaphore, #tpu.memory_space<semaphore_mem>>)
    %dma_wait3A = arith.constant 0 : i32
    %dma_wait3A_418 = arith.constant 0 : i32
    %dma_wait3A_419 = arith.constant 0 : i32
    %dma_wait3A_420 = arith.constant 0 : i32
    %dma_wait3A_421 = tpu.memref_slice %arg8[%dma_wait3A_418, %dma_wait3A_419, %dma_wait3A_420] : memref<3x200x128xf32, #tpu.memory_space<vmem>> -> memref<1x100x128xf32, #tpu.memory_space<vmem>>
    %dma_wait3A_422 = tpu.memref_squeeze %dma_wait3A_421 : memref<1x100x128xf32, #tpu.memory_space<vmem>> -> memref<100x128xf32, #tpu.memory_space<vmem>>
    %dma_wait3A_423 = arith.constant 0 : i32
    %dma_wait3A_424 = tpu.memref_slice %arg9[%dma_wait3A, %dma_wait3A_423] : memref<3x100xi32, #tpu.memory_space<vmem>> -> memref<1x100xi32, #tpu.memory_space<vmem>>
    %dma_wait3A_425 = tpu.memref_squeeze %dma_wait3A_424 : memref<1x100xi32, #tpu.memory_space<vmem>> -> memref<100xi32, #tpu.memory_space<vmem>>
    %dma_wait3A_426 = arith.constant 0 : i32
    %dma_wait3A_427 = arith.constant 0 : i32
    %dma_wait3A_428 = tpu.memref_slice %arg11[%dma_wait3A_426, %dma_wait3A_427] : memref<2048x128xf32, #tpu.memory_space<vmem_shared>> -> memref<2048x128xf32, #tpu.memory_space<vmem_shared>>
    tpu.wait_indirect_dma semaphore(%arg12 : memref<!tpu.dma_semaphore, #tpu.memory_space<semaphore_mem>>) src(%dma_wait3A_428 : memref<2048x128xf32, #tpu.memory_space<vmem_shared>>) dst(%dma_wait3A_422 : memref<100x128xf32, #tpu.memory_space<vmem>>)
    %dma_wait3A_429 = arith.constant 0 : i32
    %dma_wait3A_430 = arith.constant 0 : i32
    %dma_wait3A_431 = arith.constant 100 : i32
    %dma_wait3A_432 = arith.constant 0 : i32
    %dma_wait3A_433 = tpu.memref_slice %arg8[%dma_wait3A_430, %dma_wait3A_431, %dma_wait3A_432] : memref<3x200x128xf32, #tpu.memory_space<vmem>> -> memref<1x100x128xf32, #tpu.memory_space<vmem>>
    %dma_wait3A_434 = tpu.memref_squeeze %dma_wait3A_433 : memref<1x100x128xf32, #tpu.memory_space<vmem>> -> memref<100x128xf32, #tpu.memory_space<vmem>>
    %dma_wait3A_435 = arith.constant 0 : i32
    %dma_wait3A_436 = tpu.memref_slice %arg10[%dma_wait3A_429, %dma_wait3A_435] : memref<3x100xi32, #tpu.memory_space<vmem>> -> memref<1x100xi32, #tpu.memory_space<vmem>>
    %dma_wait3A_437 = tpu.memref_squeeze %dma_wait3A_436 : memref<1x100xi32, #tpu.memory_space<vmem>> -> memref<100xi32, #tpu.memory_space<vmem>>
    %dma_wait3A_438 = arith.constant 0 : i32
    %dma_wait3A_439 = arith.constant 0 : i32
    %dma_wait3A_440 = tpu.memref_slice %arg11[%dma_wait3A_438, %dma_wait3A_439] : memref<2048x128xf32, #tpu.memory_space<vmem_shared>> -> memref<2048x128xf32, #tpu.memory_space<vmem_shared>>
    tpu.wait_indirect_dma semaphore(%arg12 : memref<!tpu.dma_semaphore, #tpu.memory_space<semaphore_mem>>) src(%dma_wait3A_440 : memref<2048x128xf32, #tpu.memory_space<vmem_shared>>) dst(%dma_wait3A_434 : memref<100x128xf32, #tpu.memory_space<vmem>>)
    %scan3A = arith.constant 0 : i32
    %scan3A_441 = arith.constant 0 : i32
    %scan3A_442 = arith.constant 100 : i32
    %scan3A_443 = arith.addi %scan3A_441, %scan3A_442 : i32
    %scan3A_444 = arith.constant 1 : i32
    scf.for %scan3A_1340 = %scan3A_441 to %scan3A_443 step %scan3A_444  : i32 {
      %mul3A_1341 = arith.constant 2 : i32
      %mul3A_1342 = arith.muli %mul3A_1341, %scan3A_1340 : i32
      %add3A_1343 = arith.constant 0 : i32
      %add3A_1344 = arith.addi %mul3A_1342, %add3A_1343 : i32
      %mul3A_1345 = arith.constant 2 : i32
      %mul3A_1346 = arith.muli %mul3A_1345, %scan3A_1340 : i32
      %add3A_1347 = arith.constant 0 : i32
      %add3A_1348 = arith.addi %mul3A_1346, %add3A_1347 : i32
      %get3A_1349 = arith.index_cast %add3A_1348 : i32 to index
      %get3A_1350 = arith.constant 0 : index
      %get3A_1351 = tpu.vector_load %arg7[%get3A_1349, %get3A_1350] {strides = array<i32>} : memref<200x128xf32, #tpu.memory_space<vmem>>, vector<1x16xf32>,
      %get3A_1352 = vector.shape_cast %get3A_1351 : vector<1x16xf32> to vector<16xf32>
      %swap3A_1353 = arith.constant 0 : i32
      %swap3A_1354 = arith.index_cast %swap3A_1353 : i32 to index
      %swap3A_1355 = arith.index_cast %add3A_1344 : i32 to index
      %swap3A_1356 = arith.constant 0 : index
      %swap3A_1357 = tpu.vector_load %arg8[%swap3A_1354, %swap3A_1355, %swap3A_1356] {strides = array<i32>} : memref<3x200x128xf32, #tpu.memory_space<vmem>>, vector<1x1x16xf32>,
      %swap3A_1358 = vector.shape_cast %swap3A_1357 : vector<1x1x16xf32> to vector<16xf32>
      %swap3A_1359 = vector.shape_cast %get3A_1352 : vector<16xf32> to vector<1x1x16xf32>
      tpu.vector_store %arg8[%swap3A_1354, %swap3A_1355, %swap3A_1356], %swap3A_1359 {add = true, strides = array<i32>} : memref<3x200x128xf32, #tpu.memory_space<vmem>>, vector<1x1x16xf32>,
      %mul3A_1360 = arith.constant 2 : i32
      %mul3A_1361 = arith.muli %mul3A_1360, %scan3A_1340 : i32
      %add3A_1362 = arith.constant 0 : i32
      %add3A_1363 = arith.addi %mul3A_1361, %add3A_1362 : i32
      %mul3A_1364 = arith.constant 2 : i32
      %mul3A_1365 = arith.muli %mul3A_1364, %scan3A_1340 : i32
      %add3A_1366 = arith.constant 0 : i32
      %add3A_1367 = arith.addi %mul3A_1365, %add3A_1366 : i32
      %get3A_1368 = arith.index_cast %add3A_1367 : i32 to index
      %get3A_1369 = arith.constant 16 : index
      %get3A_1370 = tpu.vector_load %arg7[%get3A_1368, %get3A_1369] {strides = array<i32>} : memref<200x128xf32, #tpu.memory_space<vmem>>, vector<1x16xf32>,
      %get3A_1371 = vector.shape_cast %get3A_1370 : vector<1x16xf32> to vector<16xf32>
      %swap3A_1372 = arith.constant 0 : i32
      %swap3A_1373 = arith.index_cast %swap3A_1372 : i32 to index
      %swap3A_1374 = arith.index_cast %add3A_1363 : i32 to index
      %swap3A_1375 = arith.constant 16 : index
      %swap3A_1376 = tpu.vector_load %arg8[%swap3A_1373, %swap3A_1374, %swap3A_1375] {strides = array<i32>} : memref<3x200x128xf32, #tpu.memory_space<vmem>>, vector<1x1x16xf32>,
      %swap3A_1377 = vector.shape_cast %swap3A_1376 : vector<1x1x16xf32> to vector<16xf32>
      %swap3A_1378 = vector.shape_cast %get3A_1371 : vector<16xf32> to vector<1x1x16xf32>
      tpu.vector_store %arg8[%swap3A_1373, %swap3A_1374, %swap3A_1375], %swap3A_1378 {add = true, strides = array<i32>} : memref<3x200x128xf32, #tpu.memory_space<vmem>>, vector<1x1x16xf32>,
      %mul3A_1379 = arith.constant 2 : i32
      %mul3A_1380 = arith.muli %mul3A_1379, %scan3A_1340 : i32
      %add3A_1381 = arith.constant 0 : i32
      %add3A_1382 = arith.addi %mul3A_1380, %add3A_1381 : i32
      %mul3A_1383 = arith.constant 2 : i32
      %mul3A_1384 = arith.muli %mul3A_1383, %scan3A_1340 : i32
      %add3A_1385 = arith.constant 0 : i32
      %add3A_1386 = arith.addi %mul3A_1384, %add3A_1385 : i32
      %get3A_1387 = arith.index_cast %add3A_1386 : i32 to index
      %get3A_1388 = arith.constant 32 : index
      %get3A_1389 = tpu.vector_load %arg7[%get3A_1387, %get3A_1388] {strides = array<i32>} : memref<200x128xf32, #tpu.memory_space<vmem>>, vector<1x16xf32>,
      %get3A_1390 = vector.shape_cast %get3A_1389 : vector<1x16xf32> to vector<16xf32>
      %swap3A_1391 = arith.constant 0 : i32
      %swap3A_1392 = arith.index_cast %swap3A_1391 : i32 to index
      %swap3A_1393 = arith.index_cast %add3A_1382 : i32 to index
      %swap3A_1394 = arith.constant 32 : index
      %swap3A_1395 = tpu.vector_load %arg8[%swap3A_1392, %swap3A_1393, %swap3A_1394] {strides = array<i32>} : memref<3x200x128xf32, #tpu.memory_space<vmem>>, vector<1x1x16xf32>,
      %swap3A_1396 = vector.shape_cast %swap3A_1395 : vector<1x1x16xf32> to vector<16xf32>
      %swap3A_1397 = vector.shape_cast %get3A_1390 : vector<16xf32> to vector<1x1x16xf32>
      tpu.vector_store %arg8[%swap3A_1392, %swap3A_1393, %swap3A_1394], %swap3A_1397 {add = true, strides = array<i32>} : memref<3x200x128xf32, #tpu.memory_space<vmem>>, vector<1x1x16xf32>,
      %mul3A_1398 = arith.constant 2 : i32
      %mul3A_1399 = arith.muli %mul3A_1398, %scan3A_1340 : i32
      %add3A_1400 = arith.constant 0 : i32
      %add3A_1401 = arith.addi %mul3A_1399, %add3A_1400 : i32
      %mul3A_1402 = arith.constant 2 : i32
      %mul3A_1403 = arith.muli %mul3A_1402, %scan3A_1340 : i32
      %add3A_1404 = arith.constant 0 : i32
      %add3A_1405 = arith.addi %mul3A_1403, %add3A_1404 : i32
      %get3A_1406 = arith.index_cast %add3A_1405 : i32 to index
      %get3A_1407 = arith.constant 48 : index
      %get3A_1408 = tpu.vector_load %arg7[%get3A_1406, %get3A_1407] {strides = array<i32>} : memref<200x128xf32, #tpu.memory_space<vmem>>, vector<1x16xf32>,
      %get3A_1409 = vector.shape_cast %get3A_1408 : vector<1x16xf32> to vector<16xf32>
      %swap3A_1410 = arith.constant 0 : i32
      %swap3A_1411 = arith.index_cast %swap3A_1410 : i32 to index
      %swap3A_1412 = arith.index_cast %add3A_1401 : i32 to index
      %swap3A_1413 = arith.constant 48 : index
      %swap3A_1414 = tpu.vector_load %arg8[%swap3A_1411, %swap3A_1412, %swap3A_1413] {strides = array<i32>} : memref<3x200x128xf32, #tpu.memory_space<vmem>>, vector<1x1x16xf32>,
      %swap3A_1415 = vector.shape_cast %swap3A_1414 : vector<1x1x16xf32> to vector<16xf32>
      %swap3A_1416 = vector.shape_cast %get3A_1409 : vector<16xf32> to vector<1x1x16xf32>
      tpu.vector_store %arg8[%swap3A_1411, %swap3A_1412, %swap3A_1413], %swap3A_1416 {add = true, strides = array<i32>} : memref<3x200x128xf32, #tpu.memory_space<vmem>>, vector<1x1x16xf32>,
      %mul3A_1417 = arith.constant 2 : i32
      %mul3A_1418 = arith.muli %mul3A_1417, %scan3A_1340 : i32
      %add3A_1419 = arith.constant 0 : i32
      %add3A_1420 = arith.addi %mul3A_1418, %add3A_1419 : i32
      %mul3A_1421 = arith.constant 2 : i32
      %mul3A_1422 = arith.muli %mul3A_1421, %scan3A_1340 : i32
      %add3A_1423 = arith.constant 0 : i32
      %add3A_1424 = arith.addi %mul3A_1422, %add3A_1423 : i32
      %get3A_1425 = arith.index_cast %add3A_1424 : i32 to index
      %get3A_1426 = arith.constant 64 : index
      %get3A_1427 = tpu.vector_load %arg7[%get3A_1425, %get3A_1426] {strides = array<i32>} : memref<200x128xf32, #tpu.memory_space<vmem>>, vector<1x16xf32>,
      %get3A_1428 = vector.shape_cast %get3A_1427 : vector<1x16xf32> to vector<16xf32>
      %swap3A_1429 = arith.constant 0 : i32
      %swap3A_1430 = arith.index_cast %swap3A_1429 : i32 to index
      %swap3A_1431 = arith.index_cast %add3A_1420 : i32 to index
      %swap3A_1432 = arith.constant 64 : index
      %swap3A_1433 = tpu.vector_load %arg8[%swap3A_1430, %swap3A_1431, %swap3A_1432] {strides = array<i32>} : memref<3x200x128xf32, #tpu.memory_space<vmem>>, vector<1x1x16xf32>,
      %swap3A_1434 = vector.shape_cast %swap3A_1433 : vector<1x1x16xf32> to vector<16xf32>
      %swap3A_1435 = vector.shape_cast %get3A_1428 : vector<16xf32> to vector<1x1x16xf32>
      tpu.vector_store %arg8[%swap3A_1430, %swap3A_1431, %swap3A_1432], %swap3A_1435 {add = true, strides = array<i32>} : memref<3x200x128xf32, #tpu.memory_space<vmem>>, vector<1x1x16xf32>,
      %mul3A_1436 = arith.constant 2 : i32
      %mul3A_1437 = arith.muli %mul3A_1436, %scan3A_1340 : i32
      %add3A_1438 = arith.constant 0 : i32
      %add3A_1439 = arith.addi %mul3A_1437, %add3A_1438 : i32
      %mul3A_1440 = arith.constant 2 : i32
      %mul3A_1441 = arith.muli %mul3A_1440, %scan3A_1340 : i32
      %add3A_1442 = arith.constant 0 : i32
      %add3A_1443 = arith.addi %mul3A_1441, %add3A_1442 : i32
      %get3A_1444 = arith.index_cast %add3A_1443 : i32 to index
      %get3A_1445 = arith.constant 80 : index
      %get3A_1446 = tpu.vector_load %arg7[%get3A_1444, %get3A_1445] {strides = array<i32>} : memref<200x128xf32, #tpu.memory_space<vmem>>, vector<1x16xf32>,
      %get3A_1447 = vector.shape_cast %get3A_1446 : vector<1x16xf32> to vector<16xf32>
      %swap3A_1448 = arith.constant 0 : i32
      %swap3A_1449 = arith.index_cast %swap3A_1448 : i32 to index
      %swap3A_1450 = arith.index_cast %add3A_1439 : i32 to index
      %swap3A_1451 = arith.constant 80 : index
      %swap3A_1452 = tpu.vector_load %arg8[%swap3A_1449, %swap3A_1450, %swap3A_1451] {strides = array<i32>} : memref<3x200x128xf32, #tpu.memory_space<vmem>>, vector<1x1x16xf32>,
      %swap3A_1453 = vector.shape_cast %swap3A_1452 : vector<1x1x16xf32> to vector<16xf32>
      %swap3A_1454 = vector.shape_cast %get3A_1447 : vector<16xf32> to vector<1x1x16xf32>
      tpu.vector_store %arg8[%swap3A_1449, %swap3A_1450, %swap3A_1451], %swap3A_1454 {add = true, strides = array<i32>} : memref<3x200x128xf32, #tpu.memory_space<vmem>>, vector<1x1x16xf32>,
      %mul3A_1455 = arith.constant 2 : i32
      %mul3A_1456 = arith.muli %mul3A_1455, %scan3A_1340 : i32
      %add3A_1457 = arith.constant 0 : i32
      %add3A_1458 = arith.addi %mul3A_1456, %add3A_1457 : i32
      %mul3A_1459 = arith.constant 2 : i32
      %mul3A_1460 = arith.muli %mul3A_1459, %scan3A_1340 : i32
      %add3A_1461 = arith.constant 0 : i32
      %add3A_1462 = arith.addi %mul3A_1460, %add3A_1461 : i32
      %get3A_1463 = arith.index_cast %add3A_1462 : i32 to index
      %get3A_1464 = arith.constant 96 : index
      %get3A_1465 = tpu.vector_load %arg7[%get3A_1463, %get3A_1464] {strides = array<i32>} : memref<200x128xf32, #tpu.memory_space<vmem>>, vector<1x16xf32>,
      %get3A_1466 = vector.shape_cast %get3A_1465 : vector<1x16xf32> to vector<16xf32>
      %swap3A_1467 = arith.constant 0 : i32
      %swap3A_1468 = arith.index_cast %swap3A_1467 : i32 to index
      %swap3A_1469 = arith.index_cast %add3A_1458 : i32 to index
      %swap3A_1470 = arith.constant 96 : index
      %swap3A_1471 = tpu.vector_load %arg8[%swap3A_1468, %swap3A_1469, %swap3A_1470] {strides = array<i32>} : memref<3x200x128xf32, #tpu.memory_space<vmem>>, vector<1x1x16xf32>,
      %swap3A_1472 = vector.shape_cast %swap3A_1471 : vector<1x1x16xf32> to vector<16xf32>
      %swap3A_1473 = vector.shape_cast %get3A_1466 : vector<16xf32> to vector<1x1x16xf32>
      tpu.vector_store %arg8[%swap3A_1468, %swap3A_1469, %swap3A_1470], %swap3A_1473 {add = true, strides = array<i32>} : memref<3x200x128xf32, #tpu.memory_space<vmem>>, vector<1x1x16xf32>,
      %mul3A_1474 = arith.constant 2 : i32
      %mul3A_1475 = arith.muli %mul3A_1474, %scan3A_1340 : i32
      %add3A_1476 = arith.constant 0 : i32
      %add3A_1477 = arith.addi %mul3A_1475, %add3A_1476 : i32
      %mul3A_1478 = arith.constant 2 : i32
      %mul3A_1479 = arith.muli %mul3A_1478, %scan3A_1340 : i32
      %add3A_1480 = arith.constant 0 : i32
      %add3A_1481 = arith.addi %mul3A_1479, %add3A_1480 : i32
      %get3A_1482 = arith.index_cast %add3A_1481 : i32 to index
      %get3A_1483 = arith.constant 112 : index
      %get3A_1484 = tpu.vector_load %arg7[%get3A_1482, %get3A_1483] {strides = array<i32>} : memref<200x128xf32, #tpu.memory_space<vmem>>, vector<1x16xf32>,
      %get3A_1485 = vector.shape_cast %get3A_1484 : vector<1x16xf32> to vector<16xf32>
      %swap3A_1486 = arith.constant 0 : i32
      %swap3A_1487 = arith.index_cast %swap3A_1486 : i32 to index
      %swap3A_1488 = arith.index_cast %add3A_1477 : i32 to index
      %swap3A_1489 = arith.constant 112 : index
      %swap3A_1490 = tpu.vector_load %arg8[%swap3A_1487, %swap3A_1488, %swap3A_1489] {strides = array<i32>} : memref<3x200x128xf32, #tpu.memory_space<vmem>>, vector<1x1x16xf32>,
      %swap3A_1491 = vector.shape_cast %swap3A_1490 : vector<1x1x16xf32> to vector<16xf32>
      %swap3A_1492 = vector.shape_cast %get3A_1485 : vector<16xf32> to vector<1x1x16xf32>
      tpu.vector_store %arg8[%swap3A_1487, %swap3A_1488, %swap3A_1489], %swap3A_1492 {add = true, strides = array<i32>} : memref<3x200x128xf32, #tpu.memory_space<vmem>>, vector<1x1x16xf32>,
      %mul3A_1493 = arith.constant 2 : i32
      %mul3A_1494 = arith.muli %mul3A_1493, %scan3A_1340 : i32
      %add3A_1495 = arith.constant 1 : i32
      %add3A_1496 = arith.addi %mul3A_1494, %add3A_1495 : i32
      %mul3A_1497 = arith.constant 2 : i32
      %mul3A_1498 = arith.muli %mul3A_1497, %scan3A_1340 : i32
      %add3A_1499 = arith.constant 1 : i32
      %add3A_1500 = arith.addi %mul3A_1498, %add3A_1499 : i32
      %get3A_1501 = arith.index_cast %add3A_1500 : i32 to index
      %get3A_1502 = arith.constant 0 : index
      %get3A_1503 = tpu.vector_load %arg7[%get3A_1501, %get3A_1502] {strides = array<i32>} : memref<200x128xf32, #tpu.memory_space<vmem>>, vector<1x16xf32>,
      %get3A_1504 = vector.shape_cast %get3A_1503 : vector<1x16xf32> to vector<16xf32>
      %swap3A_1505 = arith.constant 0 : i32
      %swap3A_1506 = arith.index_cast %swap3A_1505 : i32 to index
      %swap3A_1507 = arith.index_cast %add3A_1496 : i32 to index
      %swap3A_1508 = arith.constant 0 : index
      %swap3A_1509 = tpu.vector_load %arg8[%swap3A_1506, %swap3A_1507, %swap3A_1508] {strides = array<i32>} : memref<3x200x128xf32, #tpu.memory_space<vmem>>, vector<1x1x16xf32>,
      %swap3A_1510 = vector.shape_cast %swap3A_1509 : vector<1x1x16xf32> to vector<16xf32>
      %swap3A_1511 = vector.shape_cast %get3A_1504 : vector<16xf32> to vector<1x1x16xf32>
      tpu.vector_store %arg8[%swap3A_1506, %swap3A_1507, %swap3A_1508], %swap3A_1511 {add = true, strides = array<i32>} : memref<3x200x128xf32, #tpu.memory_space<vmem>>, vector<1x1x16xf32>,
      %mul3A_1512 = arith.constant 2 : i32
      %mul3A_1513 = arith.muli %mul3A_1512, %scan3A_1340 : i32
      %add3A_1514 = arith.constant 1 : i32
      %add3A_1515 = arith.addi %mul3A_1513, %add3A_1514 : i32
      %mul3A_1516 = arith.constant 2 : i32
      %mul3A_1517 = arith.muli %mul3A_1516, %scan3A_1340 : i32
      %add3A_1518 = arith.constant 1 : i32
      %add3A_1519 = arith.addi %mul3A_1517, %add3A_1518 : i32
      %get3A_1520 = arith.index_cast %add3A_1519 : i32 to index
      %get3A_1521 = arith.constant 16 : index
      %get3A_1522 = tpu.vector_load %arg7[%get3A_1520, %get3A_1521] {strides = array<i32>} : memref<200x128xf32, #tpu.memory_space<vmem>>, vector<1x16xf32>,
      %get3A_1523 = vector.shape_cast %get3A_1522 : vector<1x16xf32> to vector<16xf32>
      %swap3A_1524 = arith.constant 0 : i32
      %swap3A_1525 = arith.index_cast %swap3A_1524 : i32 to index
      %swap3A_1526 = arith.index_cast %add3A_1515 : i32 to index
      %swap3A_1527 = arith.constant 16 : index
      %swap3A_1528 = tpu.vector_load %arg8[%swap3A_1525, %swap3A_1526, %swap3A_1527] {strides = array<i32>} : memref<3x200x128xf32, #tpu.memory_space<vmem>>, vector<1x1x16xf32>,
      %swap3A_1529 = vector.shape_cast %swap3A_1528 : vector<1x1x16xf32> to vector<16xf32>
      %swap3A_1530 = vector.shape_cast %get3A_1523 : vector<16xf32> to vector<1x1x16xf32>
      tpu.vector_store %arg8[%swap3A_1525, %swap3A_1526, %swap3A_1527], %swap3A_1530 {add = true, strides = array<i32>} : memref<3x200x128xf32, #tpu.memory_space<vmem>>, vector<1x1x16xf32>,
      %mul3A_1531 = arith.constant 2 : i32
      %mul3A_1532 = arith.muli %mul3A_1531, %scan3A_1340 : i32
      %add3A_1533 = arith.constant 1 : i32
      %add3A_1534 = arith.addi %mul3A_1532, %add3A_1533 : i32
      %mul3A_1535 = arith.constant 2 : i32
      %mul3A_1536 = arith.muli %mul3A_1535, %scan3A_1340 : i32
      %add3A_1537 = arith.constant 1 : i32
      %add3A_1538 = arith.addi %mul3A_1536, %add3A_1537 : i32
      %get3A_1539 = arith.index_cast %add3A_1538 : i32 to index
      %get3A_1540 = arith.constant 32 : index
      %get3A_1541 = tpu.vector_load %arg7[%get3A_1539, %get3A_1540] {strides = array<i32>} : memref<200x128xf32, #tpu.memory_space<vmem>>, vector<1x16xf32>,
      %get3A_1542 = vector.shape_cast %get3A_1541 : vector<1x16xf32> to vector<16xf32>
      %swap3A_1543 = arith.constant 0 : i32
      %swap3A_1544 = arith.index_cast %swap3A_1543 : i32 to index
      %swap3A_1545 = arith.index_cast %add3A_1534 : i32 to index
      %swap3A_1546 = arith.constant 32 : index
      %swap3A_1547 = tpu.vector_load %arg8[%swap3A_1544, %swap3A_1545, %swap3A_1546] {strides = array<i32>} : memref<3x200x128xf32, #tpu.memory_space<vmem>>, vector<1x1x16xf32>,
      %swap3A_1548 = vector.shape_cast %swap3A_1547 : vector<1x1x16xf32> to vector<16xf32>
      %swap3A_1549 = vector.shape_cast %get3A_1542 : vector<16xf32> to vector<1x1x16xf32>
      tpu.vector_store %arg8[%swap3A_1544, %swap3A_1545, %swap3A_1546], %swap3A_1549 {add = true, strides = array<i32>} : memref<3x200x128xf32, #tpu.memory_space<vmem>>, vector<1x1x16xf32>,
      %mul3A_1550 = arith.constant 2 : i32
      %mul3A_1551 = arith.muli %mul3A_1550, %scan3A_1340 : i32
      %add3A_1552 = arith.constant 1 : i32
      %add3A_1553 = arith.addi %mul3A_1551, %add3A_1552 : i32
      %mul3A_1554 = arith.constant 2 : i32
      %mul3A_1555 = arith.muli %mul3A_1554, %scan3A_1340 : i32
      %add3A_1556 = arith.constant 1 : i32
      %add3A_1557 = arith.addi %mul3A_1555, %add3A_1556 : i32
      %get3A_1558 = arith.index_cast %add3A_1557 : i32 to index
      %get3A_1559 = arith.constant 48 : index
      %get3A_1560 = tpu.vector_load %arg7[%get3A_1558, %get3A_1559] {strides = array<i32>} : memref<200x128xf32, #tpu.memory_space<vmem>>, vector<1x16xf32>,
      %get3A_1561 = vector.shape_cast %get3A_1560 : vector<1x16xf32> to vector<16xf32>
      %swap3A_1562 = arith.constant 0 : i32
      %swap3A_1563 = arith.index_cast %swap3A_1562 : i32 to index
      %swap3A_1564 = arith.index_cast %add3A_1553 : i32 to index
      %swap3A_1565 = arith.constant 48 : index
      %swap3A_1566 = tpu.vector_load %arg8[%swap3A_1563, %swap3A_1564, %swap3A_1565] {strides = array<i32>} : memref<3x200x128xf32, #tpu.memory_space<vmem>>, vector<1x1x16xf32>,
      %swap3A_1567 = vector.shape_cast %swap3A_1566 : vector<1x1x16xf32> to vector<16xf32>
      %swap3A_1568 = vector.shape_cast %get3A_1561 : vector<16xf32> to vector<1x1x16xf32>
      tpu.vector_store %arg8[%swap3A_1563, %swap3A_1564, %swap3A_1565], %swap3A_1568 {add = true, strides = array<i32>} : memref<3x200x128xf32, #tpu.memory_space<vmem>>, vector<1x1x16xf32>,
      %mul3A_1569 = arith.constant 2 : i32
      %mul3A_1570 = arith.muli %mul3A_1569, %scan3A_1340 : i32
      %add3A_1571 = arith.constant 1 : i32
      %add3A_1572 = arith.addi %mul3A_1570, %add3A_1571 : i32
      %mul3A_1573 = arith.constant 2 : i32
      %mul3A_1574 = arith.muli %mul3A_1573, %scan3A_1340 : i32
      %add3A_1575 = arith.constant 1 : i32
      %add3A_1576 = arith.addi %mul3A_1574, %add3A_1575 : i32
      %get3A_1577 = arith.index_cast %add3A_1576 : i32 to index
      %get3A_1578 = arith.constant 64 : index
      %get3A_1579 = tpu.vector_load %arg7[%get3A_1577, %get3A_1578] {strides = array<i32>} : memref<200x128xf32, #tpu.memory_space<vmem>>, vector<1x16xf32>,
      %get3A_1580 = vector.shape_cast %get3A_1579 : vector<1x16xf32> to vector<16xf32>
      %swap3A_1581 = arith.constant 0 : i32
      %swap3A_1582 = arith.index_cast %swap3A_1581 : i32 to index
      %swap3A_1583 = arith.index_cast %add3A_1572 : i32 to index
      %swap3A_1584 = arith.constant 64 : index
      %swap3A_1585 = tpu.vector_load %arg8[%swap3A_1582, %swap3A_1583, %swap3A_1584] {strides = array<i32>} : memref<3x200x128xf32, #tpu.memory_space<vmem>>, vector<1x1x16xf32>,
      %swap3A_1586 = vector.shape_cast %swap3A_1585 : vector<1x1x16xf32> to vector<16xf32>
      %swap3A_1587 = vector.shape_cast %get3A_1580 : vector<16xf32> to vector<1x1x16xf32>
      tpu.vector_store %arg8[%swap3A_1582, %swap3A_1583, %swap3A_1584], %swap3A_1587 {add = true, strides = array<i32>} : memref<3x200x128xf32, #tpu.memory_space<vmem>>, vector<1x1x16xf32>,
      %mul3A_1588 = arith.constant 2 : i32
      %mul3A_1589 = arith.muli %mul3A_1588, %scan3A_1340 : i32
      %add3A_1590 = arith.constant 1 : i32
      %add3A_1591 = arith.addi %mul3A_1589, %add3A_1590 : i32
      %mul3A_1592 = arith.constant 2 : i32
      %mul3A_1593 = arith.muli %mul3A_1592, %scan3A_1340 : i32
      %add3A_1594 = arith.constant 1 : i32
      %add3A_1595 = arith.addi %mul3A_1593, %add3A_1594 : i32
      %get3A_1596 = arith.index_cast %add3A_1595 : i32 to index
      %get3A_1597 = arith.constant 80 : index
      %get3A_1598 = tpu.vector_load %arg7[%get3A_1596, %get3A_1597] {strides = array<i32>} : memref<200x128xf32, #tpu.memory_space<vmem>>, vector<1x16xf32>,
      %get3A_1599 = vector.shape_cast %get3A_1598 : vector<1x16xf32> to vector<16xf32>
      %swap3A_1600 = arith.constant 0 : i32
      %swap3A_1601 = arith.index_cast %swap3A_1600 : i32 to index
      %swap3A_1602 = arith.index_cast %add3A_1591 : i32 to index
      %swap3A_1603 = arith.constant 80 : index
      %swap3A_1604 = tpu.vector_load %arg8[%swap3A_1601, %swap3A_1602, %swap3A_1603] {strides = array<i32>} : memref<3x200x128xf32, #tpu.memory_space<vmem>>, vector<1x1x16xf32>,
      %swap3A_1605 = vector.shape_cast %swap3A_1604 : vector<1x1x16xf32> to vector<16xf32>
      %swap3A_1606 = vector.shape_cast %get3A_1599 : vector<16xf32> to vector<1x1x16xf32>
      tpu.vector_store %arg8[%swap3A_1601, %swap3A_1602, %swap3A_1603], %swap3A_1606 {add = true, strides = array<i32>} : memref<3x200x128xf32, #tpu.memory_space<vmem>>, vector<1x1x16xf32>,
      %mul3A_1607 = arith.constant 2 : i32
      %mul3A_1608 = arith.muli %mul3A_1607, %scan3A_1340 : i32
      %add3A_1609 = arith.constant 1 : i32
      %add3A_1610 = arith.addi %mul3A_1608, %add3A_1609 : i32
      %mul3A_1611 = arith.constant 2 : i32
      %mul3A_1612 = arith.muli %mul3A_1611, %scan3A_1340 : i32
      %add3A_1613 = arith.constant 1 : i32
      %add3A_1614 = arith.addi %mul3A_1612, %add3A_1613 : i32
      %get3A_1615 = arith.index_cast %add3A_1614 : i32 to index
      %get3A_1616 = arith.constant 96 : index
      %get3A_1617 = tpu.vector_load %arg7[%get3A_1615, %get3A_1616] {strides = array<i32>} : memref<200x128xf32, #tpu.memory_space<vmem>>, vector<1x16xf32>,
      %get3A_1618 = vector.shape_cast %get3A_1617 : vector<1x16xf32> to vector<16xf32>
      %swap3A_1619 = arith.constant 0 : i32
      %swap3A_1620 = arith.index_cast %swap3A_1619 : i32 to index
      %swap3A_1621 = arith.index_cast %add3A_1610 : i32 to index
      %swap3A_1622 = arith.constant 96 : index
      %swap3A_1623 = tpu.vector_load %arg8[%swap3A_1620, %swap3A_1621, %swap3A_1622] {strides = array<i32>} : memref<3x200x128xf32, #tpu.memory_space<vmem>>, vector<1x1x16xf32>,
      %swap3A_1624 = vector.shape_cast %swap3A_1623 : vector<1x1x16xf32> to vector<16xf32>
      %swap3A_1625 = vector.shape_cast %get3A_1618 : vector<16xf32> to vector<1x1x16xf32>
      tpu.vector_store %arg8[%swap3A_1620, %swap3A_1621, %swap3A_1622], %swap3A_1625 {add = true, strides = array<i32>} : memref<3x200x128xf32, #tpu.memory_space<vmem>>, vector<1x1x16xf32>,
      %mul3A_1626 = arith.constant 2 : i32
      %mul3A_1627 = arith.muli %mul3A_1626, %scan3A_1340 : i32
      %add3A_1628 = arith.constant 1 : i32
      %add3A_1629 = arith.addi %mul3A_1627, %add3A_1628 : i32
      %mul3A_1630 = arith.constant 2 : i32
      %mul3A_1631 = arith.muli %mul3A_1630, %scan3A_1340 : i32
      %add3A_1632 = arith.constant 1 : i32
      %add3A_1633 = arith.addi %mul3A_1631, %add3A_1632 : i32
      %get3A_1634 = arith.index_cast %add3A_1633 : i32 to index
      %get3A_1635 = arith.constant 112 : index
      %get3A_1636 = tpu.vector_load %arg7[%get3A_1634, %get3A_1635] {strides = array<i32>} : memref<200x128xf32, #tpu.memory_space<vmem>>, vector<1x16xf32>,
      %get3A_1637 = vector.shape_cast %get3A_1636 : vector<1x16xf32> to vector<16xf32>
      %swap3A_1638 = arith.constant 0 : i32
      %swap3A_1639 = arith.index_cast %swap3A_1638 : i32 to index
      %swap3A_1640 = arith.index_cast %add3A_1629 : i32 to index
      %swap3A_1641 = arith.constant 112 : index
      %swap3A_1642 = tpu.vector_load %arg8[%swap3A_1639, %swap3A_1640, %swap3A_1641] {strides = array<i32>} : memref<3x200x128xf32, #tpu.memory_space<vmem>>, vector<1x1x16xf32>,
      %swap3A_1643 = vector.shape_cast %swap3A_1642 : vector<1x1x16xf32> to vector<16xf32>
      %swap3A_1644 = vector.shape_cast %get3A_1637 : vector<16xf32> to vector<1x1x16xf32>
      tpu.vector_store %arg8[%swap3A_1639, %swap3A_1640, %swap3A_1641], %swap3A_1644 {add = true, strides = array<i32>} : memref<3x200x128xf32, #tpu.memory_space<vmem>>, vector<1x1x16xf32>,
    }
    %scan3A_445 = arith.constant 100 : i32
    %add3A_446 = arith.constant 0 : i32
    %add3A_447 = arith.addi %mul3A_6, %add3A_446 : i32
    %dma_start3A_448 = arith.constant 0 : i32
    %dma_start3A_449 = arith.constant 0 : i32
    %dma_start3A_450 = arith.constant 0 : i32
    %dma_start3A_451 = tpu.memref_slice %arg8[%dma_start3A_448, %dma_start3A_449, %dma_start3A_450] : memref<3x200x128xf32, #tpu.memory_space<vmem>> -> memref<1x200x128xf32, #tpu.memory_space<vmem>>
    %dma_start3A_452 = tpu.memref_squeeze %dma_start3A_451 : memref<1x200x128xf32, #tpu.memory_space<vmem>> -> memref<200x128xf32, #tpu.memory_space<vmem>>
    %dma_start3A_453 = arith.constant 0 : i32
    %dma_start3A_454 = tpu.memref_slice %arg5[%add3A_447, %dma_start3A_453] : memref<204800x128xf32, #tpu.memory_space<hbm>> -> memref<200x128xf32, #tpu.memory_space<hbm>>
    %dma_start3A_455 = arith.constant 0 : i32
    %dma_start3A_456 = tpu.memref_slice %arg5[%add3A_447, %dma_start3A_455] : memref<204800x128xf32, #tpu.memory_space<hbm>> -> memref<200x128xf32, #tpu.memory_space<hbm>>
    %dma_start3A_457 = arith.constant 0 : i32
    %dma_start3A_458 = arith.constant 0 : i32
    %dma_start3A_459 = tpu.memref_slice %arg8[%dma_start3A_448, %dma_start3A_457, %dma_start3A_458] : memref<3x200x128xf32, #tpu.memory_space<vmem>> -> memref<1x200x128xf32, #tpu.memory_space<vmem>>
    %dma_start3A_460 = tpu.memref_squeeze %dma_start3A_459 : memref<1x200x128xf32, #tpu.memory_space<vmem>> -> memref<200x128xf32, #tpu.memory_space<vmem>>
    tpu.enqueue_dma source(%dma_start3A_460 : memref<200x128xf32, #tpu.memory_space<vmem>>) target(%dma_start3A_456 : memref<200x128xf32, #tpu.memory_space<hbm>>) target_semaphore(%arg15 : memref<!tpu.dma_semaphore, #tpu.memory_space<semaphore_mem>>)
    %get3A_461 = arith.constant 2 : i32
    %get3A_462 = arith.index_cast %get3A_461 : i32 to index
    %get3A_463 = arith.constant 0 : index
    %get3A_464 = tpu.vector_load %arg6[%get3A_462, %get3A_463] {strides = array<i32>} : memref<32x200xi32, #tpu.memory_space<vmem>>, vector<1x16xi32>,
    %get3A_465 = vector.shape_cast %get3A_464 : vector<1x16xi32> to vector<16xi32>
    %add3A_466 = vector.broadcast %mul3A_8 : i32 to vector<16xi32>
    %add3A_467 = arith.addi %get3A_465, %add3A_466 : vector<16xi32>
    %swap3A_468 = arith.constant 2 : i32
    %swap3A_469 = arith.index_cast %swap3A_468 : i32 to index
    %swap3A_470 = arith.constant 0 : index
    %swap3A_471 = tpu.vector_load %arg9[%swap3A_469, %swap3A_470] {strides = array<i32>} : memref<3x100xi32, #tpu.memory_space<vmem>>, vector<1x16xi32>,
    %swap3A_472 = vector.shape_cast %swap3A_471 : vector<1x16xi32> to vector<16xi32>
    %swap3A_473 = vector.shape_cast %add3A_467 : vector<16xi32> to vector<1x16xi32>
    tpu.vector_store %arg9[%swap3A_469, %swap3A_470], %swap3A_473 {strides = array<i32>} : memref<3x100xi32, #tpu.memory_space<vmem>>, vector<1x16xi32>,
    %get3A_474 = arith.constant 2 : i32
    %get3A_475 = arith.index_cast %get3A_474 : i32 to index
    %get3A_476 = arith.constant 16 : index
    %get3A_477 = tpu.vector_load %arg6[%get3A_475, %get3A_476] {strides = array<i32>} : memref<32x200xi32, #tpu.memory_space<vmem>>, vector<1x16xi32>,
    %get3A_478 = vector.shape_cast %get3A_477 : vector<1x16xi32> to vector<16xi32>
    %add3A_479 = vector.broadcast %mul3A_8 : i32 to vector<16xi32>
    %add3A_480 = arith.addi %get3A_478, %add3A_479 : vector<16xi32>
    %swap3A_481 = arith.constant 2 : i32
    %swap3A_482 = arith.index_cast %swap3A_481 : i32 to index
    %swap3A_483 = arith.constant 16 : index
    %swap3A_484 = tpu.vector_load %arg9[%swap3A_482, %swap3A_483] {strides = array<i32>} : memref<3x100xi32, #tpu.memory_space<vmem>>, vector<1x16xi32>,
    %swap3A_485 = vector.shape_cast %swap3A_484 : vector<1x16xi32> to vector<16xi32>
    %swap3A_486 = vector.shape_cast %add3A_480 : vector<16xi32> to vector<1x16xi32>
    tpu.vector_store %arg9[%swap3A_482, %swap3A_483], %swap3A_486 {strides = array<i32>} : memref<3x100xi32, #tpu.memory_space<vmem>>, vector<1x16xi32>,
    %get3A_487 = arith.constant 2 : i32
    %get3A_488 = arith.index_cast %get3A_487 : i32 to index
    %get3A_489 = arith.constant 32 : index
    %get3A_490 = tpu.vector_load %arg6[%get3A_488, %get3A_489] {strides = array<i32>} : memref<32x200xi32, #tpu.memory_space<vmem>>, vector<1x16xi32>,
    %get3A_491 = vector.shape_cast %get3A_490 : vector<1x16xi32> to vector<16xi32>
    %add3A_492 = vector.broadcast %mul3A_8 : i32 to vector<16xi32>
    %add3A_493 = arith.addi %get3A_491, %add3A_492 : vector<16xi32>
    %swap3A_494 = arith.constant 2 : i32
    %swap3A_495 = arith.index_cast %swap3A_494 : i32 to index
    %swap3A_496 = arith.constant 32 : index
    %swap3A_497 = tpu.vector_load %arg9[%swap3A_495, %swap3A_496] {strides = array<i32>} : memref<3x100xi32, #tpu.memory_space<vmem>>, vector<1x16xi32>,
    %swap3A_498 = vector.shape_cast %swap3A_497 : vector<1x16xi32> to vector<16xi32>
    %swap3A_499 = vector.shape_cast %add3A_493 : vector<16xi32> to vector<1x16xi32>
    tpu.vector_store %arg9[%swap3A_495, %swap3A_496], %swap3A_499 {strides = array<i32>} : memref<3x100xi32, #tpu.memory_space<vmem>>, vector<1x16xi32>,
    %get3A_500 = arith.constant 2 : i32
    %get3A_501 = arith.index_cast %get3A_500 : i32 to index
    %get3A_502 = arith.constant 48 : index
    %get3A_503 = tpu.vector_load %arg6[%get3A_501, %get3A_502] {strides = array<i32>} : memref<32x200xi32, #tpu.memory_space<vmem>>, vector<1x16xi32>,
    %get3A_504 = vector.shape_cast %get3A_503 : vector<1x16xi32> to vector<16xi32>
    %add3A_505 = vector.broadcast %mul3A_8 : i32 to vector<16xi32>
    %add3A_506 = arith.addi %get3A_504, %add3A_505 : vector<16xi32>
    %swap3A_507 = arith.constant 2 : i32
    %swap3A_508 = arith.index_cast %swap3A_507 : i32 to index
    %swap3A_509 = arith.constant 48 : index
    %swap3A_510 = tpu.vector_load %arg9[%swap3A_508, %swap3A_509] {strides = array<i32>} : memref<3x100xi32, #tpu.memory_space<vmem>>, vector<1x16xi32>,
    %swap3A_511 = vector.shape_cast %swap3A_510 : vector<1x16xi32> to vector<16xi32>
    %swap3A_512 = vector.shape_cast %add3A_506 : vector<16xi32> to vector<1x16xi32>
    tpu.vector_store %arg9[%swap3A_508, %swap3A_509], %swap3A_512 {strides = array<i32>} : memref<3x100xi32, #tpu.memory_space<vmem>>, vector<1x16xi32>,
    %get3A_513 = arith.constant 2 : i32
    %get3A_514 = arith.index_cast %get3A_513 : i32 to index
    %get3A_515 = arith.constant 64 : index
    %get3A_516 = tpu.vector_load %arg6[%get3A_514, %get3A_515] {strides = array<i32>} : memref<32x200xi32, #tpu.memory_space<vmem>>, vector<1x16xi32>,
    %get3A_517 = vector.shape_cast %get3A_516 : vector<1x16xi32> to vector<16xi32>
    %add3A_518 = vector.broadcast %mul3A_8 : i32 to vector<16xi32>
    %add3A_519 = arith.addi %get3A_517, %add3A_518 : vector<16xi32>
    %swap3A_520 = arith.constant 2 : i32
    %swap3A_521 = arith.index_cast %swap3A_520 : i32 to index
    %swap3A_522 = arith.constant 64 : index
    %swap3A_523 = tpu.vector_load %arg9[%swap3A_521, %swap3A_522] {strides = array<i32>} : memref<3x100xi32, #tpu.memory_space<vmem>>, vector<1x16xi32>,
    %swap3A_524 = vector.shape_cast %swap3A_523 : vector<1x16xi32> to vector<16xi32>
    %swap3A_525 = vector.shape_cast %add3A_519 : vector<16xi32> to vector<1x16xi32>
    tpu.vector_store %arg9[%swap3A_521, %swap3A_522], %swap3A_525 {strides = array<i32>} : memref<3x100xi32, #tpu.memory_space<vmem>>, vector<1x16xi32>,
    %get3A_526 = arith.constant 2 : i32
    %get3A_527 = arith.index_cast %get3A_526 : i32 to index
    %get3A_528 = arith.constant 80 : index
    %get3A_529 = tpu.vector_load %arg6[%get3A_527, %get3A_528] {strides = array<i32>} : memref<32x200xi32, #tpu.memory_space<vmem>>, vector<1x16xi32>,
    %get3A_530 = vector.shape_cast %get3A_529 : vector<1x16xi32> to vector<16xi32>
    %add3A_531 = vector.broadcast %mul3A_8 : i32 to vector<16xi32>
    %add3A_532 = arith.addi %get3A_530, %add3A_531 : vector<16xi32>
    %swap3A_533 = arith.constant 2 : i32
    %swap3A_534 = arith.index_cast %swap3A_533 : i32 to index
    %swap3A_535 = arith.constant 80 : index
    %swap3A_536 = tpu.vector_load %arg9[%swap3A_534, %swap3A_535] {strides = array<i32>} : memref<3x100xi32, #tpu.memory_space<vmem>>, vector<1x16xi32>,
    %swap3A_537 = vector.shape_cast %swap3A_536 : vector<1x16xi32> to vector<16xi32>
    %swap3A_538 = vector.shape_cast %add3A_532 : vector<16xi32> to vector<1x16xi32>
    tpu.vector_store %arg9[%swap3A_534, %swap3A_535], %swap3A_538 {strides = array<i32>} : memref<3x100xi32, #tpu.memory_space<vmem>>, vector<1x16xi32>,
    %get3A_539 = arith.constant 2 : i32
    %get3A_540 = arith.index_cast %get3A_539 : i32 to index
    %get3A_541 = arith.constant 84 : index
    %get3A_542 = tpu.vector_load %arg6[%get3A_540, %get3A_541] {strides = array<i32>} : memref<32x200xi32, #tpu.memory_space<vmem>>, vector<1x16xi32>,
    %get3A_543 = vector.shape_cast %get3A_542 : vector<1x16xi32> to vector<16xi32>
    %add3A_544 = vector.broadcast %mul3A_8 : i32 to vector<16xi32>
    %add3A_545 = arith.addi %get3A_543, %add3A_544 : vector<16xi32>
    %swap3A_546 = arith.constant 2 : i32
    %swap3A_547 = arith.index_cast %swap3A_546 : i32 to index
    %swap3A_548 = arith.constant 84 : index
    %swap3A_549 = tpu.vector_load %arg9[%swap3A_547, %swap3A_548] {strides = array<i32>} : memref<3x100xi32, #tpu.memory_space<vmem>>, vector<1x16xi32>,
    %swap3A_550 = vector.shape_cast %swap3A_549 : vector<1x16xi32> to vector<16xi32>
    %swap3A_551 = vector.shape_cast %add3A_545 : vector<16xi32> to vector<1x16xi32>
    tpu.vector_store %arg9[%swap3A_547, %swap3A_548], %swap3A_551 {strides = array<i32>} : memref<3x100xi32, #tpu.memory_space<vmem>>, vector<1x16xi32>,
    %get3A_552 = arith.constant 2 : i32
    %get3A_553 = arith.index_cast %get3A_552 : i32 to index
    %get3A_554 = arith.constant 100 : index
    %get3A_555 = tpu.vector_load %arg6[%get3A_553, %get3A_554] {strides = array<i32>} : memref<32x200xi32, #tpu.memory_space<vmem>>, vector<1x16xi32>,
    %get3A_556 = vector.shape_cast %get3A_555 : vector<1x16xi32> to vector<16xi32>
    %add3A_557 = vector.broadcast %mul3A_8 : i32 to vector<16xi32>
    %add3A_558 = arith.addi %get3A_556, %add3A_557 : vector<16xi32>
    %swap3A_559 = arith.constant 2 : i32
    %swap3A_560 = arith.index_cast %swap3A_559 : i32 to index
    %swap3A_561 = arith.constant 0 : index
    %swap3A_562 = tpu.vector_load %arg10[%swap3A_560, %swap3A_561] {strides = array<i32>} : memref<3x100xi32, #tpu.memory_space<vmem>>, vector<1x16xi32>,
    %swap3A_563 = vector.shape_cast %swap3A_562 : vector<1x16xi32> to vector<16xi32>
    %swap3A_564 = vector.shape_cast %add3A_558 : vector<16xi32> to vector<1x16xi32>
    tpu.vector_store %arg10[%swap3A_560, %swap3A_561], %swap3A_564 {strides = array<i32>} : memref<3x100xi32, #tpu.memory_space<vmem>>, vector<1x16xi32>,
    %get3A_565 = arith.constant 2 : i32
    %get3A_566 = arith.index_cast %get3A_565 : i32 to index
    %get3A_567 = arith.constant 116 : index
    %get3A_568 = tpu.vector_load %arg6[%get3A_566, %get3A_567] {strides = array<i32>} : memref<32x200xi32, #tpu.memory_space<vmem>>, vector<1x16xi32>,
    %get3A_569 = vector.shape_cast %get3A_568 : vector<1x16xi32> to vector<16xi32>
    %add3A_570 = vector.broadcast %mul3A_8 : i32 to vector<16xi32>
    %add3A_571 = arith.addi %get3A_569, %add3A_570 : vector<16xi32>
    %swap3A_572 = arith.constant 2 : i32
    %swap3A_573 = arith.index_cast %swap3A_572 : i32 to index
    %swap3A_574 = arith.constant 16 : index
    %swap3A_575 = tpu.vector_load %arg10[%swap3A_573, %swap3A_574] {strides = array<i32>} : memref<3x100xi32, #tpu.memory_space<vmem>>, vector<1x16xi32>,
    %swap3A_576 = vector.shape_cast %swap3A_575 : vector<1x16xi32> to vector<16xi32>
    %swap3A_577 = vector.shape_cast %add3A_571 : vector<16xi32> to vector<1x16xi32>
    tpu.vector_store %arg10[%swap3A_573, %swap3A_574], %swap3A_577 {strides = array<i32>} : memref<3x100xi32, #tpu.memory_space<vmem>>, vector<1x16xi32>,
    %get3A_578 = arith.constant 2 : i32
    %get3A_579 = arith.index_cast %get3A_578 : i32 to index
    %get3A_580 = arith.constant 132 : index
    %get3A_581 = tpu.vector_load %arg6[%get3A_579, %get3A_580] {strides = array<i32>} : memref<32x200xi32, #tpu.memory_space<vmem>>, vector<1x16xi32>,
    %get3A_582 = vector.shape_cast %get3A_581 : vector<1x16xi32> to vector<16xi32>
    %add3A_583 = vector.broadcast %mul3A_8 : i32 to vector<16xi32>
    %add3A_584 = arith.addi %get3A_582, %add3A_583 : vector<16xi32>
    %swap3A_585 = arith.constant 2 : i32
    %swap3A_586 = arith.index_cast %swap3A_585 : i32 to index
    %swap3A_587 = arith.constant 32 : index
    %swap3A_588 = tpu.vector_load %arg10[%swap3A_586, %swap3A_587] {strides = array<i32>} : memref<3x100xi32, #tpu.memory_space<vmem>>, vector<1x16xi32>,
    %swap3A_589 = vector.shape_cast %swap3A_588 : vector<1x16xi32> to vector<16xi32>
    %swap3A_590 = vector.shape_cast %add3A_584 : vector<16xi32> to vector<1x16xi32>
    tpu.vector_store %arg10[%swap3A_586, %swap3A_587], %swap3A_590 {strides = array<i32>} : memref<3x100xi32, #tpu.memory_space<vmem>>, vector<1x16xi32>,
    %get3A_591 = arith.constant 2 : i32
    %get3A_592 = arith.index_cast %get3A_591 : i32 to index
    %get3A_593 = arith.constant 148 : index
    %get3A_594 = tpu.vector_load %arg6[%get3A_592, %get3A_593] {strides = array<i32>} : memref<32x200xi32, #tpu.memory_space<vmem>>, vector<1x16xi32>,
    %get3A_595 = vector.shape_cast %get3A_594 : vector<1x16xi32> to vector<16xi32>
    %add3A_596 = vector.broadcast %mul3A_8 : i32 to vector<16xi32>
    %add3A_597 = arith.addi %get3A_595, %add3A_596 : vector<16xi32>
    %swap3A_598 = arith.constant 2 : i32
    %swap3A_599 = arith.index_cast %swap3A_598 : i32 to index
    %swap3A_600 = arith.constant 48 : index
    %swap3A_601 = tpu.vector_load %arg10[%swap3A_599, %swap3A_600] {strides = array<i32>} : memref<3x100xi32, #tpu.memory_space<vmem>>, vector<1x16xi32>,
    %swap3A_602 = vector.shape_cast %swap3A_601 : vector<1x16xi32> to vector<16xi32>
    %swap3A_603 = vector.shape_cast %add3A_597 : vector<16xi32> to vector<1x16xi32>
    tpu.vector_store %arg10[%swap3A_599, %swap3A_600], %swap3A_603 {strides = array<i32>} : memref<3x100xi32, #tpu.memory_space<vmem>>, vector<1x16xi32>,
    %get3A_604 = arith.constant 2 : i32
    %get3A_605 = arith.index_cast %get3A_604 : i32 to index
    %get3A_606 = arith.constant 164 : index
    %get3A_607 = tpu.vector_load %arg6[%get3A_605, %get3A_606] {strides = array<i32>} : memref<32x200xi32, #tpu.memory_space<vmem>>, vector<1x16xi32>,
    %get3A_608 = vector.shape_cast %get3A_607 : vector<1x16xi32> to vector<16xi32>
    %add3A_609 = vector.broadcast %mul3A_8 : i32 to vector<16xi32>
    %add3A_610 = arith.addi %get3A_608, %add3A_609 : vector<16xi32>
    %swap3A_611 = arith.constant 2 : i32
    %swap3A_612 = arith.index_cast %swap3A_611 : i32 to index
    %swap3A_613 = arith.constant 64 : index
    %swap3A_614 = tpu.vector_load %arg10[%swap3A_612, %swap3A_613] {strides = array<i32>} : memref<3x100xi32, #tpu.memory_space<vmem>>, vector<1x16xi32>,
    %swap3A_615 = vector.shape_cast %swap3A_614 : vector<1x16xi32> to vector<16xi32>
    %swap3A_616 = vector.shape_cast %add3A_610 : vector<16xi32> to vector<1x16xi32>
    tpu.vector_store %arg10[%swap3A_612, %swap3A_613], %swap3A_616 {strides = array<i32>} : memref<3x100xi32, #tpu.memory_space<vmem>>, vector<1x16xi32>,
    %get3A_617 = arith.constant 2 : i32
    %get3A_618 = arith.index_cast %get3A_617 : i32 to index
    %get3A_619 = arith.constant 180 : index
    %get3A_620 = tpu.vector_load %arg6[%get3A_618, %get3A_619] {strides = array<i32>} : memref<32x200xi32, #tpu.memory_space<vmem>>, vector<1x16xi32>,
    %get3A_621 = vector.shape_cast %get3A_620 : vector<1x16xi32> to vector<16xi32>
    %add3A_622 = vector.broadcast %mul3A_8 : i32 to vector<16xi32>
    %add3A_623 = arith.addi %get3A_621, %add3A_622 : vector<16xi32>
    %swap3A_624 = arith.constant 2 : i32
    %swap3A_625 = arith.index_cast %swap3A_624 : i32 to index
    %swap3A_626 = arith.constant 80 : index
    %swap3A_627 = tpu.vector_load %arg10[%swap3A_625, %swap3A_626] {strides = array<i32>} : memref<3x100xi32, #tpu.memory_space<vmem>>, vector<1x16xi32>,
    %swap3A_628 = vector.shape_cast %swap3A_627 : vector<1x16xi32> to vector<16xi32>
    %swap3A_629 = vector.shape_cast %add3A_623 : vector<16xi32> to vector<1x16xi32>
    tpu.vector_store %arg10[%swap3A_625, %swap3A_626], %swap3A_629 {strides = array<i32>} : memref<3x100xi32, #tpu.memory_space<vmem>>, vector<1x16xi32>,
    %get3A_630 = arith.constant 2 : i32
    %get3A_631 = arith.index_cast %get3A_630 : i32 to index
    %get3A_632 = arith.constant 184 : index
    %get3A_633 = tpu.vector_load %arg6[%get3A_631, %get3A_632] {strides = array<i32>} : memref<32x200xi32, #tpu.memory_space<vmem>>, vector<1x16xi32>,
    %get3A_634 = vector.shape_cast %get3A_633 : vector<1x16xi32> to vector<16xi32>
    %add3A_635 = vector.broadcast %mul3A_8 : i32 to vector<16xi32>
    %add3A_636 = arith.addi %get3A_634, %add3A_635 : vector<16xi32>
    %swap3A_637 = arith.constant 2 : i32
    %swap3A_638 = arith.index_cast %swap3A_637 : i32 to index
    %swap3A_639 = arith.constant 84 : index
    %swap3A_640 = tpu.vector_load %arg10[%swap3A_638, %swap3A_639] {strides = array<i32>} : memref<3x100xi32, #tpu.memory_space<vmem>>, vector<1x16xi32>,
    %swap3A_641 = vector.shape_cast %swap3A_640 : vector<1x16xi32> to vector<16xi32>
    %swap3A_642 = vector.shape_cast %add3A_636 : vector<16xi32> to vector<1x16xi32>
    tpu.vector_store %arg10[%swap3A_638, %swap3A_639], %swap3A_642 {strides = array<i32>} : memref<3x100xi32, #tpu.memory_space<vmem>>, vector<1x16xi32>,
    %dma_start3A_643 = arith.constant 2 : i32
    %dma_start3A_644 = arith.constant 2 : i32
    %dma_start3A_645 = arith.constant 0 : i32
    %dma_start3A_646 = arith.constant 0 : i32
    %dma_start3A_647 = tpu.memref_slice %arg8[%dma_start3A_644, %dma_start3A_645, %dma_start3A_646] : memref<3x200x128xf32, #tpu.memory_space<vmem>> -> memref<1x100x128xf32, #tpu.memory_space<vmem>>
    %dma_start3A_648 = tpu.memref_squeeze %dma_start3A_647 : memref<1x100x128xf32, #tpu.memory_space<vmem>> -> memref<100x128xf32, #tpu.memory_space<vmem>>
    %dma_start3A_649 = arith.constant 0 : i32
    %dma_start3A_650 = tpu.memref_slice %arg9[%dma_start3A_643, %dma_start3A_649] : memref<3x100xi32, #tpu.memory_space<vmem>> -> memref<1x100xi32, #tpu.memory_space<vmem>>
    %dma_start3A_651 = tpu.memref_squeeze %dma_start3A_650 : memref<1x100xi32, #tpu.memory_space<vmem>> -> memref<100xi32, #tpu.memory_space<vmem>>
    %dma_start3A_652 = arith.constant 0 : i32
    %dma_start3A_653 = arith.constant 0 : i32
    %dma_start3A_654 = tpu.memref_slice %arg11[%dma_start3A_652, %dma_start3A_653] : memref<2048x128xf32, #tpu.memory_space<vmem_shared>> -> memref<2048x128xf32, #tpu.memory_space<vmem_shared>>
    tpu.enqueue_indirect_dma source(%dma_start3A_654 : memref<2048x128xf32, #tpu.memory_space<vmem_shared>>) target(%dma_start3A_648 : memref<100x128xf32, #tpu.memory_space<vmem>>) offsets(%dma_start3A_651 : memref<100xi32, #tpu.memory_space<vmem>>) semaphore(%arg14 : memref<!tpu.dma_semaphore, #tpu.memory_space<semaphore_mem>>)
    %dma_start3A_655 = arith.constant 2 : i32
    %dma_start3A_656 = arith.constant 2 : i32
    %dma_start3A_657 = arith.constant 100 : i32
    %dma_start3A_658 = arith.constant 0 : i32
    %dma_start3A_659 = tpu.memref_slice %arg8[%dma_start3A_656, %dma_start3A_657, %dma_start3A_658] : memref<3x200x128xf32, #tpu.memory_space<vmem>> -> memref<1x100x128xf32, #tpu.memory_space<vmem>>
    %dma_start3A_660 = tpu.memref_squeeze %dma_start3A_659 : memref<1x100x128xf32, #tpu.memory_space<vmem>> -> memref<100x128xf32, #tpu.memory_space<vmem>>
    %dma_start3A_661 = arith.constant 0 : i32
    %dma_start3A_662 = tpu.memref_slice %arg10[%dma_start3A_655, %dma_start3A_661] : memref<3x100xi32, #tpu.memory_space<vmem>> -> memref<1x100xi32, #tpu.memory_space<vmem>>
    %dma_start3A_663 = tpu.memref_squeeze %dma_start3A_662 : memref<1x100xi32, #tpu.memory_space<vmem>> -> memref<100xi32, #tpu.memory_space<vmem>>
    %dma_start3A_664 = arith.constant 0 : i32
    %dma_start3A_665 = arith.constant 0 : i32
    %dma_start3A_666 = tpu.memref_slice %arg11[%dma_start3A_664, %dma_start3A_665] : memref<2048x128xf32, #tpu.memory_space<vmem_shared>> -> memref<2048x128xf32, #tpu.memory_space<vmem_shared>>
    tpu.enqueue_indirect_dma source(%dma_start3A_666 : memref<2048x128xf32, #tpu.memory_space<vmem_shared>>) target(%dma_start3A_660 : memref<100x128xf32, #tpu.memory_space<vmem>>) offsets(%dma_start3A_663 : memref<100xi32, #tpu.memory_space<vmem>>) semaphore(%arg14 : memref<!tpu.dma_semaphore, #tpu.memory_space<semaphore_mem>>)
    %dma_wait3A_667 = arith.constant 1 : i32
    %dma_wait3A_668 = arith.constant 1 : i32
    %dma_wait3A_669 = arith.constant 0 : i32
    %dma_wait3A_670 = arith.constant 0 : i32
    %dma_wait3A_671 = tpu.memref_slice %arg8[%dma_wait3A_668, %dma_wait3A_669, %dma_wait3A_670] : memref<3x200x128xf32, #tpu.memory_space<vmem>> -> memref<1x100x128xf32, #tpu.memory_space<vmem>>
    %dma_wait3A_672 = tpu.memref_squeeze %dma_wait3A_671 : memref<1x100x128xf32, #tpu.memory_space<vmem>> -> memref<100x128xf32, #tpu.memory_space<vmem>>
    %dma_wait3A_673 = arith.constant 0 : i32
    %dma_wait3A_674 = tpu.memref_slice %arg9[%dma_wait3A_667, %dma_wait3A_673] : memref<3x100xi32, #tpu.memory_space<vmem>> -> memref<1x100xi32, #tpu.memory_space<vmem>>
    %dma_wait3A_675 = tpu.memref_squeeze %dma_wait3A_674 : memref<1x100xi32, #tpu.memory_space<vmem>> -> memref<100xi32, #tpu.memory_space<vmem>>
    %dma_wait3A_676 = arith.constant 0 : i32
    %dma_wait3A_677 = arith.constant 0 : i32
    %dma_wait3A_678 = tpu.memref_slice %arg11[%dma_wait3A_676, %dma_wait3A_677] : memref<2048x128xf32, #tpu.memory_space<vmem_shared>> -> memref<2048x128xf32, #tpu.memory_space<vmem_shared>>
    tpu.wait_indirect_dma semaphore(%arg13 : memref<!tpu.dma_semaphore, #tpu.memory_space<semaphore_mem>>) src(%dma_wait3A_678 : memref<2048x128xf32, #tpu.memory_space<vmem_shared>>) dst(%dma_wait3A_672 : memref<100x128xf32, #tpu.memory_space<vmem>>)
    %dma_wait3A_679 = arith.constant 1 : i32
    %dma_wait3A_680 = arith.constant 1 : i32
    %dma_wait3A_681 = arith.constant 100 : i32
    %dma_wait3A_682 = arith.constant 0 : i32
    %dma_wait3A_683 = tpu.memref_slice %arg8[%dma_wait3A_680, %dma_wait3A_681, %dma_wait3A_682] : memref<3x200x128xf32, #tpu.memory_space<vmem>> -> memref<1x100x128xf32, #tpu.memory_space<vmem>>
    %dma_wait3A_684 = tpu.memref_squeeze %dma_wait3A_683 : memref<1x100x128xf32, #tpu.memory_space<vmem>> -> memref<100x128xf32, #tpu.memory_space<vmem>>
    %dma_wait3A_685 = arith.constant 0 : i32
    %dma_wait3A_686 = tpu.memref_slice %arg10[%dma_wait3A_679, %dma_wait3A_685] : memref<3x100xi32, #tpu.memory_space<vmem>> -> memref<1x100xi32, #tpu.memory_space<vmem>>
    %dma_wait3A_687 = tpu.memref_squeeze %dma_wait3A_686 : memref<1x100xi32, #tpu.memory_space<vmem>> -> memref<100xi32, #tpu.memory_space<vmem>>
    %dma_wait3A_688 = arith.constant 0 : i32
    %dma_wait3A_689 = arith.constant 0 : i32
    %dma_wait3A_690 = tpu.memref_slice %arg11[%dma_wait3A_688, %dma_wait3A_689] : memref<2048x128xf32, #tpu.memory_space<vmem_shared>> -> memref<2048x128xf32, #tpu.memory_space<vmem_shared>>
    tpu.wait_indirect_dma semaphore(%arg13 : memref<!tpu.dma_semaphore, #tpu.memory_space<semaphore_mem>>) src(%dma_wait3A_690 : memref<2048x128xf32, #tpu.memory_space<vmem_shared>>) dst(%dma_wait3A_684 : memref<100x128xf32, #tpu.memory_space<vmem>>)
    %scan3A_691 = arith.constant 0 : i32
    %scan3A_692 = arith.constant 0 : i32
    %scan3A_693 = arith.constant 100 : i32
    %scan3A_694 = arith.addi %scan3A_692, %scan3A_693 : i32
    %scan3A_695 = arith.constant 1 : i32
    scf.for %scan3A_1340 = %scan3A_692 to %scan3A_694 step %scan3A_695  : i32 {
      %mul3A_1341 = arith.constant 2 : i32
      %mul3A_1342 = arith.muli %mul3A_1341, %scan3A_1340 : i32
      %add3A_1343 = arith.constant 0 : i32
      %add3A_1344 = arith.addi %mul3A_1342, %add3A_1343 : i32
      %mul3A_1345 = arith.constant 2 : i32
      %mul3A_1346 = arith.muli %mul3A_1345, %scan3A_1340 : i32
      %add3A_1347 = arith.constant 0 : i32
      %add3A_1348 = arith.addi %mul3A_1346, %add3A_1347 : i32
      %get3A_1349 = arith.index_cast %add3A_1348 : i32 to index
      %get3A_1350 = arith.constant 0 : index
      %get3A_1351 = tpu.vector_load %arg7[%get3A_1349, %get3A_1350] {strides = array<i32>} : memref<200x128xf32, #tpu.memory_space<vmem>>, vector<1x16xf32>,
      %get3A_1352 = vector.shape_cast %get3A_1351 : vector<1x16xf32> to vector<16xf32>
      %swap3A_1353 = arith.constant 1 : i32
      %swap3A_1354 = arith.index_cast %swap3A_1353 : i32 to index
      %swap3A_1355 = arith.index_cast %add3A_1344 : i32 to index
      %swap3A_1356 = arith.constant 0 : index
      %swap3A_1357 = tpu.vector_load %arg8[%swap3A_1354, %swap3A_1355, %swap3A_1356] {strides = array<i32>} : memref<3x200x128xf32, #tpu.memory_space<vmem>>, vector<1x1x16xf32>,
      %swap3A_1358 = vector.shape_cast %swap3A_1357 : vector<1x1x16xf32> to vector<16xf32>
      %swap3A_1359 = vector.shape_cast %get3A_1352 : vector<16xf32> to vector<1x1x16xf32>
      tpu.vector_store %arg8[%swap3A_1354, %swap3A_1355, %swap3A_1356], %swap3A_1359 {add = true, strides = array<i32>} : memref<3x200x128xf32, #tpu.memory_space<vmem>>, vector<1x1x16xf32>,
      %mul3A_1360 = arith.constant 2 : i32
      %mul3A_1361 = arith.muli %mul3A_1360, %scan3A_1340 : i32
      %add3A_1362 = arith.constant 0 : i32
      %add3A_1363 = arith.addi %mul3A_1361, %add3A_1362 : i32
      %mul3A_1364 = arith.constant 2 : i32
      %mul3A_1365 = arith.muli %mul3A_1364, %scan3A_1340 : i32
      %add3A_1366 = arith.constant 0 : i32
      %add3A_1367 = arith.addi %mul3A_1365, %add3A_1366 : i32
      %get3A_1368 = arith.index_cast %add3A_1367 : i32 to index
      %get3A_1369 = arith.constant 16 : index
      %get3A_1370 = tpu.vector_load %arg7[%get3A_1368, %get3A_1369] {strides = array<i32>} : memref<200x128xf32, #tpu.memory_space<vmem>>, vector<1x16xf32>,
      %get3A_1371 = vector.shape_cast %get3A_1370 : vector<1x16xf32> to vector<16xf32>
      %swap3A_1372 = arith.constant 1 : i32
      %swap3A_1373 = arith.index_cast %swap3A_1372 : i32 to index
      %swap3A_1374 = arith.index_cast %add3A_1363 : i32 to index
      %swap3A_1375 = arith.constant 16 : index
      %swap3A_1376 = tpu.vector_load %arg8[%swap3A_1373, %swap3A_1374, %swap3A_1375] {strides = array<i32>} : memref<3x200x128xf32, #tpu.memory_space<vmem>>, vector<1x1x16xf32>,
      %swap3A_1377 = vector.shape_cast %swap3A_1376 : vector<1x1x16xf32> to vector<16xf32>
      %swap3A_1378 = vector.shape_cast %get3A_1371 : vector<16xf32> to vector<1x1x16xf32>
      tpu.vector_store %arg8[%swap3A_1373, %swap3A_1374, %swap3A_1375], %swap3A_1378 {add = true, strides = array<i32>} : memref<3x200x128xf32, #tpu.memory_space<vmem>>, vector<1x1x16xf32>,
      %mul3A_1379 = arith.constant 2 : i32
      %mul3A_1380 = arith.muli %mul3A_1379, %scan3A_1340 : i32
      %add3A_1381 = arith.constant 0 : i32
      %add3A_1382 = arith.addi %mul3A_1380, %add3A_1381 : i32
      %mul3A_1383 = arith.constant 2 : i32
      %mul3A_1384 = arith.muli %mul3A_1383, %scan3A_1340 : i32
      %add3A_1385 = arith.constant 0 : i32
      %add3A_1386 = arith.addi %mul3A_1384, %add3A_1385 : i32
      %get3A_1387 = arith.index_cast %add3A_1386 : i32 to index
      %get3A_1388 = arith.constant 32 : index
      %get3A_1389 = tpu.vector_load %arg7[%get3A_1387, %get3A_1388] {strides = array<i32>} : memref<200x128xf32, #tpu.memory_space<vmem>>, vector<1x16xf32>,
      %get3A_1390 = vector.shape_cast %get3A_1389 : vector<1x16xf32> to vector<16xf32>
      %swap3A_1391 = arith.constant 1 : i32
      %swap3A_1392 = arith.index_cast %swap3A_1391 : i32 to index
      %swap3A_1393 = arith.index_cast %add3A_1382 : i32 to index
      %swap3A_1394 = arith.constant 32 : index
      %swap3A_1395 = tpu.vector_load %arg8[%swap3A_1392, %swap3A_1393, %swap3A_1394] {strides = array<i32>} : memref<3x200x128xf32, #tpu.memory_space<vmem>>, vector<1x1x16xf32>,
      %swap3A_1396 = vector.shape_cast %swap3A_1395 : vector<1x1x16xf32> to vector<16xf32>
      %swap3A_1397 = vector.shape_cast %get3A_1390 : vector<16xf32> to vector<1x1x16xf32>
      tpu.vector_store %arg8[%swap3A_1392, %swap3A_1393, %swap3A_1394], %swap3A_1397 {add = true, strides = array<i32>} : memref<3x200x128xf32, #tpu.memory_space<vmem>>, vector<1x1x16xf32>,
      %mul3A_1398 = arith.constant 2 : i32
      %mul3A_1399 = arith.muli %mul3A_1398, %scan3A_1340 : i32
      %add3A_1400 = arith.constant 0 : i32
      %add3A_1401 = arith.addi %mul3A_1399, %add3A_1400 : i32
      %mul3A_1402 = arith.constant 2 : i32
      %mul3A_1403 = arith.muli %mul3A_1402, %scan3A_1340 : i32
      %add3A_1404 = arith.constant 0 : i32
      %add3A_1405 = arith.addi %mul3A_1403, %add3A_1404 : i32
      %get3A_1406 = arith.index_cast %add3A_1405 : i32 to index
      %get3A_1407 = arith.constant 48 : index
      %get3A_1408 = tpu.vector_load %arg7[%get3A_1406, %get3A_1407] {strides = array<i32>} : memref<200x128xf32, #tpu.memory_space<vmem>>, vector<1x16xf32>,
      %get3A_1409 = vector.shape_cast %get3A_1408 : vector<1x16xf32> to vector<16xf32>
      %swap3A_1410 = arith.constant 1 : i32
      %swap3A_1411 = arith.index_cast %swap3A_1410 : i32 to index
      %swap3A_1412 = arith.index_cast %add3A_1401 : i32 to index
      %swap3A_1413 = arith.constant 48 : index
      %swap3A_1414 = tpu.vector_load %arg8[%swap3A_1411, %swap3A_1412, %swap3A_1413] {strides = array<i32>} : memref<3x200x128xf32, #tpu.memory_space<vmem>>, vector<1x1x16xf32>,
      %swap3A_1415 = vector.shape_cast %swap3A_1414 : vector<1x1x16xf32> to vector<16xf32>
      %swap3A_1416 = vector.shape_cast %get3A_1409 : vector<16xf32> to vector<1x1x16xf32>
      tpu.vector_store %arg8[%swap3A_1411, %swap3A_1412, %swap3A_1413], %swap3A_1416 {add = true, strides = array<i32>} : memref<3x200x128xf32, #tpu.memory_space<vmem>>, vector<1x1x16xf32>,
      %mul3A_1417 = arith.constant 2 : i32
      %mul3A_1418 = arith.muli %mul3A_1417, %scan3A_1340 : i32
      %add3A_1419 = arith.constant 0 : i32
      %add3A_1420 = arith.addi %mul3A_1418, %add3A_1419 : i32
      %mul3A_1421 = arith.constant 2 : i32
      %mul3A_1422 = arith.muli %mul3A_1421, %scan3A_1340 : i32
      %add3A_1423 = arith.constant 0 : i32
      %add3A_1424 = arith.addi %mul3A_1422, %add3A_1423 : i32
      %get3A_1425 = arith.index_cast %add3A_1424 : i32 to index
      %get3A_1426 = arith.constant 64 : index
      %get3A_1427 = tpu.vector_load %arg7[%get3A_1425, %get3A_1426] {strides = array<i32>} : memref<200x128xf32, #tpu.memory_space<vmem>>, vector<1x16xf32>,
      %get3A_1428 = vector.shape_cast %get3A_1427 : vector<1x16xf32> to vector<16xf32>
      %swap3A_1429 = arith.constant 1 : i32
      %swap3A_1430 = arith.index_cast %swap3A_1429 : i32 to index
      %swap3A_1431 = arith.index_cast %add3A_1420 : i32 to index
      %swap3A_1432 = arith.constant 64 : index
      %swap3A_1433 = tpu.vector_load %arg8[%swap3A_1430, %swap3A_1431, %swap3A_1432] {strides = array<i32>} : memref<3x200x128xf32, #tpu.memory_space<vmem>>, vector<1x1x16xf32>,
      %swap3A_1434 = vector.shape_cast %swap3A_1433 : vector<1x1x16xf32> to vector<16xf32>
      %swap3A_1435 = vector.shape_cast %get3A_1428 : vector<16xf32> to vector<1x1x16xf32>
      tpu.vector_store %arg8[%swap3A_1430, %swap3A_1431, %swap3A_1432], %swap3A_1435 {add = true, strides = array<i32>} : memref<3x200x128xf32, #tpu.memory_space<vmem>>, vector<1x1x16xf32>,
      %mul3A_1436 = arith.constant 2 : i32
      %mul3A_1437 = arith.muli %mul3A_1436, %scan3A_1340 : i32
      %add3A_1438 = arith.constant 0 : i32
      %add3A_1439 = arith.addi %mul3A_1437, %add3A_1438 : i32
      %mul3A_1440 = arith.constant 2 : i32
      %mul3A_1441 = arith.muli %mul3A_1440, %scan3A_1340 : i32
      %add3A_1442 = arith.constant 0 : i32
      %add3A_1443 = arith.addi %mul3A_1441, %add3A_1442 : i32
      %get3A_1444 = arith.index_cast %add3A_1443 : i32 to index
      %get3A_1445 = arith.constant 80 : index
      %get3A_1446 = tpu.vector_load %arg7[%get3A_1444, %get3A_1445] {strides = array<i32>} : memref<200x128xf32, #tpu.memory_space<vmem>>, vector<1x16xf32>,
      %get3A_1447 = vector.shape_cast %get3A_1446 : vector<1x16xf32> to vector<16xf32>
      %swap3A_1448 = arith.constant 1 : i32
      %swap3A_1449 = arith.index_cast %swap3A_1448 : i32 to index
      %swap3A_1450 = arith.index_cast %add3A_1439 : i32 to index
      %swap3A_1451 = arith.constant 80 : index
      %swap3A_1452 = tpu.vector_load %arg8[%swap3A_1449, %swap3A_1450, %swap3A_1451] {strides = array<i32>} : memref<3x200x128xf32, #tpu.memory_space<vmem>>, vector<1x1x16xf32>,
      %swap3A_1453 = vector.shape_cast %swap3A_1452 : vector<1x1x16xf32> to vector<16xf32>
      %swap3A_1454 = vector.shape_cast %get3A_1447 : vector<16xf32> to vector<1x1x16xf32>
      tpu.vector_store %arg8[%swap3A_1449, %swap3A_1450, %swap3A_1451], %swap3A_1454 {add = true, strides = array<i32>} : memref<3x200x128xf32, #tpu.memory_space<vmem>>, vector<1x1x16xf32>,
      %mul3A_1455 = arith.constant 2 : i32
      %mul3A_1456 = arith.muli %mul3A_1455, %scan3A_1340 : i32
      %add3A_1457 = arith.constant 0 : i32
      %add3A_1458 = arith.addi %mul3A_1456, %add3A_1457 : i32
      %mul3A_1459 = arith.constant 2 : i32
      %mul3A_1460 = arith.muli %mul3A_1459, %scan3A_1340 : i32
      %add3A_1461 = arith.constant 0 : i32
      %add3A_1462 = arith.addi %mul3A_1460, %add3A_1461 : i32
      %get3A_1463 = arith.index_cast %add3A_1462 : i32 to index
      %get3A_1464 = arith.constant 96 : index
      %get3A_1465 = tpu.vector_load %arg7[%get3A_1463, %get3A_1464] {strides = array<i32>} : memref<200x128xf32, #tpu.memory_space<vmem>>, vector<1x16xf32>,
      %get3A_1466 = vector.shape_cast %get3A_1465 : vector<1x16xf32> to vector<16xf32>
      %swap3A_1467 = arith.constant 1 : i32
      %swap3A_1468 = arith.index_cast %swap3A_1467 : i32 to index
      %swap3A_1469 = arith.index_cast %add3A_1458 : i32 to index
      %swap3A_1470 = arith.constant 96 : index
      %swap3A_1471 = tpu.vector_load %arg8[%swap3A_1468, %swap3A_1469, %swap3A_1470] {strides = array<i32>} : memref<3x200x128xf32, #tpu.memory_space<vmem>>, vector<1x1x16xf32>,
      %swap3A_1472 = vector.shape_cast %swap3A_1471 : vector<1x1x16xf32> to vector<16xf32>
      %swap3A_1473 = vector.shape_cast %get3A_1466 : vector<16xf32> to vector<1x1x16xf32>
      tpu.vector_store %arg8[%swap3A_1468, %swap3A_1469, %swap3A_1470], %swap3A_1473 {add = true, strides = array<i32>} : memref<3x200x128xf32, #tpu.memory_space<vmem>>, vector<1x1x16xf32>,
      %mul3A_1474 = arith.constant 2 : i32
      %mul3A_1475 = arith.muli %mul3A_1474, %scan3A_1340 : i32
      %add3A_1476 = arith.constant 0 : i32
      %add3A_1477 = arith.addi %mul3A_1475, %add3A_1476 : i32
      %mul3A_1478 = arith.constant 2 : i32
      %mul3A_1479 = arith.muli %mul3A_1478, %scan3A_1340 : i32
      %add3A_1480 = arith.constant 0 : i32
      %add3A_1481 = arith.addi %mul3A_1479, %add3A_1480 : i32
      %get3A_1482 = arith.index_cast %add3A_1481 : i32 to index
      %get3A_1483 = arith.constant 112 : index
      %get3A_1484 = tpu.vector_load %arg7[%get3A_1482, %get3A_1483] {strides = array<i32>} : memref<200x128xf32, #tpu.memory_space<vmem>>, vector<1x16xf32>,
      %get3A_1485 = vector.shape_cast %get3A_1484 : vector<1x16xf32> to vector<16xf32>
      %swap3A_1486 = arith.constant 1 : i32
      %swap3A_1487 = arith.index_cast %swap3A_1486 : i32 to index
      %swap3A_1488 = arith.index_cast %add3A_1477 : i32 to index
      %swap3A_1489 = arith.constant 112 : index
      %swap3A_1490 = tpu.vector_load %arg8[%swap3A_1487, %swap3A_1488, %swap3A_1489] {strides = array<i32>} : memref<3x200x128xf32, #tpu.memory_space<vmem>>, vector<1x1x16xf32>,
      %swap3A_1491 = vector.shape_cast %swap3A_1490 : vector<1x1x16xf32> to vector<16xf32>
      %swap3A_1492 = vector.shape_cast %get3A_1485 : vector<16xf32> to vector<1x1x16xf32>
      tpu.vector_store %arg8[%swap3A_1487, %swap3A_1488, %swap3A_1489], %swap3A_1492 {add = true, strides = array<i32>} : memref<3x200x128xf32, #tpu.memory_space<vmem>>, vector<1x1x16xf32>,
      %mul3A_1493 = arith.constant 2 : i32
      %mul3A_1494 = arith.muli %mul3A_1493, %scan3A_1340 : i32
      %add3A_1495 = arith.constant 1 : i32
      %add3A_1496 = arith.addi %mul3A_1494, %add3A_1495 : i32
      %mul3A_1497 = arith.constant 2 : i32
      %mul3A_1498 = arith.muli %mul3A_1497, %scan3A_1340 : i32
      %add3A_1499 = arith.constant 1 : i32
      %add3A_1500 = arith.addi %mul3A_1498, %add3A_1499 : i32
      %get3A_1501 = arith.index_cast %add3A_1500 : i32 to index
      %get3A_1502 = arith.constant 0 : index
      %get3A_1503 = tpu.vector_load %arg7[%get3A_1501, %get3A_1502] {strides = array<i32>} : memref<200x128xf32, #tpu.memory_space<vmem>>, vector<1x16xf32>,
      %get3A_1504 = vector.shape_cast %get3A_1503 : vector<1x16xf32> to vector<16xf32>
      %swap3A_1505 = arith.constant 1 : i32
      %swap3A_1506 = arith.index_cast %swap3A_1505 : i32 to index
      %swap3A_1507 = arith.index_cast %add3A_1496 : i32 to index
      %swap3A_1508 = arith.constant 0 : index
      %swap3A_1509 = tpu.vector_load %arg8[%swap3A_1506, %swap3A_1507, %swap3A_1508] {strides = array<i32>} : memref<3x200x128xf32, #tpu.memory_space<vmem>>, vector<1x1x16xf32>,
      %swap3A_1510 = vector.shape_cast %swap3A_1509 : vector<1x1x16xf32> to vector<16xf32>
      %swap3A_1511 = vector.shape_cast %get3A_1504 : vector<16xf32> to vector<1x1x16xf32>
      tpu.vector_store %arg8[%swap3A_1506, %swap3A_1507, %swap3A_1508], %swap3A_1511 {add = true, strides = array<i32>} : memref<3x200x128xf32, #tpu.memory_space<vmem>>, vector<1x1x16xf32>,
      %mul3A_1512 = arith.constant 2 : i32
      %mul3A_1513 = arith.muli %mul3A_1512, %scan3A_1340 : i32
      %add3A_1514 = arith.constant 1 : i32
      %add3A_1515 = arith.addi %mul3A_1513, %add3A_1514 : i32
      %mul3A_1516 = arith.constant 2 : i32
      %mul3A_1517 = arith.muli %mul3A_1516, %scan3A_1340 : i32
      %add3A_1518 = arith.constant 1 : i32
      %add3A_1519 = arith.addi %mul3A_1517, %add3A_1518 : i32
      %get3A_1520 = arith.index_cast %add3A_1519 : i32 to index
      %get3A_1521 = arith.constant 16 : index
      %get3A_1522 = tpu.vector_load %arg7[%get3A_1520, %get3A_1521] {strides = array<i32>} : memref<200x128xf32, #tpu.memory_space<vmem>>, vector<1x16xf32>,
      %get3A_1523 = vector.shape_cast %get3A_1522 : vector<1x16xf32> to vector<16xf32>
      %swap3A_1524 = arith.constant 1 : i32
      %swap3A_1525 = arith.index_cast %swap3A_1524 : i32 to index
      %swap3A_1526 = arith.index_cast %add3A_1515 : i32 to index
      %swap3A_1527 = arith.constant 16 : index
      %swap3A_1528 = tpu.vector_load %arg8[%swap3A_1525, %swap3A_1526, %swap3A_1527] {strides = array<i32>} : memref<3x200x128xf32, #tpu.memory_space<vmem>>, vector<1x1x16xf32>,
      %swap3A_1529 = vector.shape_cast %swap3A_1528 : vector<1x1x16xf32> to vector<16xf32>
      %swap3A_1530 = vector.shape_cast %get3A_1523 : vector<16xf32> to vector<1x1x16xf32>
      tpu.vector_store %arg8[%swap3A_1525, %swap3A_1526, %swap3A_1527], %swap3A_1530 {add = true, strides = array<i32>} : memref<3x200x128xf32, #tpu.memory_space<vmem>>, vector<1x1x16xf32>,
      %mul3A_1531 = arith.constant 2 : i32
      %mul3A_1532 = arith.muli %mul3A_1531, %scan3A_1340 : i32
      %add3A_1533 = arith.constant 1 : i32
      %add3A_1534 = arith.addi %mul3A_1532, %add3A_1533 : i32
      %mul3A_1535 = arith.constant 2 : i32
      %mul3A_1536 = arith.muli %mul3A_1535, %scan3A_1340 : i32
      %add3A_1537 = arith.constant 1 : i32
      %add3A_1538 = arith.addi %mul3A_1536, %add3A_1537 : i32
      %get3A_1539 = arith.index_cast %add3A_1538 : i32 to index
      %get3A_1540 = arith.constant 32 : index
      %get3A_1541 = tpu.vector_load %arg7[%get3A_1539, %get3A_1540] {strides = array<i32>} : memref<200x128xf32, #tpu.memory_space<vmem>>, vector<1x16xf32>,
      %get3A_1542 = vector.shape_cast %get3A_1541 : vector<1x16xf32> to vector<16xf32>
      %swap3A_1543 = arith.constant 1 : i32
      %swap3A_1544 = arith.index_cast %swap3A_1543 : i32 to index
      %swap3A_1545 = arith.index_cast %add3A_1534 : i32 to index
      %swap3A_1546 = arith.constant 32 : index
      %swap3A_1547 = tpu.vector_load %arg8[%swap3A_1544, %swap3A_1545, %swap3A_1546] {strides = array<i32>} : memref<3x200x128xf32, #tpu.memory_space<vmem>>, vector<1x1x16xf32>,
      %swap3A_1548 = vector.shape_cast %swap3A_1547 : vector<1x1x16xf32> to vector<16xf32>
      %swap3A_1549 = vector.shape_cast %get3A_1542 : vector<16xf32> to vector<1x1x16xf32>
      tpu.vector_store %arg8[%swap3A_1544, %swap3A_1545, %swap3A_1546], %swap3A_1549 {add = true, strides = array<i32>} : memref<3x200x128xf32, #tpu.memory_space<vmem>>, vector<1x1x16xf32>,
      %mul3A_1550 = arith.constant 2 : i32
      %mul3A_1551 = arith.muli %mul3A_1550, %scan3A_1340 : i32
      %add3A_1552 = arith.constant 1 : i32
      %add3A_1553 = arith.addi %mul3A_1551, %add3A_1552 : i32
      %mul3A_1554 = arith.constant 2 : i32
      %mul3A_1555 = arith.muli %mul3A_1554, %scan3A_1340 : i32
      %add3A_1556 = arith.constant 1 : i32
      %add3A_1557 = arith.addi %mul3A_1555, %add3A_1556 : i32
      %get3A_1558 = arith.index_cast %add3A_1557 : i32 to index
      %get3A_1559 = arith.constant 48 : index
      %get3A_1560 = tpu.vector_load %arg7[%get3A_1558, %get3A_1559] {strides = array<i32>} : memref<200x128xf32, #tpu.memory_space<vmem>>, vector<1x16xf32>,
      %get3A_1561 = vector.shape_cast %get3A_1560 : vector<1x16xf32> to vector<16xf32>
      %swap3A_1562 = arith.constant 1 : i32
      %swap3A_1563 = arith.index_cast %swap3A_1562 : i32 to index
      %swap3A_1564 = arith.index_cast %add3A_1553 : i32 to index
      %swap3A_1565 = arith.constant 48 : index
      %swap3A_1566 = tpu.vector_load %arg8[%swap3A_1563, %swap3A_1564, %swap3A_1565] {strides = array<i32>} : memref<3x200x128xf32, #tpu.memory_space<vmem>>, vector<1x1x16xf32>,
      %swap3A_1567 = vector.shape_cast %swap3A_1566 : vector<1x1x16xf32> to vector<16xf32>
      %swap3A_1568 = vector.shape_cast %get3A_1561 : vector<16xf32> to vector<1x1x16xf32>
      tpu.vector_store %arg8[%swap3A_1563, %swap3A_1564, %swap3A_1565], %swap3A_1568 {add = true, strides = array<i32>} : memref<3x200x128xf32, #tpu.memory_space<vmem>>, vector<1x1x16xf32>,
      %mul3A_1569 = arith.constant 2 : i32
      %mul3A_1570 = arith.muli %mul3A_1569, %scan3A_1340 : i32
      %add3A_1571 = arith.constant 1 : i32
      %add3A_1572 = arith.addi %mul3A_1570, %add3A_1571 : i32
      %mul3A_1573 = arith.constant 2 : i32
      %mul3A_1574 = arith.muli %mul3A_1573, %scan3A_1340 : i32
      %add3A_1575 = arith.constant 1 : i32
      %add3A_1576 = arith.addi %mul3A_1574, %add3A_1575 : i32
      %get3A_1577 = arith.index_cast %add3A_1576 : i32 to index
      %get3A_1578 = arith.constant 64 : index
      %get3A_1579 = tpu.vector_load %arg7[%get3A_1577, %get3A_1578] {strides = array<i32>} : memref<200x128xf32, #tpu.memory_space<vmem>>, vector<1x16xf32>,
      %get3A_1580 = vector.shape_cast %get3A_1579 : vector<1x16xf32> to vector<16xf32>
      %swap3A_1581 = arith.constant 1 : i32
      %swap3A_1582 = arith.index_cast %swap3A_1581 : i32 to index
      %swap3A_1583 = arith.index_cast %add3A_1572 : i32 to index
      %swap3A_1584 = arith.constant 64 : index
      %swap3A_1585 = tpu.vector_load %arg8[%swap3A_1582, %swap3A_1583, %swap3A_1584] {strides = array<i32>} : memref<3x200x128xf32, #tpu.memory_space<vmem>>, vector<1x1x16xf32>,
      %swap3A_1586 = vector.shape_cast %swap3A_1585 : vector<1x1x16xf32> to vector<16xf32>
      %swap3A_1587 = vector.shape_cast %get3A_1580 : vector<16xf32> to vector<1x1x16xf32>
      tpu.vector_store %arg8[%swap3A_1582, %swap3A_1583, %swap3A_1584], %swap3A_1587 {add = true, strides = array<i32>} : memref<3x200x128xf32, #tpu.memory_space<vmem>>, vector<1x1x16xf32>,
      %mul3A_1588 = arith.constant 2 : i32
      %mul3A_1589 = arith.muli %mul3A_1588, %scan3A_1340 : i32
      %add3A_1590 = arith.constant 1 : i32
      %add3A_1591 = arith.addi %mul3A_1589, %add3A_1590 : i32
      %mul3A_1592 = arith.constant 2 : i32
      %mul3A_1593 = arith.muli %mul3A_1592, %scan3A_1340 : i32
      %add3A_1594 = arith.constant 1 : i32
      %add3A_1595 = arith.addi %mul3A_1593, %add3A_1594 : i32
      %get3A_1596 = arith.index_cast %add3A_1595 : i32 to index
      %get3A_1597 = arith.constant 80 : index
      %get3A_1598 = tpu.vector_load %arg7[%get3A_1596, %get3A_1597] {strides = array<i32>} : memref<200x128xf32, #tpu.memory_space<vmem>>, vector<1x16xf32>,
      %get3A_1599 = vector.shape_cast %get3A_1598 : vector<1x16xf32> to vector<16xf32>
      %swap3A_1600 = arith.constant 1 : i32
      %swap3A_1601 = arith.index_cast %swap3A_1600 : i32 to index
      %swap3A_1602 = arith.index_cast %add3A_1591 : i32 to index
      %swap3A_1603 = arith.constant 80 : index
      %swap3A_1604 = tpu.vector_load %arg8[%swap3A_1601, %swap3A_1602, %swap3A_1603] {strides = array<i32>} : memref<3x200x128xf32, #tpu.memory_space<vmem>>, vector<1x1x16xf32>,
      %swap3A_1605 = vector.shape_cast %swap3A_1604 : vector<1x1x16xf32> to vector<16xf32>
      %swap3A_1606 = vector.shape_cast %get3A_1599 : vector<16xf32> to vector<1x1x16xf32>
      tpu.vector_store %arg8[%swap3A_1601, %swap3A_1602, %swap3A_1603], %swap3A_1606 {add = true, strides = array<i32>} : memref<3x200x128xf32, #tpu.memory_space<vmem>>, vector<1x1x16xf32>,
      %mul3A_1607 = arith.constant 2 : i32
      %mul3A_1608 = arith.muli %mul3A_1607, %scan3A_1340 : i32
      %add3A_1609 = arith.constant 1 : i32
      %add3A_1610 = arith.addi %mul3A_1608, %add3A_1609 : i32
      %mul3A_1611 = arith.constant 2 : i32
      %mul3A_1612 = arith.muli %mul3A_1611, %scan3A_1340 : i32
      %add3A_1613 = arith.constant 1 : i32
      %add3A_1614 = arith.addi %mul3A_1612, %add3A_1613 : i32
      %get3A_1615 = arith.index_cast %add3A_1614 : i32 to index
      %get3A_1616 = arith.constant 96 : index
      %get3A_1617 = tpu.vector_load %arg7[%get3A_1615, %get3A_1616] {strides = array<i32>} : memref<200x128xf32, #tpu.memory_space<vmem>>, vector<1x16xf32>,
      %get3A_1618 = vector.shape_cast %get3A_1617 : vector<1x16xf32> to vector<16xf32>
      %swap3A_1619 = arith.constant 1 : i32
      %swap3A_1620 = arith.index_cast %swap3A_1619 : i32 to index
      %swap3A_1621 = arith.index_cast %add3A_1610 : i32 to index
      %swap3A_1622 = arith.constant 96 : index
      %swap3A_1623 = tpu.vector_load %arg8[%swap3A_1620, %swap3A_1621, %swap3A_1622] {strides = array<i32>} : memref<3x200x128xf32, #tpu.memory_space<vmem>>, vector<1x1x16xf32>,
      %swap3A_1624 = vector.shape_cast %swap3A_1623 : vector<1x1x16xf32> to vector<16xf32>
      %swap3A_1625 = vector.shape_cast %get3A_1618 : vector<16xf32> to vector<1x1x16xf32>
      tpu.vector_store %arg8[%swap3A_1620, %swap3A_1621, %swap3A_1622], %swap3A_1625 {add = true, strides = array<i32>} : memref<3x200x128xf32, #tpu.memory_space<vmem>>, vector<1x1x16xf32>,
      %mul3A_1626 = arith.constant 2 : i32
      %mul3A_1627 = arith.muli %mul3A_1626, %scan3A_1340 : i32
      %add3A_1628 = arith.constant 1 : i32
      %add3A_1629 = arith.addi %mul3A_1627, %add3A_1628 : i32
      %mul3A_1630 = arith.constant 2 : i32
      %mul3A_1631 = arith.muli %mul3A_1630, %scan3A_1340 : i32
      %add3A_1632 = arith.constant 1 : i32
      %add3A_1633 = arith.addi %mul3A_1631, %add3A_1632 : i32
      %get3A_1634 = arith.index_cast %add3A_1633 : i32 to index
      %get3A_1635 = arith.constant 112 : index
      %get3A_1636 = tpu.vector_load %arg7[%get3A_1634, %get3A_1635] {strides = array<i32>} : memref<200x128xf32, #tpu.memory_space<vmem>>, vector<1x16xf32>,
      %get3A_1637 = vector.shape_cast %get3A_1636 : vector<1x16xf32> to vector<16xf32>
      %swap3A_1638 = arith.constant 1 : i32
      %swap3A_1639 = arith.index_cast %swap3A_1638 : i32 to index
      %swap3A_1640 = arith.index_cast %add3A_1629 : i32 to index
      %swap3A_1641 = arith.constant 112 : index
      %swap3A_1642 = tpu.vector_load %arg8[%swap3A_1639, %swap3A_1640, %swap3A_1641] {strides = array<i32>} : memref<3x200x128xf32, #tpu.memory_space<vmem>>, vector<1x1x16xf32>,
      %swap3A_1643 = vector.shape_cast %swap3A_1642 : vector<1x1x16xf32> to vector<16xf32>
      %swap3A_1644 = vector.shape_cast %get3A_1637 : vector<16xf32> to vector<1x1x16xf32>
      tpu.vector_store %arg8[%swap3A_1639, %swap3A_1640, %swap3A_1641], %swap3A_1644 {add = true, strides = array<i32>} : memref<3x200x128xf32, #tpu.memory_space<vmem>>, vector<1x1x16xf32>,
    }
    %scan3A_696 = arith.constant 100 : i32
    %add3A_697 = arith.constant 200 : i32
    %add3A_698 = arith.addi %mul3A_6, %add3A_697 : i32
    %dma_start3A_699 = arith.constant 1 : i32
    %dma_start3A_700 = arith.constant 0 : i32
    %dma_start3A_701 = arith.constant 0 : i32
    %dma_start3A_702 = tpu.memref_slice %arg8[%dma_start3A_699, %dma_start3A_700, %dma_start3A_701] : memref<3x200x128xf32, #tpu.memory_space<vmem>> -> memref<1x200x128xf32, #tpu.memory_space<vmem>>
    %dma_start3A_703 = tpu.memref_squeeze %dma_start3A_702 : memref<1x200x128xf32, #tpu.memory_space<vmem>> -> memref<200x128xf32, #tpu.memory_space<vmem>>
    %dma_start3A_704 = arith.constant 0 : i32
    %dma_start3A_705 = tpu.memref_slice %arg5[%add3A_698, %dma_start3A_704] : memref<204800x128xf32, #tpu.memory_space<hbm>> -> memref<200x128xf32, #tpu.memory_space<hbm>>
    %dma_start3A_706 = arith.constant 0 : i32
    %dma_start3A_707 = tpu.memref_slice %arg5[%add3A_698, %dma_start3A_706] : memref<204800x128xf32, #tpu.memory_space<hbm>> -> memref<200x128xf32, #tpu.memory_space<hbm>>
    %dma_start3A_708 = arith.constant 0 : i32
    %dma_start3A_709 = arith.constant 0 : i32
    %dma_start3A_710 = tpu.memref_slice %arg8[%dma_start3A_699, %dma_start3A_708, %dma_start3A_709] : memref<3x200x128xf32, #tpu.memory_space<vmem>> -> memref<1x200x128xf32, #tpu.memory_space<vmem>>
    %dma_start3A_711 = tpu.memref_squeeze %dma_start3A_710 : memref<1x200x128xf32, #tpu.memory_space<vmem>> -> memref<200x128xf32, #tpu.memory_space<vmem>>
    tpu.enqueue_dma source(%dma_start3A_711 : memref<200x128xf32, #tpu.memory_space<vmem>>) target(%dma_start3A_707 : memref<200x128xf32, #tpu.memory_space<hbm>>) target_semaphore(%arg16 : memref<!tpu.dma_semaphore, #tpu.memory_space<semaphore_mem>>)
    %dma_wait3A_712 = arith.constant 0 : i32
    %dma_wait3A_713 = arith.constant 0 : i32
    %dma_wait3A_714 = arith.constant 0 : i32
    %dma_wait3A_715 = tpu.memref_slice %arg8[%dma_wait3A_712, %dma_wait3A_713, %dma_wait3A_714] : memref<3x200x128xf32, #tpu.memory_space<vmem>> -> memref<1x200x128xf32, #tpu.memory_space<vmem>>
    %dma_wait3A_716 = tpu.memref_squeeze %dma_wait3A_715 : memref<1x200x128xf32, #tpu.memory_space<vmem>> -> memref<200x128xf32, #tpu.memory_space<vmem>>
    %dma_wait3A_717 = arith.constant 0 : i32
    %dma_wait3A_718 = arith.constant 0 : i32
    %dma_wait3A_719 = tpu.memref_slice %arg5[%dma_wait3A_717, %dma_wait3A_718] : memref<204800x128xf32, #tpu.memory_space<hbm>> -> memref<200x128xf32, #tpu.memory_space<hbm>>
    %dma_wait3A_720 = arith.constant 0 : i32
    %dma_wait3A_721 = arith.constant 0 : i32
    %dma_wait3A_722 = tpu.memref_slice %arg5[%dma_wait3A_720, %dma_wait3A_721] : memref<204800x128xf32, #tpu.memory_space<hbm>> -> memref<200x128xf32, #tpu.memory_space<hbm>>
    %dma_wait3A_723 = arith.constant 0 : i32
    %dma_wait3A_724 = arith.constant 0 : i32
    %dma_wait3A_725 = tpu.memref_slice %arg8[%dma_wait3A_712, %dma_wait3A_723, %dma_wait3A_724] : memref<3x200x128xf32, #tpu.memory_space<vmem>> -> memref<1x200x128xf32, #tpu.memory_space<vmem>>
    %dma_wait3A_726 = tpu.memref_squeeze %dma_wait3A_725 : memref<1x200x128xf32, #tpu.memory_space<vmem>> -> memref<200x128xf32, #tpu.memory_space<vmem>>
    tpu.wait_dma2 semaphore(%arg15 : memref<!tpu.dma_semaphore, #tpu.memory_space<semaphore_mem>>) src(%dma_wait3A_726 : memref<200x128xf32, #tpu.memory_space<vmem>>) dst(%dma_wait3A_722 : memref<200x128xf32, #tpu.memory_space<hbm>>)
    %get3A_727 = arith.constant 3 : i32
    %get3A_728 = arith.index_cast %get3A_727 : i32 to index
    %get3A_729 = arith.constant 0 : index
    %get3A_730 = tpu.vector_load %arg6[%get3A_728, %get3A_729] {strides = array<i32>} : memref<32x200xi32, #tpu.memory_space<vmem>>, vector<1x16xi32>,
    %get3A_731 = vector.shape_cast %get3A_730 : vector<1x16xi32> to vector<16xi32>
    %add3A_732 = vector.broadcast %mul3A_8 : i32 to vector<16xi32>
    %add3A_733 = arith.addi %get3A_731, %add3A_732 : vector<16xi32>
    %swap3A_734 = arith.constant 0 : i32
    %swap3A_735 = arith.index_cast %swap3A_734 : i32 to index
    %swap3A_736 = arith.constant 0 : index
    %swap3A_737 = tpu.vector_load %arg9[%swap3A_735, %swap3A_736] {strides = array<i32>} : memref<3x100xi32, #tpu.memory_space<vmem>>, vector<1x16xi32>,
    %swap3A_738 = vector.shape_cast %swap3A_737 : vector<1x16xi32> to vector<16xi32>
    %swap3A_739 = vector.shape_cast %add3A_733 : vector<16xi32> to vector<1x16xi32>
    tpu.vector_store %arg9[%swap3A_735, %swap3A_736], %swap3A_739 {strides = array<i32>} : memref<3x100xi32, #tpu.memory_space<vmem>>, vector<1x16xi32>,
    %get3A_740 = arith.constant 3 : i32
    %get3A_741 = arith.index_cast %get3A_740 : i32 to index
    %get3A_742 = arith.constant 16 : index
    %get3A_743 = tpu.vector_load %arg6[%get3A_741, %get3A_742] {strides = array<i32>} : memref<32x200xi32, #tpu.memory_space<vmem>>, vector<1x16xi32>,
    %get3A_744 = vector.shape_cast %get3A_743 : vector<1x16xi32> to vector<16xi32>
    %add3A_745 = vector.broadcast %mul3A_8 : i32 to vector<16xi32>
    %add3A_746 = arith.addi %get3A_744, %add3A_745 : vector<16xi32>
    %swap3A_747 = arith.constant 0 : i32
    %swap3A_748 = arith.index_cast %swap3A_747 : i32 to index
    %swap3A_749 = arith.constant 16 : index
    %swap3A_750 = tpu.vector_load %arg9[%swap3A_748, %swap3A_749] {strides = array<i32>} : memref<3x100xi32, #tpu.memory_space<vmem>>, vector<1x16xi32>,
    %swap3A_751 = vector.shape_cast %swap3A_750 : vector<1x16xi32> to vector<16xi32>
    %swap3A_752 = vector.shape_cast %add3A_746 : vector<16xi32> to vector<1x16xi32>
    tpu.vector_store %arg9[%swap3A_748, %swap3A_749], %swap3A_752 {strides = array<i32>} : memref<3x100xi32, #tpu.memory_space<vmem>>, vector<1x16xi32>,
    %get3A_753 = arith.constant 3 : i32
    %get3A_754 = arith.index_cast %get3A_753 : i32 to index
    %get3A_755 = arith.constant 32 : index
    %get3A_756 = tpu.vector_load %arg6[%get3A_754, %get3A_755] {strides = array<i32>} : memref<32x200xi32, #tpu.memory_space<vmem>>, vector<1x16xi32>,
    %get3A_757 = vector.shape_cast %get3A_756 : vector<1x16xi32> to vector<16xi32>
    %add3A_758 = vector.broadcast %mul3A_8 : i32 to vector<16xi32>
    %add3A_759 = arith.addi %get3A_757, %add3A_758 : vector<16xi32>
    %swap3A_760 = arith.constant 0 : i32
    %swap3A_761 = arith.index_cast %swap3A_760 : i32 to index
    %swap3A_762 = arith.constant 32 : index
    %swap3A_763 = tpu.vector_load %arg9[%swap3A_761, %swap3A_762] {strides = array<i32>} : memref<3x100xi32, #tpu.memory_space<vmem>>, vector<1x16xi32>,
    %swap3A_764 = vector.shape_cast %swap3A_763 : vector<1x16xi32> to vector<16xi32>
    %swap3A_765 = vector.shape_cast %add3A_759 : vector<16xi32> to vector<1x16xi32>
    tpu.vector_store %arg9[%swap3A_761, %swap3A_762], %swap3A_765 {strides = array<i32>} : memref<3x100xi32, #tpu.memory_space<vmem>>, vector<1x16xi32>,
    %get3A_766 = arith.constant 3 : i32
    %get3A_767 = arith.index_cast %get3A_766 : i32 to index
    %get3A_768 = arith.constant 48 : index
    %get3A_769 = tpu.vector_load %arg6[%get3A_767, %get3A_768] {strides = array<i32>} : memref<32x200xi32, #tpu.memory_space<vmem>>, vector<1x16xi32>,
    %get3A_770 = vector.shape_cast %get3A_769 : vector<1x16xi32> to vector<16xi32>
    %add3A_771 = vector.broadcast %mul3A_8 : i32 to vector<16xi32>
    %add3A_772 = arith.addi %get3A_770, %add3A_771 : vector<16xi32>
    %swap3A_773 = arith.constant 0 : i32
    %swap3A_774 = arith.index_cast %swap3A_773 : i32 to index
    %swap3A_775 = arith.constant 48 : index
    %swap3A_776 = tpu.vector_load %arg9[%swap3A_774, %swap3A_775] {strides = array<i32>} : memref<3x100xi32, #tpu.memory_space<vmem>>, vector<1x16xi32>,
    %swap3A_777 = vector.shape_cast %swap3A_776 : vector<1x16xi32> to vector<16xi32>
    %swap3A_778 = vector.shape_cast %add3A_772 : vector<16xi32> to vector<1x16xi32>
    tpu.vector_store %arg9[%swap3A_774, %swap3A_775], %swap3A_778 {strides = array<i32>} : memref<3x100xi32, #tpu.memory_space<vmem>>, vector<1x16xi32>,
    %get3A_779 = arith.constant 3 : i32
    %get3A_780 = arith.index_cast %get3A_779 : i32 to index
    %get3A_781 = arith.constant 64 : index
    %get3A_782 = tpu.vector_load %arg6[%get3A_780, %get3A_781] {strides = array<i32>} : memref<32x200xi32, #tpu.memory_space<vmem>>, vector<1x16xi32>,
    %get3A_783 = vector.shape_cast %get3A_782 : vector<1x16xi32> to vector<16xi32>
    %add3A_784 = vector.broadcast %mul3A_8 : i32 to vector<16xi32>
    %add3A_785 = arith.addi %get3A_783, %add3A_784 : vector<16xi32>
    %swap3A_786 = arith.constant 0 : i32
    %swap3A_787 = arith.index_cast %swap3A_786 : i32 to index
    %swap3A_788 = arith.constant 64 : index
    %swap3A_789 = tpu.vector_load %arg9[%swap3A_787, %swap3A_788] {strides = array<i32>} : memref<3x100xi32, #tpu.memory_space<vmem>>, vector<1x16xi32>,
    %swap3A_790 = vector.shape_cast %swap3A_789 : vector<1x16xi32> to vector<16xi32>
    %swap3A_791 = vector.shape_cast %add3A_785 : vector<16xi32> to vector<1x16xi32>
    tpu.vector_store %arg9[%swap3A_787, %swap3A_788], %swap3A_791 {strides = array<i32>} : memref<3x100xi32, #tpu.memory_space<vmem>>, vector<1x16xi32>,
    %get3A_792 = arith.constant 3 : i32
    %get3A_793 = arith.index_cast %get3A_792 : i32 to index
    %get3A_794 = arith.constant 80 : index
    %get3A_795 = tpu.vector_load %arg6[%get3A_793, %get3A_794] {strides = array<i32>} : memref<32x200xi32, #tpu.memory_space<vmem>>, vector<1x16xi32>,
    %get3A_796 = vector.shape_cast %get3A_795 : vector<1x16xi32> to vector<16xi32>
    %add3A_797 = vector.broadcast %mul3A_8 : i32 to vector<16xi32>
    %add3A_798 = arith.addi %get3A_796, %add3A_797 : vector<16xi32>
    %swap3A_799 = arith.constant 0 : i32
    %swap3A_800 = arith.index_cast %swap3A_799 : i32 to index
    %swap3A_801 = arith.constant 80 : index
    %swap3A_802 = tpu.vector_load %arg9[%swap3A_800, %swap3A_801] {strides = array<i32>} : memref<3x100xi32, #tpu.memory_space<vmem>>, vector<1x16xi32>,
    %swap3A_803 = vector.shape_cast %swap3A_802 : vector<1x16xi32> to vector<16xi32>
    %swap3A_804 = vector.shape_cast %add3A_798 : vector<16xi32> to vector<1x16xi32>
    tpu.vector_store %arg9[%swap3A_800, %swap3A_801], %swap3A_804 {strides = array<i32>} : memref<3x100xi32, #tpu.memory_space<vmem>>, vector<1x16xi32>,
    %get3A_805 = arith.constant 3 : i32
    %get3A_806 = arith.index_cast %get3A_805 : i32 to index
    %get3A_807 = arith.constant 84 : index
    %get3A_808 = tpu.vector_load %arg6[%get3A_806, %get3A_807] {strides = array<i32>} : memref<32x200xi32, #tpu.memory_space<vmem>>, vector<1x16xi32>,
    %get3A_809 = vector.shape_cast %get3A_808 : vector<1x16xi32> to vector<16xi32>
    %add3A_810 = vector.broadcast %mul3A_8 : i32 to vector<16xi32>
    %add3A_811 = arith.addi %get3A_809, %add3A_810 : vector<16xi32>
    %swap3A_812 = arith.constant 0 : i32
    %swap3A_813 = arith.index_cast %swap3A_812 : i32 to index
    %swap3A_814 = arith.constant 84 : index
    %swap3A_815 = tpu.vector_load %arg9[%swap3A_813, %swap3A_814] {strides = array<i32>} : memref<3x100xi32, #tpu.memory_space<vmem>>, vector<1x16xi32>,
    %swap3A_816 = vector.shape_cast %swap3A_815 : vector<1x16xi32> to vector<16xi32>
    %swap3A_817 = vector.shape_cast %add3A_811 : vector<16xi32> to vector<1x16xi32>
    tpu.vector_store %arg9[%swap3A_813, %swap3A_814], %swap3A_817 {strides = array<i32>} : memref<3x100xi32, #tpu.memory_space<vmem>>, vector<1x16xi32>,
    %get3A_818 = arith.constant 3 : i32
    %get3A_819 = arith.index_cast %get3A_818 : i32 to index
    %get3A_820 = arith.constant 100 : index
    %get3A_821 = tpu.vector_load %arg6[%get3A_819, %get3A_820] {strides = array<i32>} : memref<32x200xi32, #tpu.memory_space<vmem>>, vector<1x16xi32>,
    %get3A_822 = vector.shape_cast %get3A_821 : vector<1x16xi32> to vector<16xi32>
    %add3A_823 = vector.broadcast %mul3A_8 : i32 to vector<16xi32>
    %add3A_824 = arith.addi %get3A_822, %add3A_823 : vector<16xi32>
    %swap3A_825 = arith.constant 0 : i32
    %swap3A_826 = arith.index_cast %swap3A_825 : i32 to index
    %swap3A_827 = arith.constant 0 : index
    %swap3A_828 = tpu.vector_load %arg10[%swap3A_826, %swap3A_827] {strides = array<i32>} : memref<3x100xi32, #tpu.memory_space<vmem>>, vector<1x16xi32>,
    %swap3A_829 = vector.shape_cast %swap3A_828 : vector<1x16xi32> to vector<16xi32>
    %swap3A_830 = vector.shape_cast %add3A_824 : vector<16xi32> to vector<1x16xi32>
    tpu.vector_store %arg10[%swap3A_826, %swap3A_827], %swap3A_830 {strides = array<i32>} : memref<3x100xi32, #tpu.memory_space<vmem>>, vector<1x16xi32>,
    %get3A_831 = arith.constant 3 : i32
    %get3A_832 = arith.index_cast %get3A_831 : i32 to index
    %get3A_833 = arith.constant 116 : index
    %get3A_834 = tpu.vector_load %arg6[%get3A_832, %get3A_833] {strides = array<i32>} : memref<32x200xi32, #tpu.memory_space<vmem>>, vector<1x16xi32>,
    %get3A_835 = vector.shape_cast %get3A_834 : vector<1x16xi32> to vector<16xi32>
    %add3A_836 = vector.broadcast %mul3A_8 : i32 to vector<16xi32>
    %add3A_837 = arith.addi %get3A_835, %add3A_836 : vector<16xi32>
    %swap3A_838 = arith.constant 0 : i32
    %swap3A_839 = arith.index_cast %swap3A_838 : i32 to index
    %swap3A_840 = arith.constant 16 : index
    %swap3A_841 = tpu.vector_load %arg10[%swap3A_839, %swap3A_840] {strides = array<i32>} : memref<3x100xi32, #tpu.memory_space<vmem>>, vector<1x16xi32>,
    %swap3A_842 = vector.shape_cast %swap3A_841 : vector<1x16xi32> to vector<16xi32>
    %swap3A_843 = vector.shape_cast %add3A_837 : vector<16xi32> to vector<1x16xi32>
    tpu.vector_store %arg10[%swap3A_839, %swap3A_840], %swap3A_843 {strides = array<i32>} : memref<3x100xi32, #tpu.memory_space<vmem>>, vector<1x16xi32>,
    %get3A_844 = arith.constant 3 : i32
    %get3A_845 = arith.index_cast %get3A_844 : i32 to index
    %get3A_846 = arith.constant 132 : index
    %get3A_847 = tpu.vector_load %arg6[%get3A_845, %get3A_846] {strides = array<i32>} : memref<32x200xi32, #tpu.memory_space<vmem>>, vector<1x16xi32>,
    %get3A_848 = vector.shape_cast %get3A_847 : vector<1x16xi32> to vector<16xi32>
    %add3A_849 = vector.broadcast %mul3A_8 : i32 to vector<16xi32>
    %add3A_850 = arith.addi %get3A_848, %add3A_849 : vector<16xi32>
    %swap3A_851 = arith.constant 0 : i32
    %swap3A_852 = arith.index_cast %swap3A_851 : i32 to index
    %swap3A_853 = arith.constant 32 : index
    %swap3A_854 = tpu.vector_load %arg10[%swap3A_852, %swap3A_853] {strides = array<i32>} : memref<3x100xi32, #tpu.memory_space<vmem>>, vector<1x16xi32>,
    %swap3A_855 = vector.shape_cast %swap3A_854 : vector<1x16xi32> to vector<16xi32>
    %swap3A_856 = vector.shape_cast %add3A_850 : vector<16xi32> to vector<1x16xi32>
    tpu.vector_store %arg10[%swap3A_852, %swap3A_853], %swap3A_856 {strides = array<i32>} : memref<3x100xi32, #tpu.memory_space<vmem>>, vector<1x16xi32>,
    %get3A_857 = arith.constant 3 : i32
    %get3A_858 = arith.index_cast %get3A_857 : i32 to index
    %get3A_859 = arith.constant 148 : index
    %get3A_860 = tpu.vector_load %arg6[%get3A_858, %get3A_859] {strides = array<i32>} : memref<32x200xi32, #tpu.memory_space<vmem>>, vector<1x16xi32>,
    %get3A_861 = vector.shape_cast %get3A_860 : vector<1x16xi32> to vector<16xi32>
    %add3A_862 = vector.broadcast %mul3A_8 : i32 to vector<16xi32>
    %add3A_863 = arith.addi %get3A_861, %add3A_862 : vector<16xi32>
    %swap3A_864 = arith.constant 0 : i32
    %swap3A_865 = arith.index_cast %swap3A_864 : i32 to index
    %swap3A_866 = arith.constant 48 : index
    %swap3A_867 = tpu.vector_load %arg10[%swap3A_865, %swap3A_866] {strides = array<i32>} : memref<3x100xi32, #tpu.memory_space<vmem>>, vector<1x16xi32>,
    %swap3A_868 = vector.shape_cast %swap3A_867 : vector<1x16xi32> to vector<16xi32>
    %swap3A_869 = vector.shape_cast %add3A_863 : vector<16xi32> to vector<1x16xi32>
    tpu.vector_store %arg10[%swap3A_865, %swap3A_866], %swap3A_869 {strides = array<i32>} : memref<3x100xi32, #tpu.memory_space<vmem>>, vector<1x16xi32>,
    %get3A_870 = arith.constant 3 : i32
    %get3A_871 = arith.index_cast %get3A_870 : i32 to index
    %get3A_872 = arith.constant 164 : index
    %get3A_873 = tpu.vector_load %arg6[%get3A_871, %get3A_872] {strides = array<i32>} : memref<32x200xi32, #tpu.memory_space<vmem>>, vector<1x16xi32>,
    %get3A_874 = vector.shape_cast %get3A_873 : vector<1x16xi32> to vector<16xi32>
    %add3A_875 = vector.broadcast %mul3A_8 : i32 to vector<16xi32>
    %add3A_876 = arith.addi %get3A_874, %add3A_875 : vector<16xi32>
    %swap3A_877 = arith.constant 0 : i32
    %swap3A_878 = arith.index_cast %swap3A_877 : i32 to index
    %swap3A_879 = arith.constant 64 : index
    %swap3A_880 = tpu.vector_load %arg10[%swap3A_878, %swap3A_879] {strides = array<i32>} : memref<3x100xi32, #tpu.memory_space<vmem>>, vector<1x16xi32>,
    %swap3A_881 = vector.shape_cast %swap3A_880 : vector<1x16xi32> to vector<16xi32>
    %swap3A_882 = vector.shape_cast %add3A_876 : vector<16xi32> to vector<1x16xi32>
    tpu.vector_store %arg10[%swap3A_878, %swap3A_879], %swap3A_882 {strides = array<i32>} : memref<3x100xi32, #tpu.memory_space<vmem>>, vector<1x16xi32>,
    %get3A_883 = arith.constant 3 : i32
    %get3A_884 = arith.index_cast %get3A_883 : i32 to index
    %get3A_885 = arith.constant 180 : index
    %get3A_886 = tpu.vector_load %arg6[%get3A_884, %get3A_885] {strides = array<i32>} : memref<32x200xi32, #tpu.memory_space<vmem>>, vector<1x16xi32>,
    %get3A_887 = vector.shape_cast %get3A_886 : vector<1x16xi32> to vector<16xi32>
    %add3A_888 = vector.broadcast %mul3A_8 : i32 to vector<16xi32>
    %add3A_889 = arith.addi %get3A_887, %add3A_888 : vector<16xi32>
    %swap3A_890 = arith.constant 0 : i32
    %swap3A_891 = arith.index_cast %swap3A_890 : i32 to index
    %swap3A_892 = arith.constant 80 : index
    %swap3A_893 = tpu.vector_load %arg10[%swap3A_891, %swap3A_892] {strides = array<i32>} : memref<3x100xi32, #tpu.memory_space<vmem>>, vector<1x16xi32>,
    %swap3A_894 = vector.shape_cast %swap3A_893 : vector<1x16xi32> to vector<16xi32>
    %swap3A_895 = vector.shape_cast %add3A_889 : vector<16xi32> to vector<1x16xi32>
    tpu.vector_store %arg10[%swap3A_891, %swap3A_892], %swap3A_895 {strides = array<i32>} : memref<3x100xi32, #tpu.memory_space<vmem>>, vector<1x16xi32>,
    %get3A_896 = arith.constant 3 : i32
    %get3A_897 = arith.index_cast %get3A_896 : i32 to index
    %get3A_898 = arith.constant 184 : index
    %get3A_899 = tpu.vector_load %arg6[%get3A_897, %get3A_898] {strides = array<i32>} : memref<32x200xi32, #tpu.memory_space<vmem>>, vector<1x16xi32>,
    %get3A_900 = vector.shape_cast %get3A_899 : vector<1x16xi32> to vector<16xi32>
    %add3A_901 = vector.broadcast %mul3A_8 : i32 to vector<16xi32>
    %add3A_902 = arith.addi %get3A_900, %add3A_901 : vector<16xi32>
    %swap3A_903 = arith.constant 0 : i32
    %swap3A_904 = arith.index_cast %swap3A_903 : i32 to index
    %swap3A_905 = arith.constant 84 : index
    %swap3A_906 = tpu.vector_load %arg10[%swap3A_904, %swap3A_905] {strides = array<i32>} : memref<3x100xi32, #tpu.memory_space<vmem>>, vector<1x16xi32>,
    %swap3A_907 = vector.shape_cast %swap3A_906 : vector<1x16xi32> to vector<16xi32>
    %swap3A_908 = vector.shape_cast %add3A_902 : vector<16xi32> to vector<1x16xi32>
    tpu.vector_store %arg10[%swap3A_904, %swap3A_905], %swap3A_908 {strides = array<i32>} : memref<3x100xi32, #tpu.memory_space<vmem>>, vector<1x16xi32>,
    %dma_start3A_909 = arith.constant 0 : i32
    %dma_start3A_910 = arith.constant 0 : i32
    %dma_start3A_911 = arith.constant 0 : i32
    %dma_start3A_912 = arith.constant 0 : i32
    %dma_start3A_913 = tpu.memref_slice %arg8[%dma_start3A_910, %dma_start3A_911, %dma_start3A_912] : memref<3x200x128xf32, #tpu.memory_space<vmem>> -> memref<1x100x128xf32, #tpu.memory_space<vmem>>
    %dma_start3A_914 = tpu.memref_squeeze %dma_start3A_913 : memref<1x100x128xf32, #tpu.memory_space<vmem>> -> memref<100x128xf32, #tpu.memory_space<vmem>>
    %dma_start3A_915 = arith.constant 0 : i32
    %dma_start3A_916 = tpu.memref_slice %arg9[%dma_start3A_909, %dma_start3A_915] : memref<3x100xi32, #tpu.memory_space<vmem>> -> memref<1x100xi32, #tpu.memory_space<vmem>>
    %dma_start3A_917 = tpu.memref_squeeze %dma_start3A_916 : memref<1x100xi32, #tpu.memory_space<vmem>> -> memref<100xi32, #tpu.memory_space<vmem>>
    %dma_start3A_918 = arith.constant 0 : i32
    %dma_start3A_919 = arith.constant 0 : i32
    %dma_start3A_920 = tpu.memref_slice %arg11[%dma_start3A_918, %dma_start3A_919] : memref<2048x128xf32, #tpu.memory_space<vmem_shared>> -> memref<2048x128xf32, #tpu.memory_space<vmem_shared>>
    tpu.enqueue_indirect_dma source(%dma_start3A_920 : memref<2048x128xf32, #tpu.memory_space<vmem_shared>>) target(%dma_start3A_914 : memref<100x128xf32, #tpu.memory_space<vmem>>) offsets(%dma_start3A_917 : memref<100xi32, #tpu.memory_space<vmem>>) semaphore(%arg12 : memref<!tpu.dma_semaphore, #tpu.memory_space<semaphore_mem>>)
    %dma_start3A_921 = arith.constant 0 : i32
    %dma_start3A_922 = arith.constant 0 : i32
    %dma_start3A_923 = arith.constant 100 : i32
    %dma_start3A_924 = arith.constant 0 : i32
    %dma_start3A_925 = tpu.memref_slice %arg8[%dma_start3A_922, %dma_start3A_923, %dma_start3A_924] : memref<3x200x128xf32, #tpu.memory_space<vmem>> -> memref<1x100x128xf32, #tpu.memory_space<vmem>>
    %dma_start3A_926 = tpu.memref_squeeze %dma_start3A_925 : memref<1x100x128xf32, #tpu.memory_space<vmem>> -> memref<100x128xf32, #tpu.memory_space<vmem>>
    %dma_start3A_927 = arith.constant 0 : i32
    %dma_start3A_928 = tpu.memref_slice %arg10[%dma_start3A_921, %dma_start3A_927] : memref<3x100xi32, #tpu.memory_space<vmem>> -> memref<1x100xi32, #tpu.memory_space<vmem>>
    %dma_start3A_929 = tpu.memref_squeeze %dma_start3A_928 : memref<1x100xi32, #tpu.memory_space<vmem>> -> memref<100xi32, #tpu.memory_space<vmem>>
    %dma_start3A_930 = arith.constant 0 : i32
    %dma_start3A_931 = arith.constant 0 : i32
    %dma_start3A_932 = tpu.memref_slice %arg11[%dma_start3A_930, %dma_start3A_931] : memref<2048x128xf32, #tpu.memory_space<vmem_shared>> -> memref<2048x128xf32, #tpu.memory_space<vmem_shared>>
    tpu.enqueue_indirect_dma source(%dma_start3A_932 : memref<2048x128xf32, #tpu.memory_space<vmem_shared>>) target(%dma_start3A_926 : memref<100x128xf32, #tpu.memory_space<vmem>>) offsets(%dma_start3A_929 : memref<100xi32, #tpu.memory_space<vmem>>) semaphore(%arg12 : memref<!tpu.dma_semaphore, #tpu.memory_space<semaphore_mem>>)
    %dma_wait3A_933 = arith.constant 2 : i32
    %dma_wait3A_934 = arith.constant 2 : i32
    %dma_wait3A_935 = arith.constant 0 : i32
    %dma_wait3A_936 = arith.constant 0 : i32
    %dma_wait3A_937 = tpu.memref_slice %arg8[%dma_wait3A_934, %dma_wait3A_935, %dma_wait3A_936] : memref<3x200x128xf32, #tpu.memory_space<vmem>> -> memref<1x100x128xf32, #tpu.memory_space<vmem>>
    %dma_wait3A_938 = tpu.memref_squeeze %dma_wait3A_937 : memref<1x100x128xf32, #tpu.memory_space<vmem>> -> memref<100x128xf32, #tpu.memory_space<vmem>>
    %dma_wait3A_939 = arith.constant 0 : i32
    %dma_wait3A_940 = tpu.memref_slice %arg9[%dma_wait3A_933, %dma_wait3A_939] : memref<3x100xi32, #tpu.memory_space<vmem>> -> memref<1x100xi32, #tpu.memory_space<vmem>>
    %dma_wait3A_941 = tpu.memref_squeeze %dma_wait3A_940 : memref<1x100xi32, #tpu.memory_space<vmem>> -> memref<100xi32, #tpu.memory_space<vmem>>
    %dma_wait3A_942 = arith.constant 0 : i32
    %dma_wait3A_943 = arith.constant 0 : i32
    %dma_wait3A_944 = tpu.memref_slice %arg11[%dma_wait3A_942, %dma_wait3A_943] : memref<2048x128xf32, #tpu.memory_space<vmem_shared>> -> memref<2048x128xf32, #tpu.memory_space<vmem_shared>>
    tpu.wait_indirect_dma semaphore(%arg14 : memref<!tpu.dma_semaphore, #tpu.memory_space<semaphore_mem>>) src(%dma_wait3A_944 : memref<2048x128xf32, #tpu.memory_space<vmem_shared>>) dst(%dma_wait3A_938 : memref<100x128xf32, #tpu.memory_space<vmem>>)
    %dma_wait3A_945 = arith.constant 2 : i32
    %dma_wait3A_946 = arith.constant 2 : i32
    %dma_wait3A_947 = arith.constant 100 : i32
    %dma_wait3A_948 = arith.constant 0 : i32
    %dma_wait3A_949 = tpu.memref_slice %arg8[%dma_wait3A_946, %dma_wait3A_947, %dma_wait3A_948] : memref<3x200x128xf32, #tpu.memory_space<vmem>> -> memref<1x100x128xf32, #tpu.memory_space<vmem>>
    %dma_wait3A_950 = tpu.memref_squeeze %dma_wait3A_949 : memref<1x100x128xf32, #tpu.memory_space<vmem>> -> memref<100x128xf32, #tpu.memory_space<vmem>>
    %dma_wait3A_951 = arith.constant 0 : i32
    %dma_wait3A_952 = tpu.memref_slice %arg10[%dma_wait3A_945, %dma_wait3A_951] : memref<3x100xi32, #tpu.memory_space<vmem>> -> memref<1x100xi32, #tpu.memory_space<vmem>>
    %dma_wait3A_953 = tpu.memref_squeeze %dma_wait3A_952 : memref<1x100xi32, #tpu.memory_space<vmem>> -> memref<100xi32, #tpu.memory_space<vmem>>
    %dma_wait3A_954 = arith.constant 0 : i32
    %dma_wait3A_955 = arith.constant 0 : i32
    %dma_wait3A_956 = tpu.memref_slice %arg11[%dma_wait3A_954, %dma_wait3A_955] : memref<2048x128xf32, #tpu.memory_space<vmem_shared>> -> memref<2048x128xf32, #tpu.memory_space<vmem_shared>>
    tpu.wait_indirect_dma semaphore(%arg14 : memref<!tpu.dma_semaphore, #tpu.memory_space<semaphore_mem>>) src(%dma_wait3A_956 : memref<2048x128xf32, #tpu.memory_space<vmem_shared>>) dst(%dma_wait3A_950 : memref<100x128xf32, #tpu.memory_space<vmem>>)
    %scan3A_957 = arith.constant 0 : i32
    %scan3A_958 = arith.constant 0 : i32
    %scan3A_959 = arith.constant 100 : i32
    %scan3A_960 = arith.addi %scan3A_958, %scan3A_959 : i32
    %scan3A_961 = arith.constant 1 : i32
    scf.for %scan3A_1340 = %scan3A_958 to %scan3A_960 step %scan3A_961  : i32 {
      %mul3A_1341 = arith.constant 2 : i32
      %mul3A_1342 = arith.muli %mul3A_1341, %scan3A_1340 : i32
      %add3A_1343 = arith.constant 0 : i32
      %add3A_1344 = arith.addi %mul3A_1342, %add3A_1343 : i32
      %mul3A_1345 = arith.constant 2 : i32
      %mul3A_1346 = arith.muli %mul3A_1345, %scan3A_1340 : i32
      %add3A_1347 = arith.constant 0 : i32
      %add3A_1348 = arith.addi %mul3A_1346, %add3A_1347 : i32
      %get3A_1349 = arith.index_cast %add3A_1348 : i32 to index
      %get3A_1350 = arith.constant 0 : index
      %get3A_1351 = tpu.vector_load %arg7[%get3A_1349, %get3A_1350] {strides = array<i32>} : memref<200x128xf32, #tpu.memory_space<vmem>>, vector<1x16xf32>,
      %get3A_1352 = vector.shape_cast %get3A_1351 : vector<1x16xf32> to vector<16xf32>
      %swap3A_1353 = arith.constant 2 : i32
      %swap3A_1354 = arith.index_cast %swap3A_1353 : i32 to index
      %swap3A_1355 = arith.index_cast %add3A_1344 : i32 to index
      %swap3A_1356 = arith.constant 0 : index
      %swap3A_1357 = tpu.vector_load %arg8[%swap3A_1354, %swap3A_1355, %swap3A_1356] {strides = array<i32>} : memref<3x200x128xf32, #tpu.memory_space<vmem>>, vector<1x1x16xf32>,
      %swap3A_1358 = vector.shape_cast %swap3A_1357 : vector<1x1x16xf32> to vector<16xf32>
      %swap3A_1359 = vector.shape_cast %get3A_1352 : vector<16xf32> to vector<1x1x16xf32>
      tpu.vector_store %arg8[%swap3A_1354, %swap3A_1355, %swap3A_1356], %swap3A_1359 {add = true, strides = array<i32>} : memref<3x200x128xf32, #tpu.memory_space<vmem>>, vector<1x1x16xf32>,
      %mul3A_1360 = arith.constant 2 : i32
      %mul3A_1361 = arith.muli %mul3A_1360, %scan3A_1340 : i32
      %add3A_1362 = arith.constant 0 : i32
      %add3A_1363 = arith.addi %mul3A_1361, %add3A_1362 : i32
      %mul3A_1364 = arith.constant 2 : i32
      %mul3A_1365 = arith.muli %mul3A_1364, %scan3A_1340 : i32
      %add3A_1366 = arith.constant 0 : i32
      %add3A_1367 = arith.addi %mul3A_1365, %add3A_1366 : i32
      %get3A_1368 = arith.index_cast %add3A_1367 : i32 to index
      %get3A_1369 = arith.constant 16 : index
      %get3A_1370 = tpu.vector_load %arg7[%get3A_1368, %get3A_1369] {strides = array<i32>} : memref<200x128xf32, #tpu.memory_space<vmem>>, vector<1x16xf32>,
      %get3A_1371 = vector.shape_cast %get3A_1370 : vector<1x16xf32> to vector<16xf32>
      %swap3A_1372 = arith.constant 2 : i32
      %swap3A_1373 = arith.index_cast %swap3A_1372 : i32 to index
      %swap3A_1374 = arith.index_cast %add3A_1363 : i32 to index
      %swap3A_1375 = arith.constant 16 : index
      %swap3A_1376 = tpu.vector_load %arg8[%swap3A_1373, %swap3A_1374, %swap3A_1375] {strides = array<i32>} : memref<3x200x128xf32, #tpu.memory_space<vmem>>, vector<1x1x16xf32>,
      %swap3A_1377 = vector.shape_cast %swap3A_1376 : vector<1x1x16xf32> to vector<16xf32>
      %swap3A_1378 = vector.shape_cast %get3A_1371 : vector<16xf32> to vector<1x1x16xf32>
      tpu.vector_store %arg8[%swap3A_1373, %swap3A_1374, %swap3A_1375], %swap3A_1378 {add = true, strides = array<i32>} : memref<3x200x128xf32, #tpu.memory_space<vmem>>, vector<1x1x16xf32>,
      %mul3A_1379 = arith.constant 2 : i32
      %mul3A_1380 = arith.muli %mul3A_1379, %scan3A_1340 : i32
      %add3A_1381 = arith.constant 0 : i32
      %add3A_1382 = arith.addi %mul3A_1380, %add3A_1381 : i32
      %mul3A_1383 = arith.constant 2 : i32
      %mul3A_1384 = arith.muli %mul3A_1383, %scan3A_1340 : i32
      %add3A_1385 = arith.constant 0 : i32
      %add3A_1386 = arith.addi %mul3A_1384, %add3A_1385 : i32
      %get3A_1387 = arith.index_cast %add3A_1386 : i32 to index
      %get3A_1388 = arith.constant 32 : index
      %get3A_1389 = tpu.vector_load %arg7[%get3A_1387, %get3A_1388] {strides = array<i32>} : memref<200x128xf32, #tpu.memory_space<vmem>>, vector<1x16xf32>,
      %get3A_1390 = vector.shape_cast %get3A_1389 : vector<1x16xf32> to vector<16xf32>
      %swap3A_1391 = arith.constant 2 : i32
      %swap3A_1392 = arith.index_cast %swap3A_1391 : i32 to index
      %swap3A_1393 = arith.index_cast %add3A_1382 : i32 to index
      %swap3A_1394 = arith.constant 32 : index
      %swap3A_1395 = tpu.vector_load %arg8[%swap3A_1392, %swap3A_1393, %swap3A_1394] {strides = array<i32>} : memref<3x200x128xf32, #tpu.memory_space<vmem>>, vector<1x1x16xf32>,
      %swap3A_1396 = vector.shape_cast %swap3A_1395 : vector<1x1x16xf32> to vector<16xf32>
      %swap3A_1397 = vector.shape_cast %get3A_1390 : vector<16xf32> to vector<1x1x16xf32>
      tpu.vector_store %arg8[%swap3A_1392, %swap3A_1393, %swap3A_1394], %swap3A_1397 {add = true, strides = array<i32>} : memref<3x200x128xf32, #tpu.memory_space<vmem>>, vector<1x1x16xf32>,
      %mul3A_1398 = arith.constant 2 : i32
      %mul3A_1399 = arith.muli %mul3A_1398, %scan3A_1340 : i32
      %add3A_1400 = arith.constant 0 : i32
      %add3A_1401 = arith.addi %mul3A_1399, %add3A_1400 : i32
      %mul3A_1402 = arith.constant 2 : i32
      %mul3A_1403 = arith.muli %mul3A_1402, %scan3A_1340 : i32
      %add3A_1404 = arith.constant 0 : i32
      %add3A_1405 = arith.addi %mul3A_1403, %add3A_1404 : i32
      %get3A_1406 = arith.index_cast %add3A_1405 : i32 to index
      %get3A_1407 = arith.constant 48 : index
      %get3A_1408 = tpu.vector_load %arg7[%get3A_1406, %get3A_1407] {strides = array<i32>} : memref<200x128xf32, #tpu.memory_space<vmem>>, vector<1x16xf32>,
      %get3A_1409 = vector.shape_cast %get3A_1408 : vector<1x16xf32> to vector<16xf32>
      %swap3A_1410 = arith.constant 2 : i32
      %swap3A_1411 = arith.index_cast %swap3A_1410 : i32 to index
      %swap3A_1412 = arith.index_cast %add3A_1401 : i32 to index
      %swap3A_1413 = arith.constant 48 : index
      %swap3A_1414 = tpu.vector_load %arg8[%swap3A_1411, %swap3A_1412, %swap3A_1413] {strides = array<i32>} : memref<3x200x128xf32, #tpu.memory_space<vmem>>, vector<1x1x16xf32>,
      %swap3A_1415 = vector.shape_cast %swap3A_1414 : vector<1x1x16xf32> to vector<16xf32>
      %swap3A_1416 = vector.shape_cast %get3A_1409 : vector<16xf32> to vector<1x1x16xf32>
      tpu.vector_store %arg8[%swap3A_1411, %swap3A_1412, %swap3A_1413], %swap3A_1416 {add = true, strides = array<i32>} : memref<3x200x128xf32, #tpu.memory_space<vmem>>, vector<1x1x16xf32>,
      %mul3A_1417 = arith.constant 2 : i32
      %mul3A_1418 = arith.muli %mul3A_1417, %scan3A_1340 : i32
      %add3A_1419 = arith.constant 0 : i32
      %add3A_1420 = arith.addi %mul3A_1418, %add3A_1419 : i32
      %mul3A_1421 = arith.constant 2 : i32
      %mul3A_1422 = arith.muli %mul3A_1421, %scan3A_1340 : i32
      %add3A_1423 = arith.constant 0 : i32
      %add3A_1424 = arith.addi %mul3A_1422, %add3A_1423 : i32
      %get3A_1425 = arith.index_cast %add3A_1424 : i32 to index
      %get3A_1426 = arith.constant 64 : index
      %get3A_1427 = tpu.vector_load %arg7[%get3A_1425, %get3A_1426] {strides = array<i32>} : memref<200x128xf32, #tpu.memory_space<vmem>>, vector<1x16xf32>,
      %get3A_1428 = vector.shape_cast %get3A_1427 : vector<1x16xf32> to vector<16xf32>
      %swap3A_1429 = arith.constant 2 : i32
      %swap3A_1430 = arith.index_cast %swap3A_1429 : i32 to index
      %swap3A_1431 = arith.index_cast %add3A_1420 : i32 to index
      %swap3A_1432 = arith.constant 64 : index
      %swap3A_1433 = tpu.vector_load %arg8[%swap3A_1430, %swap3A_1431, %swap3A_1432] {strides = array<i32>} : memref<3x200x128xf32, #tpu.memory_space<vmem>>, vector<1x1x16xf32>,
      %swap3A_1434 = vector.shape_cast %swap3A_1433 : vector<1x1x16xf32> to vector<16xf32>
      %swap3A_1435 = vector.shape_cast %get3A_1428 : vector<16xf32> to vector<1x1x16xf32>
      tpu.vector_store %arg8[%swap3A_1430, %swap3A_1431, %swap3A_1432], %swap3A_1435 {add = true, strides = array<i32>} : memref<3x200x128xf32, #tpu.memory_space<vmem>>, vector<1x1x16xf32>,
      %mul3A_1436 = arith.constant 2 : i32
      %mul3A_1437 = arith.muli %mul3A_1436, %scan3A_1340 : i32
      %add3A_1438 = arith.constant 0 : i32
      %add3A_1439 = arith.addi %mul3A_1437, %add3A_1438 : i32
      %mul3A_1440 = arith.constant 2 : i32
      %mul3A_1441 = arith.muli %mul3A_1440, %scan3A_1340 : i32
      %add3A_1442 = arith.constant 0 : i32
      %add3A_1443 = arith.addi %mul3A_1441, %add3A_1442 : i32
      %get3A_1444 = arith.index_cast %add3A_1443 : i32 to index
      %get3A_1445 = arith.constant 80 : index
      %get3A_1446 = tpu.vector_load %arg7[%get3A_1444, %get3A_1445] {strides = array<i32>} : memref<200x128xf32, #tpu.memory_space<vmem>>, vector<1x16xf32>,
      %get3A_1447 = vector.shape_cast %get3A_1446 : vector<1x16xf32> to vector<16xf32>
      %swap3A_1448 = arith.constant 2 : i32
      %swap3A_1449 = arith.index_cast %swap3A_1448 : i32 to index
      %swap3A_1450 = arith.index_cast %add3A_1439 : i32 to index
      %swap3A_1451 = arith.constant 80 : index
      %swap3A_1452 = tpu.vector_load %arg8[%swap3A_1449, %swap3A_1450, %swap3A_1451] {strides = array<i32>} : memref<3x200x128xf32, #tpu.memory_space<vmem>>, vector<1x1x16xf32>,
      %swap3A_1453 = vector.shape_cast %swap3A_1452 : vector<1x1x16xf32> to vector<16xf32>
      %swap3A_1454 = vector.shape_cast %get3A_1447 : vector<16xf32> to vector<1x1x16xf32>
      tpu.vector_store %arg8[%swap3A_1449, %swap3A_1450, %swap3A_1451], %swap3A_1454 {add = true, strides = array<i32>} : memref<3x200x128xf32, #tpu.memory_space<vmem>>, vector<1x1x16xf32>,
      %mul3A_1455 = arith.constant 2 : i32
      %mul3A_1456 = arith.muli %mul3A_1455, %scan3A_1340 : i32
      %add3A_1457 = arith.constant 0 : i32
      %add3A_1458 = arith.addi %mul3A_1456, %add3A_1457 : i32
      %mul3A_1459 = arith.constant 2 : i32
      %mul3A_1460 = arith.muli %mul3A_1459, %scan3A_1340 : i32
      %add3A_1461 = arith.constant 0 : i32
      %add3A_1462 = arith.addi %mul3A_1460, %add3A_1461 : i32
      %get3A_1463 = arith.index_cast %add3A_1462 : i32 to index
      %get3A_1464 = arith.constant 96 : index
      %get3A_1465 = tpu.vector_load %arg7[%get3A_1463, %get3A_1464] {strides = array<i32>} : memref<200x128xf32, #tpu.memory_space<vmem>>, vector<1x16xf32>,
      %get3A_1466 = vector.shape_cast %get3A_1465 : vector<1x16xf32> to vector<16xf32>
      %swap3A_1467 = arith.constant 2 : i32
      %swap3A_1468 = arith.index_cast %swap3A_1467 : i32 to index
      %swap3A_1469 = arith.index_cast %add3A_1458 : i32 to index
      %swap3A_1470 = arith.constant 96 : index
      %swap3A_1471 = tpu.vector_load %arg8[%swap3A_1468, %swap3A_1469, %swap3A_1470] {strides = array<i32>} : memref<3x200x128xf32, #tpu.memory_space<vmem>>, vector<1x1x16xf32>,
      %swap3A_1472 = vector.shape_cast %swap3A_1471 : vector<1x1x16xf32> to vector<16xf32>
      %swap3A_1473 = vector.shape_cast %get3A_1466 : vector<16xf32> to vector<1x1x16xf32>
      tpu.vector_store %arg8[%swap3A_1468, %swap3A_1469, %swap3A_1470], %swap3A_1473 {add = true, strides = array<i32>} : memref<3x200x128xf32, #tpu.memory_space<vmem>>, vector<1x1x16xf32>,
      %mul3A_1474 = arith.constant 2 : i32
      %mul3A_1475 = arith.muli %mul3A_1474, %scan3A_1340 : i32
      %add3A_1476 = arith.constant 0 : i32
      %add3A_1477 = arith.addi %mul3A_1475, %add3A_1476 : i32
      %mul3A_1478 = arith.constant 2 : i32
      %mul3A_1479 = arith.muli %mul3A_1478, %scan3A_1340 : i32
      %add3A_1480 = arith.constant 0 : i32
      %add3A_1481 = arith.addi %mul3A_1479, %add3A_1480 : i32
      %get3A_1482 = arith.index_cast %add3A_1481 : i32 to index
      %get3A_1483 = arith.constant 112 : index
      %get3A_1484 = tpu.vector_load %arg7[%get3A_1482, %get3A_1483] {strides = array<i32>} : memref<200x128xf32, #tpu.memory_space<vmem>>, vector<1x16xf32>,
      %get3A_1485 = vector.shape_cast %get3A_1484 : vector<1x16xf32> to vector<16xf32>
      %swap3A_1486 = arith.constant 2 : i32
      %swap3A_1487 = arith.index_cast %swap3A_1486 : i32 to index
      %swap3A_1488 = arith.index_cast %add3A_1477 : i32 to index
      %swap3A_1489 = arith.constant 112 : index
      %swap3A_1490 = tpu.vector_load %arg8[%swap3A_1487, %swap3A_1488, %swap3A_1489] {strides = array<i32>} : memref<3x200x128xf32, #tpu.memory_space<vmem>>, vector<1x1x16xf32>,
      %swap3A_1491 = vector.shape_cast %swap3A_1490 : vector<1x1x16xf32> to vector<16xf32>
      %swap3A_1492 = vector.shape_cast %get3A_1485 : vector<16xf32> to vector<1x1x16xf32>
      tpu.vector_store %arg8[%swap3A_1487, %swap3A_1488, %swap3A_1489], %swap3A_1492 {add = true, strides = array<i32>} : memref<3x200x128xf32, #tpu.memory_space<vmem>>, vector<1x1x16xf32>,
      %mul3A_1493 = arith.constant 2 : i32
      %mul3A_1494 = arith.muli %mul3A_1493, %scan3A_1340 : i32
      %add3A_1495 = arith.constant 1 : i32
      %add3A_1496 = arith.addi %mul3A_1494, %add3A_1495 : i32
      %mul3A_1497 = arith.constant 2 : i32
      %mul3A_1498 = arith.muli %mul3A_1497, %scan3A_1340 : i32
      %add3A_1499 = arith.constant 1 : i32
      %add3A_1500 = arith.addi %mul3A_1498, %add3A_1499 : i32
      %get3A_1501 = arith.index_cast %add3A_1500 : i32 to index
      %get3A_1502 = arith.constant 0 : index
      %get3A_1503 = tpu.vector_load %arg7[%get3A_1501, %get3A_1502] {strides = array<i32>} : memref<200x128xf32, #tpu.memory_space<vmem>>, vector<1x16xf32>,
      %get3A_1504 = vector.shape_cast %get3A_1503 : vector<1x16xf32> to vector<16xf32>
      %swap3A_1505 = arith.constant 2 : i32
      %swap3A_1506 = arith.index_cast %swap3A_1505 : i32 to index
      %swap3A_1507 = arith.index_cast %add3A_1496 : i32 to index
      %swap3A_1508 = arith.constant 0 : index
      %swap3A_1509 = tpu.vector_load %arg8[%swap3A_1506, %swap3A_1507, %swap3A_1508] {strides = array<i32>} : memref<3x200x128xf32, #tpu.memory_space<vmem>>, vector<1x1x16xf32>,
      %swap3A_1510 = vector.shape_cast %swap3A_1509 : vector<1x1x16xf32> to vector<16xf32>
      %swap3A_1511 = vector.shape_cast %get3A_1504 : vector<16xf32> to vector<1x1x16xf32>
      tpu.vector_store %arg8[%swap3A_1506, %swap3A_1507, %swap3A_1508], %swap3A_1511 {add = true, strides = array<i32>} : memref<3x200x128xf32, #tpu.memory_space<vmem>>, vector<1x1x16xf32>,
      %mul3A_1512 = arith.constant 2 : i32
      %mul3A_1513 = arith.muli %mul3A_1512, %scan3A_1340 : i32
      %add3A_1514 = arith.constant 1 : i32
      %add3A_1515 = arith.addi %mul3A_1513, %add3A_1514 : i32
      %mul3A_1516 = arith.constant 2 : i32
      %mul3A_1517 = arith.muli %mul3A_1516, %scan3A_1340 : i32
      %add3A_1518 = arith.constant 1 : i32
      %add3A_1519 = arith.addi %mul3A_1517, %add3A_1518 : i32
      %get3A_1520 = arith.index_cast %add3A_1519 : i32 to index
      %get3A_1521 = arith.constant 16 : index
      %get3A_1522 = tpu.vector_load %arg7[%get3A_1520, %get3A_1521] {strides = array<i32>} : memref<200x128xf32, #tpu.memory_space<vmem>>, vector<1x16xf32>,
      %get3A_1523 = vector.shape_cast %get3A_1522 : vector<1x16xf32> to vector<16xf32>
      %swap3A_1524 = arith.constant 2 : i32
      %swap3A_1525 = arith.index_cast %swap3A_1524 : i32 to index
      %swap3A_1526 = arith.index_cast %add3A_1515 : i32 to index
      %swap3A_1527 = arith.constant 16 : index
      %swap3A_1528 = tpu.vector_load %arg8[%swap3A_1525, %swap3A_1526, %swap3A_1527] {strides = array<i32>} : memref<3x200x128xf32, #tpu.memory_space<vmem>>, vector<1x1x16xf32>,
      %swap3A_1529 = vector.shape_cast %swap3A_1528 : vector<1x1x16xf32> to vector<16xf32>
      %swap3A_1530 = vector.shape_cast %get3A_1523 : vector<16xf32> to vector<1x1x16xf32>
      tpu.vector_store %arg8[%swap3A_1525, %swap3A_1526, %swap3A_1527], %swap3A_1530 {add = true, strides = array<i32>} : memref<3x200x128xf32, #tpu.memory_space<vmem>>, vector<1x1x16xf32>,
      %mul3A_1531 = arith.constant 2 : i32
      %mul3A_1532 = arith.muli %mul3A_1531, %scan3A_1340 : i32
      %add3A_1533 = arith.constant 1 : i32
      %add3A_1534 = arith.addi %mul3A_1532, %add3A_1533 : i32
      %mul3A_1535 = arith.constant 2 : i32
      %mul3A_1536 = arith.muli %mul3A_1535, %scan3A_1340 : i32
      %add3A_1537 = arith.constant 1 : i32
      %add3A_1538 = arith.addi %mul3A_1536, %add3A_1537 : i32
      %get3A_1539 = arith.index_cast %add3A_1538 : i32 to index
      %get3A_1540 = arith.constant 32 : index
      %get3A_1541 = tpu.vector_load %arg7[%get3A_1539, %get3A_1540] {strides = array<i32>} : memref<200x128xf32, #tpu.memory_space<vmem>>, vector<1x16xf32>,
      %get3A_1542 = vector.shape_cast %get3A_1541 : vector<1x16xf32> to vector<16xf32>
      %swap3A_1543 = arith.constant 2 : i32
      %swap3A_1544 = arith.index_cast %swap3A_1543 : i32 to index
      %swap3A_1545 = arith.index_cast %add3A_1534 : i32 to index
      %swap3A_1546 = arith.constant 32 : index
      %swap3A_1547 = tpu.vector_load %arg8[%swap3A_1544, %swap3A_1545, %swap3A_1546] {strides = array<i32>} : memref<3x200x128xf32, #tpu.memory_space<vmem>>, vector<1x1x16xf32>,
      %swap3A_1548 = vector.shape_cast %swap3A_1547 : vector<1x1x16xf32> to vector<16xf32>
      %swap3A_1549 = vector.shape_cast %get3A_1542 : vector<16xf32> to vector<1x1x16xf32>
      tpu.vector_store %arg8[%swap3A_1544, %swap3A_1545, %swap3A_1546], %swap3A_1549 {add = true, strides = array<i32>} : memref<3x200x128xf32, #tpu.memory_space<vmem>>, vector<1x1x16xf32>,
      %mul3A_1550 = arith.constant 2 : i32
      %mul3A_1551 = arith.muli %mul3A_1550, %scan3A_1340 : i32
      %add3A_1552 = arith.constant 1 : i32
      %add3A_1553 = arith.addi %mul3A_1551, %add3A_1552 : i32
      %mul3A_1554 = arith.constant 2 : i32
      %mul3A_1555 = arith.muli %mul3A_1554, %scan3A_1340 : i32
      %add3A_1556 = arith.constant 1 : i32
      %add3A_1557 = arith.addi %mul3A_1555, %add3A_1556 : i32
      %get3A_1558 = arith.index_cast %add3A_1557 : i32 to index
      %get3A_1559 = arith.constant 48 : index
      %get3A_1560 = tpu.vector_load %arg7[%get3A_1558, %get3A_1559] {strides = array<i32>} : memref<200x128xf32, #tpu.memory_space<vmem>>, vector<1x16xf32>,
      %get3A_1561 = vector.shape_cast %get3A_1560 : vector<1x16xf32> to vector<16xf32>
      %swap3A_1562 = arith.constant 2 : i32
      %swap3A_1563 = arith.index_cast %swap3A_1562 : i32 to index
      %swap3A_1564 = arith.index_cast %add3A_1553 : i32 to index
      %swap3A_1565 = arith.constant 48 : index
      %swap3A_1566 = tpu.vector_load %arg8[%swap3A_1563, %swap3A_1564, %swap3A_1565] {strides = array<i32>} : memref<3x200x128xf32, #tpu.memory_space<vmem>>, vector<1x1x16xf32>,
      %swap3A_1567 = vector.shape_cast %swap3A_1566 : vector<1x1x16xf32> to vector<16xf32>
      %swap3A_1568 = vector.shape_cast %get3A_1561 : vector<16xf32> to vector<1x1x16xf32>
      tpu.vector_store %arg8[%swap3A_1563, %swap3A_1564, %swap3A_1565], %swap3A_1568 {add = true, strides = array<i32>} : memref<3x200x128xf32, #tpu.memory_space<vmem>>, vector<1x1x16xf32>,
      %mul3A_1569 = arith.constant 2 : i32
      %mul3A_1570 = arith.muli %mul3A_1569, %scan3A_1340 : i32
      %add3A_1571 = arith.constant 1 : i32
      %add3A_1572 = arith.addi %mul3A_1570, %add3A_1571 : i32
      %mul3A_1573 = arith.constant 2 : i32
      %mul3A_1574 = arith.muli %mul3A_1573, %scan3A_1340 : i32
      %add3A_1575 = arith.constant 1 : i32
      %add3A_1576 = arith.addi %mul3A_1574, %add3A_1575 : i32
      %get3A_1577 = arith.index_cast %add3A_1576 : i32 to index
      %get3A_1578 = arith.constant 64 : index
      %get3A_1579 = tpu.vector_load %arg7[%get3A_1577, %get3A_1578] {strides = array<i32>} : memref<200x128xf32, #tpu.memory_space<vmem>>, vector<1x16xf32>,
      %get3A_1580 = vector.shape_cast %get3A_1579 : vector<1x16xf32> to vector<16xf32>
      %swap3A_1581 = arith.constant 2 : i32
      %swap3A_1582 = arith.index_cast %swap3A_1581 : i32 to index
      %swap3A_1583 = arith.index_cast %add3A_1572 : i32 to index
      %swap3A_1584 = arith.constant 64 : index
      %swap3A_1585 = tpu.vector_load %arg8[%swap3A_1582, %swap3A_1583, %swap3A_1584] {strides = array<i32>} : memref<3x200x128xf32, #tpu.memory_space<vmem>>, vector<1x1x16xf32>,
      %swap3A_1586 = vector.shape_cast %swap3A_1585 : vector<1x1x16xf32> to vector<16xf32>
      %swap3A_1587 = vector.shape_cast %get3A_1580 : vector<16xf32> to vector<1x1x16xf32>
      tpu.vector_store %arg8[%swap3A_1582, %swap3A_1583, %swap3A_1584], %swap3A_1587 {add = true, strides = array<i32>} : memref<3x200x128xf32, #tpu.memory_space<vmem>>, vector<1x1x16xf32>,
      %mul3A_1588 = arith.constant 2 : i32
      %mul3A_1589 = arith.muli %mul3A_1588, %scan3A_1340 : i32
      %add3A_1590 = arith.constant 1 : i32
      %add3A_1591 = arith.addi %mul3A_1589, %add3A_1590 : i32
      %mul3A_1592 = arith.constant 2 : i32
      %mul3A_1593 = arith.muli %mul3A_1592, %scan3A_1340 : i32
      %add3A_1594 = arith.constant 1 : i32
      %add3A_1595 = arith.addi %mul3A_1593, %add3A_1594 : i32
      %get3A_1596 = arith.index_cast %add3A_1595 : i32 to index
      %get3A_1597 = arith.constant 80 : index
      %get3A_1598 = tpu.vector_load %arg7[%get3A_1596, %get3A_1597] {strides = array<i32>} : memref<200x128xf32, #tpu.memory_space<vmem>>, vector<1x16xf32>,
      %get3A_1599 = vector.shape_cast %get3A_1598 : vector<1x16xf32> to vector<16xf32>
      %swap3A_1600 = arith.constant 2 : i32
      %swap3A_1601 = arith.index_cast %swap3A_1600 : i32 to index
      %swap3A_1602 = arith.index_cast %add3A_1591 : i32 to index
      %swap3A_1603 = arith.constant 80 : index
      %swap3A_1604 = tpu.vector_load %arg8[%swap3A_1601, %swap3A_1602, %swap3A_1603] {strides = array<i32>} : memref<3x200x128xf32, #tpu.memory_space<vmem>>, vector<1x1x16xf32>,
      %swap3A_1605 = vector.shape_cast %swap3A_1604 : vector<1x1x16xf32> to vector<16xf32>
      %swap3A_1606 = vector.shape_cast %get3A_1599 : vector<16xf32> to vector<1x1x16xf32>
      tpu.vector_store %arg8[%swap3A_1601, %swap3A_1602, %swap3A_1603], %swap3A_1606 {add = true, strides = array<i32>} : memref<3x200x128xf32, #tpu.memory_space<vmem>>, vector<1x1x16xf32>,
      %mul3A_1607 = arith.constant 2 : i32
      %mul3A_1608 = arith.muli %mul3A_1607, %scan3A_1340 : i32
      %add3A_1609 = arith.constant 1 : i32
      %add3A_1610 = arith.addi %mul3A_1608, %add3A_1609 : i32
      %mul3A_1611 = arith.constant 2 : i32
      %mul3A_1612 = arith.muli %mul3A_1611, %scan3A_1340 : i32
      %add3A_1613 = arith.constant 1 : i32
      %add3A_1614 = arith.addi %mul3A_1612, %add3A_1613 : i32
      %get3A_1615 = arith.index_cast %add3A_1614 : i32 to index
      %get3A_1616 = arith.constant 96 : index
      %get3A_1617 = tpu.vector_load %arg7[%get3A_1615, %get3A_1616] {strides = array<i32>} : memref<200x128xf32, #tpu.memory_space<vmem>>, vector<1x16xf32>,
      %get3A_1618 = vector.shape_cast %get3A_1617 : vector<1x16xf32> to vector<16xf32>
      %swap3A_1619 = arith.constant 2 : i32
      %swap3A_1620 = arith.index_cast %swap3A_1619 : i32 to index
      %swap3A_1621 = arith.index_cast %add3A_1610 : i32 to index
      %swap3A_1622 = arith.constant 96 : index
      %swap3A_1623 = tpu.vector_load %arg8[%swap3A_1620, %swap3A_1621, %swap3A_1622] {strides = array<i32>} : memref<3x200x128xf32, #tpu.memory_space<vmem>>, vector<1x1x16xf32>,
      %swap3A_1624 = vector.shape_cast %swap3A_1623 : vector<1x1x16xf32> to vector<16xf32>
      %swap3A_1625 = vector.shape_cast %get3A_1618 : vector<16xf32> to vector<1x1x16xf32>
      tpu.vector_store %arg8[%swap3A_1620, %swap3A_1621, %swap3A_1622], %swap3A_1625 {add = true, strides = array<i32>} : memref<3x200x128xf32, #tpu.memory_space<vmem>>, vector<1x1x16xf32>,
      %mul3A_1626 = arith.constant 2 : i32
      %mul3A_1627 = arith.muli %mul3A_1626, %scan3A_1340 : i32
      %add3A_1628 = arith.constant 1 : i32
      %add3A_1629 = arith.addi %mul3A_1627, %add3A_1628 : i32
      %mul3A_1630 = arith.constant 2 : i32
      %mul3A_1631 = arith.muli %mul3A_1630, %scan3A_1340 : i32
      %add3A_1632 = arith.constant 1 : i32
      %add3A_1633 = arith.addi %mul3A_1631, %add3A_1632 : i32
      %get3A_1634 = arith.index_cast %add3A_1633 : i32 to index
      %get3A_1635 = arith.constant 112 : index
      %get3A_1636 = tpu.vector_load %arg7[%get3A_1634, %get3A_1635] {strides = array<i32>} : memref<200x128xf32, #tpu.memory_space<vmem>>, vector<1x16xf32>,
      %get3A_1637 = vector.shape_cast %get3A_1636 : vector<1x16xf32> to vector<16xf32>
      %swap3A_1638 = arith.constant 2 : i32
      %swap3A_1639 = arith.index_cast %swap3A_1638 : i32 to index
      %swap3A_1640 = arith.index_cast %add3A_1629 : i32 to index
      %swap3A_1641 = arith.constant 112 : index
      %swap3A_1642 = tpu.vector_load %arg8[%swap3A_1639, %swap3A_1640, %swap3A_1641] {strides = array<i32>} : memref<3x200x128xf32, #tpu.memory_space<vmem>>, vector<1x1x16xf32>,
      %swap3A_1643 = vector.shape_cast %swap3A_1642 : vector<1x1x16xf32> to vector<16xf32>
      %swap3A_1644 = vector.shape_cast %get3A_1637 : vector<16xf32> to vector<1x1x16xf32>
      tpu.vector_store %arg8[%swap3A_1639, %swap3A_1640, %swap3A_1641], %swap3A_1644 {add = true, strides = array<i32>} : memref<3x200x128xf32, #tpu.memory_space<vmem>>, vector<1x1x16xf32>,
    }
    %scan3A_962 = arith.constant 100 : i32
    %add3A_963 = arith.constant 400 : i32
    %add3A_964 = arith.addi %mul3A_6, %add3A_963 : i32
    %dma_start3A_965 = arith.constant 2 : i32
    %dma_start3A_966 = arith.constant 0 : i32
    %dma_start3A_967 = arith.constant 0 : i32
    %dma_start3A_968 = tpu.memref_slice %arg8[%dma_start3A_965, %dma_start3A_966, %dma_start3A_967] : memref<3x200x128xf32, #tpu.memory_space<vmem>> -> memref<1x200x128xf32, #tpu.memory_space<vmem>>
    %dma_start3A_969 = tpu.memref_squeeze %dma_start3A_968 : memref<1x200x128xf32, #tpu.memory_space<vmem>> -> memref<200x128xf32, #tpu.memory_space<vmem>>
    %dma_start3A_970 = arith.constant 0 : i32
    %dma_start3A_971 = tpu.memref_slice %arg5[%add3A_964, %dma_start3A_970] : memref<204800x128xf32, #tpu.memory_space<hbm>> -> memref<200x128xf32, #tpu.memory_space<hbm>>
    %dma_start3A_972 = arith.constant 0 : i32
    %dma_start3A_973 = tpu.memref_slice %arg5[%add3A_964, %dma_start3A_972] : memref<204800x128xf32, #tpu.memory_space<hbm>> -> memref<200x128xf32, #tpu.memory_space<hbm>>
    %dma_start3A_974 = arith.constant 0 : i32
    %dma_start3A_975 = arith.constant 0 : i32
    %dma_start3A_976 = tpu.memref_slice %arg8[%dma_start3A_965, %dma_start3A_974, %dma_start3A_975] : memref<3x200x128xf32, #tpu.memory_space<vmem>> -> memref<1x200x128xf32, #tpu.memory_space<vmem>>
    %dma_start3A_977 = tpu.memref_squeeze %dma_start3A_976 : memref<1x200x128xf32, #tpu.memory_space<vmem>> -> memref<200x128xf32, #tpu.memory_space<vmem>>
    tpu.enqueue_dma source(%dma_start3A_977 : memref<200x128xf32, #tpu.memory_space<vmem>>) target(%dma_start3A_973 : memref<200x128xf32, #tpu.memory_space<hbm>>) target_semaphore(%arg17 : memref<!tpu.dma_semaphore, #tpu.memory_space<semaphore_mem>>)
    %scan3A_978 = arith.constant 0 : i32
    %scan3A_979 = arith.constant 0 : i32
    %scan3A_980 = arith.constant 9 : i32
    %scan3A_981 = arith.addi %scan3A_979, %scan3A_980 : i32
    %scan3A_982 = arith.constant 1 : i32
    scf.for %scan3A_1340 = %scan3A_979 to %scan3A_981 step %scan3A_982  : i32 {
      %mul3A_1341 = arith.constant 3 : i32
      %mul3A_1342 = arith.muli %mul3A_1341, %scan3A_1340 : i32
      %add3A_1343 = arith.constant 3 : i32
      %add3A_1344 = arith.addi %mul3A_1342, %add3A_1343 : i32
      %add3A_1345 = arith.constant 0 : i32
      %add3A_1346 = arith.addi %add3A_1344, %add3A_1345 : i32
      %add3A_1347 = arith.constant 0 : i32
      %add3A_1348 = arith.addi %add3A_1344, %add3A_1347 : i32
      %add3A_1349 = arith.constant 1 : i32
      %add3A_1350 = arith.addi %add3A_1348, %add3A_1349 : i32
      %dma_wait3A_1351 = arith.constant 1 : i32
      %dma_wait3A_1352 = arith.constant 0 : i32
      %dma_wait3A_1353 = arith.constant 0 : i32
      %dma_wait3A_1354 = tpu.memref_slice %arg8[%dma_wait3A_1351, %dma_wait3A_1352, %dma_wait3A_1353] : memref<3x200x128xf32, #tpu.memory_space<vmem>> -> memref<1x200x128xf32, #tpu.memory_space<vmem>>
      %dma_wait3A_1355 = tpu.memref_squeeze %dma_wait3A_1354 : memref<1x200x128xf32, #tpu.memory_space<vmem>> -> memref<200x128xf32, #tpu.memory_space<vmem>>
      %dma_wait3A_1356 = arith.constant 0 : i32
      %dma_wait3A_1357 = arith.constant 0 : i32
      %dma_wait3A_1358 = tpu.memref_slice %arg5[%dma_wait3A_1356, %dma_wait3A_1357] : memref<204800x128xf32, #tpu.memory_space<hbm>> -> memref<200x128xf32, #tpu.memory_space<hbm>>
      %dma_wait3A_1359 = arith.constant 0 : i32
      %dma_wait3A_1360 = arith.constant 0 : i32
      %dma_wait3A_1361 = tpu.memref_slice %arg5[%dma_wait3A_1359, %dma_wait3A_1360] : memref<204800x128xf32, #tpu.memory_space<hbm>> -> memref<200x128xf32, #tpu.memory_space<hbm>>
      %dma_wait3A_1362 = arith.constant 0 : i32
      %dma_wait3A_1363 = arith.constant 0 : i32
      %dma_wait3A_1364 = tpu.memref_slice %arg8[%dma_wait3A_1351, %dma_wait3A_1362, %dma_wait3A_1363] : memref<3x200x128xf32, #tpu.memory_space<vmem>> -> memref<1x200x128xf32, #tpu.memory_space<vmem>>
      %dma_wait3A_1365 = tpu.memref_squeeze %dma_wait3A_1364 : memref<1x200x128xf32, #tpu.memory_space<vmem>> -> memref<200x128xf32, #tpu.memory_space<vmem>>
      tpu.wait_dma2 semaphore(%arg16 : memref<!tpu.dma_semaphore, #tpu.memory_space<semaphore_mem>>) src(%dma_wait3A_1365 : memref<200x128xf32, #tpu.memory_space<vmem>>) dst(%dma_wait3A_1361 : memref<200x128xf32, #tpu.memory_space<hbm>>)
      %get3A_1366 = arith.index_cast %add3A_1350 : i32 to index
      %get3A_1367 = arith.constant 0 : index
      %get3A_1368 = tpu.vector_load %arg6[%get3A_1366, %get3A_1367] {strides = array<i32>} : memref<32x200xi32, #tpu.memory_space<vmem>>, vector<1x16xi32>,
      %get3A_1369 = vector.shape_cast %get3A_1368 : vector<1x16xi32> to vector<16xi32>
      %add3A_1370 = vector.broadcast %mul3A_8 : i32 to vector<16xi32>
      %add3A_1371 = arith.addi %get3A_1369, %add3A_1370 : vector<16xi32>
      %swap3A_1372 = arith.constant 1 : i32
      %swap3A_1373 = arith.index_cast %swap3A_1372 : i32 to index
      %swap3A_1374 = arith.constant 0 : index
      %swap3A_1375 = tpu.vector_load %arg9[%swap3A_1373, %swap3A_1374] {strides = array<i32>} : memref<3x100xi32, #tpu.memory_space<vmem>>, vector<1x16xi32>,
      %swap3A_1376 = vector.shape_cast %swap3A_1375 : vector<1x16xi32> to vector<16xi32>
      %swap3A_1377 = vector.shape_cast %add3A_1371 : vector<16xi32> to vector<1x16xi32>
      tpu.vector_store %arg9[%swap3A_1373, %swap3A_1374], %swap3A_1377 {strides = array<i32>} : memref<3x100xi32, #tpu.memory_space<vmem>>, vector<1x16xi32>,
      %get3A_1378 = arith.index_cast %add3A_1350 : i32 to index
      %get3A_1379 = arith.constant 16 : index
      %get3A_1380 = tpu.vector_load %arg6[%get3A_1378, %get3A_1379] {strides = array<i32>} : memref<32x200xi32, #tpu.memory_space<vmem>>, vector<1x16xi32>,
      %get3A_1381 = vector.shape_cast %get3A_1380 : vector<1x16xi32> to vector<16xi32>
      %add3A_1382 = vector.broadcast %mul3A_8 : i32 to vector<16xi32>
      %add3A_1383 = arith.addi %get3A_1381, %add3A_1382 : vector<16xi32>
      %swap3A_1384 = arith.constant 1 : i32
      %swap3A_1385 = arith.index_cast %swap3A_1384 : i32 to index
      %swap3A_1386 = arith.constant 16 : index
      %swap3A_1387 = tpu.vector_load %arg9[%swap3A_1385, %swap3A_1386] {strides = array<i32>} : memref<3x100xi32, #tpu.memory_space<vmem>>, vector<1x16xi32>,
      %swap3A_1388 = vector.shape_cast %swap3A_1387 : vector<1x16xi32> to vector<16xi32>
      %swap3A_1389 = vector.shape_cast %add3A_1383 : vector<16xi32> to vector<1x16xi32>
      tpu.vector_store %arg9[%swap3A_1385, %swap3A_1386], %swap3A_1389 {strides = array<i32>} : memref<3x100xi32, #tpu.memory_space<vmem>>, vector<1x16xi32>,
      %get3A_1390 = arith.index_cast %add3A_1350 : i32 to index
      %get3A_1391 = arith.constant 32 : index
      %get3A_1392 = tpu.vector_load %arg6[%get3A_1390, %get3A_1391] {strides = array<i32>} : memref<32x200xi32, #tpu.memory_space<vmem>>, vector<1x16xi32>,
      %get3A_1393 = vector.shape_cast %get3A_1392 : vector<1x16xi32> to vector<16xi32>
      %add3A_1394 = vector.broadcast %mul3A_8 : i32 to vector<16xi32>
      %add3A_1395 = arith.addi %get3A_1393, %add3A_1394 : vector<16xi32>
      %swap3A_1396 = arith.constant 1 : i32
      %swap3A_1397 = arith.index_cast %swap3A_1396 : i32 to index
      %swap3A_1398 = arith.constant 32 : index
      %swap3A_1399 = tpu.vector_load %arg9[%swap3A_1397, %swap3A_1398] {strides = array<i32>} : memref<3x100xi32, #tpu.memory_space<vmem>>, vector<1x16xi32>,
      %swap3A_1400 = vector.shape_cast %swap3A_1399 : vector<1x16xi32> to vector<16xi32>
      %swap3A_1401 = vector.shape_cast %add3A_1395 : vector<16xi32> to vector<1x16xi32>
      tpu.vector_store %arg9[%swap3A_1397, %swap3A_1398], %swap3A_1401 {strides = array<i32>} : memref<3x100xi32, #tpu.memory_space<vmem>>, vector<1x16xi32>,
      %get3A_1402 = arith.index_cast %add3A_1350 : i32 to index
      %get3A_1403 = arith.constant 48 : index
      %get3A_1404 = tpu.vector_load %arg6[%get3A_1402, %get3A_1403] {strides = array<i32>} : memref<32x200xi32, #tpu.memory_space<vmem>>, vector<1x16xi32>,
      %get3A_1405 = vector.shape_cast %get3A_1404 : vector<1x16xi32> to vector<16xi32>
      %add3A_1406 = vector.broadcast %mul3A_8 : i32 to vector<16xi32>
      %add3A_1407 = arith.addi %get3A_1405, %add3A_1406 : vector<16xi32>
      %swap3A_1408 = arith.constant 1 : i32
      %swap3A_1409 = arith.index_cast %swap3A_1408 : i32 to index
      %swap3A_1410 = arith.constant 48 : index
      %swap3A_1411 = tpu.vector_load %arg9[%swap3A_1409, %swap3A_1410] {strides = array<i32>} : memref<3x100xi32, #tpu.memory_space<vmem>>, vector<1x16xi32>,
      %swap3A_1412 = vector.shape_cast %swap3A_1411 : vector<1x16xi32> to vector<16xi32>
      %swap3A_1413 = vector.shape_cast %add3A_1407 : vector<16xi32> to vector<1x16xi32>
      tpu.vector_store %arg9[%swap3A_1409, %swap3A_1410], %swap3A_1413 {strides = array<i32>} : memref<3x100xi32, #tpu.memory_space<vmem>>, vector<1x16xi32>,
      %get3A_1414 = arith.index_cast %add3A_1350 : i32 to index
      %get3A_1415 = arith.constant 64 : index
      %get3A_1416 = tpu.vector_load %arg6[%get3A_1414, %get3A_1415] {strides = array<i32>} : memref<32x200xi32, #tpu.memory_space<vmem>>, vector<1x16xi32>,
      %get3A_1417 = vector.shape_cast %get3A_1416 : vector<1x16xi32> to vector<16xi32>
      %add3A_1418 = vector.broadcast %mul3A_8 : i32 to vector<16xi32>
      %add3A_1419 = arith.addi %get3A_1417, %add3A_1418 : vector<16xi32>
      %swap3A_1420 = arith.constant 1 : i32
      %swap3A_1421 = arith.index_cast %swap3A_1420 : i32 to index
      %swap3A_1422 = arith.constant 64 : index
      %swap3A_1423 = tpu.vector_load %arg9[%swap3A_1421, %swap3A_1422] {strides = array<i32>} : memref<3x100xi32, #tpu.memory_space<vmem>>, vector<1x16xi32>,
      %swap3A_1424 = vector.shape_cast %swap3A_1423 : vector<1x16xi32> to vector<16xi32>
      %swap3A_1425 = vector.shape_cast %add3A_1419 : vector<16xi32> to vector<1x16xi32>
      tpu.vector_store %arg9[%swap3A_1421, %swap3A_1422], %swap3A_1425 {strides = array<i32>} : memref<3x100xi32, #tpu.memory_space<vmem>>, vector<1x16xi32>,
      %get3A_1426 = arith.index_cast %add3A_1350 : i32 to index
      %get3A_1427 = arith.constant 80 : index
      %get3A_1428 = tpu.vector_load %arg6[%get3A_1426, %get3A_1427] {strides = array<i32>} : memref<32x200xi32, #tpu.memory_space<vmem>>, vector<1x16xi32>,
      %get3A_1429 = vector.shape_cast %get3A_1428 : vector<1x16xi32> to vector<16xi32>
      %add3A_1430 = vector.broadcast %mul3A_8 : i32 to vector<16xi32>
      %add3A_1431 = arith.addi %get3A_1429, %add3A_1430 : vector<16xi32>
      %swap3A_1432 = arith.constant 1 : i32
      %swap3A_1433 = arith.index_cast %swap3A_1432 : i32 to index
      %swap3A_1434 = arith.constant 80 : index
      %swap3A_1435 = tpu.vector_load %arg9[%swap3A_1433, %swap3A_1434] {strides = array<i32>} : memref<3x100xi32, #tpu.memory_space<vmem>>, vector<1x16xi32>,
      %swap3A_1436 = vector.shape_cast %swap3A_1435 : vector<1x16xi32> to vector<16xi32>
      %swap3A_1437 = vector.shape_cast %add3A_1431 : vector<16xi32> to vector<1x16xi32>
      tpu.vector_store %arg9[%swap3A_1433, %swap3A_1434], %swap3A_1437 {strides = array<i32>} : memref<3x100xi32, #tpu.memory_space<vmem>>, vector<1x16xi32>,
      %get3A_1438 = arith.index_cast %add3A_1350 : i32 to index
      %get3A_1439 = arith.constant 84 : index
      %get3A_1440 = tpu.vector_load %arg6[%get3A_1438, %get3A_1439] {strides = array<i32>} : memref<32x200xi32, #tpu.memory_space<vmem>>, vector<1x16xi32>,
      %get3A_1441 = vector.shape_cast %get3A_1440 : vector<1x16xi32> to vector<16xi32>
      %add3A_1442 = vector.broadcast %mul3A_8 : i32 to vector<16xi32>
      %add3A_1443 = arith.addi %get3A_1441, %add3A_1442 : vector<16xi32>
      %swap3A_1444 = arith.constant 1 : i32
      %swap3A_1445 = arith.index_cast %swap3A_1444 : i32 to index
      %swap3A_1446 = arith.constant 84 : index
      %swap3A_1447 = tpu.vector_load %arg9[%swap3A_1445, %swap3A_1446] {strides = array<i32>} : memref<3x100xi32, #tpu.memory_space<vmem>>, vector<1x16xi32>,
      %swap3A_1448 = vector.shape_cast %swap3A_1447 : vector<1x16xi32> to vector<16xi32>
      %swap3A_1449 = vector.shape_cast %add3A_1443 : vector<16xi32> to vector<1x16xi32>
      tpu.vector_store %arg9[%swap3A_1445, %swap3A_1446], %swap3A_1449 {strides = array<i32>} : memref<3x100xi32, #tpu.memory_space<vmem>>, vector<1x16xi32>,
      %get3A_1450 = arith.index_cast %add3A_1350 : i32 to index
      %get3A_1451 = arith.constant 100 : index
      %get3A_1452 = tpu.vector_load %arg6[%get3A_1450, %get3A_1451] {strides = array<i32>} : memref<32x200xi32, #tpu.memory_space<vmem>>, vector<1x16xi32>,
      %get3A_1453 = vector.shape_cast %get3A_1452 : vector<1x16xi32> to vector<16xi32>
      %add3A_1454 = vector.broadcast %mul3A_8 : i32 to vector<16xi32>
      %add3A_1455 = arith.addi %get3A_1453, %add3A_1454 : vector<16xi32>
      %swap3A_1456 = arith.constant 1 : i32
      %swap3A_1457 = arith.index_cast %swap3A_1456 : i32 to index
      %swap3A_1458 = arith.constant 0 : index
      %swap3A_1459 = tpu.vector_load %arg10[%swap3A_1457, %swap3A_1458] {strides = array<i32>} : memref<3x100xi32, #tpu.memory_space<vmem>>, vector<1x16xi32>,
      %swap3A_1460 = vector.shape_cast %swap3A_1459 : vector<1x16xi32> to vector<16xi32>
      %swap3A_1461 = vector.shape_cast %add3A_1455 : vector<16xi32> to vector<1x16xi32>
      tpu.vector_store %arg10[%swap3A_1457, %swap3A_1458], %swap3A_1461 {strides = array<i32>} : memref<3x100xi32, #tpu.memory_space<vmem>>, vector<1x16xi32>,
      %get3A_1462 = arith.index_cast %add3A_1350 : i32 to index
      %get3A_1463 = arith.constant 116 : index
      %get3A_1464 = tpu.vector_load %arg6[%get3A_1462, %get3A_1463] {strides = array<i32>} : memref<32x200xi32, #tpu.memory_space<vmem>>, vector<1x16xi32>,
      %get3A_1465 = vector.shape_cast %get3A_1464 : vector<1x16xi32> to vector<16xi32>
      %add3A_1466 = vector.broadcast %mul3A_8 : i32 to vector<16xi32>
      %add3A_1467 = arith.addi %get3A_1465, %add3A_1466 : vector<16xi32>
      %swap3A_1468 = arith.constant 1 : i32
      %swap3A_1469 = arith.index_cast %swap3A_1468 : i32 to index
      %swap3A_1470 = arith.constant 16 : index
      %swap3A_1471 = tpu.vector_load %arg10[%swap3A_1469, %swap3A_1470] {strides = array<i32>} : memref<3x100xi32, #tpu.memory_space<vmem>>, vector<1x16xi32>,
      %swap3A_1472 = vector.shape_cast %swap3A_1471 : vector<1x16xi32> to vector<16xi32>
      %swap3A_1473 = vector.shape_cast %add3A_1467 : vector<16xi32> to vector<1x16xi32>
      tpu.vector_store %arg10[%swap3A_1469, %swap3A_1470], %swap3A_1473 {strides = array<i32>} : memref<3x100xi32, #tpu.memory_space<vmem>>, vector<1x16xi32>,
      %get3A_1474 = arith.index_cast %add3A_1350 : i32 to index
      %get3A_1475 = arith.constant 132 : index
      %get3A_1476 = tpu.vector_load %arg6[%get3A_1474, %get3A_1475] {strides = array<i32>} : memref<32x200xi32, #tpu.memory_space<vmem>>, vector<1x16xi32>,
      %get3A_1477 = vector.shape_cast %get3A_1476 : vector<1x16xi32> to vector<16xi32>
      %add3A_1478 = vector.broadcast %mul3A_8 : i32 to vector<16xi32>
      %add3A_1479 = arith.addi %get3A_1477, %add3A_1478 : vector<16xi32>
      %swap3A_1480 = arith.constant 1 : i32
      %swap3A_1481 = arith.index_cast %swap3A_1480 : i32 to index
      %swap3A_1482 = arith.constant 32 : index
      %swap3A_1483 = tpu.vector_load %arg10[%swap3A_1481, %swap3A_1482] {strides = array<i32>} : memref<3x100xi32, #tpu.memory_space<vmem>>, vector<1x16xi32>,
      %swap3A_1484 = vector.shape_cast %swap3A_1483 : vector<1x16xi32> to vector<16xi32>
      %swap3A_1485 = vector.shape_cast %add3A_1479 : vector<16xi32> to vector<1x16xi32>
      tpu.vector_store %arg10[%swap3A_1481, %swap3A_1482], %swap3A_1485 {strides = array<i32>} : memref<3x100xi32, #tpu.memory_space<vmem>>, vector<1x16xi32>,
      %get3A_1486 = arith.index_cast %add3A_1350 : i32 to index
      %get3A_1487 = arith.constant 148 : index
      %get3A_1488 = tpu.vector_load %arg6[%get3A_1486, %get3A_1487] {strides = array<i32>} : memref<32x200xi32, #tpu.memory_space<vmem>>, vector<1x16xi32>,
      %get3A_1489 = vector.shape_cast %get3A_1488 : vector<1x16xi32> to vector<16xi32>
      %add3A_1490 = vector.broadcast %mul3A_8 : i32 to vector<16xi32>
      %add3A_1491 = arith.addi %get3A_1489, %add3A_1490 : vector<16xi32>
      %swap3A_1492 = arith.constant 1 : i32
      %swap3A_1493 = arith.index_cast %swap3A_1492 : i32 to index
      %swap3A_1494 = arith.constant 48 : index
      %swap3A_1495 = tpu.vector_load %arg10[%swap3A_1493, %swap3A_1494] {strides = array<i32>} : memref<3x100xi32, #tpu.memory_space<vmem>>, vector<1x16xi32>,
      %swap3A_1496 = vector.shape_cast %swap3A_1495 : vector<1x16xi32> to vector<16xi32>
      %swap3A_1497 = vector.shape_cast %add3A_1491 : vector<16xi32> to vector<1x16xi32>
      tpu.vector_store %arg10[%swap3A_1493, %swap3A_1494], %swap3A_1497 {strides = array<i32>} : memref<3x100xi32, #tpu.memory_space<vmem>>, vector<1x16xi32>,
      %get3A_1498 = arith.index_cast %add3A_1350 : i32 to index
      %get3A_1499 = arith.constant 164 : index
      %get3A_1500 = tpu.vector_load %arg6[%get3A_1498, %get3A_1499] {strides = array<i32>} : memref<32x200xi32, #tpu.memory_space<vmem>>, vector<1x16xi32>,
      %get3A_1501 = vector.shape_cast %get3A_1500 : vector<1x16xi32> to vector<16xi32>
      %add3A_1502 = vector.broadcast %mul3A_8 : i32 to vector<16xi32>
      %add3A_1503 = arith.addi %get3A_1501, %add3A_1502 : vector<16xi32>
      %swap3A_1504 = arith.constant 1 : i32
      %swap3A_1505 = arith.index_cast %swap3A_1504 : i32 to index
      %swap3A_1506 = arith.constant 64 : index
      %swap3A_1507 = tpu.vector_load %arg10[%swap3A_1505, %swap3A_1506] {strides = array<i32>} : memref<3x100xi32, #tpu.memory_space<vmem>>, vector<1x16xi32>,
      %swap3A_1508 = vector.shape_cast %swap3A_1507 : vector<1x16xi32> to vector<16xi32>
      %swap3A_1509 = vector.shape_cast %add3A_1503 : vector<16xi32> to vector<1x16xi32>
      tpu.vector_store %arg10[%swap3A_1505, %swap3A_1506], %swap3A_1509 {strides = array<i32>} : memref<3x100xi32, #tpu.memory_space<vmem>>, vector<1x16xi32>,
      %get3A_1510 = arith.index_cast %add3A_1350 : i32 to index
      %get3A_1511 = arith.constant 180 : index
      %get3A_1512 = tpu.vector_load %arg6[%get3A_1510, %get3A_1511] {strides = array<i32>} : memref<32x200xi32, #tpu.memory_space<vmem>>, vector<1x16xi32>,
      %get3A_1513 = vector.shape_cast %get3A_1512 : vector<1x16xi32> to vector<16xi32>
      %add3A_1514 = vector.broadcast %mul3A_8 : i32 to vector<16xi32>
      %add3A_1515 = arith.addi %get3A_1513, %add3A_1514 : vector<16xi32>
      %swap3A_1516 = arith.constant 1 : i32
      %swap3A_1517 = arith.index_cast %swap3A_1516 : i32 to index
      %swap3A_1518 = arith.constant 80 : index
      %swap3A_1519 = tpu.vector_load %arg10[%swap3A_1517, %swap3A_1518] {strides = array<i32>} : memref<3x100xi32, #tpu.memory_space<vmem>>, vector<1x16xi32>,
      %swap3A_1520 = vector.shape_cast %swap3A_1519 : vector<1x16xi32> to vector<16xi32>
      %swap3A_1521 = vector.shape_cast %add3A_1515 : vector<16xi32> to vector<1x16xi32>
      tpu.vector_store %arg10[%swap3A_1517, %swap3A_1518], %swap3A_1521 {strides = array<i32>} : memref<3x100xi32, #tpu.memory_space<vmem>>, vector<1x16xi32>,
      %get3A_1522 = arith.index_cast %add3A_1350 : i32 to index
      %get3A_1523 = arith.constant 184 : index
      %get3A_1524 = tpu.vector_load %arg6[%get3A_1522, %get3A_1523] {strides = array<i32>} : memref<32x200xi32, #tpu.memory_space<vmem>>, vector<1x16xi32>,
      %get3A_1525 = vector.shape_cast %get3A_1524 : vector<1x16xi32> to vector<16xi32>
      %add3A_1526 = vector.broadcast %mul3A_8 : i32 to vector<16xi32>
      %add3A_1527 = arith.addi %get3A_1525, %add3A_1526 : vector<16xi32>
      %swap3A_1528 = arith.constant 1 : i32
      %swap3A_1529 = arith.index_cast %swap3A_1528 : i32 to index
      %swap3A_1530 = arith.constant 84 : index
      %swap3A_1531 = tpu.vector_load %arg10[%swap3A_1529, %swap3A_1530] {strides = array<i32>} : memref<3x100xi32, #tpu.memory_space<vmem>>, vector<1x16xi32>,
      %swap3A_1532 = vector.shape_cast %swap3A_1531 : vector<1x16xi32> to vector<16xi32>
      %swap3A_1533 = vector.shape_cast %add3A_1527 : vector<16xi32> to vector<1x16xi32>
      tpu.vector_store %arg10[%swap3A_1529, %swap3A_1530], %swap3A_1533 {strides = array<i32>} : memref<3x100xi32, #tpu.memory_space<vmem>>, vector<1x16xi32>,
      %dma_start3A_1534 = arith.constant 1 : i32
      %dma_start3A_1535 = arith.constant 1 : i32
      %dma_start3A_1536 = arith.constant 0 : i32
      %dma_start3A_1537 = arith.constant 0 : i32
      %dma_start3A_1538 = tpu.memref_slice %arg8[%dma_start3A_1535, %dma_start3A_1536, %dma_start3A_1537] : memref<3x200x128xf32, #tpu.memory_space<vmem>> -> memref<1x100x128xf32, #tpu.memory_space<vmem>>
      %dma_start3A_1539 = tpu.memref_squeeze %dma_start3A_1538 : memref<1x100x128xf32, #tpu.memory_space<vmem>> -> memref<100x128xf32, #tpu.memory_space<vmem>>
      %dma_start3A_1540 = arith.constant 0 : i32
      %dma_start3A_1541 = tpu.memref_slice %arg9[%dma_start3A_1534, %dma_start3A_1540] : memref<3x100xi32, #tpu.memory_space<vmem>> -> memref<1x100xi32, #tpu.memory_space<vmem>>
      %dma_start3A_1542 = tpu.memref_squeeze %dma_start3A_1541 : memref<1x100xi32, #tpu.memory_space<vmem>> -> memref<100xi32, #tpu.memory_space<vmem>>
      %dma_start3A_1543 = arith.constant 0 : i32
      %dma_start3A_1544 = arith.constant 0 : i32
      %dma_start3A_1545 = tpu.memref_slice %arg11[%dma_start3A_1543, %dma_start3A_1544] : memref<2048x128xf32, #tpu.memory_space<vmem_shared>> -> memref<2048x128xf32, #tpu.memory_space<vmem_shared>>
      tpu.enqueue_indirect_dma source(%dma_start3A_1545 : memref<2048x128xf32, #tpu.memory_space<vmem_shared>>) target(%dma_start3A_1539 : memref<100x128xf32, #tpu.memory_space<vmem>>) offsets(%dma_start3A_1542 : memref<100xi32, #tpu.memory_space<vmem>>) semaphore(%arg13 : memref<!tpu.dma_semaphore, #tpu.memory_space<semaphore_mem>>)
      %dma_start3A_1546 = arith.constant 1 : i32
      %dma_start3A_1547 = arith.constant 1 : i32
      %dma_start3A_1548 = arith.constant 100 : i32
      %dma_start3A_1549 = arith.constant 0 : i32
      %dma_start3A_1550 = tpu.memref_slice %arg8[%dma_start3A_1547, %dma_start3A_1548, %dma_start3A_1549] : memref<3x200x128xf32, #tpu.memory_space<vmem>> -> memref<1x100x128xf32, #tpu.memory_space<vmem>>
      %dma_start3A_1551 = tpu.memref_squeeze %dma_start3A_1550 : memref<1x100x128xf32, #tpu.memory_space<vmem>> -> memref<100x128xf32, #tpu.memory_space<vmem>>
      %dma_start3A_1552 = arith.constant 0 : i32
      %dma_start3A_1553 = tpu.memref_slice %arg10[%dma_start3A_1546, %dma_start3A_1552] : memref<3x100xi32, #tpu.memory_space<vmem>> -> memref<1x100xi32, #tpu.memory_space<vmem>>
      %dma_start3A_1554 = tpu.memref_squeeze %dma_start3A_1553 : memref<1x100xi32, #tpu.memory_space<vmem>> -> memref<100xi32, #tpu.memory_space<vmem>>
      %dma_start3A_1555 = arith.constant 0 : i32
      %dma_start3A_1556 = arith.constant 0 : i32
      %dma_start3A_1557 = tpu.memref_slice %arg11[%dma_start3A_1555, %dma_start3A_1556] : memref<2048x128xf32, #tpu.memory_space<vmem_shared>> -> memref<2048x128xf32, #tpu.memory_space<vmem_shared>>
      tpu.enqueue_indirect_dma source(%dma_start3A_1557 : memref<2048x128xf32, #tpu.memory_space<vmem_shared>>) target(%dma_start3A_1551 : memref<100x128xf32, #tpu.memory_space<vmem>>) offsets(%dma_start3A_1554 : memref<100xi32, #tpu.memory_space<vmem>>) semaphore(%arg13 : memref<!tpu.dma_semaphore, #tpu.memory_space<semaphore_mem>>)
      %dma_wait3A_1558 = arith.constant 0 : i32
      %dma_wait3A_1559 = arith.constant 0 : i32
      %dma_wait3A_1560 = arith.constant 0 : i32
      %dma_wait3A_1561 = arith.constant 0 : i32
      %dma_wait3A_1562 = tpu.memref_slice %arg8[%dma_wait3A_1559, %dma_wait3A_1560, %dma_wait3A_1561] : memref<3x200x128xf32, #tpu.memory_space<vmem>> -> memref<1x100x128xf32, #tpu.memory_space<vmem>>
      %dma_wait3A_1563 = tpu.memref_squeeze %dma_wait3A_1562 : memref<1x100x128xf32, #tpu.memory_space<vmem>> -> memref<100x128xf32, #tpu.memory_space<vmem>>
      %dma_wait3A_1564 = arith.constant 0 : i32
      %dma_wait3A_1565 = tpu.memref_slice %arg9[%dma_wait3A_1558, %dma_wait3A_1564] : memref<3x100xi32, #tpu.memory_space<vmem>> -> memref<1x100xi32, #tpu.memory_space<vmem>>
      %dma_wait3A_1566 = tpu.memref_squeeze %dma_wait3A_1565 : memref<1x100xi32, #tpu.memory_space<vmem>> -> memref<100xi32, #tpu.memory_space<vmem>>
      %dma_wait3A_1567 = arith.constant 0 : i32
      %dma_wait3A_1568 = arith.constant 0 : i32
      %dma_wait3A_1569 = tpu.memref_slice %arg11[%dma_wait3A_1567, %dma_wait3A_1568] : memref<2048x128xf32, #tpu.memory_space<vmem_shared>> -> memref<2048x128xf32, #tpu.memory_space<vmem_shared>>
      tpu.wait_indirect_dma semaphore(%arg12 : memref<!tpu.dma_semaphore, #tpu.memory_space<semaphore_mem>>) src(%dma_wait3A_1569 : memref<2048x128xf32, #tpu.memory_space<vmem_shared>>) dst(%dma_wait3A_1563 : memref<100x128xf32, #tpu.memory_space<vmem>>)
      %dma_wait3A_1570 = arith.constant 0 : i32
      %dma_wait3A_1571 = arith.constant 0 : i32
      %dma_wait3A_1572 = arith.constant 100 : i32
      %dma_wait3A_1573 = arith.constant 0 : i32
      %dma_wait3A_1574 = tpu.memref_slice %arg8[%dma_wait3A_1571, %dma_wait3A_1572, %dma_wait3A_1573] : memref<3x200x128xf32, #tpu.memory_space<vmem>> -> memref<1x100x128xf32, #tpu.memory_space<vmem>>
      %dma_wait3A_1575 = tpu.memref_squeeze %dma_wait3A_1574 : memref<1x100x128xf32, #tpu.memory_space<vmem>> -> memref<100x128xf32, #tpu.memory_space<vmem>>
      %dma_wait3A_1576 = arith.constant 0 : i32
      %dma_wait3A_1577 = tpu.memref_slice %arg10[%dma_wait3A_1570, %dma_wait3A_1576] : memref<3x100xi32, #tpu.memory_space<vmem>> -> memref<1x100xi32, #tpu.memory_space<vmem>>
      %dma_wait3A_1578 = tpu.memref_squeeze %dma_wait3A_1577 : memref<1x100xi32, #tpu.memory_space<vmem>> -> memref<100xi32, #tpu.memory_space<vmem>>
      %dma_wait3A_1579 = arith.constant 0 : i32
      %dma_wait3A_1580 = arith.constant 0 : i32
      %dma_wait3A_1581 = tpu.memref_slice %arg11[%dma_wait3A_1579, %dma_wait3A_1580] : memref<2048x128xf32, #tpu.memory_space<vmem_shared>> -> memref<2048x128xf32, #tpu.memory_space<vmem_shared>>
      tpu.wait_indirect_dma semaphore(%arg12 : memref<!tpu.dma_semaphore, #tpu.memory_space<semaphore_mem>>) src(%dma_wait3A_1581 : memref<2048x128xf32, #tpu.memory_space<vmem_shared>>) dst(%dma_wait3A_1575 : memref<100x128xf32, #tpu.memory_space<vmem>>)
      %scan3A_1582 = arith.constant 0 : i32
      %scan3A_1583 = arith.constant 0 : i32
      %scan3A_1584 = arith.constant 100 : i32
      %scan3A_1585 = arith.addi %scan3A_1583, %scan3A_1584 : i32
      %scan3A_1586 = arith.constant 1 : i32
      scf.for %scan3A_2122 = %scan3A_1583 to %scan3A_1585 step %scan3A_1586  : i32 {
        %mul3A_2123 = arith.constant 2 : i32
        %mul3A_2124 = arith.muli %mul3A_2123, %scan3A_2122 : i32
        %add3A_2125 = arith.constant 0 : i32
        %add3A_2126 = arith.addi %mul3A_2124, %add3A_2125 : i32
        %mul3A_2127 = arith.constant 2 : i32
        %mul3A_2128 = arith.muli %mul3A_2127, %scan3A_2122 : i32
        %add3A_2129 = arith.constant 0 : i32
        %add3A_2130 = arith.addi %mul3A_2128, %add3A_2129 : i32
        %get3A_2131 = arith.index_cast %add3A_2130 : i32 to index
        %get3A_2132 = arith.constant 0 : index
        %get3A_2133 = tpu.vector_load %arg7[%get3A_2131, %get3A_2132] {strides = array<i32>} : memref<200x128xf32, #tpu.memory_space<vmem>>, vector<1x16xf32>,
        %get3A_2134 = vector.shape_cast %get3A_2133 : vector<1x16xf32> to vector<16xf32>
        %swap3A_2135 = arith.constant 0 : i32
        %swap3A_2136 = arith.index_cast %swap3A_2135 : i32 to index
        %swap3A_2137 = arith.index_cast %add3A_2126 : i32 to index
        %swap3A_2138 = arith.constant 0 : index
        %swap3A_2139 = tpu.vector_load %arg8[%swap3A_2136, %swap3A_2137, %swap3A_2138] {strides = array<i32>} : memref<3x200x128xf32, #tpu.memory_space<vmem>>, vector<1x1x16xf32>,
        %swap3A_2140 = vector.shape_cast %swap3A_2139 : vector<1x1x16xf32> to vector<16xf32>
        %swap3A_2141 = vector.shape_cast %get3A_2134 : vector<16xf32> to vector<1x1x16xf32>
        tpu.vector_store %arg8[%swap3A_2136, %swap3A_2137, %swap3A_2138], %swap3A_2141 {add = true, strides = array<i32>} : memref<3x200x128xf32, #tpu.memory_space<vmem>>, vector<1x1x16xf32>,
        %mul3A_2142 = arith.constant 2 : i32
        %mul3A_2143 = arith.muli %mul3A_2142, %scan3A_2122 : i32
        %add3A_2144 = arith.constant 0 : i32
        %add3A_2145 = arith.addi %mul3A_2143, %add3A_2144 : i32
        %mul3A_2146 = arith.constant 2 : i32
        %mul3A_2147 = arith.muli %mul3A_2146, %scan3A_2122 : i32
        %add3A_2148 = arith.constant 0 : i32
        %add3A_2149 = arith.addi %mul3A_2147, %add3A_2148 : i32
        %get3A_2150 = arith.index_cast %add3A_2149 : i32 to index
        %get3A_2151 = arith.constant 16 : index
        %get3A_2152 = tpu.vector_load %arg7[%get3A_2150, %get3A_2151] {strides = array<i32>} : memref<200x128xf32, #tpu.memory_space<vmem>>, vector<1x16xf32>,
        %get3A_2153 = vector.shape_cast %get3A_2152 : vector<1x16xf32> to vector<16xf32>
        %swap3A_2154 = arith.constant 0 : i32
        %swap3A_2155 = arith.index_cast %swap3A_2154 : i32 to index
        %swap3A_2156 = arith.index_cast %add3A_2145 : i32 to index
        %swap3A_2157 = arith.constant 16 : index
        %swap3A_2158 = tpu.vector_load %arg8[%swap3A_2155, %swap3A_2156, %swap3A_2157] {strides = array<i32>} : memref<3x200x128xf32, #tpu.memory_space<vmem>>, vector<1x1x16xf32>,
        %swap3A_2159 = vector.shape_cast %swap3A_2158 : vector<1x1x16xf32> to vector<16xf32>
        %swap3A_2160 = vector.shape_cast %get3A_2153 : vector<16xf32> to vector<1x1x16xf32>
        tpu.vector_store %arg8[%swap3A_2155, %swap3A_2156, %swap3A_2157], %swap3A_2160 {add = true, strides = array<i32>} : memref<3x200x128xf32, #tpu.memory_space<vmem>>, vector<1x1x16xf32>,
        %mul3A_2161 = arith.constant 2 : i32
        %mul3A_2162 = arith.muli %mul3A_2161, %scan3A_2122 : i32
        %add3A_2163 = arith.constant 0 : i32
        %add3A_2164 = arith.addi %mul3A_2162, %add3A_2163 : i32
        %mul3A_2165 = arith.constant 2 : i32
        %mul3A_2166 = arith.muli %mul3A_2165, %scan3A_2122 : i32
        %add3A_2167 = arith.constant 0 : i32
        %add3A_2168 = arith.addi %mul3A_2166, %add3A_2167 : i32
        %get3A_2169 = arith.index_cast %add3A_2168 : i32 to index
        %get3A_2170 = arith.constant 32 : index
        %get3A_2171 = tpu.vector_load %arg7[%get3A_2169, %get3A_2170] {strides = array<i32>} : memref<200x128xf32, #tpu.memory_space<vmem>>, vector<1x16xf32>,
        %get3A_2172 = vector.shape_cast %get3A_2171 : vector<1x16xf32> to vector<16xf32>
        %swap3A_2173 = arith.constant 0 : i32
        %swap3A_2174 = arith.index_cast %swap3A_2173 : i32 to index
        %swap3A_2175 = arith.index_cast %add3A_2164 : i32 to index
        %swap3A_2176 = arith.constant 32 : index
        %swap3A_2177 = tpu.vector_load %arg8[%swap3A_2174, %swap3A_2175, %swap3A_2176] {strides = array<i32>} : memref<3x200x128xf32, #tpu.memory_space<vmem>>, vector<1x1x16xf32>,
        %swap3A_2178 = vector.shape_cast %swap3A_2177 : vector<1x1x16xf32> to vector<16xf32>
        %swap3A_2179 = vector.shape_cast %get3A_2172 : vector<16xf32> to vector<1x1x16xf32>
        tpu.vector_store %arg8[%swap3A_2174, %swap3A_2175, %swap3A_2176], %swap3A_2179 {add = true, strides = array<i32>} : memref<3x200x128xf32, #tpu.memory_space<vmem>>, vector<1x1x16xf32>,
        %mul3A_2180 = arith.constant 2 : i32
        %mul3A_2181 = arith.muli %mul3A_2180, %scan3A_2122 : i32
        %add3A_2182 = arith.constant 0 : i32
        %add3A_2183 = arith.addi %mul3A_2181, %add3A_2182 : i32
        %mul3A_2184 = arith.constant 2 : i32
        %mul3A_2185 = arith.muli %mul3A_2184, %scan3A_2122 : i32
        %add3A_2186 = arith.constant 0 : i32
        %add3A_2187 = arith.addi %mul3A_2185, %add3A_2186 : i32
        %get3A_2188 = arith.index_cast %add3A_2187 : i32 to index
        %get3A_2189 = arith.constant 48 : index
        %get3A_2190 = tpu.vector_load %arg7[%get3A_2188, %get3A_2189] {strides = array<i32>} : memref<200x128xf32, #tpu.memory_space<vmem>>, vector<1x16xf32>,
        %get3A_2191 = vector.shape_cast %get3A_2190 : vector<1x16xf32> to vector<16xf32>
        %swap3A_2192 = arith.constant 0 : i32
        %swap3A_2193 = arith.index_cast %swap3A_2192 : i32 to index
        %swap3A_2194 = arith.index_cast %add3A_2183 : i32 to index
        %swap3A_2195 = arith.constant 48 : index
        %swap3A_2196 = tpu.vector_load %arg8[%swap3A_2193, %swap3A_2194, %swap3A_2195] {strides = array<i32>} : memref<3x200x128xf32, #tpu.memory_space<vmem>>, vector<1x1x16xf32>,
        %swap3A_2197 = vector.shape_cast %swap3A_2196 : vector<1x1x16xf32> to vector<16xf32>
        %swap3A_2198 = vector.shape_cast %get3A_2191 : vector<16xf32> to vector<1x1x16xf32>
        tpu.vector_store %arg8[%swap3A_2193, %swap3A_2194, %swap3A_2195], %swap3A_2198 {add = true, strides = array<i32>} : memref<3x200x128xf32, #tpu.memory_space<vmem>>, vector<1x1x16xf32>,
        %mul3A_2199 = arith.constant 2 : i32
        %mul3A_2200 = arith.muli %mul3A_2199, %scan3A_2122 : i32
        %add3A_2201 = arith.constant 0 : i32
        %add3A_2202 = arith.addi %mul3A_2200, %add3A_2201 : i32
        %mul3A_2203 = arith.constant 2 : i32
        %mul3A_2204 = arith.muli %mul3A_2203, %scan3A_2122 : i32
        %add3A_2205 = arith.constant 0 : i32
        %add3A_2206 = arith.addi %mul3A_2204, %add3A_2205 : i32
        %get3A_2207 = arith.index_cast %add3A_2206 : i32 to index
        %get3A_2208 = arith.constant 64 : index
        %get3A_2209 = tpu.vector_load %arg7[%get3A_2207, %get3A_2208] {strides = array<i32>} : memref<200x128xf32, #tpu.memory_space<vmem>>, vector<1x16xf32>,
        %get3A_2210 = vector.shape_cast %get3A_2209 : vector<1x16xf32> to vector<16xf32>
        %swap3A_2211 = arith.constant 0 : i32
        %swap3A_2212 = arith.index_cast %swap3A_2211 : i32 to index
        %swap3A_2213 = arith.index_cast %add3A_2202 : i32 to index
        %swap3A_2214 = arith.constant 64 : index
        %swap3A_2215 = tpu.vector_load %arg8[%swap3A_2212, %swap3A_2213, %swap3A_2214] {strides = array<i32>} : memref<3x200x128xf32, #tpu.memory_space<vmem>>, vector<1x1x16xf32>,
        %swap3A_2216 = vector.shape_cast %swap3A_2215 : vector<1x1x16xf32> to vector<16xf32>
        %swap3A_2217 = vector.shape_cast %get3A_2210 : vector<16xf32> to vector<1x1x16xf32>
        tpu.vector_store %arg8[%swap3A_2212, %swap3A_2213, %swap3A_2214], %swap3A_2217 {add = true, strides = array<i32>} : memref<3x200x128xf32, #tpu.memory_space<vmem>>, vector<1x1x16xf32>,
        %mul3A_2218 = arith.constant 2 : i32
        %mul3A_2219 = arith.muli %mul3A_2218, %scan3A_2122 : i32
        %add3A_2220 = arith.constant 0 : i32
        %add3A_2221 = arith.addi %mul3A_2219, %add3A_2220 : i32
        %mul3A_2222 = arith.constant 2 : i32
        %mul3A_2223 = arith.muli %mul3A_2222, %scan3A_2122 : i32
        %add3A_2224 = arith.constant 0 : i32
        %add3A_2225 = arith.addi %mul3A_2223, %add3A_2224 : i32
        %get3A_2226 = arith.index_cast %add3A_2225 : i32 to index
        %get3A_2227 = arith.constant 80 : index
        %get3A_2228 = tpu.vector_load %arg7[%get3A_2226, %get3A_2227] {strides = array<i32>} : memref<200x128xf32, #tpu.memory_space<vmem>>, vector<1x16xf32>,
        %get3A_2229 = vector.shape_cast %get3A_2228 : vector<1x16xf32> to vector<16xf32>
        %swap3A_2230 = arith.constant 0 : i32
        %swap3A_2231 = arith.index_cast %swap3A_2230 : i32 to index
        %swap3A_2232 = arith.index_cast %add3A_2221 : i32 to index
        %swap3A_2233 = arith.constant 80 : index
        %swap3A_2234 = tpu.vector_load %arg8[%swap3A_2231, %swap3A_2232, %swap3A_2233] {strides = array<i32>} : memref<3x200x128xf32, #tpu.memory_space<vmem>>, vector<1x1x16xf32>,
        %swap3A_2235 = vector.shape_cast %swap3A_2234 : vector<1x1x16xf32> to vector<16xf32>
        %swap3A_2236 = vector.shape_cast %get3A_2229 : vector<16xf32> to vector<1x1x16xf32>
        tpu.vector_store %arg8[%swap3A_2231, %swap3A_2232, %swap3A_2233], %swap3A_2236 {add = true, strides = array<i32>} : memref<3x200x128xf32, #tpu.memory_space<vmem>>, vector<1x1x16xf32>,
        %mul3A_2237 = arith.constant 2 : i32
        %mul3A_2238 = arith.muli %mul3A_2237, %scan3A_2122 : i32
        %add3A_2239 = arith.constant 0 : i32
        %add3A_2240 = arith.addi %mul3A_2238, %add3A_2239 : i32
        %mul3A_2241 = arith.constant 2 : i32
        %mul3A_2242 = arith.muli %mul3A_2241, %scan3A_2122 : i32
        %add3A_2243 = arith.constant 0 : i32
        %add3A_2244 = arith.addi %mul3A_2242, %add3A_2243 : i32
        %get3A_2245 = arith.index_cast %add3A_2244 : i32 to index
        %get3A_2246 = arith.constant 96 : index
        %get3A_2247 = tpu.vector_load %arg7[%get3A_2245, %get3A_2246] {strides = array<i32>} : memref<200x128xf32, #tpu.memory_space<vmem>>, vector<1x16xf32>,
        %get3A_2248 = vector.shape_cast %get3A_2247 : vector<1x16xf32> to vector<16xf32>
        %swap3A_2249 = arith.constant 0 : i32
        %swap3A_2250 = arith.index_cast %swap3A_2249 : i32 to index
        %swap3A_2251 = arith.index_cast %add3A_2240 : i32 to index
        %swap3A_2252 = arith.constant 96 : index
        %swap3A_2253 = tpu.vector_load %arg8[%swap3A_2250, %swap3A_2251, %swap3A_2252] {strides = array<i32>} : memref<3x200x128xf32, #tpu.memory_space<vmem>>, vector<1x1x16xf32>,
        %swap3A_2254 = vector.shape_cast %swap3A_2253 : vector<1x1x16xf32> to vector<16xf32>
        %swap3A_2255 = vector.shape_cast %get3A_2248 : vector<16xf32> to vector<1x1x16xf32>
        tpu.vector_store %arg8[%swap3A_2250, %swap3A_2251, %swap3A_2252], %swap3A_2255 {add = true, strides = array<i32>} : memref<3x200x128xf32, #tpu.memory_space<vmem>>, vector<1x1x16xf32>,
        %mul3A_2256 = arith.constant 2 : i32
        %mul3A_2257 = arith.muli %mul3A_2256, %scan3A_2122 : i32
        %add3A_2258 = arith.constant 0 : i32
        %add3A_2259 = arith.addi %mul3A_2257, %add3A_2258 : i32
        %mul3A_2260 = arith.constant 2 : i32
        %mul3A_2261 = arith.muli %mul3A_2260, %scan3A_2122 : i32
        %add3A_2262 = arith.constant 0 : i32
        %add3A_2263 = arith.addi %mul3A_2261, %add3A_2262 : i32
        %get3A_2264 = arith.index_cast %add3A_2263 : i32 to index
        %get3A_2265 = arith.constant 112 : index
        %get3A_2266 = tpu.vector_load %arg7[%get3A_2264, %get3A_2265] {strides = array<i32>} : memref<200x128xf32, #tpu.memory_space<vmem>>, vector<1x16xf32>,
        %get3A_2267 = vector.shape_cast %get3A_2266 : vector<1x16xf32> to vector<16xf32>
        %swap3A_2268 = arith.constant 0 : i32
        %swap3A_2269 = arith.index_cast %swap3A_2268 : i32 to index
        %swap3A_2270 = arith.index_cast %add3A_2259 : i32 to index
        %swap3A_2271 = arith.constant 112 : index
        %swap3A_2272 = tpu.vector_load %arg8[%swap3A_2269, %swap3A_2270, %swap3A_2271] {strides = array<i32>} : memref<3x200x128xf32, #tpu.memory_space<vmem>>, vector<1x1x16xf32>,
        %swap3A_2273 = vector.shape_cast %swap3A_2272 : vector<1x1x16xf32> to vector<16xf32>
        %swap3A_2274 = vector.shape_cast %get3A_2267 : vector<16xf32> to vector<1x1x16xf32>
        tpu.vector_store %arg8[%swap3A_2269, %swap3A_2270, %swap3A_2271], %swap3A_2274 {add = true, strides = array<i32>} : memref<3x200x128xf32, #tpu.memory_space<vmem>>, vector<1x1x16xf32>,
        %mul3A_2275 = arith.constant 2 : i32
        %mul3A_2276 = arith.muli %mul3A_2275, %scan3A_2122 : i32
        %add3A_2277 = arith.constant 1 : i32
        %add3A_2278 = arith.addi %mul3A_2276, %add3A_2277 : i32
        %mul3A_2279 = arith.constant 2 : i32
        %mul3A_2280 = arith.muli %mul3A_2279, %scan3A_2122 : i32
        %add3A_2281 = arith.constant 1 : i32
        %add3A_2282 = arith.addi %mul3A_2280, %add3A_2281 : i32
        %get3A_2283 = arith.index_cast %add3A_2282 : i32 to index
        %get3A_2284 = arith.constant 0 : index
        %get3A_2285 = tpu.vector_load %arg7[%get3A_2283, %get3A_2284] {strides = array<i32>} : memref<200x128xf32, #tpu.memory_space<vmem>>, vector<1x16xf32>,
        %get3A_2286 = vector.shape_cast %get3A_2285 : vector<1x16xf32> to vector<16xf32>
        %swap3A_2287 = arith.constant 0 : i32
        %swap3A_2288 = arith.index_cast %swap3A_2287 : i32 to index
        %swap3A_2289 = arith.index_cast %add3A_2278 : i32 to index
        %swap3A_2290 = arith.constant 0 : index
        %swap3A_2291 = tpu.vector_load %arg8[%swap3A_2288, %swap3A_2289, %swap3A_2290] {strides = array<i32>} : memref<3x200x128xf32, #tpu.memory_space<vmem>>, vector<1x1x16xf32>,
        %swap3A_2292 = vector.shape_cast %swap3A_2291 : vector<1x1x16xf32> to vector<16xf32>
        %swap3A_2293 = vector.shape_cast %get3A_2286 : vector<16xf32> to vector<1x1x16xf32>
        tpu.vector_store %arg8[%swap3A_2288, %swap3A_2289, %swap3A_2290], %swap3A_2293 {add = true, strides = array<i32>} : memref<3x200x128xf32, #tpu.memory_space<vmem>>, vector<1x1x16xf32>,
        %mul3A_2294 = arith.constant 2 : i32
        %mul3A_2295 = arith.muli %mul3A_2294, %scan3A_2122 : i32
        %add3A_2296 = arith.constant 1 : i32
        %add3A_2297 = arith.addi %mul3A_2295, %add3A_2296 : i32
        %mul3A_2298 = arith.constant 2 : i32
        %mul3A_2299 = arith.muli %mul3A_2298, %scan3A_2122 : i32
        %add3A_2300 = arith.constant 1 : i32
        %add3A_2301 = arith.addi %mul3A_2299, %add3A_2300 : i32
        %get3A_2302 = arith.index_cast %add3A_2301 : i32 to index
        %get3A_2303 = arith.constant 16 : index
        %get3A_2304 = tpu.vector_load %arg7[%get3A_2302, %get3A_2303] {strides = array<i32>} : memref<200x128xf32, #tpu.memory_space<vmem>>, vector<1x16xf32>,
        %get3A_2305 = vector.shape_cast %get3A_2304 : vector<1x16xf32> to vector<16xf32>
        %swap3A_2306 = arith.constant 0 : i32
        %swap3A_2307 = arith.index_cast %swap3A_2306 : i32 to index
        %swap3A_2308 = arith.index_cast %add3A_2297 : i32 to index
        %swap3A_2309 = arith.constant 16 : index
        %swap3A_2310 = tpu.vector_load %arg8[%swap3A_2307, %swap3A_2308, %swap3A_2309] {strides = array<i32>} : memref<3x200x128xf32, #tpu.memory_space<vmem>>, vector<1x1x16xf32>,
        %swap3A_2311 = vector.shape_cast %swap3A_2310 : vector<1x1x16xf32> to vector<16xf32>
        %swap3A_2312 = vector.shape_cast %get3A_2305 : vector<16xf32> to vector<1x1x16xf32>
        tpu.vector_store %arg8[%swap3A_2307, %swap3A_2308, %swap3A_2309], %swap3A_2312 {add = true, strides = array<i32>} : memref<3x200x128xf32, #tpu.memory_space<vmem>>, vector<1x1x16xf32>,
        %mul3A_2313 = arith.constant 2 : i32
        %mul3A_2314 = arith.muli %mul3A_2313, %scan3A_2122 : i32
        %add3A_2315 = arith.constant 1 : i32
        %add3A_2316 = arith.addi %mul3A_2314, %add3A_2315 : i32
        %mul3A_2317 = arith.constant 2 : i32
        %mul3A_2318 = arith.muli %mul3A_2317, %scan3A_2122 : i32
        %add3A_2319 = arith.constant 1 : i32
        %add3A_2320 = arith.addi %mul3A_2318, %add3A_2319 : i32
        %get3A_2321 = arith.index_cast %add3A_2320 : i32 to index
        %get3A_2322 = arith.constant 32 : index
        %get3A_2323 = tpu.vector_load %arg7[%get3A_2321, %get3A_2322] {strides = array<i32>} : memref<200x128xf32, #tpu.memory_space<vmem>>, vector<1x16xf32>,
        %get3A_2324 = vector.shape_cast %get3A_2323 : vector<1x16xf32> to vector<16xf32>
        %swap3A_2325 = arith.constant 0 : i32
        %swap3A_2326 = arith.index_cast %swap3A_2325 : i32 to index
        %swap3A_2327 = arith.index_cast %add3A_2316 : i32 to index
        %swap3A_2328 = arith.constant 32 : index
        %swap3A_2329 = tpu.vector_load %arg8[%swap3A_2326, %swap3A_2327, %swap3A_2328] {strides = array<i32>} : memref<3x200x128xf32, #tpu.memory_space<vmem>>, vector<1x1x16xf32>,
        %swap3A_2330 = vector.shape_cast %swap3A_2329 : vector<1x1x16xf32> to vector<16xf32>
        %swap3A_2331 = vector.shape_cast %get3A_2324 : vector<16xf32> to vector<1x1x16xf32>
        tpu.vector_store %arg8[%swap3A_2326, %swap3A_2327, %swap3A_2328], %swap3A_2331 {add = true, strides = array<i32>} : memref<3x200x128xf32, #tpu.memory_space<vmem>>, vector<1x1x16xf32>,
        %mul3A_2332 = arith.constant 2 : i32
        %mul3A_2333 = arith.muli %mul3A_2332, %scan3A_2122 : i32
        %add3A_2334 = arith.constant 1 : i32
        %add3A_2335 = arith.addi %mul3A_2333, %add3A_2334 : i32
        %mul3A_2336 = arith.constant 2 : i32
        %mul3A_2337 = arith.muli %mul3A_2336, %scan3A_2122 : i32
        %add3A_2338 = arith.constant 1 : i32
        %add3A_2339 = arith.addi %mul3A_2337, %add3A_2338 : i32
        %get3A_2340 = arith.index_cast %add3A_2339 : i32 to index
        %get3A_2341 = arith.constant 48 : index
        %get3A_2342 = tpu.vector_load %arg7[%get3A_2340, %get3A_2341] {strides = array<i32>} : memref<200x128xf32, #tpu.memory_space<vmem>>, vector<1x16xf32>,
        %get3A_2343 = vector.shape_cast %get3A_2342 : vector<1x16xf32> to vector<16xf32>
        %swap3A_2344 = arith.constant 0 : i32
        %swap3A_2345 = arith.index_cast %swap3A_2344 : i32 to index
        %swap3A_2346 = arith.index_cast %add3A_2335 : i32 to index
        %swap3A_2347 = arith.constant 48 : index
        %swap3A_2348 = tpu.vector_load %arg8[%swap3A_2345, %swap3A_2346, %swap3A_2347] {strides = array<i32>} : memref<3x200x128xf32, #tpu.memory_space<vmem>>, vector<1x1x16xf32>,
        %swap3A_2349 = vector.shape_cast %swap3A_2348 : vector<1x1x16xf32> to vector<16xf32>
        %swap3A_2350 = vector.shape_cast %get3A_2343 : vector<16xf32> to vector<1x1x16xf32>
        tpu.vector_store %arg8[%swap3A_2345, %swap3A_2346, %swap3A_2347], %swap3A_2350 {add = true, strides = array<i32>} : memref<3x200x128xf32, #tpu.memory_space<vmem>>, vector<1x1x16xf32>,
        %mul3A_2351 = arith.constant 2 : i32
        %mul3A_2352 = arith.muli %mul3A_2351, %scan3A_2122 : i32
        %add3A_2353 = arith.constant 1 : i32
        %add3A_2354 = arith.addi %mul3A_2352, %add3A_2353 : i32
        %mul3A_2355 = arith.constant 2 : i32
        %mul3A_2356 = arith.muli %mul3A_2355, %scan3A_2122 : i32
        %add3A_2357 = arith.constant 1 : i32
        %add3A_2358 = arith.addi %mul3A_2356, %add3A_2357 : i32
        %get3A_2359 = arith.index_cast %add3A_2358 : i32 to index
        %get3A_2360 = arith.constant 64 : index
        %get3A_2361 = tpu.vector_load %arg7[%get3A_2359, %get3A_2360] {strides = array<i32>} : memref<200x128xf32, #tpu.memory_space<vmem>>, vector<1x16xf32>,
        %get3A_2362 = vector.shape_cast %get3A_2361 : vector<1x16xf32> to vector<16xf32>
        %swap3A_2363 = arith.constant 0 : i32
        %swap3A_2364 = arith.index_cast %swap3A_2363 : i32 to index
        %swap3A_2365 = arith.index_cast %add3A_2354 : i32 to index
        %swap3A_2366 = arith.constant 64 : index
        %swap3A_2367 = tpu.vector_load %arg8[%swap3A_2364, %swap3A_2365, %swap3A_2366] {strides = array<i32>} : memref<3x200x128xf32, #tpu.memory_space<vmem>>, vector<1x1x16xf32>,
        %swap3A_2368 = vector.shape_cast %swap3A_2367 : vector<1x1x16xf32> to vector<16xf32>
        %swap3A_2369 = vector.shape_cast %get3A_2362 : vector<16xf32> to vector<1x1x16xf32>
        tpu.vector_store %arg8[%swap3A_2364, %swap3A_2365, %swap3A_2366], %swap3A_2369 {add = true, strides = array<i32>} : memref<3x200x128xf32, #tpu.memory_space<vmem>>, vector<1x1x16xf32>,
        %mul3A_2370 = arith.constant 2 : i32
        %mul3A_2371 = arith.muli %mul3A_2370, %scan3A_2122 : i32
        %add3A_2372 = arith.constant 1 : i32
        %add3A_2373 = arith.addi %mul3A_2371, %add3A_2372 : i32
        %mul3A_2374 = arith.constant 2 : i32
        %mul3A_2375 = arith.muli %mul3A_2374, %scan3A_2122 : i32
        %add3A_2376 = arith.constant 1 : i32
        %add3A_2377 = arith.addi %mul3A_2375, %add3A_2376 : i32
        %get3A_2378 = arith.index_cast %add3A_2377 : i32 to index
        %get3A_2379 = arith.constant 80 : index
        %get3A_2380 = tpu.vector_load %arg7[%get3A_2378, %get3A_2379] {strides = array<i32>} : memref<200x128xf32, #tpu.memory_space<vmem>>, vector<1x16xf32>,
        %get3A_2381 = vector.shape_cast %get3A_2380 : vector<1x16xf32> to vector<16xf32>
        %swap3A_2382 = arith.constant 0 : i32
        %swap3A_2383 = arith.index_cast %swap3A_2382 : i32 to index
        %swap3A_2384 = arith.index_cast %add3A_2373 : i32 to index
        %swap3A_2385 = arith.constant 80 : index
        %swap3A_2386 = tpu.vector_load %arg8[%swap3A_2383, %swap3A_2384, %swap3A_2385] {strides = array<i32>} : memref<3x200x128xf32, #tpu.memory_space<vmem>>, vector<1x1x16xf32>,
        %swap3A_2387 = vector.shape_cast %swap3A_2386 : vector<1x1x16xf32> to vector<16xf32>
        %swap3A_2388 = vector.shape_cast %get3A_2381 : vector<16xf32> to vector<1x1x16xf32>
        tpu.vector_store %arg8[%swap3A_2383, %swap3A_2384, %swap3A_2385], %swap3A_2388 {add = true, strides = array<i32>} : memref<3x200x128xf32, #tpu.memory_space<vmem>>, vector<1x1x16xf32>,
        %mul3A_2389 = arith.constant 2 : i32
        %mul3A_2390 = arith.muli %mul3A_2389, %scan3A_2122 : i32
        %add3A_2391 = arith.constant 1 : i32
        %add3A_2392 = arith.addi %mul3A_2390, %add3A_2391 : i32
        %mul3A_2393 = arith.constant 2 : i32
        %mul3A_2394 = arith.muli %mul3A_2393, %scan3A_2122 : i32
        %add3A_2395 = arith.constant 1 : i32
        %add3A_2396 = arith.addi %mul3A_2394, %add3A_2395 : i32
        %get3A_2397 = arith.index_cast %add3A_2396 : i32 to index
        %get3A_2398 = arith.constant 96 : index
        %get3A_2399 = tpu.vector_load %arg7[%get3A_2397, %get3A_2398] {strides = array<i32>} : memref<200x128xf32, #tpu.memory_space<vmem>>, vector<1x16xf32>,
        %get3A_2400 = vector.shape_cast %get3A_2399 : vector<1x16xf32> to vector<16xf32>
        %swap3A_2401 = arith.constant 0 : i32
        %swap3A_2402 = arith.index_cast %swap3A_2401 : i32 to index
        %swap3A_2403 = arith.index_cast %add3A_2392 : i32 to index
        %swap3A_2404 = arith.constant 96 : index
        %swap3A_2405 = tpu.vector_load %arg8[%swap3A_2402, %swap3A_2403, %swap3A_2404] {strides = array<i32>} : memref<3x200x128xf32, #tpu.memory_space<vmem>>, vector<1x1x16xf32>,
        %swap3A_2406 = vector.shape_cast %swap3A_2405 : vector<1x1x16xf32> to vector<16xf32>
        %swap3A_2407 = vector.shape_cast %get3A_2400 : vector<16xf32> to vector<1x1x16xf32>
        tpu.vector_store %arg8[%swap3A_2402, %swap3A_2403, %swap3A_2404], %swap3A_2407 {add = true, strides = array<i32>} : memref<3x200x128xf32, #tpu.memory_space<vmem>>, vector<1x1x16xf32>,
        %mul3A_2408 = arith.constant 2 : i32
        %mul3A_2409 = arith.muli %mul3A_2408, %scan3A_2122 : i32
        %add3A_2410 = arith.constant 1 : i32
        %add3A_2411 = arith.addi %mul3A_2409, %add3A_2410 : i32
        %mul3A_2412 = arith.constant 2 : i32
        %mul3A_2413 = arith.muli %mul3A_2412, %scan3A_2122 : i32
        %add3A_2414 = arith.constant 1 : i32
        %add3A_2415 = arith.addi %mul3A_2413, %add3A_2414 : i32
        %get3A_2416 = arith.index_cast %add3A_2415 : i32 to index
        %get3A_2417 = arith.constant 112 : index
        %get3A_2418 = tpu.vector_load %arg7[%get3A_2416, %get3A_2417] {strides = array<i32>} : memref<200x128xf32, #tpu.memory_space<vmem>>, vector<1x16xf32>,
        %get3A_2419 = vector.shape_cast %get3A_2418 : vector<1x16xf32> to vector<16xf32>
        %swap3A_2420 = arith.constant 0 : i32
        %swap3A_2421 = arith.index_cast %swap3A_2420 : i32 to index
        %swap3A_2422 = arith.index_cast %add3A_2411 : i32 to index
        %swap3A_2423 = arith.constant 112 : index
        %swap3A_2424 = tpu.vector_load %arg8[%swap3A_2421, %swap3A_2422, %swap3A_2423] {strides = array<i32>} : memref<3x200x128xf32, #tpu.memory_space<vmem>>, vector<1x1x16xf32>,
        %swap3A_2425 = vector.shape_cast %swap3A_2424 : vector<1x1x16xf32> to vector<16xf32>
        %swap3A_2426 = vector.shape_cast %get3A_2419 : vector<16xf32> to vector<1x1x16xf32>
        tpu.vector_store %arg8[%swap3A_2421, %swap3A_2422, %swap3A_2423], %swap3A_2426 {add = true, strides = array<i32>} : memref<3x200x128xf32, #tpu.memory_space<vmem>>, vector<1x1x16xf32>,
      }
      %scan3A_1587 = arith.constant 100 : i32
      %mul3A_1588 = arith.constant 200 : i32
      %mul3A_1589 = arith.muli %add3A_1346, %mul3A_1588 : i32
      %add3A_1590 = arith.addi %mul3A_6, %mul3A_1589 : i32
      %dma_start3A_1591 = arith.constant 0 : i32
      %dma_start3A_1592 = arith.constant 0 : i32
      %dma_start3A_1593 = arith.constant 0 : i32
      %dma_start3A_1594 = tpu.memref_slice %arg8[%dma_start3A_1591, %dma_start3A_1592, %dma_start3A_1593] : memref<3x200x128xf32, #tpu.memory_space<vmem>> -> memref<1x200x128xf32, #tpu.memory_space<vmem>>
      %dma_start3A_1595 = tpu.memref_squeeze %dma_start3A_1594 : memref<1x200x128xf32, #tpu.memory_space<vmem>> -> memref<200x128xf32, #tpu.memory_space<vmem>>
      %dma_start3A_1596 = arith.constant 0 : i32
      %dma_start3A_1597 = tpu.memref_slice %arg5[%add3A_1590, %dma_start3A_1596] : memref<204800x128xf32, #tpu.memory_space<hbm>> -> memref<200x128xf32, #tpu.memory_space<hbm>>
      %dma_start3A_1598 = arith.constant 0 : i32
      %dma_start3A_1599 = tpu.memref_slice %arg5[%add3A_1590, %dma_start3A_1598] : memref<204800x128xf32, #tpu.memory_space<hbm>> -> memref<200x128xf32, #tpu.memory_space<hbm>>
      %dma_start3A_1600 = arith.constant 0 : i32
      %dma_start3A_1601 = arith.constant 0 : i32
      %dma_start3A_1602 = tpu.memref_slice %arg8[%dma_start3A_1591, %dma_start3A_1600, %dma_start3A_1601] : memref<3x200x128xf32, #tpu.memory_space<vmem>> -> memref<1x200x128xf32, #tpu.memory_space<vmem>>
      %dma_start3A_1603 = tpu.memref_squeeze %dma_start3A_1602 : memref<1x200x128xf32, #tpu.memory_space<vmem>> -> memref<200x128xf32, #tpu.memory_space<vmem>>
      tpu.enqueue_dma source(%dma_start3A_1603 : memref<200x128xf32, #tpu.memory_space<vmem>>) target(%dma_start3A_1599 : memref<200x128xf32, #tpu.memory_space<hbm>>) target_semaphore(%arg15 : memref<!tpu.dma_semaphore, #tpu.memory_space<semaphore_mem>>)
      %add3A_1604 = arith.constant 1 : i32
      %add3A_1605 = arith.addi %add3A_1344, %add3A_1604 : i32
      %add3A_1606 = arith.constant 1 : i32
      %add3A_1607 = arith.addi %add3A_1344, %add3A_1606 : i32
      %add3A_1608 = arith.constant 1 : i32
      %add3A_1609 = arith.addi %add3A_1607, %add3A_1608 : i32
      %dma_wait3A_1610 = arith.constant 2 : i32
      %dma_wait3A_1611 = arith.constant 0 : i32
      %dma_wait3A_1612 = arith.constant 0 : i32
      %dma_wait3A_1613 = tpu.memref_slice %arg8[%dma_wait3A_1610, %dma_wait3A_1611, %dma_wait3A_1612] : memref<3x200x128xf32, #tpu.memory_space<vmem>> -> memref<1x200x128xf32, #tpu.memory_space<vmem>>
      %dma_wait3A_1614 = tpu.memref_squeeze %dma_wait3A_1613 : memref<1x200x128xf32, #tpu.memory_space<vmem>> -> memref<200x128xf32, #tpu.memory_space<vmem>>
      %dma_wait3A_1615 = arith.constant 0 : i32
      %dma_wait3A_1616 = arith.constant 0 : i32
      %dma_wait3A_1617 = tpu.memref_slice %arg5[%dma_wait3A_1615, %dma_wait3A_1616] : memref<204800x128xf32, #tpu.memory_space<hbm>> -> memref<200x128xf32, #tpu.memory_space<hbm>>
      %dma_wait3A_1618 = arith.constant 0 : i32
      %dma_wait3A_1619 = arith.constant 0 : i32
      %dma_wait3A_1620 = tpu.memref_slice %arg5[%dma_wait3A_1618, %dma_wait3A_1619] : memref<204800x128xf32, #tpu.memory_space<hbm>> -> memref<200x128xf32, #tpu.memory_space<hbm>>
      %dma_wait3A_1621 = arith.constant 0 : i32
      %dma_wait3A_1622 = arith.constant 0 : i32
      %dma_wait3A_1623 = tpu.memref_slice %arg8[%dma_wait3A_1610, %dma_wait3A_1621, %dma_wait3A_1622] : memref<3x200x128xf32, #tpu.memory_space<vmem>> -> memref<1x200x128xf32, #tpu.memory_space<vmem>>
      %dma_wait3A_1624 = tpu.memref_squeeze %dma_wait3A_1623 : memref<1x200x128xf32, #tpu.memory_space<vmem>> -> memref<200x128xf32, #tpu.memory_space<vmem>>
      tpu.wait_dma2 semaphore(%arg17 : memref<!tpu.dma_semaphore, #tpu.memory_space<semaphore_mem>>) src(%dma_wait3A_1624 : memref<200x128xf32, #tpu.memory_space<vmem>>) dst(%dma_wait3A_1620 : memref<200x128xf32, #tpu.memory_space<hbm>>)
      %get3A_1625 = arith.index_cast %add3A_1609 : i32 to index
      %get3A_1626 = arith.constant 0 : index
      %get3A_1627 = tpu.vector_load %arg6[%get3A_1625, %get3A_1626] {strides = array<i32>} : memref<32x200xi32, #tpu.memory_space<vmem>>, vector<1x16xi32>,
      %get3A_1628 = vector.shape_cast %get3A_1627 : vector<1x16xi32> to vector<16xi32>
      %add3A_1629 = vector.broadcast %mul3A_8 : i32 to vector<16xi32>
      %add3A_1630 = arith.addi %get3A_1628, %add3A_1629 : vector<16xi32>
      %swap3A_1631 = arith.constant 2 : i32
      %swap3A_1632 = arith.index_cast %swap3A_1631 : i32 to index
      %swap3A_1633 = arith.constant 0 : index
      %swap3A_1634 = tpu.vector_load %arg9[%swap3A_1632, %swap3A_1633] {strides = array<i32>} : memref<3x100xi32, #tpu.memory_space<vmem>>, vector<1x16xi32>,
      %swap3A_1635 = vector.shape_cast %swap3A_1634 : vector<1x16xi32> to vector<16xi32>
      %swap3A_1636 = vector.shape_cast %add3A_1630 : vector<16xi32> to vector<1x16xi32>
      tpu.vector_store %arg9[%swap3A_1632, %swap3A_1633], %swap3A_1636 {strides = array<i32>} : memref<3x100xi32, #tpu.memory_space<vmem>>, vector<1x16xi32>,
      %get3A_1637 = arith.index_cast %add3A_1609 : i32 to index
      %get3A_1638 = arith.constant 16 : index
      %get3A_1639 = tpu.vector_load %arg6[%get3A_1637, %get3A_1638] {strides = array<i32>} : memref<32x200xi32, #tpu.memory_space<vmem>>, vector<1x16xi32>,
      %get3A_1640 = vector.shape_cast %get3A_1639 : vector<1x16xi32> to vector<16xi32>
      %add3A_1641 = vector.broadcast %mul3A_8 : i32 to vector<16xi32>
      %add3A_1642 = arith.addi %get3A_1640, %add3A_1641 : vector<16xi32>
      %swap3A_1643 = arith.constant 2 : i32
      %swap3A_1644 = arith.index_cast %swap3A_1643 : i32 to index
      %swap3A_1645 = arith.constant 16 : index
      %swap3A_1646 = tpu.vector_load %arg9[%swap3A_1644, %swap3A_1645] {strides = array<i32>} : memref<3x100xi32, #tpu.memory_space<vmem>>, vector<1x16xi32>,
      %swap3A_1647 = vector.shape_cast %swap3A_1646 : vector<1x16xi32> to vector<16xi32>
      %swap3A_1648 = vector.shape_cast %add3A_1642 : vector<16xi32> to vector<1x16xi32>
      tpu.vector_store %arg9[%swap3A_1644, %swap3A_1645], %swap3A_1648 {strides = array<i32>} : memref<3x100xi32, #tpu.memory_space<vmem>>, vector<1x16xi32>,
      %get3A_1649 = arith.index_cast %add3A_1609 : i32 to index
      %get3A_1650 = arith.constant 32 : index
      %get3A_1651 = tpu.vector_load %arg6[%get3A_1649, %get3A_1650] {strides = array<i32>} : memref<32x200xi32, #tpu.memory_space<vmem>>, vector<1x16xi32>,
      %get3A_1652 = vector.shape_cast %get3A_1651 : vector<1x16xi32> to vector<16xi32>
      %add3A_1653 = vector.broadcast %mul3A_8 : i32 to vector<16xi32>
      %add3A_1654 = arith.addi %get3A_1652, %add3A_1653 : vector<16xi32>
      %swap3A_1655 = arith.constant 2 : i32
      %swap3A_1656 = arith.index_cast %swap3A_1655 : i32 to index
      %swap3A_1657 = arith.constant 32 : index
      %swap3A_1658 = tpu.vector_load %arg9[%swap3A_1656, %swap3A_1657] {strides = array<i32>} : memref<3x100xi32, #tpu.memory_space<vmem>>, vector<1x16xi32>,
      %swap3A_1659 = vector.shape_cast %swap3A_1658 : vector<1x16xi32> to vector<16xi32>
      %swap3A_1660 = vector.shape_cast %add3A_1654 : vector<16xi32> to vector<1x16xi32>
      tpu.vector_store %arg9[%swap3A_1656, %swap3A_1657], %swap3A_1660 {strides = array<i32>} : memref<3x100xi32, #tpu.memory_space<vmem>>, vector<1x16xi32>,
      %get3A_1661 = arith.index_cast %add3A_1609 : i32 to index
      %get3A_1662 = arith.constant 48 : index
      %get3A_1663 = tpu.vector_load %arg6[%get3A_1661, %get3A_1662] {strides = array<i32>} : memref<32x200xi32, #tpu.memory_space<vmem>>, vector<1x16xi32>,
      %get3A_1664 = vector.shape_cast %get3A_1663 : vector<1x16xi32> to vector<16xi32>
      %add3A_1665 = vector.broadcast %mul3A_8 : i32 to vector<16xi32>
      %add3A_1666 = arith.addi %get3A_1664, %add3A_1665 : vector<16xi32>
      %swap3A_1667 = arith.constant 2 : i32
      %swap3A_1668 = arith.index_cast %swap3A_1667 : i32 to index
      %swap3A_1669 = arith.constant 48 : index
      %swap3A_1670 = tpu.vector_load %arg9[%swap3A_1668, %swap3A_1669] {strides = array<i32>} : memref<3x100xi32, #tpu.memory_space<vmem>>, vector<1x16xi32>,
      %swap3A_1671 = vector.shape_cast %swap3A_1670 : vector<1x16xi32> to vector<16xi32>
      %swap3A_1672 = vector.shape_cast %add3A_1666 : vector<16xi32> to vector<1x16xi32>
      tpu.vector_store %arg9[%swap3A_1668, %swap3A_1669], %swap3A_1672 {strides = array<i32>} : memref<3x100xi32, #tpu.memory_space<vmem>>, vector<1x16xi32>,
      %get3A_1673 = arith.index_cast %add3A_1609 : i32 to index
      %get3A_1674 = arith.constant 64 : index
      %get3A_1675 = tpu.vector_load %arg6[%get3A_1673, %get3A_1674] {strides = array<i32>} : memref<32x200xi32, #tpu.memory_space<vmem>>, vector<1x16xi32>,
      %get3A_1676 = vector.shape_cast %get3A_1675 : vector<1x16xi32> to vector<16xi32>
      %add3A_1677 = vector.broadcast %mul3A_8 : i32 to vector<16xi32>
      %add3A_1678 = arith.addi %get3A_1676, %add3A_1677 : vector<16xi32>
      %swap3A_1679 = arith.constant 2 : i32
      %swap3A_1680 = arith.index_cast %swap3A_1679 : i32 to index
      %swap3A_1681 = arith.constant 64 : index
      %swap3A_1682 = tpu.vector_load %arg9[%swap3A_1680, %swap3A_1681] {strides = array<i32>} : memref<3x100xi32, #tpu.memory_space<vmem>>, vector<1x16xi32>,
      %swap3A_1683 = vector.shape_cast %swap3A_1682 : vector<1x16xi32> to vector<16xi32>
      %swap3A_1684 = vector.shape_cast %add3A_1678 : vector<16xi32> to vector<1x16xi32>
      tpu.vector_store %arg9[%swap3A_1680, %swap3A_1681], %swap3A_1684 {strides = array<i32>} : memref<3x100xi32, #tpu.memory_space<vmem>>, vector<1x16xi32>,
      %get3A_1685 = arith.index_cast %add3A_1609 : i32 to index
      %get3A_1686 = arith.constant 80 : index
      %get3A_1687 = tpu.vector_load %arg6[%get3A_1685, %get3A_1686] {strides = array<i32>} : memref<32x200xi32, #tpu.memory_space<vmem>>, vector<1x16xi32>,
      %get3A_1688 = vector.shape_cast %get3A_1687 : vector<1x16xi32> to vector<16xi32>
      %add3A_1689 = vector.broadcast %mul3A_8 : i32 to vector<16xi32>
      %add3A_1690 = arith.addi %get3A_1688, %add3A_1689 : vector<16xi32>
      %swap3A_1691 = arith.constant 2 : i32
      %swap3A_1692 = arith.index_cast %swap3A_1691 : i32 to index
      %swap3A_1693 = arith.constant 80 : index
      %swap3A_1694 = tpu.vector_load %arg9[%swap3A_1692, %swap3A_1693] {strides = array<i32>} : memref<3x100xi32, #tpu.memory_space<vmem>>, vector<1x16xi32>,
      %swap3A_1695 = vector.shape_cast %swap3A_1694 : vector<1x16xi32> to vector<16xi32>
      %swap3A_1696 = vector.shape_cast %add3A_1690 : vector<16xi32> to vector<1x16xi32>
      tpu.vector_store %arg9[%swap3A_1692, %swap3A_1693], %swap3A_1696 {strides = array<i32>} : memref<3x100xi32, #tpu.memory_space<vmem>>, vector<1x16xi32>,
      %get3A_1697 = arith.index_cast %add3A_1609 : i32 to index
      %get3A_1698 = arith.constant 84 : index
      %get3A_1699 = tpu.vector_load %arg6[%get3A_1697, %get3A_1698] {strides = array<i32>} : memref<32x200xi32, #tpu.memory_space<vmem>>, vector<1x16xi32>,
      %get3A_1700 = vector.shape_cast %get3A_1699 : vector<1x16xi32> to vector<16xi32>
      %add3A_1701 = vector.broadcast %mul3A_8 : i32 to vector<16xi32>
      %add3A_1702 = arith.addi %get3A_1700, %add3A_1701 : vector<16xi32>
      %swap3A_1703 = arith.constant 2 : i32
      %swap3A_1704 = arith.index_cast %swap3A_1703 : i32 to index
      %swap3A_1705 = arith.constant 84 : index
      %swap3A_1706 = tpu.vector_load %arg9[%swap3A_1704, %swap3A_1705] {strides = array<i32>} : memref<3x100xi32, #tpu.memory_space<vmem>>, vector<1x16xi32>,
      %swap3A_1707 = vector.shape_cast %swap3A_1706 : vector<1x16xi32> to vector<16xi32>
      %swap3A_1708 = vector.shape_cast %add3A_1702 : vector<16xi32> to vector<1x16xi32>
      tpu.vector_store %arg9[%swap3A_1704, %swap3A_1705], %swap3A_1708 {strides = array<i32>} : memref<3x100xi32, #tpu.memory_space<vmem>>, vector<1x16xi32>,
      %get3A_1709 = arith.index_cast %add3A_1609 : i32 to index
      %get3A_1710 = arith.constant 100 : index
      %get3A_1711 = tpu.vector_load %arg6[%get3A_1709, %get3A_1710] {strides = array<i32>} : memref<32x200xi32, #tpu.memory_space<vmem>>, vector<1x16xi32>,
      %get3A_1712 = vector.shape_cast %get3A_1711 : vector<1x16xi32> to vector<16xi32>
      %add3A_1713 = vector.broadcast %mul3A_8 : i32 to vector<16xi32>
      %add3A_1714 = arith.addi %get3A_1712, %add3A_1713 : vector<16xi32>
      %swap3A_1715 = arith.constant 2 : i32
      %swap3A_1716 = arith.index_cast %swap3A_1715 : i32 to index
      %swap3A_1717 = arith.constant 0 : index
      %swap3A_1718 = tpu.vector_load %arg10[%swap3A_1716, %swap3A_1717] {strides = array<i32>} : memref<3x100xi32, #tpu.memory_space<vmem>>, vector<1x16xi32>,
      %swap3A_1719 = vector.shape_cast %swap3A_1718 : vector<1x16xi32> to vector<16xi32>
      %swap3A_1720 = vector.shape_cast %add3A_1714 : vector<16xi32> to vector<1x16xi32>
      tpu.vector_store %arg10[%swap3A_1716, %swap3A_1717], %swap3A_1720 {strides = array<i32>} : memref<3x100xi32, #tpu.memory_space<vmem>>, vector<1x16xi32>,
      %get3A_1721 = arith.index_cast %add3A_1609 : i32 to index
      %get3A_1722 = arith.constant 116 : index
      %get3A_1723 = tpu.vector_load %arg6[%get3A_1721, %get3A_1722] {strides = array<i32>} : memref<32x200xi32, #tpu.memory_space<vmem>>, vector<1x16xi32>,
      %get3A_1724 = vector.shape_cast %get3A_1723 : vector<1x16xi32> to vector<16xi32>
      %add3A_1725 = vector.broadcast %mul3A_8 : i32 to vector<16xi32>
      %add3A_1726 = arith.addi %get3A_1724, %add3A_1725 : vector<16xi32>
      %swap3A_1727 = arith.constant 2 : i32
      %swap3A_1728 = arith.index_cast %swap3A_1727 : i32 to index
      %swap3A_1729 = arith.constant 16 : index
      %swap3A_1730 = tpu.vector_load %arg10[%swap3A_1728, %swap3A_1729] {strides = array<i32>} : memref<3x100xi32, #tpu.memory_space<vmem>>, vector<1x16xi32>,
      %swap3A_1731 = vector.shape_cast %swap3A_1730 : vector<1x16xi32> to vector<16xi32>
      %swap3A_1732 = vector.shape_cast %add3A_1726 : vector<16xi32> to vector<1x16xi32>
      tpu.vector_store %arg10[%swap3A_1728, %swap3A_1729], %swap3A_1732 {strides = array<i32>} : memref<3x100xi32, #tpu.memory_space<vmem>>, vector<1x16xi32>,
      %get3A_1733 = arith.index_cast %add3A_1609 : i32 to index
      %get3A_1734 = arith.constant 132 : index
      %get3A_1735 = tpu.vector_load %arg6[%get3A_1733, %get3A_1734] {strides = array<i32>} : memref<32x200xi32, #tpu.memory_space<vmem>>, vector<1x16xi32>,
      %get3A_1736 = vector.shape_cast %get3A_1735 : vector<1x16xi32> to vector<16xi32>
      %add3A_1737 = vector.broadcast %mul3A_8 : i32 to vector<16xi32>
      %add3A_1738 = arith.addi %get3A_1736, %add3A_1737 : vector<16xi32>
      %swap3A_1739 = arith.constant 2 : i32
      %swap3A_1740 = arith.index_cast %swap3A_1739 : i32 to index
      %swap3A_1741 = arith.constant 32 : index
      %swap3A_1742 = tpu.vector_load %arg10[%swap3A_1740, %swap3A_1741] {strides = array<i32>} : memref<3x100xi32, #tpu.memory_space<vmem>>, vector<1x16xi32>,
      %swap3A_1743 = vector.shape_cast %swap3A_1742 : vector<1x16xi32> to vector<16xi32>
      %swap3A_1744 = vector.shape_cast %add3A_1738 : vector<16xi32> to vector<1x16xi32>
      tpu.vector_store %arg10[%swap3A_1740, %swap3A_1741], %swap3A_1744 {strides = array<i32>} : memref<3x100xi32, #tpu.memory_space<vmem>>, vector<1x16xi32>,
      %get3A_1745 = arith.index_cast %add3A_1609 : i32 to index
      %get3A_1746 = arith.constant 148 : index
      %get3A_1747 = tpu.vector_load %arg6[%get3A_1745, %get3A_1746] {strides = array<i32>} : memref<32x200xi32, #tpu.memory_space<vmem>>, vector<1x16xi32>,
      %get3A_1748 = vector.shape_cast %get3A_1747 : vector<1x16xi32> to vector<16xi32>
      %add3A_1749 = vector.broadcast %mul3A_8 : i32 to vector<16xi32>
      %add3A_1750 = arith.addi %get3A_1748, %add3A_1749 : vector<16xi32>
      %swap3A_1751 = arith.constant 2 : i32
      %swap3A_1752 = arith.index_cast %swap3A_1751 : i32 to index
      %swap3A_1753 = arith.constant 48 : index
      %swap3A_1754 = tpu.vector_load %arg10[%swap3A_1752, %swap3A_1753] {strides = array<i32>} : memref<3x100xi32, #tpu.memory_space<vmem>>, vector<1x16xi32>,
      %swap3A_1755 = vector.shape_cast %swap3A_1754 : vector<1x16xi32> to vector<16xi32>
      %swap3A_1756 = vector.shape_cast %add3A_1750 : vector<16xi32> to vector<1x16xi32>
      tpu.vector_store %arg10[%swap3A_1752, %swap3A_1753], %swap3A_1756 {strides = array<i32>} : memref<3x100xi32, #tpu.memory_space<vmem>>, vector<1x16xi32>,
      %get3A_1757 = arith.index_cast %add3A_1609 : i32 to index
      %get3A_1758 = arith.constant 164 : index
      %get3A_1759 = tpu.vector_load %arg6[%get3A_1757, %get3A_1758] {strides = array<i32>} : memref<32x200xi32, #tpu.memory_space<vmem>>, vector<1x16xi32>,
      %get3A_1760 = vector.shape_cast %get3A_1759 : vector<1x16xi32> to vector<16xi32>
      %add3A_1761 = vector.broadcast %mul3A_8 : i32 to vector<16xi32>
      %add3A_1762 = arith.addi %get3A_1760, %add3A_1761 : vector<16xi32>
      %swap3A_1763 = arith.constant 2 : i32
      %swap3A_1764 = arith.index_cast %swap3A_1763 : i32 to index
      %swap3A_1765 = arith.constant 64 : index
      %swap3A_1766 = tpu.vector_load %arg10[%swap3A_1764, %swap3A_1765] {strides = array<i32>} : memref<3x100xi32, #tpu.memory_space<vmem>>, vector<1x16xi32>,
      %swap3A_1767 = vector.shape_cast %swap3A_1766 : vector<1x16xi32> to vector<16xi32>
      %swap3A_1768 = vector.shape_cast %add3A_1762 : vector<16xi32> to vector<1x16xi32>
      tpu.vector_store %arg10[%swap3A_1764, %swap3A_1765], %swap3A_1768 {strides = array<i32>} : memref<3x100xi32, #tpu.memory_space<vmem>>, vector<1x16xi32>,
      %get3A_1769 = arith.index_cast %add3A_1609 : i32 to index
      %get3A_1770 = arith.constant 180 : index
      %get3A_1771 = tpu.vector_load %arg6[%get3A_1769, %get3A_1770] {strides = array<i32>} : memref<32x200xi32, #tpu.memory_space<vmem>>, vector<1x16xi32>,
      %get3A_1772 = vector.shape_cast %get3A_1771 : vector<1x16xi32> to vector<16xi32>
      %add3A_1773 = vector.broadcast %mul3A_8 : i32 to vector<16xi32>
      %add3A_1774 = arith.addi %get3A_1772, %add3A_1773 : vector<16xi32>
      %swap3A_1775 = arith.constant 2 : i32
      %swap3A_1776 = arith.index_cast %swap3A_1775 : i32 to index
      %swap3A_1777 = arith.constant 80 : index
      %swap3A_1778 = tpu.vector_load %arg10[%swap3A_1776, %swap3A_1777] {strides = array<i32>} : memref<3x100xi32, #tpu.memory_space<vmem>>, vector<1x16xi32>,
      %swap3A_1779 = vector.shape_cast %swap3A_1778 : vector<1x16xi32> to vector<16xi32>
      %swap3A_1780 = vector.shape_cast %add3A_1774 : vector<16xi32> to vector<1x16xi32>
      tpu.vector_store %arg10[%swap3A_1776, %swap3A_1777], %swap3A_1780 {strides = array<i32>} : memref<3x100xi32, #tpu.memory_space<vmem>>, vector<1x16xi32>,
      %get3A_1781 = arith.index_cast %add3A_1609 : i32 to index
      %get3A_1782 = arith.constant 184 : index
      %get3A_1783 = tpu.vector_load %arg6[%get3A_1781, %get3A_1782] {strides = array<i32>} : memref<32x200xi32, #tpu.memory_space<vmem>>, vector<1x16xi32>,
      %get3A_1784 = vector.shape_cast %get3A_1783 : vector<1x16xi32> to vector<16xi32>
      %add3A_1785 = vector.broadcast %mul3A_8 : i32 to vector<16xi32>
      %add3A_1786 = arith.addi %get3A_1784, %add3A_1785 : vector<16xi32>
      %swap3A_1787 = arith.constant 2 : i32
      %swap3A_1788 = arith.index_cast %swap3A_1787 : i32 to index
      %swap3A_1789 = arith.constant 84 : index
      %swap3A_1790 = tpu.vector_load %arg10[%swap3A_1788, %swap3A_1789] {strides = array<i32>} : memref<3x100xi32, #tpu.memory_space<vmem>>, vector<1x16xi32>,
      %swap3A_1791 = vector.shape_cast %swap3A_1790 : vector<1x16xi32> to vector<16xi32>
      %swap3A_1792 = vector.shape_cast %add3A_1786 : vector<16xi32> to vector<1x16xi32>
      tpu.vector_store %arg10[%swap3A_1788, %swap3A_1789], %swap3A_1792 {strides = array<i32>} : memref<3x100xi32, #tpu.memory_space<vmem>>, vector<1x16xi32>,
      %dma_start3A_1793 = arith.constant 2 : i32
      %dma_start3A_1794 = arith.constant 2 : i32
      %dma_start3A_1795 = arith.constant 0 : i32
      %dma_start3A_1796 = arith.constant 0 : i32
      %dma_start3A_1797 = tpu.memref_slice %arg8[%dma_start3A_1794, %dma_start3A_1795, %dma_start3A_1796] : memref<3x200x128xf32, #tpu.memory_space<vmem>> -> memref<1x100x128xf32, #tpu.memory_space<vmem>>
      %dma_start3A_1798 = tpu.memref_squeeze %dma_start3A_1797 : memref<1x100x128xf32, #tpu.memory_space<vmem>> -> memref<100x128xf32, #tpu.memory_space<vmem>>
      %dma_start3A_1799 = arith.constant 0 : i32
      %dma_start3A_1800 = tpu.memref_slice %arg9[%dma_start3A_1793, %dma_start3A_1799] : memref<3x100xi32, #tpu.memory_space<vmem>> -> memref<1x100xi32, #tpu.memory_space<vmem>>
      %dma_start3A_1801 = tpu.memref_squeeze %dma_start3A_1800 : memref<1x100xi32, #tpu.memory_space<vmem>> -> memref<100xi32, #tpu.memory_space<vmem>>
      %dma_start3A_1802 = arith.constant 0 : i32
      %dma_start3A_1803 = arith.constant 0 : i32
      %dma_start3A_1804 = tpu.memref_slice %arg11[%dma_start3A_1802, %dma_start3A_1803] : memref<2048x128xf32, #tpu.memory_space<vmem_shared>> -> memref<2048x128xf32, #tpu.memory_space<vmem_shared>>
      tpu.enqueue_indirect_dma source(%dma_start3A_1804 : memref<2048x128xf32, #tpu.memory_space<vmem_shared>>) target(%dma_start3A_1798 : memref<100x128xf32, #tpu.memory_space<vmem>>) offsets(%dma_start3A_1801 : memref<100xi32, #tpu.memory_space<vmem>>) semaphore(%arg14 : memref<!tpu.dma_semaphore, #tpu.memory_space<semaphore_mem>>)
      %dma_start3A_1805 = arith.constant 2 : i32
      %dma_start3A_1806 = arith.constant 2 : i32
      %dma_start3A_1807 = arith.constant 100 : i32
      %dma_start3A_1808 = arith.constant 0 : i32
      %dma_start3A_1809 = tpu.memref_slice %arg8[%dma_start3A_1806, %dma_start3A_1807, %dma_start3A_1808] : memref<3x200x128xf32, #tpu.memory_space<vmem>> -> memref<1x100x128xf32, #tpu.memory_space<vmem>>
      %dma_start3A_1810 = tpu.memref_squeeze %dma_start3A_1809 : memref<1x100x128xf32, #tpu.memory_space<vmem>> -> memref<100x128xf32, #tpu.memory_space<vmem>>
      %dma_start3A_1811 = arith.constant 0 : i32
      %dma_start3A_1812 = tpu.memref_slice %arg10[%dma_start3A_1805, %dma_start3A_1811] : memref<3x100xi32, #tpu.memory_space<vmem>> -> memref<1x100xi32, #tpu.memory_space<vmem>>
      %dma_start3A_1813 = tpu.memref_squeeze %dma_start3A_1812 : memref<1x100xi32, #tpu.memory_space<vmem>> -> memref<100xi32, #tpu.memory_space<vmem>>
      %dma_start3A_1814 = arith.constant 0 : i32
      %dma_start3A_1815 = arith.constant 0 : i32
      %dma_start3A_1816 = tpu.memref_slice %arg11[%dma_start3A_1814, %dma_start3A_1815] : memref<2048x128xf32, #tpu.memory_space<vmem_shared>> -> memref<2048x128xf32, #tpu.memory_space<vmem_shared>>
      tpu.enqueue_indirect_dma source(%dma_start3A_1816 : memref<2048x128xf32, #tpu.memory_space<vmem_shared>>) target(%dma_start3A_1810 : memref<100x128xf32, #tpu.memory_space<vmem>>) offsets(%dma_start3A_1813 : memref<100xi32, #tpu.memory_space<vmem>>) semaphore(%arg14 : memref<!tpu.dma_semaphore, #tpu.memory_space<semaphore_mem>>)
      %dma_wait3A_1817 = arith.constant 1 : i32
      %dma_wait3A_1818 = arith.constant 1 : i32
      %dma_wait3A_1819 = arith.constant 0 : i32
      %dma_wait3A_1820 = arith.constant 0 : i32
      %dma_wait3A_1821 = tpu.memref_slice %arg8[%dma_wait3A_1818, %dma_wait3A_1819, %dma_wait3A_1820] : memref<3x200x128xf32, #tpu.memory_space<vmem>> -> memref<1x100x128xf32, #tpu.memory_space<vmem>>
      %dma_wait3A_1822 = tpu.memref_squeeze %dma_wait3A_1821 : memref<1x100x128xf32, #tpu.memory_space<vmem>> -> memref<100x128xf32, #tpu.memory_space<vmem>>
      %dma_wait3A_1823 = arith.constant 0 : i32
      %dma_wait3A_1824 = tpu.memref_slice %arg9[%dma_wait3A_1817, %dma_wait3A_1823] : memref<3x100xi32, #tpu.memory_space<vmem>> -> memref<1x100xi32, #tpu.memory_space<vmem>>
      %dma_wait3A_1825 = tpu.memref_squeeze %dma_wait3A_1824 : memref<1x100xi32, #tpu.memory_space<vmem>> -> memref<100xi32, #tpu.memory_space<vmem>>
      %dma_wait3A_1826 = arith.constant 0 : i32
      %dma_wait3A_1827 = arith.constant 0 : i32
      %dma_wait3A_1828 = tpu.memref_slice %arg11[%dma_wait3A_1826, %dma_wait3A_1827] : memref<2048x128xf32, #tpu.memory_space<vmem_shared>> -> memref<2048x128xf32, #tpu.memory_space<vmem_shared>>
      tpu.wait_indirect_dma semaphore(%arg13 : memref<!tpu.dma_semaphore, #tpu.memory_space<semaphore_mem>>) src(%dma_wait3A_1828 : memref<2048x128xf32, #tpu.memory_space<vmem_shared>>) dst(%dma_wait3A_1822 : memref<100x128xf32, #tpu.memory_space<vmem>>)
      %dma_wait3A_1829 = arith.constant 1 : i32
      %dma_wait3A_1830 = arith.constant 1 : i32
      %dma_wait3A_1831 = arith.constant 100 : i32
      %dma_wait3A_1832 = arith.constant 0 : i32
      %dma_wait3A_1833 = tpu.memref_slice %arg8[%dma_wait3A_1830, %dma_wait3A_1831, %dma_wait3A_1832] : memref<3x200x128xf32, #tpu.memory_space<vmem>> -> memref<1x100x128xf32, #tpu.memory_space<vmem>>
      %dma_wait3A_1834 = tpu.memref_squeeze %dma_wait3A_1833 : memref<1x100x128xf32, #tpu.memory_space<vmem>> -> memref<100x128xf32, #tpu.memory_space<vmem>>
      %dma_wait3A_1835 = arith.constant 0 : i32
      %dma_wait3A_1836 = tpu.memref_slice %arg10[%dma_wait3A_1829, %dma_wait3A_1835] : memref<3x100xi32, #tpu.memory_space<vmem>> -> memref<1x100xi32, #tpu.memory_space<vmem>>
      %dma_wait3A_1837 = tpu.memref_squeeze %dma_wait3A_1836 : memref<1x100xi32, #tpu.memory_space<vmem>> -> memref<100xi32, #tpu.memory_space<vmem>>
      %dma_wait3A_1838 = arith.constant 0 : i32
      %dma_wait3A_1839 = arith.constant 0 : i32
      %dma_wait3A_1840 = tpu.memref_slice %arg11[%dma_wait3A_1838, %dma_wait3A_1839] : memref<2048x128xf32, #tpu.memory_space<vmem_shared>> -> memref<2048x128xf32, #tpu.memory_space<vmem_shared>>
      tpu.wait_indirect_dma semaphore(%arg13 : memref<!tpu.dma_semaphore, #tpu.memory_space<semaphore_mem>>) src(%dma_wait3A_1840 : memref<2048x128xf32, #tpu.memory_space<vmem_shared>>) dst(%dma_wait3A_1834 : memref<100x128xf32, #tpu.memory_space<vmem>>)
      %scan3A_1841 = arith.constant 0 : i32
      %scan3A_1842 = arith.constant 0 : i32
      %scan3A_1843 = arith.constant 100 : i32
      %scan3A_1844 = arith.addi %scan3A_1842, %scan3A_1843 : i32
      %scan3A_1845 = arith.constant 1 : i32
      scf.for %scan3A_2122 = %scan3A_1842 to %scan3A_1844 step %scan3A_1845  : i32 {
        %mul3A_2123 = arith.constant 2 : i32
        %mul3A_2124 = arith.muli %mul3A_2123, %scan3A_2122 : i32
        %add3A_2125 = arith.constant 0 : i32
        %add3A_2126 = arith.addi %mul3A_2124, %add3A_2125 : i32
        %mul3A_2127 = arith.constant 2 : i32
        %mul3A_2128 = arith.muli %mul3A_2127, %scan3A_2122 : i32
        %add3A_2129 = arith.constant 0 : i32
        %add3A_2130 = arith.addi %mul3A_2128, %add3A_2129 : i32
        %get3A_2131 = arith.index_cast %add3A_2130 : i32 to index
        %get3A_2132 = arith.constant 0 : index
        %get3A_2133 = tpu.vector_load %arg7[%get3A_2131, %get3A_2132] {strides = array<i32>} : memref<200x128xf32, #tpu.memory_space<vmem>>, vector<1x16xf32>,
        %get3A_2134 = vector.shape_cast %get3A_2133 : vector<1x16xf32> to vector<16xf32>
        %swap3A_2135 = arith.constant 1 : i32
        %swap3A_2136 = arith.index_cast %swap3A_2135 : i32 to index
        %swap3A_2137 = arith.index_cast %add3A_2126 : i32 to index
        %swap3A_2138 = arith.constant 0 : index
        %swap3A_2139 = tpu.vector_load %arg8[%swap3A_2136, %swap3A_2137, %swap3A_2138] {strides = array<i32>} : memref<3x200x128xf32, #tpu.memory_space<vmem>>, vector<1x1x16xf32>,
        %swap3A_2140 = vector.shape_cast %swap3A_2139 : vector<1x1x16xf32> to vector<16xf32>
        %swap3A_2141 = vector.shape_cast %get3A_2134 : vector<16xf32> to vector<1x1x16xf32>
        tpu.vector_store %arg8[%swap3A_2136, %swap3A_2137, %swap3A_2138], %swap3A_2141 {add = true, strides = array<i32>} : memref<3x200x128xf32, #tpu.memory_space<vmem>>, vector<1x1x16xf32>,
        %mul3A_2142 = arith.constant 2 : i32
        %mul3A_2143 = arith.muli %mul3A_2142, %scan3A_2122 : i32
        %add3A_2144 = arith.constant 0 : i32
        %add3A_2145 = arith.addi %mul3A_2143, %add3A_2144 : i32
        %mul3A_2146 = arith.constant 2 : i32
        %mul3A_2147 = arith.muli %mul3A_2146, %scan3A_2122 : i32
        %add3A_2148 = arith.constant 0 : i32
        %add3A_2149 = arith.addi %mul3A_2147, %add3A_2148 : i32
        %get3A_2150 = arith.index_cast %add3A_2149 : i32 to index
        %get3A_2151 = arith.constant 16 : index
        %get3A_2152 = tpu.vector_load %arg7[%get3A_2150, %get3A_2151] {strides = array<i32>} : memref<200x128xf32, #tpu.memory_space<vmem>>, vector<1x16xf32>,
        %get3A_2153 = vector.shape_cast %get3A_2152 : vector<1x16xf32> to vector<16xf32>
        %swap3A_2154 = arith.constant 1 : i32
        %swap3A_2155 = arith.index_cast %swap3A_2154 : i32 to index
        %swap3A_2156 = arith.index_cast %add3A_2145 : i32 to index
        %swap3A_2157 = arith.constant 16 : index
        %swap3A_2158 = tpu.vector_load %arg8[%swap3A_2155, %swap3A_2156, %swap3A_2157] {strides = array<i32>} : memref<3x200x128xf32, #tpu.memory_space<vmem>>, vector<1x1x16xf32>,
        %swap3A_2159 = vector.shape_cast %swap3A_2158 : vector<1x1x16xf32> to vector<16xf32>
        %swap3A_2160 = vector.shape_cast %get3A_2153 : vector<16xf32> to vector<1x1x16xf32>
        tpu.vector_store %arg8[%swap3A_2155, %swap3A_2156, %swap3A_2157], %swap3A_2160 {add = true, strides = array<i32>} : memref<3x200x128xf32, #tpu.memory_space<vmem>>, vector<1x1x16xf32>,
        %mul3A_2161 = arith.constant 2 : i32
        %mul3A_2162 = arith.muli %mul3A_2161, %scan3A_2122 : i32
        %add3A_2163 = arith.constant 0 : i32
        %add3A_2164 = arith.addi %mul3A_2162, %add3A_2163 : i32
        %mul3A_2165 = arith.constant 2 : i32
        %mul3A_2166 = arith.muli %mul3A_2165, %scan3A_2122 : i32
        %add3A_2167 = arith.constant 0 : i32
        %add3A_2168 = arith.addi %mul3A_2166, %add3A_2167 : i32
        %get3A_2169 = arith.index_cast %add3A_2168 : i32 to index
        %get3A_2170 = arith.constant 32 : index
        %get3A_2171 = tpu.vector_load %arg7[%get3A_2169, %get3A_2170] {strides = array<i32>} : memref<200x128xf32, #tpu.memory_space<vmem>>, vector<1x16xf32>,
        %get3A_2172 = vector.shape_cast %get3A_2171 : vector<1x16xf32> to vector<16xf32>
        %swap3A_2173 = arith.constant 1 : i32
        %swap3A_2174 = arith.index_cast %swap3A_2173 : i32 to index
        %swap3A_2175 = arith.index_cast %add3A_2164 : i32 to index
        %swap3A_2176 = arith.constant 32 : index
        %swap3A_2177 = tpu.vector_load %arg8[%swap3A_2174, %swap3A_2175, %swap3A_2176] {strides = array<i32>} : memref<3x200x128xf32, #tpu.memory_space<vmem>>, vector<1x1x16xf32>,
        %swap3A_2178 = vector.shape_cast %swap3A_2177 : vector<1x1x16xf32> to vector<16xf32>
        %swap3A_2179 = vector.shape_cast %get3A_2172 : vector<16xf32> to vector<1x1x16xf32>
        tpu.vector_store %arg8[%swap3A_2174, %swap3A_2175, %swap3A_2176], %swap3A_2179 {add = true, strides = array<i32>} : memref<3x200x128xf32, #tpu.memory_space<vmem>>, vector<1x1x16xf32>,
        %mul3A_2180 = arith.constant 2 : i32
        %mul3A_2181 = arith.muli %mul3A_2180, %scan3A_2122 : i32
        %add3A_2182 = arith.constant 0 : i32
        %add3A_2183 = arith.addi %mul3A_2181, %add3A_2182 : i32
        %mul3A_2184 = arith.constant 2 : i32
        %mul3A_2185 = arith.muli %mul3A_2184, %scan3A_2122 : i32
        %add3A_2186 = arith.constant 0 : i32
        %add3A_2187 = arith.addi %mul3A_2185, %add3A_2186 : i32
        %get3A_2188 = arith.index_cast %add3A_2187 : i32 to index
        %get3A_2189 = arith.constant 48 : index
        %get3A_2190 = tpu.vector_load %arg7[%get3A_2188, %get3A_2189] {strides = array<i32>} : memref<200x128xf32, #tpu.memory_space<vmem>>, vector<1x16xf32>,
        %get3A_2191 = vector.shape_cast %get3A_2190 : vector<1x16xf32> to vector<16xf32>
        %swap3A_2192 = arith.constant 1 : i32
        %swap3A_2193 = arith.index_cast %swap3A_2192 : i32 to index
        %swap3A_2194 = arith.index_cast %add3A_2183 : i32 to index
        %swap3A_2195 = arith.constant 48 : index
        %swap3A_2196 = tpu.vector_load %arg8[%swap3A_2193, %swap3A_2194, %swap3A_2195] {strides = array<i32>} : memref<3x200x128xf32, #tpu.memory_space<vmem>>, vector<1x1x16xf32>,
        %swap3A_2197 = vector.shape_cast %swap3A_2196 : vector<1x1x16xf32> to vector<16xf32>
        %swap3A_2198 = vector.shape_cast %get3A_2191 : vector<16xf32> to vector<1x1x16xf32>
        tpu.vector_store %arg8[%swap3A_2193, %swap3A_2194, %swap3A_2195], %swap3A_2198 {add = true, strides = array<i32>} : memref<3x200x128xf32, #tpu.memory_space<vmem>>, vector<1x1x16xf32>,
        %mul3A_2199 = arith.constant 2 : i32
        %mul3A_2200 = arith.muli %mul3A_2199, %scan3A_2122 : i32
        %add3A_2201 = arith.constant 0 : i32
        %add3A_2202 = arith.addi %mul3A_2200, %add3A_2201 : i32
        %mul3A_2203 = arith.constant 2 : i32
        %mul3A_2204 = arith.muli %mul3A_2203, %scan3A_2122 : i32
        %add3A_2205 = arith.constant 0 : i32
        %add3A_2206 = arith.addi %mul3A_2204, %add3A_2205 : i32
        %get3A_2207 = arith.index_cast %add3A_2206 : i32 to index
        %get3A_2208 = arith.constant 64 : index
        %get3A_2209 = tpu.vector_load %arg7[%get3A_2207, %get3A_2208] {strides = array<i32>} : memref<200x128xf32, #tpu.memory_space<vmem>>, vector<1x16xf32>,
        %get3A_2210 = vector.shape_cast %get3A_2209 : vector<1x16xf32> to vector<16xf32>
        %swap3A_2211 = arith.constant 1 : i32
        %swap3A_2212 = arith.index_cast %swap3A_2211 : i32 to index
        %swap3A_2213 = arith.index_cast %add3A_2202 : i32 to index
        %swap3A_2214 = arith.constant 64 : index
        %swap3A_2215 = tpu.vector_load %arg8[%swap3A_2212, %swap3A_2213, %swap3A_2214] {strides = array<i32>} : memref<3x200x128xf32, #tpu.memory_space<vmem>>, vector<1x1x16xf32>,
        %swap3A_2216 = vector.shape_cast %swap3A_2215 : vector<1x1x16xf32> to vector<16xf32>
        %swap3A_2217 = vector.shape_cast %get3A_2210 : vector<16xf32> to vector<1x1x16xf32>
        tpu.vector_store %arg8[%swap3A_2212, %swap3A_2213, %swap3A_2214], %swap3A_2217 {add = true, strides = array<i32>} : memref<3x200x128xf32, #tpu.memory_space<vmem>>, vector<1x1x16xf32>,
        %mul3A_2218 = arith.constant 2 : i32
        %mul3A_2219 = arith.muli %mul3A_2218, %scan3A_2122 : i32
        %add3A_2220 = arith.constant 0 : i32
        %add3A_2221 = arith.addi %mul3A_2219, %add3A_2220 : i32
        %mul3A_2222 = arith.constant 2 : i32
        %mul3A_2223 = arith.muli %mul3A_2222, %scan3A_2122 : i32
        %add3A_2224 = arith.constant 0 : i32
        %add3A_2225 = arith.addi %mul3A_2223, %add3A_2224 : i32
        %get3A_2226 = arith.index_cast %add3A_2225 : i32 to index
        %get3A_2227 = arith.constant 80 : index
        %get3A_2228 = tpu.vector_load %arg7[%get3A_2226, %get3A_2227] {strides = array<i32>} : memref<200x128xf32, #tpu.memory_space<vmem>>, vector<1x16xf32>,
        %get3A_2229 = vector.shape_cast %get3A_2228 : vector<1x16xf32> to vector<16xf32>
        %swap3A_2230 = arith.constant 1 : i32
        %swap3A_2231 = arith.index_cast %swap3A_2230 : i32 to index
        %swap3A_2232 = arith.index_cast %add3A_2221 : i32 to index
        %swap3A_2233 = arith.constant 80 : index
        %swap3A_2234 = tpu.vector_load %arg8[%swap3A_2231, %swap3A_2232, %swap3A_2233] {strides = array<i32>} : memref<3x200x128xf32, #tpu.memory_space<vmem>>, vector<1x1x16xf32>,
        %swap3A_2235 = vector.shape_cast %swap3A_2234 : vector<1x1x16xf32> to vector<16xf32>
        %swap3A_2236 = vector.shape_cast %get3A_2229 : vector<16xf32> to vector<1x1x16xf32>
        tpu.vector_store %arg8[%swap3A_2231, %swap3A_2232, %swap3A_2233], %swap3A_2236 {add = true, strides = array<i32>} : memref<3x200x128xf32, #tpu.memory_space<vmem>>, vector<1x1x16xf32>,
        %mul3A_2237 = arith.constant 2 : i32
        %mul3A_2238 = arith.muli %mul3A_2237, %scan3A_2122 : i32
        %add3A_2239 = arith.constant 0 : i32
        %add3A_2240 = arith.addi %mul3A_2238, %add3A_2239 : i32
        %mul3A_2241 = arith.constant 2 : i32
        %mul3A_2242 = arith.muli %mul3A_2241, %scan3A_2122 : i32
        %add3A_2243 = arith.constant 0 : i32
        %add3A_2244 = arith.addi %mul3A_2242, %add3A_2243 : i32
        %get3A_2245 = arith.index_cast %add3A_2244 : i32 to index
        %get3A_2246 = arith.constant 96 : index
        %get3A_2247 = tpu.vector_load %arg7[%get3A_2245, %get3A_2246] {strides = array<i32>} : memref<200x128xf32, #tpu.memory_space<vmem>>, vector<1x16xf32>,
        %get3A_2248 = vector.shape_cast %get3A_2247 : vector<1x16xf32> to vector<16xf32>
        %swap3A_2249 = arith.constant 1 : i32
        %swap3A_2250 = arith.index_cast %swap3A_2249 : i32 to index
        %swap3A_2251 = arith.index_cast %add3A_2240 : i32 to index
        %swap3A_2252 = arith.constant 96 : index
        %swap3A_2253 = tpu.vector_load %arg8[%swap3A_2250, %swap3A_2251, %swap3A_2252] {strides = array<i32>} : memref<3x200x128xf32, #tpu.memory_space<vmem>>, vector<1x1x16xf32>,
        %swap3A_2254 = vector.shape_cast %swap3A_2253 : vector<1x1x16xf32> to vector<16xf32>
        %swap3A_2255 = vector.shape_cast %get3A_2248 : vector<16xf32> to vector<1x1x16xf32>
        tpu.vector_store %arg8[%swap3A_2250, %swap3A_2251, %swap3A_2252], %swap3A_2255 {add = true, strides = array<i32>} : memref<3x200x128xf32, #tpu.memory_space<vmem>>, vector<1x1x16xf32>,
        %mul3A_2256 = arith.constant 2 : i32
        %mul3A_2257 = arith.muli %mul3A_2256, %scan3A_2122 : i32
        %add3A_2258 = arith.constant 0 : i32
        %add3A_2259 = arith.addi %mul3A_2257, %add3A_2258 : i32
        %mul3A_2260 = arith.constant 2 : i32
        %mul3A_2261 = arith.muli %mul3A_2260, %scan3A_2122 : i32
        %add3A_2262 = arith.constant 0 : i32
        %add3A_2263 = arith.addi %mul3A_2261, %add3A_2262 : i32
        %get3A_2264 = arith.index_cast %add3A_2263 : i32 to index
        %get3A_2265 = arith.constant 112 : index
        %get3A_2266 = tpu.vector_load %arg7[%get3A_2264, %get3A_2265] {strides = array<i32>} : memref<200x128xf32, #tpu.memory_space<vmem>>, vector<1x16xf32>,
        %get3A_2267 = vector.shape_cast %get3A_2266 : vector<1x16xf32> to vector<16xf32>
        %swap3A_2268 = arith.constant 1 : i32
        %swap3A_2269 = arith.index_cast %swap3A_2268 : i32 to index
        %swap3A_2270 = arith.index_cast %add3A_2259 : i32 to index
        %swap3A_2271 = arith.constant 112 : index
        %swap3A_2272 = tpu.vector_load %arg8[%swap3A_2269, %swap3A_2270, %swap3A_2271] {strides = array<i32>} : memref<3x200x128xf32, #tpu.memory_space<vmem>>, vector<1x1x16xf32>,
        %swap3A_2273 = vector.shape_cast %swap3A_2272 : vector<1x1x16xf32> to vector<16xf32>
        %swap3A_2274 = vector.shape_cast %get3A_2267 : vector<16xf32> to vector<1x1x16xf32>
        tpu.vector_store %arg8[%swap3A_2269, %swap3A_2270, %swap3A_2271], %swap3A_2274 {add = true, strides = array<i32>} : memref<3x200x128xf32, #tpu.memory_space<vmem>>, vector<1x1x16xf32>,
        %mul3A_2275 = arith.constant 2 : i32
        %mul3A_2276 = arith.muli %mul3A_2275, %scan3A_2122 : i32
        %add3A_2277 = arith.constant 1 : i32
        %add3A_2278 = arith.addi %mul3A_2276, %add3A_2277 : i32
        %mul3A_2279 = arith.constant 2 : i32
        %mul3A_2280 = arith.muli %mul3A_2279, %scan3A_2122 : i32
        %add3A_2281 = arith.constant 1 : i32
        %add3A_2282 = arith.addi %mul3A_2280, %add3A_2281 : i32
        %get3A_2283 = arith.index_cast %add3A_2282 : i32 to index
        %get3A_2284 = arith.constant 0 : index
        %get3A_2285 = tpu.vector_load %arg7[%get3A_2283, %get3A_2284] {strides = array<i32>} : memref<200x128xf32, #tpu.memory_space<vmem>>, vector<1x16xf32>,
        %get3A_2286 = vector.shape_cast %get3A_2285 : vector<1x16xf32> to vector<16xf32>
        %swap3A_2287 = arith.constant 1 : i32
        %swap3A_2288 = arith.index_cast %swap3A_2287 : i32 to index
        %swap3A_2289 = arith.index_cast %add3A_2278 : i32 to index
        %swap3A_2290 = arith.constant 0 : index
        %swap3A_2291 = tpu.vector_load %arg8[%swap3A_2288, %swap3A_2289, %swap3A_2290] {strides = array<i32>} : memref<3x200x128xf32, #tpu.memory_space<vmem>>, vector<1x1x16xf32>,
        %swap3A_2292 = vector.shape_cast %swap3A_2291 : vector<1x1x16xf32> to vector<16xf32>
        %swap3A_2293 = vector.shape_cast %get3A_2286 : vector<16xf32> to vector<1x1x16xf32>
        tpu.vector_store %arg8[%swap3A_2288, %swap3A_2289, %swap3A_2290], %swap3A_2293 {add = true, strides = array<i32>} : memref<3x200x128xf32, #tpu.memory_space<vmem>>, vector<1x1x16xf32>,
        %mul3A_2294 = arith.constant 2 : i32
        %mul3A_2295 = arith.muli %mul3A_2294, %scan3A_2122 : i32
        %add3A_2296 = arith.constant 1 : i32
        %add3A_2297 = arith.addi %mul3A_2295, %add3A_2296 : i32
        %mul3A_2298 = arith.constant 2 : i32
        %mul3A_2299 = arith.muli %mul3A_2298, %scan3A_2122 : i32
        %add3A_2300 = arith.constant 1 : i32
        %add3A_2301 = arith.addi %mul3A_2299, %add3A_2300 : i32
        %get3A_2302 = arith.index_cast %add3A_2301 : i32 to index
        %get3A_2303 = arith.constant 16 : index
        %get3A_2304 = tpu.vector_load %arg7[%get3A_2302, %get3A_2303] {strides = array<i32>} : memref<200x128xf32, #tpu.memory_space<vmem>>, vector<1x16xf32>,
        %get3A_2305 = vector.shape_cast %get3A_2304 : vector<1x16xf32> to vector<16xf32>
        %swap3A_2306 = arith.constant 1 : i32
        %swap3A_2307 = arith.index_cast %swap3A_2306 : i32 to index
        %swap3A_2308 = arith.index_cast %add3A_2297 : i32 to index
        %swap3A_2309 = arith.constant 16 : index
        %swap3A_2310 = tpu.vector_load %arg8[%swap3A_2307, %swap3A_2308, %swap3A_2309] {strides = array<i32>} : memref<3x200x128xf32, #tpu.memory_space<vmem>>, vector<1x1x16xf32>,
        %swap3A_2311 = vector.shape_cast %swap3A_2310 : vector<1x1x16xf32> to vector<16xf32>
        %swap3A_2312 = vector.shape_cast %get3A_2305 : vector<16xf32> to vector<1x1x16xf32>
        tpu.vector_store %arg8[%swap3A_2307, %swap3A_2308, %swap3A_2309], %swap3A_2312 {add = true, strides = array<i32>} : memref<3x200x128xf32, #tpu.memory_space<vmem>>, vector<1x1x16xf32>,
        %mul3A_2313 = arith.constant 2 : i32
        %mul3A_2314 = arith.muli %mul3A_2313, %scan3A_2122 : i32
        %add3A_2315 = arith.constant 1 : i32
        %add3A_2316 = arith.addi %mul3A_2314, %add3A_2315 : i32
        %mul3A_2317 = arith.constant 2 : i32
        %mul3A_2318 = arith.muli %mul3A_2317, %scan3A_2122 : i32
        %add3A_2319 = arith.constant 1 : i32
        %add3A_2320 = arith.addi %mul3A_2318, %add3A_2319 : i32
        %get3A_2321 = arith.index_cast %add3A_2320 : i32 to index
        %get3A_2322 = arith.constant 32 : index
        %get3A_2323 = tpu.vector_load %arg7[%get3A_2321, %get3A_2322] {strides = array<i32>} : memref<200x128xf32, #tpu.memory_space<vmem>>, vector<1x16xf32>,
        %get3A_2324 = vector.shape_cast %get3A_2323 : vector<1x16xf32> to vector<16xf32>
        %swap3A_2325 = arith.constant 1 : i32
        %swap3A_2326 = arith.index_cast %swap3A_2325 : i32 to index
        %swap3A_2327 = arith.index_cast %add3A_2316 : i32 to index
        %swap3A_2328 = arith.constant 32 : index
        %swap3A_2329 = tpu.vector_load %arg8[%swap3A_2326, %swap3A_2327, %swap3A_2328] {strides = array<i32>} : memref<3x200x128xf32, #tpu.memory_space<vmem>>, vector<1x1x16xf32>,
        %swap3A_2330 = vector.shape_cast %swap3A_2329 : vector<1x1x16xf32> to vector<16xf32>
        %swap3A_2331 = vector.shape_cast %get3A_2324 : vector<16xf32> to vector<1x1x16xf32>
        tpu.vector_store %arg8[%swap3A_2326, %swap3A_2327, %swap3A_2328], %swap3A_2331 {add = true, strides = array<i32>} : memref<3x200x128xf32, #tpu.memory_space<vmem>>, vector<1x1x16xf32>,
        %mul3A_2332 = arith.constant 2 : i32
        %mul3A_2333 = arith.muli %mul3A_2332, %scan3A_2122 : i32
        %add3A_2334 = arith.constant 1 : i32
        %add3A_2335 = arith.addi %mul3A_2333, %add3A_2334 : i32
        %mul3A_2336 = arith.constant 2 : i32
        %mul3A_2337 = arith.muli %mul3A_2336, %scan3A_2122 : i32
        %add3A_2338 = arith.constant 1 : i32
        %add3A_2339 = arith.addi %mul3A_2337, %add3A_2338 : i32
        %get3A_2340 = arith.index_cast %add3A_2339 : i32 to index
        %get3A_2341 = arith.constant 48 : index
        %get3A_2342 = tpu.vector_load %arg7[%get3A_2340, %get3A_2341] {strides = array<i32>} : memref<200x128xf32, #tpu.memory_space<vmem>>, vector<1x16xf32>,
        %get3A_2343 = vector.shape_cast %get3A_2342 : vector<1x16xf32> to vector<16xf32>
        %swap3A_2344 = arith.constant 1 : i32
        %swap3A_2345 = arith.index_cast %swap3A_2344 : i32 to index
        %swap3A_2346 = arith.index_cast %add3A_2335 : i32 to index
        %swap3A_2347 = arith.constant 48 : index
        %swap3A_2348 = tpu.vector_load %arg8[%swap3A_2345, %swap3A_2346, %swap3A_2347] {strides = array<i32>} : memref<3x200x128xf32, #tpu.memory_space<vmem>>, vector<1x1x16xf32>,
        %swap3A_2349 = vector.shape_cast %swap3A_2348 : vector<1x1x16xf32> to vector<16xf32>
        %swap3A_2350 = vector.shape_cast %get3A_2343 : vector<16xf32> to vector<1x1x16xf32>
        tpu.vector_store %arg8[%swap3A_2345, %swap3A_2346, %swap3A_2347], %swap3A_2350 {add = true, strides = array<i32>} : memref<3x200x128xf32, #tpu.memory_space<vmem>>, vector<1x1x16xf32>,
        %mul3A_2351 = arith.constant 2 : i32
        %mul3A_2352 = arith.muli %mul3A_2351, %scan3A_2122 : i32
        %add3A_2353 = arith.constant 1 : i32
        %add3A_2354 = arith.addi %mul3A_2352, %add3A_2353 : i32
        %mul3A_2355 = arith.constant 2 : i32
        %mul3A_2356 = arith.muli %mul3A_2355, %scan3A_2122 : i32
        %add3A_2357 = arith.constant 1 : i32
        %add3A_2358 = arith.addi %mul3A_2356, %add3A_2357 : i32
        %get3A_2359 = arith.index_cast %add3A_2358 : i32 to index
        %get3A_2360 = arith.constant 64 : index
        %get3A_2361 = tpu.vector_load %arg7[%get3A_2359, %get3A_2360] {strides = array<i32>} : memref<200x128xf32, #tpu.memory_space<vmem>>, vector<1x16xf32>,
        %get3A_2362 = vector.shape_cast %get3A_2361 : vector<1x16xf32> to vector<16xf32>
        %swap3A_2363 = arith.constant 1 : i32
        %swap3A_2364 = arith.index_cast %swap3A_2363 : i32 to index
        %swap3A_2365 = arith.index_cast %add3A_2354 : i32 to index
        %swap3A_2366 = arith.constant 64 : index
        %swap3A_2367 = tpu.vector_load %arg8[%swap3A_2364, %swap3A_2365, %swap3A_2366] {strides = array<i32>} : memref<3x200x128xf32, #tpu.memory_space<vmem>>, vector<1x1x16xf32>,
        %swap3A_2368 = vector.shape_cast %swap3A_2367 : vector<1x1x16xf32> to vector<16xf32>
        %swap3A_2369 = vector.shape_cast %get3A_2362 : vector<16xf32> to vector<1x1x16xf32>
        tpu.vector_store %arg8[%swap3A_2364, %swap3A_2365, %swap3A_2366], %swap3A_2369 {add = true, strides = array<i32>} : memref<3x200x128xf32, #tpu.memory_space<vmem>>, vector<1x1x16xf32>,
        %mul3A_2370 = arith.constant 2 : i32
        %mul3A_2371 = arith.muli %mul3A_2370, %scan3A_2122 : i32
        %add3A_2372 = arith.constant 1 : i32
        %add3A_2373 = arith.addi %mul3A_2371, %add3A_2372 : i32
        %mul3A_2374 = arith.constant 2 : i32
        %mul3A_2375 = arith.muli %mul3A_2374, %scan3A_2122 : i32
        %add3A_2376 = arith.constant 1 : i32
        %add3A_2377 = arith.addi %mul3A_2375, %add3A_2376 : i32
        %get3A_2378 = arith.index_cast %add3A_2377 : i32 to index
        %get3A_2379 = arith.constant 80 : index
        %get3A_2380 = tpu.vector_load %arg7[%get3A_2378, %get3A_2379] {strides = array<i32>} : memref<200x128xf32, #tpu.memory_space<vmem>>, vector<1x16xf32>,
        %get3A_2381 = vector.shape_cast %get3A_2380 : vector<1x16xf32> to vector<16xf32>
        %swap3A_2382 = arith.constant 1 : i32
        %swap3A_2383 = arith.index_cast %swap3A_2382 : i32 to index
        %swap3A_2384 = arith.index_cast %add3A_2373 : i32 to index
        %swap3A_2385 = arith.constant 80 : index
        %swap3A_2386 = tpu.vector_load %arg8[%swap3A_2383, %swap3A_2384, %swap3A_2385] {strides = array<i32>} : memref<3x200x128xf32, #tpu.memory_space<vmem>>, vector<1x1x16xf32>,
        %swap3A_2387 = vector.shape_cast %swap3A_2386 : vector<1x1x16xf32> to vector<16xf32>
        %swap3A_2388 = vector.shape_cast %get3A_2381 : vector<16xf32> to vector<1x1x16xf32>
        tpu.vector_store %arg8[%swap3A_2383, %swap3A_2384, %swap3A_2385], %swap3A_2388 {add = true, strides = array<i32>} : memref<3x200x128xf32, #tpu.memory_space<vmem>>, vector<1x1x16xf32>,
        %mul3A_2389 = arith.constant 2 : i32
        %mul3A_2390 = arith.muli %mul3A_2389, %scan3A_2122 : i32
        %add3A_2391 = arith.constant 1 : i32
        %add3A_2392 = arith.addi %mul3A_2390, %add3A_2391 : i32
        %mul3A_2393 = arith.constant 2 : i32
        %mul3A_2394 = arith.muli %mul3A_2393, %scan3A_2122 : i32
        %add3A_2395 = arith.constant 1 : i32
        %add3A_2396 = arith.addi %mul3A_2394, %add3A_2395 : i32
        %get3A_2397 = arith.index_cast %add3A_2396 : i32 to index
        %get3A_2398 = arith.constant 96 : index
        %get3A_2399 = tpu.vector_load %arg7[%get3A_2397, %get3A_2398] {strides = array<i32>} : memref<200x128xf32, #tpu.memory_space<vmem>>, vector<1x16xf32>,
        %get3A_2400 = vector.shape_cast %get3A_2399 : vector<1x16xf32> to vector<16xf32>
        %swap3A_2401 = arith.constant 1 : i32
        %swap3A_2402 = arith.index_cast %swap3A_2401 : i32 to index
        %swap3A_2403 = arith.index_cast %add3A_2392 : i32 to index
        %swap3A_2404 = arith.constant 96 : index
        %swap3A_2405 = tpu.vector_load %arg8[%swap3A_2402, %swap3A_2403, %swap3A_2404] {strides = array<i32>} : memref<3x200x128xf32, #tpu.memory_space<vmem>>, vector<1x1x16xf32>,
        %swap3A_2406 = vector.shape_cast %swap3A_2405 : vector<1x1x16xf32> to vector<16xf32>
        %swap3A_2407 = vector.shape_cast %get3A_2400 : vector<16xf32> to vector<1x1x16xf32>
        tpu.vector_store %arg8[%swap3A_2402, %swap3A_2403, %swap3A_2404], %swap3A_2407 {add = true, strides = array<i32>} : memref<3x200x128xf32, #tpu.memory_space<vmem>>, vector<1x1x16xf32>,
        %mul3A_2408 = arith.constant 2 : i32
        %mul3A_2409 = arith.muli %mul3A_2408, %scan3A_2122 : i32
        %add3A_2410 = arith.constant 1 : i32
        %add3A_2411 = arith.addi %mul3A_2409, %add3A_2410 : i32
        %mul3A_2412 = arith.constant 2 : i32
        %mul3A_2413 = arith.muli %mul3A_2412, %scan3A_2122 : i32
        %add3A_2414 = arith.constant 1 : i32
        %add3A_2415 = arith.addi %mul3A_2413, %add3A_2414 : i32
        %get3A_2416 = arith.index_cast %add3A_2415 : i32 to index
        %get3A_2417 = arith.constant 112 : index
        %get3A_2418 = tpu.vector_load %arg7[%get3A_2416, %get3A_2417] {strides = array<i32>} : memref<200x128xf32, #tpu.memory_space<vmem>>, vector<1x16xf32>,
        %get3A_2419 = vector.shape_cast %get3A_2418 : vector<1x16xf32> to vector<16xf32>
        %swap3A_2420 = arith.constant 1 : i32
        %swap3A_2421 = arith.index_cast %swap3A_2420 : i32 to index
        %swap3A_2422 = arith.index_cast %add3A_2411 : i32 to index
        %swap3A_2423 = arith.constant 112 : index
        %swap3A_2424 = tpu.vector_load %arg8[%swap3A_2421, %swap3A_2422, %swap3A_2423] {strides = array<i32>} : memref<3x200x128xf32, #tpu.memory_space<vmem>>, vector<1x1x16xf32>,
        %swap3A_2425 = vector.shape_cast %swap3A_2424 : vector<1x1x16xf32> to vector<16xf32>
        %swap3A_2426 = vector.shape_cast %get3A_2419 : vector<16xf32> to vector<1x1x16xf32>
        tpu.vector_store %arg8[%swap3A_2421, %swap3A_2422, %swap3A_2423], %swap3A_2426 {add = true, strides = array<i32>} : memref<3x200x128xf32, #tpu.memory_space<vmem>>, vector<1x1x16xf32>,
      }
      %scan3A_1846 = arith.constant 100 : i32
      %mul3A_1847 = arith.constant 200 : i32
      %mul3A_1848 = arith.muli %add3A_1605, %mul3A_1847 : i32
      %add3A_1849 = arith.addi %mul3A_6, %mul3A_1848 : i32
      %dma_start3A_1850 = arith.constant 1 : i32
      %dma_start3A_1851 = arith.constant 0 : i32
      %dma_start3A_1852 = arith.constant 0 : i32
      %dma_start3A_1853 = tpu.memref_slice %arg8[%dma_start3A_1850, %dma_start3A_1851, %dma_start3A_1852] : memref<3x200x128xf32, #tpu.memory_space<vmem>> -> memref<1x200x128xf32, #tpu.memory_space<vmem>>
      %dma_start3A_1854 = tpu.memref_squeeze %dma_start3A_1853 : memref<1x200x128xf32, #tpu.memory_space<vmem>> -> memref<200x128xf32, #tpu.memory_space<vmem>>
      %dma_start3A_1855 = arith.constant 0 : i32
      %dma_start3A_1856 = tpu.memref_slice %arg5[%add3A_1849, %dma_start3A_1855] : memref<204800x128xf32, #tpu.memory_space<hbm>> -> memref<200x128xf32, #tpu.memory_space<hbm>>
      %dma_start3A_1857 = arith.constant 0 : i32
      %dma_start3A_1858 = tpu.memref_slice %arg5[%add3A_1849, %dma_start3A_1857] : memref<204800x128xf32, #tpu.memory_space<hbm>> -> memref<200x128xf32, #tpu.memory_space<hbm>>
      %dma_start3A_1859 = arith.constant 0 : i32
      %dma_start3A_1860 = arith.constant 0 : i32
      %dma_start3A_1861 = tpu.memref_slice %arg8[%dma_start3A_1850, %dma_start3A_1859, %dma_start3A_1860] : memref<3x200x128xf32, #tpu.memory_space<vmem>> -> memref<1x200x128xf32, #tpu.memory_space<vmem>>
      %dma_start3A_1862 = tpu.memref_squeeze %dma_start3A_1861 : memref<1x200x128xf32, #tpu.memory_space<vmem>> -> memref<200x128xf32, #tpu.memory_space<vmem>>
      tpu.enqueue_dma source(%dma_start3A_1862 : memref<200x128xf32, #tpu.memory_space<vmem>>) target(%dma_start3A_1858 : memref<200x128xf32, #tpu.memory_space<hbm>>) target_semaphore(%arg16 : memref<!tpu.dma_semaphore, #tpu.memory_space<semaphore_mem>>)
      %add3A_1863 = arith.constant 2 : i32
      %add3A_1864 = arith.addi %add3A_1344, %add3A_1863 : i32
      %add3A_1865 = arith.constant 2 : i32
      %add3A_1866 = arith.addi %add3A_1344, %add3A_1865 : i32
      %add3A_1867 = arith.constant 1 : i32
      %add3A_1868 = arith.addi %add3A_1866, %add3A_1867 : i32
      %dma_wait3A_1869 = arith.constant 0 : i32
      %dma_wait3A_1870 = arith.constant 0 : i32
      %dma_wait3A_1871 = arith.constant 0 : i32
      %dma_wait3A_1872 = tpu.memref_slice %arg8[%dma_wait3A_1869, %dma_wait3A_1870, %dma_wait3A_1871] : memref<3x200x128xf32, #tpu.memory_space<vmem>> -> memref<1x200x128xf32, #tpu.memory_space<vmem>>
      %dma_wait3A_1873 = tpu.memref_squeeze %dma_wait3A_1872 : memref<1x200x128xf32, #tpu.memory_space<vmem>> -> memref<200x128xf32, #tpu.memory_space<vmem>>
      %dma_wait3A_1874 = arith.constant 0 : i32
      %dma_wait3A_1875 = arith.constant 0 : i32
      %dma_wait3A_1876 = tpu.memref_slice %arg5[%dma_wait3A_1874, %dma_wait3A_1875] : memref<204800x128xf32, #tpu.memory_space<hbm>> -> memref<200x128xf32, #tpu.memory_space<hbm>>
      %dma_wait3A_1877 = arith.constant 0 : i32
      %dma_wait3A_1878 = arith.constant 0 : i32
      %dma_wait3A_1879 = tpu.memref_slice %arg5[%dma_wait3A_1877, %dma_wait3A_1878] : memref<204800x128xf32, #tpu.memory_space<hbm>> -> memref<200x128xf32, #tpu.memory_space<hbm>>
      %dma_wait3A_1880 = arith.constant 0 : i32
      %dma_wait3A_1881 = arith.constant 0 : i32
      %dma_wait3A_1882 = tpu.memref_slice %arg8[%dma_wait3A_1869, %dma_wait3A_1880, %dma_wait3A_1881] : memref<3x200x128xf32, #tpu.memory_space<vmem>> -> memref<1x200x128xf32, #tpu.memory_space<vmem>>
      %dma_wait3A_1883 = tpu.memref_squeeze %dma_wait3A_1882 : memref<1x200x128xf32, #tpu.memory_space<vmem>> -> memref<200x128xf32, #tpu.memory_space<vmem>>
      tpu.wait_dma2 semaphore(%arg15 : memref<!tpu.dma_semaphore, #tpu.memory_space<semaphore_mem>>) src(%dma_wait3A_1883 : memref<200x128xf32, #tpu.memory_space<vmem>>) dst(%dma_wait3A_1879 : memref<200x128xf32, #tpu.memory_space<hbm>>)
      %get3A_1884 = arith.index_cast %add3A_1868 : i32 to index
      %get3A_1885 = arith.constant 0 : index
      %get3A_1886 = tpu.vector_load %arg6[%get3A_1884, %get3A_1885] {strides = array<i32>} : memref<32x200xi32, #tpu.memory_space<vmem>>, vector<1x16xi32>,
      %get3A_1887 = vector.shape_cast %get3A_1886 : vector<1x16xi32> to vector<16xi32>
      %add3A_1888 = vector.broadcast %mul3A_8 : i32 to vector<16xi32>
      %add3A_1889 = arith.addi %get3A_1887, %add3A_1888 : vector<16xi32>
      %swap3A_1890 = arith.constant 0 : i32
      %swap3A_1891 = arith.index_cast %swap3A_1890 : i32 to index
      %swap3A_1892 = arith.constant 0 : index
      %swap3A_1893 = tpu.vector_load %arg9[%swap3A_1891, %swap3A_1892] {strides = array<i32>} : memref<3x100xi32, #tpu.memory_space<vmem>>, vector<1x16xi32>,
      %swap3A_1894 = vector.shape_cast %swap3A_1893 : vector<1x16xi32> to vector<16xi32>
      %swap3A_1895 = vector.shape_cast %add3A_1889 : vector<16xi32> to vector<1x16xi32>
      tpu.vector_store %arg9[%swap3A_1891, %swap3A_1892], %swap3A_1895 {strides = array<i32>} : memref<3x100xi32, #tpu.memory_space<vmem>>, vector<1x16xi32>,
      %get3A_1896 = arith.index_cast %add3A_1868 : i32 to index
      %get3A_1897 = arith.constant 16 : index
      %get3A_1898 = tpu.vector_load %arg6[%get3A_1896, %get3A_1897] {strides = array<i32>} : memref<32x200xi32, #tpu.memory_space<vmem>>, vector<1x16xi32>,
      %get3A_1899 = vector.shape_cast %get3A_1898 : vector<1x16xi32> to vector<16xi32>
      %add3A_1900 = vector.broadcast %mul3A_8 : i32 to vector<16xi32>
      %add3A_1901 = arith.addi %get3A_1899, %add3A_1900 : vector<16xi32>
      %swap3A_1902 = arith.constant 0 : i32
      %swap3A_1903 = arith.index_cast %swap3A_1902 : i32 to index
      %swap3A_1904 = arith.constant 16 : index
      %swap3A_1905 = tpu.vector_load %arg9[%swap3A_1903, %swap3A_1904] {strides = array<i32>} : memref<3x100xi32, #tpu.memory_space<vmem>>, vector<1x16xi32>,
      %swap3A_1906 = vector.shape_cast %swap3A_1905 : vector<1x16xi32> to vector<16xi32>
      %swap3A_1907 = vector.shape_cast %add3A_1901 : vector<16xi32> to vector<1x16xi32>
      tpu.vector_store %arg9[%swap3A_1903, %swap3A_1904], %swap3A_1907 {strides = array<i32>} : memref<3x100xi32, #tpu.memory_space<vmem>>, vector<1x16xi32>,
      %get3A_1908 = arith.index_cast %add3A_1868 : i32 to index
      %get3A_1909 = arith.constant 32 : index
      %get3A_1910 = tpu.vector_load %arg6[%get3A_1908, %get3A_1909] {strides = array<i32>} : memref<32x200xi32, #tpu.memory_space<vmem>>, vector<1x16xi32>,
      %get3A_1911 = vector.shape_cast %get3A_1910 : vector<1x16xi32> to vector<16xi32>
      %add3A_1912 = vector.broadcast %mul3A_8 : i32 to vector<16xi32>
      %add3A_1913 = arith.addi %get3A_1911, %add3A_1912 : vector<16xi32>
      %swap3A_1914 = arith.constant 0 : i32
      %swap3A_1915 = arith.index_cast %swap3A_1914 : i32 to index
      %swap3A_1916 = arith.constant 32 : index
      %swap3A_1917 = tpu.vector_load %arg9[%swap3A_1915, %swap3A_1916] {strides = array<i32>} : memref<3x100xi32, #tpu.memory_space<vmem>>, vector<1x16xi32>,
      %swap3A_1918 = vector.shape_cast %swap3A_1917 : vector<1x16xi32> to vector<16xi32>
      %swap3A_1919 = vector.shape_cast %add3A_1913 : vector<16xi32> to vector<1x16xi32>
      tpu.vector_store %arg9[%swap3A_1915, %swap3A_1916], %swap3A_1919 {strides = array<i32>} : memref<3x100xi32, #tpu.memory_space<vmem>>, vector<1x16xi32>,
      %get3A_1920 = arith.index_cast %add3A_1868 : i32 to index
      %get3A_1921 = arith.constant 48 : index
      %get3A_1922 = tpu.vector_load %arg6[%get3A_1920, %get3A_1921] {strides = array<i32>} : memref<32x200xi32, #tpu.memory_space<vmem>>, vector<1x16xi32>,
      %get3A_1923 = vector.shape_cast %get3A_1922 : vector<1x16xi32> to vector<16xi32>
      %add3A_1924 = vector.broadcast %mul3A_8 : i32 to vector<16xi32>
      %add3A_1925 = arith.addi %get3A_1923, %add3A_1924 : vector<16xi32>
      %swap3A_1926 = arith.constant 0 : i32
      %swap3A_1927 = arith.index_cast %swap3A_1926 : i32 to index
      %swap3A_1928 = arith.constant 48 : index
      %swap3A_1929 = tpu.vector_load %arg9[%swap3A_1927, %swap3A_1928] {strides = array<i32>} : memref<3x100xi32, #tpu.memory_space<vmem>>, vector<1x16xi32>,
      %swap3A_1930 = vector.shape_cast %swap3A_1929 : vector<1x16xi32> to vector<16xi32>
      %swap3A_1931 = vector.shape_cast %add3A_1925 : vector<16xi32> to vector<1x16xi32>
      tpu.vector_store %arg9[%swap3A_1927, %swap3A_1928], %swap3A_1931 {strides = array<i32>} : memref<3x100xi32, #tpu.memory_space<vmem>>, vector<1x16xi32>,
      %get3A_1932 = arith.index_cast %add3A_1868 : i32 to index
      %get3A_1933 = arith.constant 64 : index
      %get3A_1934 = tpu.vector_load %arg6[%get3A_1932, %get3A_1933] {strides = array<i32>} : memref<32x200xi32, #tpu.memory_space<vmem>>, vector<1x16xi32>,
      %get3A_1935 = vector.shape_cast %get3A_1934 : vector<1x16xi32> to vector<16xi32>
      %add3A_1936 = vector.broadcast %mul3A_8 : i32 to vector<16xi32>
      %add3A_1937 = arith.addi %get3A_1935, %add3A_1936 : vector<16xi32>
      %swap3A_1938 = arith.constant 0 : i32
      %swap3A_1939 = arith.index_cast %swap3A_1938 : i32 to index
      %swap3A_1940 = arith.constant 64 : index
      %swap3A_1941 = tpu.vector_load %arg9[%swap3A_1939, %swap3A_1940] {strides = array<i32>} : memref<3x100xi32, #tpu.memory_space<vmem>>, vector<1x16xi32>,
      %swap3A_1942 = vector.shape_cast %swap3A_1941 : vector<1x16xi32> to vector<16xi32>
      %swap3A_1943 = vector.shape_cast %add3A_1937 : vector<16xi32> to vector<1x16xi32>
      tpu.vector_store %arg9[%swap3A_1939, %swap3A_1940], %swap3A_1943 {strides = array<i32>} : memref<3x100xi32, #tpu.memory_space<vmem>>, vector<1x16xi32>,
      %get3A_1944 = arith.index_cast %add3A_1868 : i32 to index
      %get3A_1945 = arith.constant 80 : index
      %get3A_1946 = tpu.vector_load %arg6[%get3A_1944, %get3A_1945] {strides = array<i32>} : memref<32x200xi32, #tpu.memory_space<vmem>>, vector<1x16xi32>,
      %get3A_1947 = vector.shape_cast %get3A_1946 : vector<1x16xi32> to vector<16xi32>
      %add3A_1948 = vector.broadcast %mul3A_8 : i32 to vector<16xi32>
      %add3A_1949 = arith.addi %get3A_1947, %add3A_1948 : vector<16xi32>
      %swap3A_1950 = arith.constant 0 : i32
      %swap3A_1951 = arith.index_cast %swap3A_1950 : i32 to index
      %swap3A_1952 = arith.constant 80 : index
      %swap3A_1953 = tpu.vector_load %arg9[%swap3A_1951, %swap3A_1952] {strides = array<i32>} : memref<3x100xi32, #tpu.memory_space<vmem>>, vector<1x16xi32>,
      %swap3A_1954 = vector.shape_cast %swap3A_1953 : vector<1x16xi32> to vector<16xi32>
      %swap3A_1955 = vector.shape_cast %add3A_1949 : vector<16xi32> to vector<1x16xi32>
      tpu.vector_store %arg9[%swap3A_1951, %swap3A_1952], %swap3A_1955 {strides = array<i32>} : memref<3x100xi32, #tpu.memory_space<vmem>>, vector<1x16xi32>,
      %get3A_1956 = arith.index_cast %add3A_1868 : i32 to index
      %get3A_1957 = arith.constant 84 : index
      %get3A_1958 = tpu.vector_load %arg6[%get3A_1956, %get3A_1957] {strides = array<i32>} : memref<32x200xi32, #tpu.memory_space<vmem>>, vector<1x16xi32>,
      %get3A_1959 = vector.shape_cast %get3A_1958 : vector<1x16xi32> to vector<16xi32>
      %add3A_1960 = vector.broadcast %mul3A_8 : i32 to vector<16xi32>
      %add3A_1961 = arith.addi %get3A_1959, %add3A_1960 : vector<16xi32>
      %swap3A_1962 = arith.constant 0 : i32
      %swap3A_1963 = arith.index_cast %swap3A_1962 : i32 to index
      %swap3A_1964 = arith.constant 84 : index
      %swap3A_1965 = tpu.vector_load %arg9[%swap3A_1963, %swap3A_1964] {strides = array<i32>} : memref<3x100xi32, #tpu.memory_space<vmem>>, vector<1x16xi32>,
      %swap3A_1966 = vector.shape_cast %swap3A_1965 : vector<1x16xi32> to vector<16xi32>
      %swap3A_1967 = vector.shape_cast %add3A_1961 : vector<16xi32> to vector<1x16xi32>
      tpu.vector_store %arg9[%swap3A_1963, %swap3A_1964], %swap3A_1967 {strides = array<i32>} : memref<3x100xi32, #tpu.memory_space<vmem>>, vector<1x16xi32>,
      %get3A_1968 = arith.index_cast %add3A_1868 : i32 to index
      %get3A_1969 = arith.constant 100 : index
      %get3A_1970 = tpu.vector_load %arg6[%get3A_1968, %get3A_1969] {strides = array<i32>} : memref<32x200xi32, #tpu.memory_space<vmem>>, vector<1x16xi32>,
      %get3A_1971 = vector.shape_cast %get3A_1970 : vector<1x16xi32> to vector<16xi32>
      %add3A_1972 = vector.broadcast %mul3A_8 : i32 to vector<16xi32>
      %add3A_1973 = arith.addi %get3A_1971, %add3A_1972 : vector<16xi32>
      %swap3A_1974 = arith.constant 0 : i32
      %swap3A_1975 = arith.index_cast %swap3A_1974 : i32 to index
      %swap3A_1976 = arith.constant 0 : index
      %swap3A_1977 = tpu.vector_load %arg10[%swap3A_1975, %swap3A_1976] {strides = array<i32>} : memref<3x100xi32, #tpu.memory_space<vmem>>, vector<1x16xi32>,
      %swap3A_1978 = vector.shape_cast %swap3A_1977 : vector<1x16xi32> to vector<16xi32>
      %swap3A_1979 = vector.shape_cast %add3A_1973 : vector<16xi32> to vector<1x16xi32>
      tpu.vector_store %arg10[%swap3A_1975, %swap3A_1976], %swap3A_1979 {strides = array<i32>} : memref<3x100xi32, #tpu.memory_space<vmem>>, vector<1x16xi32>,
      %get3A_1980 = arith.index_cast %add3A_1868 : i32 to index
      %get3A_1981 = arith.constant 116 : index
      %get3A_1982 = tpu.vector_load %arg6[%get3A_1980, %get3A_1981] {strides = array<i32>} : memref<32x200xi32, #tpu.memory_space<vmem>>, vector<1x16xi32>,
      %get3A_1983 = vector.shape_cast %get3A_1982 : vector<1x16xi32> to vector<16xi32>
      %add3A_1984 = vector.broadcast %mul3A_8 : i32 to vector<16xi32>
      %add3A_1985 = arith.addi %get3A_1983, %add3A_1984 : vector<16xi32>
      %swap3A_1986 = arith.constant 0 : i32
      %swap3A_1987 = arith.index_cast %swap3A_1986 : i32 to index
      %swap3A_1988 = arith.constant 16 : index
      %swap3A_1989 = tpu.vector_load %arg10[%swap3A_1987, %swap3A_1988] {strides = array<i32>} : memref<3x100xi32, #tpu.memory_space<vmem>>, vector<1x16xi32>,
      %swap3A_1990 = vector.shape_cast %swap3A_1989 : vector<1x16xi32> to vector<16xi32>
      %swap3A_1991 = vector.shape_cast %add3A_1985 : vector<16xi32> to vector<1x16xi32>
      tpu.vector_store %arg10[%swap3A_1987, %swap3A_1988], %swap3A_1991 {strides = array<i32>} : memref<3x100xi32, #tpu.memory_space<vmem>>, vector<1x16xi32>,
      %get3A_1992 = arith.index_cast %add3A_1868 : i32 to index
      %get3A_1993 = arith.constant 132 : index
      %get3A_1994 = tpu.vector_load %arg6[%get3A_1992, %get3A_1993] {strides = array<i32>} : memref<32x200xi32, #tpu.memory_space<vmem>>, vector<1x16xi32>,
      %get3A_1995 = vector.shape_cast %get3A_1994 : vector<1x16xi32> to vector<16xi32>
      %add3A_1996 = vector.broadcast %mul3A_8 : i32 to vector<16xi32>
      %add3A_1997 = arith.addi %get3A_1995, %add3A_1996 : vector<16xi32>
      %swap3A_1998 = arith.constant 0 : i32
      %swap3A_1999 = arith.index_cast %swap3A_1998 : i32 to index
      %swap3A_2000 = arith.constant 32 : index
      %swap3A_2001 = tpu.vector_load %arg10[%swap3A_1999, %swap3A_2000] {strides = array<i32>} : memref<3x100xi32, #tpu.memory_space<vmem>>, vector<1x16xi32>,
      %swap3A_2002 = vector.shape_cast %swap3A_2001 : vector<1x16xi32> to vector<16xi32>
      %swap3A_2003 = vector.shape_cast %add3A_1997 : vector<16xi32> to vector<1x16xi32>
      tpu.vector_store %arg10[%swap3A_1999, %swap3A_2000], %swap3A_2003 {strides = array<i32>} : memref<3x100xi32, #tpu.memory_space<vmem>>, vector<1x16xi32>,
      %get3A_2004 = arith.index_cast %add3A_1868 : i32 to index
      %get3A_2005 = arith.constant 148 : index
      %get3A_2006 = tpu.vector_load %arg6[%get3A_2004, %get3A_2005] {strides = array<i32>} : memref<32x200xi32, #tpu.memory_space<vmem>>, vector<1x16xi32>,
      %get3A_2007 = vector.shape_cast %get3A_2006 : vector<1x16xi32> to vector<16xi32>
      %add3A_2008 = vector.broadcast %mul3A_8 : i32 to vector<16xi32>
      %add3A_2009 = arith.addi %get3A_2007, %add3A_2008 : vector<16xi32>
      %swap3A_2010 = arith.constant 0 : i32
      %swap3A_2011 = arith.index_cast %swap3A_2010 : i32 to index
      %swap3A_2012 = arith.constant 48 : index
      %swap3A_2013 = tpu.vector_load %arg10[%swap3A_2011, %swap3A_2012] {strides = array<i32>} : memref<3x100xi32, #tpu.memory_space<vmem>>, vector<1x16xi32>,
      %swap3A_2014 = vector.shape_cast %swap3A_2013 : vector<1x16xi32> to vector<16xi32>
      %swap3A_2015 = vector.shape_cast %add3A_2009 : vector<16xi32> to vector<1x16xi32>
      tpu.vector_store %arg10[%swap3A_2011, %swap3A_2012], %swap3A_2015 {strides = array<i32>} : memref<3x100xi32, #tpu.memory_space<vmem>>, vector<1x16xi32>,
      %get3A_2016 = arith.index_cast %add3A_1868 : i32 to index
      %get3A_2017 = arith.constant 164 : index
      %get3A_2018 = tpu.vector_load %arg6[%get3A_2016, %get3A_2017] {strides = array<i32>} : memref<32x200xi32, #tpu.memory_space<vmem>>, vector<1x16xi32>,
      %get3A_2019 = vector.shape_cast %get3A_2018 : vector<1x16xi32> to vector<16xi32>
      %add3A_2020 = vector.broadcast %mul3A_8 : i32 to vector<16xi32>
      %add3A_2021 = arith.addi %get3A_2019, %add3A_2020 : vector<16xi32>
      %swap3A_2022 = arith.constant 0 : i32
      %swap3A_2023 = arith.index_cast %swap3A_2022 : i32 to index
      %swap3A_2024 = arith.constant 64 : index
      %swap3A_2025 = tpu.vector_load %arg10[%swap3A_2023, %swap3A_2024] {strides = array<i32>} : memref<3x100xi32, #tpu.memory_space<vmem>>, vector<1x16xi32>,
      %swap3A_2026 = vector.shape_cast %swap3A_2025 : vector<1x16xi32> to vector<16xi32>
      %swap3A_2027 = vector.shape_cast %add3A_2021 : vector<16xi32> to vector<1x16xi32>
      tpu.vector_store %arg10[%swap3A_2023, %swap3A_2024], %swap3A_2027 {strides = array<i32>} : memref<3x100xi32, #tpu.memory_space<vmem>>, vector<1x16xi32>,
      %get3A_2028 = arith.index_cast %add3A_1868 : i32 to index
      %get3A_2029 = arith.constant 180 : index
      %get3A_2030 = tpu.vector_load %arg6[%get3A_2028, %get3A_2029] {strides = array<i32>} : memref<32x200xi32, #tpu.memory_space<vmem>>, vector<1x16xi32>,
      %get3A_2031 = vector.shape_cast %get3A_2030 : vector<1x16xi32> to vector<16xi32>
      %add3A_2032 = vector.broadcast %mul3A_8 : i32 to vector<16xi32>
      %add3A_2033 = arith.addi %get3A_2031, %add3A_2032 : vector<16xi32>
      %swap3A_2034 = arith.constant 0 : i32
      %swap3A_2035 = arith.index_cast %swap3A_2034 : i32 to index
      %swap3A_2036 = arith.constant 80 : index
      %swap3A_2037 = tpu.vector_load %arg10[%swap3A_2035, %swap3A_2036] {strides = array<i32>} : memref<3x100xi32, #tpu.memory_space<vmem>>, vector<1x16xi32>,
      %swap3A_2038 = vector.shape_cast %swap3A_2037 : vector<1x16xi32> to vector<16xi32>
      %swap3A_2039 = vector.shape_cast %add3A_2033 : vector<16xi32> to vector<1x16xi32>
      tpu.vector_store %arg10[%swap3A_2035, %swap3A_2036], %swap3A_2039 {strides = array<i32>} : memref<3x100xi32, #tpu.memory_space<vmem>>, vector<1x16xi32>,
      %get3A_2040 = arith.index_cast %add3A_1868 : i32 to index
      %get3A_2041 = arith.constant 184 : index
      %get3A_2042 = tpu.vector_load %arg6[%get3A_2040, %get3A_2041] {strides = array<i32>} : memref<32x200xi32, #tpu.memory_space<vmem>>, vector<1x16xi32>,
      %get3A_2043 = vector.shape_cast %get3A_2042 : vector<1x16xi32> to vector<16xi32>
      %add3A_2044 = vector.broadcast %mul3A_8 : i32 to vector<16xi32>
      %add3A_2045 = arith.addi %get3A_2043, %add3A_2044 : vector<16xi32>
      %swap3A_2046 = arith.constant 0 : i32
      %swap3A_2047 = arith.index_cast %swap3A_2046 : i32 to index
      %swap3A_2048 = arith.constant 84 : index
      %swap3A_2049 = tpu.vector_load %arg10[%swap3A_2047, %swap3A_2048] {strides = array<i32>} : memref<3x100xi32, #tpu.memory_space<vmem>>, vector<1x16xi32>,
      %swap3A_2050 = vector.shape_cast %swap3A_2049 : vector<1x16xi32> to vector<16xi32>
      %swap3A_2051 = vector.shape_cast %add3A_2045 : vector<16xi32> to vector<1x16xi32>
      tpu.vector_store %arg10[%swap3A_2047, %swap3A_2048], %swap3A_2051 {strides = array<i32>} : memref<3x100xi32, #tpu.memory_space<vmem>>, vector<1x16xi32>,
      %dma_start3A_2052 = arith.constant 0 : i32
      %dma_start3A_2053 = arith.constant 0 : i32
      %dma_start3A_2054 = arith.constant 0 : i32
      %dma_start3A_2055 = arith.constant 0 : i32
      %dma_start3A_2056 = tpu.memref_slice %arg8[%dma_start3A_2053, %dma_start3A_2054, %dma_start3A_2055] : memref<3x200x128xf32, #tpu.memory_space<vmem>> -> memref<1x100x128xf32, #tpu.memory_space<vmem>>
      %dma_start3A_2057 = tpu.memref_squeeze %dma_start3A_2056 : memref<1x100x128xf32, #tpu.memory_space<vmem>> -> memref<100x128xf32, #tpu.memory_space<vmem>>
      %dma_start3A_2058 = arith.constant 0 : i32
      %dma_start3A_2059 = tpu.memref_slice %arg9[%dma_start3A_2052, %dma_start3A_2058] : memref<3x100xi32, #tpu.memory_space<vmem>> -> memref<1x100xi32, #tpu.memory_space<vmem>>
      %dma_start3A_2060 = tpu.memref_squeeze %dma_start3A_2059 : memref<1x100xi32, #tpu.memory_space<vmem>> -> memref<100xi32, #tpu.memory_space<vmem>>
      %dma_start3A_2061 = arith.constant 0 : i32
      %dma_start3A_2062 = arith.constant 0 : i32
      %dma_start3A_2063 = tpu.memref_slice %arg11[%dma_start3A_2061, %dma_start3A_2062] : memref<2048x128xf32, #tpu.memory_space<vmem_shared>> -> memref<2048x128xf32, #tpu.memory_space<vmem_shared>>
      tpu.enqueue_indirect_dma source(%dma_start3A_2063 : memref<2048x128xf32, #tpu.memory_space<vmem_shared>>) target(%dma_start3A_2057 : memref<100x128xf32, #tpu.memory_space<vmem>>) offsets(%dma_start3A_2060 : memref<100xi32, #tpu.memory_space<vmem>>) semaphore(%arg12 : memref<!tpu.dma_semaphore, #tpu.memory_space<semaphore_mem>>)
      %dma_start3A_2064 = arith.constant 0 : i32
      %dma_start3A_2065 = arith.constant 0 : i32
      %dma_start3A_2066 = arith.constant 100 : i32
      %dma_start3A_2067 = arith.constant 0 : i32
      %dma_start3A_2068 = tpu.memref_slice %arg8[%dma_start3A_2065, %dma_start3A_2066, %dma_start3A_2067] : memref<3x200x128xf32, #tpu.memory_space<vmem>> -> memref<1x100x128xf32, #tpu.memory_space<vmem>>
      %dma_start3A_2069 = tpu.memref_squeeze %dma_start3A_2068 : memref<1x100x128xf32, #tpu.memory_space<vmem>> -> memref<100x128xf32, #tpu.memory_space<vmem>>
      %dma_start3A_2070 = arith.constant 0 : i32
      %dma_start3A_2071 = tpu.memref_slice %arg10[%dma_start3A_2064, %dma_start3A_2070] : memref<3x100xi32, #tpu.memory_space<vmem>> -> memref<1x100xi32, #tpu.memory_space<vmem>>
      %dma_start3A_2072 = tpu.memref_squeeze %dma_start3A_2071 : memref<1x100xi32, #tpu.memory_space<vmem>> -> memref<100xi32, #tpu.memory_space<vmem>>
      %dma_start3A_2073 = arith.constant 0 : i32
      %dma_start3A_2074 = arith.constant 0 : i32
      %dma_start3A_2075 = tpu.memref_slice %arg11[%dma_start3A_2073, %dma_start3A_2074] : memref<2048x128xf32, #tpu.memory_space<vmem_shared>> -> memref<2048x128xf32, #tpu.memory_space<vmem_shared>>
      tpu.enqueue_indirect_dma source(%dma_start3A_2075 : memref<2048x128xf32, #tpu.memory_space<vmem_shared>>) target(%dma_start3A_2069 : memref<100x128xf32, #tpu.memory_space<vmem>>) offsets(%dma_start3A_2072 : memref<100xi32, #tpu.memory_space<vmem>>) semaphore(%arg12 : memref<!tpu.dma_semaphore, #tpu.memory_space<semaphore_mem>>)
      %dma_wait3A_2076 = arith.constant 2 : i32
      %dma_wait3A_2077 = arith.constant 2 : i32
      %dma_wait3A_2078 = arith.constant 0 : i32
      %dma_wait3A_2079 = arith.constant 0 : i32
      %dma_wait3A_2080 = tpu.memref_slice %arg8[%dma_wait3A_2077, %dma_wait3A_2078, %dma_wait3A_2079] : memref<3x200x128xf32, #tpu.memory_space<vmem>> -> memref<1x100x128xf32, #tpu.memory_space<vmem>>
      %dma_wait3A_2081 = tpu.memref_squeeze %dma_wait3A_2080 : memref<1x100x128xf32, #tpu.memory_space<vmem>> -> memref<100x128xf32, #tpu.memory_space<vmem>>
      %dma_wait3A_2082 = arith.constant 0 : i32
      %dma_wait3A_2083 = tpu.memref_slice %arg9[%dma_wait3A_2076, %dma_wait3A_2082] : memref<3x100xi32, #tpu.memory_space<vmem>> -> memref<1x100xi32, #tpu.memory_space<vmem>>
      %dma_wait3A_2084 = tpu.memref_squeeze %dma_wait3A_2083 : memref<1x100xi32, #tpu.memory_space<vmem>> -> memref<100xi32, #tpu.memory_space<vmem>>
      %dma_wait3A_2085 = arith.constant 0 : i32
      %dma_wait3A_2086 = arith.constant 0 : i32
      %dma_wait3A_2087 = tpu.memref_slice %arg11[%dma_wait3A_2085, %dma_wait3A_2086] : memref<2048x128xf32, #tpu.memory_space<vmem_shared>> -> memref<2048x128xf32, #tpu.memory_space<vmem_shared>>
      tpu.wait_indirect_dma semaphore(%arg14 : memref<!tpu.dma_semaphore, #tpu.memory_space<semaphore_mem>>) src(%dma_wait3A_2087 : memref<2048x128xf32, #tpu.memory_space<vmem_shared>>) dst(%dma_wait3A_2081 : memref<100x128xf32, #tpu.memory_space<vmem>>)
      %dma_wait3A_2088 = arith.constant 2 : i32
      %dma_wait3A_2089 = arith.constant 2 : i32
      %dma_wait3A_2090 = arith.constant 100 : i32
      %dma_wait3A_2091 = arith.constant 0 : i32
      %dma_wait3A_2092 = tpu.memref_slice %arg8[%dma_wait3A_2089, %dma_wait3A_2090, %dma_wait3A_2091] : memref<3x200x128xf32, #tpu.memory_space<vmem>> -> memref<1x100x128xf32, #tpu.memory_space<vmem>>
      %dma_wait3A_2093 = tpu.memref_squeeze %dma_wait3A_2092 : memref<1x100x128xf32, #tpu.memory_space<vmem>> -> memref<100x128xf32, #tpu.memory_space<vmem>>
      %dma_wait3A_2094 = arith.constant 0 : i32
      %dma_wait3A_2095 = tpu.memref_slice %arg10[%dma_wait3A_2088, %dma_wait3A_2094] : memref<3x100xi32, #tpu.memory_space<vmem>> -> memref<1x100xi32, #tpu.memory_space<vmem>>
      %dma_wait3A_2096 = tpu.memref_squeeze %dma_wait3A_2095 : memref<1x100xi32, #tpu.memory_space<vmem>> -> memref<100xi32, #tpu.memory_space<vmem>>
      %dma_wait3A_2097 = arith.constant 0 : i32
      %dma_wait3A_2098 = arith.constant 0 : i32
      %dma_wait3A_2099 = tpu.memref_slice %arg11[%dma_wait3A_2097, %dma_wait3A_2098] : memref<2048x128xf32, #tpu.memory_space<vmem_shared>> -> memref<2048x128xf32, #tpu.memory_space<vmem_shared>>
      tpu.wait_indirect_dma semaphore(%arg14 : memref<!tpu.dma_semaphore, #tpu.memory_space<semaphore_mem>>) src(%dma_wait3A_2099 : memref<2048x128xf32, #tpu.memory_space<vmem_shared>>) dst(%dma_wait3A_2093 : memref<100x128xf32, #tpu.memory_space<vmem>>)
      %scan3A_2100 = arith.constant 0 : i32
      %scan3A_2101 = arith.constant 0 : i32
      %scan3A_2102 = arith.constant 100 : i32
      %scan3A_2103 = arith.addi %scan3A_2101, %scan3A_2102 : i32
      %scan3A_2104 = arith.constant 1 : i32
      scf.for %scan3A_2122 = %scan3A_2101 to %scan3A_2103 step %scan3A_2104  : i32 {
        %mul3A_2123 = arith.constant 2 : i32
        %mul3A_2124 = arith.muli %mul3A_2123, %scan3A_2122 : i32
        %add3A_2125 = arith.constant 0 : i32
        %add3A_2126 = arith.addi %mul3A_2124, %add3A_2125 : i32
        %mul3A_2127 = arith.constant 2 : i32
        %mul3A_2128 = arith.muli %mul3A_2127, %scan3A_2122 : i32
        %add3A_2129 = arith.constant 0 : i32
        %add3A_2130 = arith.addi %mul3A_2128, %add3A_2129 : i32
        %get3A_2131 = arith.index_cast %add3A_2130 : i32 to index
        %get3A_2132 = arith.constant 0 : index
        %get3A_2133 = tpu.vector_load %arg7[%get3A_2131, %get3A_2132] {strides = array<i32>} : memref<200x128xf32, #tpu.memory_space<vmem>>, vector<1x16xf32>,
        %get3A_2134 = vector.shape_cast %get3A_2133 : vector<1x16xf32> to vector<16xf32>
        %swap3A_2135 = arith.constant 2 : i32
        %swap3A_2136 = arith.index_cast %swap3A_2135 : i32 to index
        %swap3A_2137 = arith.index_cast %add3A_2126 : i32 to index
        %swap3A_2138 = arith.constant 0 : index
        %swap3A_2139 = tpu.vector_load %arg8[%swap3A_2136, %swap3A_2137, %swap3A_2138] {strides = array<i32>} : memref<3x200x128xf32, #tpu.memory_space<vmem>>, vector<1x1x16xf32>,
        %swap3A_2140 = vector.shape_cast %swap3A_2139 : vector<1x1x16xf32> to vector<16xf32>
        %swap3A_2141 = vector.shape_cast %get3A_2134 : vector<16xf32> to vector<1x1x16xf32>
        tpu.vector_store %arg8[%swap3A_2136, %swap3A_2137, %swap3A_2138], %swap3A_2141 {add = true, strides = array<i32>} : memref<3x200x128xf32, #tpu.memory_space<vmem>>, vector<1x1x16xf32>,
        %mul3A_2142 = arith.constant 2 : i32
        %mul3A_2143 = arith.muli %mul3A_2142, %scan3A_2122 : i32
        %add3A_2144 = arith.constant 0 : i32
        %add3A_2145 = arith.addi %mul3A_2143, %add3A_2144 : i32
        %mul3A_2146 = arith.constant 2 : i32
        %mul3A_2147 = arith.muli %mul3A_2146, %scan3A_2122 : i32
        %add3A_2148 = arith.constant 0 : i32
        %add3A_2149 = arith.addi %mul3A_2147, %add3A_2148 : i32
        %get3A_2150 = arith.index_cast %add3A_2149 : i32 to index
        %get3A_2151 = arith.constant 16 : index
        %get3A_2152 = tpu.vector_load %arg7[%get3A_2150, %get3A_2151] {strides = array<i32>} : memref<200x128xf32, #tpu.memory_space<vmem>>, vector<1x16xf32>,
        %get3A_2153 = vector.shape_cast %get3A_2152 : vector<1x16xf32> to vector<16xf32>
        %swap3A_2154 = arith.constant 2 : i32
        %swap3A_2155 = arith.index_cast %swap3A_2154 : i32 to index
        %swap3A_2156 = arith.index_cast %add3A_2145 : i32 to index
        %swap3A_2157 = arith.constant 16 : index
        %swap3A_2158 = tpu.vector_load %arg8[%swap3A_2155, %swap3A_2156, %swap3A_2157] {strides = array<i32>} : memref<3x200x128xf32, #tpu.memory_space<vmem>>, vector<1x1x16xf32>,
        %swap3A_2159 = vector.shape_cast %swap3A_2158 : vector<1x1x16xf32> to vector<16xf32>
        %swap3A_2160 = vector.shape_cast %get3A_2153 : vector<16xf32> to vector<1x1x16xf32>
        tpu.vector_store %arg8[%swap3A_2155, %swap3A_2156, %swap3A_2157], %swap3A_2160 {add = true, strides = array<i32>} : memref<3x200x128xf32, #tpu.memory_space<vmem>>, vector<1x1x16xf32>,
        %mul3A_2161 = arith.constant 2 : i32
        %mul3A_2162 = arith.muli %mul3A_2161, %scan3A_2122 : i32
        %add3A_2163 = arith.constant 0 : i32
        %add3A_2164 = arith.addi %mul3A_2162, %add3A_2163 : i32
        %mul3A_2165 = arith.constant 2 : i32
        %mul3A_2166 = arith.muli %mul3A_2165, %scan3A_2122 : i32
        %add3A_2167 = arith.constant 0 : i32
        %add3A_2168 = arith.addi %mul3A_2166, %add3A_2167 : i32
        %get3A_2169 = arith.index_cast %add3A_2168 : i32 to index
        %get3A_2170 = arith.constant 32 : index
        %get3A_2171 = tpu.vector_load %arg7[%get3A_2169, %get3A_2170] {strides = array<i32>} : memref<200x128xf32, #tpu.memory_space<vmem>>, vector<1x16xf32>,
        %get3A_2172 = vector.shape_cast %get3A_2171 : vector<1x16xf32> to vector<16xf32>
        %swap3A_2173 = arith.constant 2 : i32
        %swap3A_2174 = arith.index_cast %swap3A_2173 : i32 to index
        %swap3A_2175 = arith.index_cast %add3A_2164 : i32 to index
        %swap3A_2176 = arith.constant 32 : index
        %swap3A_2177 = tpu.vector_load %arg8[%swap3A_2174, %swap3A_2175, %swap3A_2176] {strides = array<i32>} : memref<3x200x128xf32, #tpu.memory_space<vmem>>, vector<1x1x16xf32>,
        %swap3A_2178 = vector.shape_cast %swap3A_2177 : vector<1x1x16xf32> to vector<16xf32>
        %swap3A_2179 = vector.shape_cast %get3A_2172 : vector<16xf32> to vector<1x1x16xf32>
        tpu.vector_store %arg8[%swap3A_2174, %swap3A_2175, %swap3A_2176], %swap3A_2179 {add = true, strides = array<i32>} : memref<3x200x128xf32, #tpu.memory_space<vmem>>, vector<1x1x16xf32>,
        %mul3A_2180 = arith.constant 2 : i32
        %mul3A_2181 = arith.muli %mul3A_2180, %scan3A_2122 : i32
        %add3A_2182 = arith.constant 0 : i32
        %add3A_2183 = arith.addi %mul3A_2181, %add3A_2182 : i32
        %mul3A_2184 = arith.constant 2 : i32
        %mul3A_2185 = arith.muli %mul3A_2184, %scan3A_2122 : i32
        %add3A_2186 = arith.constant 0 : i32
        %add3A_2187 = arith.addi %mul3A_2185, %add3A_2186 : i32
        %get3A_2188 = arith.index_cast %add3A_2187 : i32 to index
        %get3A_2189 = arith.constant 48 : index
        %get3A_2190 = tpu.vector_load %arg7[%get3A_2188, %get3A_2189] {strides = array<i32>} : memref<200x128xf32, #tpu.memory_space<vmem>>, vector<1x16xf32>,
        %get3A_2191 = vector.shape_cast %get3A_2190 : vector<1x16xf32> to vector<16xf32>
        %swap3A_2192 = arith.constant 2 : i32
        %swap3A_2193 = arith.index_cast %swap3A_2192 : i32 to index
        %swap3A_2194 = arith.index_cast %add3A_2183 : i32 to index
        %swap3A_2195 = arith.constant 48 : index
        %swap3A_2196 = tpu.vector_load %arg8[%swap3A_2193, %swap3A_2194, %swap3A_2195] {strides = array<i32>} : memref<3x200x128xf32, #tpu.memory_space<vmem>>, vector<1x1x16xf32>,
        %swap3A_2197 = vector.shape_cast %swap3A_2196 : vector<1x1x16xf32> to vector<16xf32>
        %swap3A_2198 = vector.shape_cast %get3A_2191 : vector<16xf32> to vector<1x1x16xf32>
        tpu.vector_store %arg8[%swap3A_2193, %swap3A_2194, %swap3A_2195], %swap3A_2198 {add = true, strides = array<i32>} : memref<3x200x128xf32, #tpu.memory_space<vmem>>, vector<1x1x16xf32>,
        %mul3A_2199 = arith.constant 2 : i32
        %mul3A_2200 = arith.muli %mul3A_2199, %scan3A_2122 : i32
        %add3A_2201 = arith.constant 0 : i32
        %add3A_2202 = arith.addi %mul3A_2200, %add3A_2201 : i32
        %mul3A_2203 = arith.constant 2 : i32
        %mul3A_2204 = arith.muli %mul3A_2203, %scan3A_2122 : i32
        %add3A_2205 = arith.constant 0 : i32
        %add3A_2206 = arith.addi %mul3A_2204, %add3A_2205 : i32
        %get3A_2207 = arith.index_cast %add3A_2206 : i32 to index
        %get3A_2208 = arith.constant 64 : index
        %get3A_2209 = tpu.vector_load %arg7[%get3A_2207, %get3A_2208] {strides = array<i32>} : memref<200x128xf32, #tpu.memory_space<vmem>>, vector<1x16xf32>,
        %get3A_2210 = vector.shape_cast %get3A_2209 : vector<1x16xf32> to vector<16xf32>
        %swap3A_2211 = arith.constant 2 : i32
        %swap3A_2212 = arith.index_cast %swap3A_2211 : i32 to index
        %swap3A_2213 = arith.index_cast %add3A_2202 : i32 to index
        %swap3A_2214 = arith.constant 64 : index
        %swap3A_2215 = tpu.vector_load %arg8[%swap3A_2212, %swap3A_2213, %swap3A_2214] {strides = array<i32>} : memref<3x200x128xf32, #tpu.memory_space<vmem>>, vector<1x1x16xf32>,
        %swap3A_2216 = vector.shape_cast %swap3A_2215 : vector<1x1x16xf32> to vector<16xf32>
        %swap3A_2217 = vector.shape_cast %get3A_2210 : vector<16xf32> to vector<1x1x16xf32>
        tpu.vector_store %arg8[%swap3A_2212, %swap3A_2213, %swap3A_2214], %swap3A_2217 {add = true, strides = array<i32>} : memref<3x200x128xf32, #tpu.memory_space<vmem>>, vector<1x1x16xf32>,
        %mul3A_2218 = arith.constant 2 : i32
        %mul3A_2219 = arith.muli %mul3A_2218, %scan3A_2122 : i32
        %add3A_2220 = arith.constant 0 : i32
        %add3A_2221 = arith.addi %mul3A_2219, %add3A_2220 : i32
        %mul3A_2222 = arith.constant 2 : i32
        %mul3A_2223 = arith.muli %mul3A_2222, %scan3A_2122 : i32
        %add3A_2224 = arith.constant 0 : i32
        %add3A_2225 = arith.addi %mul3A_2223, %add3A_2224 : i32
        %get3A_2226 = arith.index_cast %add3A_2225 : i32 to index
        %get3A_2227 = arith.constant 80 : index
        %get3A_2228 = tpu.vector_load %arg7[%get3A_2226, %get3A_2227] {strides = array<i32>} : memref<200x128xf32, #tpu.memory_space<vmem>>, vector<1x16xf32>,
        %get3A_2229 = vector.shape_cast %get3A_2228 : vector<1x16xf32> to vector<16xf32>
        %swap3A_2230 = arith.constant 2 : i32
        %swap3A_2231 = arith.index_cast %swap3A_2230 : i32 to index
        %swap3A_2232 = arith.index_cast %add3A_2221 : i32 to index
        %swap3A_2233 = arith.constant 80 : index
        %swap3A_2234 = tpu.vector_load %arg8[%swap3A_2231, %swap3A_2232, %swap3A_2233] {strides = array<i32>} : memref<3x200x128xf32, #tpu.memory_space<vmem>>, vector<1x1x16xf32>,
        %swap3A_2235 = vector.shape_cast %swap3A_2234 : vector<1x1x16xf32> to vector<16xf32>
        %swap3A_2236 = vector.shape_cast %get3A_2229 : vector<16xf32> to vector<1x1x16xf32>
        tpu.vector_store %arg8[%swap3A_2231, %swap3A_2232, %swap3A_2233], %swap3A_2236 {add = true, strides = array<i32>} : memref<3x200x128xf32, #tpu.memory_space<vmem>>, vector<1x1x16xf32>,
        %mul3A_2237 = arith.constant 2 : i32
        %mul3A_2238 = arith.muli %mul3A_2237, %scan3A_2122 : i32
        %add3A_2239 = arith.constant 0 : i32
        %add3A_2240 = arith.addi %mul3A_2238, %add3A_2239 : i32
        %mul3A_2241 = arith.constant 2 : i32
        %mul3A_2242 = arith.muli %mul3A_2241, %scan3A_2122 : i32
        %add3A_2243 = arith.constant 0 : i32
        %add3A_2244 = arith.addi %mul3A_2242, %add3A_2243 : i32
        %get3A_2245 = arith.index_cast %add3A_2244 : i32 to index
        %get3A_2246 = arith.constant 96 : index
        %get3A_2247 = tpu.vector_load %arg7[%get3A_2245, %get3A_2246] {strides = array<i32>} : memref<200x128xf32, #tpu.memory_space<vmem>>, vector<1x16xf32>,
        %get3A_2248 = vector.shape_cast %get3A_2247 : vector<1x16xf32> to vector<16xf32>
        %swap3A_2249 = arith.constant 2 : i32
        %swap3A_2250 = arith.index_cast %swap3A_2249 : i32 to index
        %swap3A_2251 = arith.index_cast %add3A_2240 : i32 to index
        %swap3A_2252 = arith.constant 96 : index
        %swap3A_2253 = tpu.vector_load %arg8[%swap3A_2250, %swap3A_2251, %swap3A_2252] {strides = array<i32>} : memref<3x200x128xf32, #tpu.memory_space<vmem>>, vector<1x1x16xf32>,
        %swap3A_2254 = vector.shape_cast %swap3A_2253 : vector<1x1x16xf32> to vector<16xf32>
        %swap3A_2255 = vector.shape_cast %get3A_2248 : vector<16xf32> to vector<1x1x16xf32>
        tpu.vector_store %arg8[%swap3A_2250, %swap3A_2251, %swap3A_2252], %swap3A_2255 {add = true, strides = array<i32>} : memref<3x200x128xf32, #tpu.memory_space<vmem>>, vector<1x1x16xf32>,
        %mul3A_2256 = arith.constant 2 : i32
        %mul3A_2257 = arith.muli %mul3A_2256, %scan3A_2122 : i32
        %add3A_2258 = arith.constant 0 : i32
        %add3A_2259 = arith.addi %mul3A_2257, %add3A_2258 : i32
        %mul3A_2260 = arith.constant 2 : i32
        %mul3A_2261 = arith.muli %mul3A_2260, %scan3A_2122 : i32
        %add3A_2262 = arith.constant 0 : i32
        %add3A_2263 = arith.addi %mul3A_2261, %add3A_2262 : i32
        %get3A_2264 = arith.index_cast %add3A_2263 : i32 to index
        %get3A_2265 = arith.constant 112 : index
        %get3A_2266 = tpu.vector_load %arg7[%get3A_2264, %get3A_2265] {strides = array<i32>} : memref<200x128xf32, #tpu.memory_space<vmem>>, vector<1x16xf32>,
        %get3A_2267 = vector.shape_cast %get3A_2266 : vector<1x16xf32> to vector<16xf32>
        %swap3A_2268 = arith.constant 2 : i32
        %swap3A_2269 = arith.index_cast %swap3A_2268 : i32 to index
        %swap3A_2270 = arith.index_cast %add3A_2259 : i32 to index
        %swap3A_2271 = arith.constant 112 : index
        %swap3A_2272 = tpu.vector_load %arg8[%swap3A_2269, %swap3A_2270, %swap3A_2271] {strides = array<i32>} : memref<3x200x128xf32, #tpu.memory_space<vmem>>, vector<1x1x16xf32>,
        %swap3A_2273 = vector.shape_cast %swap3A_2272 : vector<1x1x16xf32> to vector<16xf32>
        %swap3A_2274 = vector.shape_cast %get3A_2267 : vector<16xf32> to vector<1x1x16xf32>
        tpu.vector_store %arg8[%swap3A_2269, %swap3A_2270, %swap3A_2271], %swap3A_2274 {add = true, strides = array<i32>} : memref<3x200x128xf32, #tpu.memory_space<vmem>>, vector<1x1x16xf32>,
        %mul3A_2275 = arith.constant 2 : i32
        %mul3A_2276 = arith.muli %mul3A_2275, %scan3A_2122 : i32
        %add3A_2277 = arith.constant 1 : i32
        %add3A_2278 = arith.addi %mul3A_2276, %add3A_2277 : i32
        %mul3A_2279 = arith.constant 2 : i32
        %mul3A_2280 = arith.muli %mul3A_2279, %scan3A_2122 : i32
        %add3A_2281 = arith.constant 1 : i32
        %add3A_2282 = arith.addi %mul3A_2280, %add3A_2281 : i32
        %get3A_2283 = arith.index_cast %add3A_2282 : i32 to index
        %get3A_2284 = arith.constant 0 : index
        %get3A_2285 = tpu.vector_load %arg7[%get3A_2283, %get3A_2284] {strides = array<i32>} : memref<200x128xf32, #tpu.memory_space<vmem>>, vector<1x16xf32>,
        %get3A_2286 = vector.shape_cast %get3A_2285 : vector<1x16xf32> to vector<16xf32>
        %swap3A_2287 = arith.constant 2 : i32
        %swap3A_2288 = arith.index_cast %swap3A_2287 : i32 to index
        %swap3A_2289 = arith.index_cast %add3A_2278 : i32 to index
        %swap3A_2290 = arith.constant 0 : index
        %swap3A_2291 = tpu.vector_load %arg8[%swap3A_2288, %swap3A_2289, %swap3A_2290] {strides = array<i32>} : memref<3x200x128xf32, #tpu.memory_space<vmem>>, vector<1x1x16xf32>,
        %swap3A_2292 = vector.shape_cast %swap3A_2291 : vector<1x1x16xf32> to vector<16xf32>
        %swap3A_2293 = vector.shape_cast %get3A_2286 : vector<16xf32> to vector<1x1x16xf32>
        tpu.vector_store %arg8[%swap3A_2288, %swap3A_2289, %swap3A_2290], %swap3A_2293 {add = true, strides = array<i32>} : memref<3x200x128xf32, #tpu.memory_space<vmem>>, vector<1x1x16xf32>,
        %mul3A_2294 = arith.constant 2 : i32
        %mul3A_2295 = arith.muli %mul3A_2294, %scan3A_2122 : i32
        %add3A_2296 = arith.constant 1 : i32
        %add3A_2297 = arith.addi %mul3A_2295, %add3A_2296 : i32
        %mul3A_2298 = arith.constant 2 : i32
        %mul3A_2299 = arith.muli %mul3A_2298, %scan3A_2122 : i32
        %add3A_2300 = arith.constant 1 : i32
        %add3A_2301 = arith.addi %mul3A_2299, %add3A_2300 : i32
        %get3A_2302 = arith.index_cast %add3A_2301 : i32 to index
        %get3A_2303 = arith.constant 16 : index
        %get3A_2304 = tpu.vector_load %arg7[%get3A_2302, %get3A_2303] {strides = array<i32>} : memref<200x128xf32, #tpu.memory_space<vmem>>, vector<1x16xf32>,
        %get3A_2305 = vector.shape_cast %get3A_2304 : vector<1x16xf32> to vector<16xf32>
        %swap3A_2306 = arith.constant 2 : i32
        %swap3A_2307 = arith.index_cast %swap3A_2306 : i32 to index
        %swap3A_2308 = arith.index_cast %add3A_2297 : i32 to index
        %swap3A_2309 = arith.constant 16 : index
        %swap3A_2310 = tpu.vector_load %arg8[%swap3A_2307, %swap3A_2308, %swap3A_2309] {strides = array<i32>} : memref<3x200x128xf32, #tpu.memory_space<vmem>>, vector<1x1x16xf32>,
        %swap3A_2311 = vector.shape_cast %swap3A_2310 : vector<1x1x16xf32> to vector<16xf32>
        %swap3A_2312 = vector.shape_cast %get3A_2305 : vector<16xf32> to vector<1x1x16xf32>
        tpu.vector_store %arg8[%swap3A_2307, %swap3A_2308, %swap3A_2309], %swap3A_2312 {add = true, strides = array<i32>} : memref<3x200x128xf32, #tpu.memory_space<vmem>>, vector<1x1x16xf32>,
        %mul3A_2313 = arith.constant 2 : i32
        %mul3A_2314 = arith.muli %mul3A_2313, %scan3A_2122 : i32
        %add3A_2315 = arith.constant 1 : i32
        %add3A_2316 = arith.addi %mul3A_2314, %add3A_2315 : i32
        %mul3A_2317 = arith.constant 2 : i32
        %mul3A_2318 = arith.muli %mul3A_2317, %scan3A_2122 : i32
        %add3A_2319 = arith.constant 1 : i32
        %add3A_2320 = arith.addi %mul3A_2318, %add3A_2319 : i32
        %get3A_2321 = arith.index_cast %add3A_2320 : i32 to index
        %get3A_2322 = arith.constant 32 : index
        %get3A_2323 = tpu.vector_load %arg7[%get3A_2321, %get3A_2322] {strides = array<i32>} : memref<200x128xf32, #tpu.memory_space<vmem>>, vector<1x16xf32>,
        %get3A_2324 = vector.shape_cast %get3A_2323 : vector<1x16xf32> to vector<16xf32>
        %swap3A_2325 = arith.constant 2 : i32
        %swap3A_2326 = arith.index_cast %swap3A_2325 : i32 to index
        %swap3A_2327 = arith.index_cast %add3A_2316 : i32 to index
        %swap3A_2328 = arith.constant 32 : index
        %swap3A_2329 = tpu.vector_load %arg8[%swap3A_2326, %swap3A_2327, %swap3A_2328] {strides = array<i32>} : memref<3x200x128xf32, #tpu.memory_space<vmem>>, vector<1x1x16xf32>,
        %swap3A_2330 = vector.shape_cast %swap3A_2329 : vector<1x1x16xf32> to vector<16xf32>
        %swap3A_2331 = vector.shape_cast %get3A_2324 : vector<16xf32> to vector<1x1x16xf32>
        tpu.vector_store %arg8[%swap3A_2326, %swap3A_2327, %swap3A_2328], %swap3A_2331 {add = true, strides = array<i32>} : memref<3x200x128xf32, #tpu.memory_space<vmem>>, vector<1x1x16xf32>,
        %mul3A_2332 = arith.constant 2 : i32
        %mul3A_2333 = arith.muli %mul3A_2332, %scan3A_2122 : i32
        %add3A_2334 = arith.constant 1 : i32
        %add3A_2335 = arith.addi %mul3A_2333, %add3A_2334 : i32
        %mul3A_2336 = arith.constant 2 : i32
        %mul3A_2337 = arith.muli %mul3A_2336, %scan3A_2122 : i32
        %add3A_2338 = arith.constant 1 : i32
        %add3A_2339 = arith.addi %mul3A_2337, %add3A_2338 : i32
        %get3A_2340 = arith.index_cast %add3A_2339 : i32 to index
        %get3A_2341 = arith.constant 48 : index
        %get3A_2342 = tpu.vector_load %arg7[%get3A_2340, %get3A_2341] {strides = array<i32>} : memref<200x128xf32, #tpu.memory_space<vmem>>, vector<1x16xf32>,
        %get3A_2343 = vector.shape_cast %get3A_2342 : vector<1x16xf32> to vector<16xf32>
        %swap3A_2344 = arith.constant 2 : i32
        %swap3A_2345 = arith.index_cast %swap3A_2344 : i32 to index
        %swap3A_2346 = arith.index_cast %add3A_2335 : i32 to index
        %swap3A_2347 = arith.constant 48 : index
        %swap3A_2348 = tpu.vector_load %arg8[%swap3A_2345, %swap3A_2346, %swap3A_2347] {strides = array<i32>} : memref<3x200x128xf32, #tpu.memory_space<vmem>>, vector<1x1x16xf32>,
        %swap3A_2349 = vector.shape_cast %swap3A_2348 : vector<1x1x16xf32> to vector<16xf32>
        %swap3A_2350 = vector.shape_cast %get3A_2343 : vector<16xf32> to vector<1x1x16xf32>
        tpu.vector_store %arg8[%swap3A_2345, %swap3A_2346, %swap3A_2347], %swap3A_2350 {add = true, strides = array<i32>} : memref<3x200x128xf32, #tpu.memory_space<vmem>>, vector<1x1x16xf32>,
        %mul3A_2351 = arith.constant 2 : i32
        %mul3A_2352 = arith.muli %mul3A_2351, %scan3A_2122 : i32
        %add3A_2353 = arith.constant 1 : i32
        %add3A_2354 = arith.addi %mul3A_2352, %add3A_2353 : i32
        %mul3A_2355 = arith.constant 2 : i32
        %mul3A_2356 = arith.muli %mul3A_2355, %scan3A_2122 : i32
        %add3A_2357 = arith.constant 1 : i32
        %add3A_2358 = arith.addi %mul3A_2356, %add3A_2357 : i32
        %get3A_2359 = arith.index_cast %add3A_2358 : i32 to index
        %get3A_2360 = arith.constant 64 : index
        %get3A_2361 = tpu.vector_load %arg7[%get3A_2359, %get3A_2360] {strides = array<i32>} : memref<200x128xf32, #tpu.memory_space<vmem>>, vector<1x16xf32>,
        %get3A_2362 = vector.shape_cast %get3A_2361 : vector<1x16xf32> to vector<16xf32>
        %swap3A_2363 = arith.constant 2 : i32
        %swap3A_2364 = arith.index_cast %swap3A_2363 : i32 to index
        %swap3A_2365 = arith.index_cast %add3A_2354 : i32 to index
        %swap3A_2366 = arith.constant 64 : index
        %swap3A_2367 = tpu.vector_load %arg8[%swap3A_2364, %swap3A_2365, %swap3A_2366] {strides = array<i32>} : memref<3x200x128xf32, #tpu.memory_space<vmem>>, vector<1x1x16xf32>,
        %swap3A_2368 = vector.shape_cast %swap3A_2367 : vector<1x1x16xf32> to vector<16xf32>
        %swap3A_2369 = vector.shape_cast %get3A_2362 : vector<16xf32> to vector<1x1x16xf32>
        tpu.vector_store %arg8[%swap3A_2364, %swap3A_2365, %swap3A_2366], %swap3A_2369 {add = true, strides = array<i32>} : memref<3x200x128xf32, #tpu.memory_space<vmem>>, vector<1x1x16xf32>,
        %mul3A_2370 = arith.constant 2 : i32
        %mul3A_2371 = arith.muli %mul3A_2370, %scan3A_2122 : i32
        %add3A_2372 = arith.constant 1 : i32
        %add3A_2373 = arith.addi %mul3A_2371, %add3A_2372 : i32
        %mul3A_2374 = arith.constant 2 : i32
        %mul3A_2375 = arith.muli %mul3A_2374, %scan3A_2122 : i32
        %add3A_2376 = arith.constant 1 : i32
        %add3A_2377 = arith.addi %mul3A_2375, %add3A_2376 : i32
        %get3A_2378 = arith.index_cast %add3A_2377 : i32 to index
        %get3A_2379 = arith.constant 80 : index
        %get3A_2380 = tpu.vector_load %arg7[%get3A_2378, %get3A_2379] {strides = array<i32>} : memref<200x128xf32, #tpu.memory_space<vmem>>, vector<1x16xf32>,
        %get3A_2381 = vector.shape_cast %get3A_2380 : vector<1x16xf32> to vector<16xf32>
        %swap3A_2382 = arith.constant 2 : i32
        %swap3A_2383 = arith.index_cast %swap3A_2382 : i32 to index
        %swap3A_2384 = arith.index_cast %add3A_2373 : i32 to index
        %swap3A_2385 = arith.constant 80 : index
        %swap3A_2386 = tpu.vector_load %arg8[%swap3A_2383, %swap3A_2384, %swap3A_2385] {strides = array<i32>} : memref<3x200x128xf32, #tpu.memory_space<vmem>>, vector<1x1x16xf32>,
        %swap3A_2387 = vector.shape_cast %swap3A_2386 : vector<1x1x16xf32> to vector<16xf32>
        %swap3A_2388 = vector.shape_cast %get3A_2381 : vector<16xf32> to vector<1x1x16xf32>
        tpu.vector_store %arg8[%swap3A_2383, %swap3A_2384, %swap3A_2385], %swap3A_2388 {add = true, strides = array<i32>} : memref<3x200x128xf32, #tpu.memory_space<vmem>>, vector<1x1x16xf32>,
        %mul3A_2389 = arith.constant 2 : i32
        %mul3A_2390 = arith.muli %mul3A_2389, %scan3A_2122 : i32
        %add3A_2391 = arith.constant 1 : i32
        %add3A_2392 = arith.addi %mul3A_2390, %add3A_2391 : i32
        %mul3A_2393 = arith.constant 2 : i32
        %mul3A_2394 = arith.muli %mul3A_2393, %scan3A_2122 : i32
        %add3A_2395 = arith.constant 1 : i32
        %add3A_2396 = arith.addi %mul3A_2394, %add3A_2395 : i32
        %get3A_2397 = arith.index_cast %add3A_2396 : i32 to index
        %get3A_2398 = arith.constant 96 : index
        %get3A_2399 = tpu.vector_load %arg7[%get3A_2397, %get3A_2398] {strides = array<i32>} : memref<200x128xf32, #tpu.memory_space<vmem>>, vector<1x16xf32>,
        %get3A_2400 = vector.shape_cast %get3A_2399 : vector<1x16xf32> to vector<16xf32>
        %swap3A_2401 = arith.constant 2 : i32
        %swap3A_2402 = arith.index_cast %swap3A_2401 : i32 to index
        %swap3A_2403 = arith.index_cast %add3A_2392 : i32 to index
        %swap3A_2404 = arith.constant 96 : index
        %swap3A_2405 = tpu.vector_load %arg8[%swap3A_2402, %swap3A_2403, %swap3A_2404] {strides = array<i32>} : memref<3x200x128xf32, #tpu.memory_space<vmem>>, vector<1x1x16xf32>,
        %swap3A_2406 = vector.shape_cast %swap3A_2405 : vector<1x1x16xf32> to vector<16xf32>
        %swap3A_2407 = vector.shape_cast %get3A_2400 : vector<16xf32> to vector<1x1x16xf32>
        tpu.vector_store %arg8[%swap3A_2402, %swap3A_2403, %swap3A_2404], %swap3A_2407 {add = true, strides = array<i32>} : memref<3x200x128xf32, #tpu.memory_space<vmem>>, vector<1x1x16xf32>,
        %mul3A_2408 = arith.constant 2 : i32
        %mul3A_2409 = arith.muli %mul3A_2408, %scan3A_2122 : i32
        %add3A_2410 = arith.constant 1 : i32
        %add3A_2411 = arith.addi %mul3A_2409, %add3A_2410 : i32
        %mul3A_2412 = arith.constant 2 : i32
        %mul3A_2413 = arith.muli %mul3A_2412, %scan3A_2122 : i32
        %add3A_2414 = arith.constant 1 : i32
        %add3A_2415 = arith.addi %mul3A_2413, %add3A_2414 : i32
        %get3A_2416 = arith.index_cast %add3A_2415 : i32 to index
        %get3A_2417 = arith.constant 112 : index
        %get3A_2418 = tpu.vector_load %arg7[%get3A_2416, %get3A_2417] {strides = array<i32>} : memref<200x128xf32, #tpu.memory_space<vmem>>, vector<1x16xf32>,
        %get3A_2419 = vector.shape_cast %get3A_2418 : vector<1x16xf32> to vector<16xf32>
        %swap3A_2420 = arith.constant 2 : i32
        %swap3A_2421 = arith.index_cast %swap3A_2420 : i32 to index
        %swap3A_2422 = arith.index_cast %add3A_2411 : i32 to index
        %swap3A_2423 = arith.constant 112 : index
        %swap3A_2424 = tpu.vector_load %arg8[%swap3A_2421, %swap3A_2422, %swap3A_2423] {strides = array<i32>} : memref<3x200x128xf32, #tpu.memory_space<vmem>>, vector<1x1x16xf32>,
        %swap3A_2425 = vector.shape_cast %swap3A_2424 : vector<1x1x16xf32> to vector<16xf32>
        %swap3A_2426 = vector.shape_cast %get3A_2419 : vector<16xf32> to vector<1x1x16xf32>
        tpu.vector_store %arg8[%swap3A_2421, %swap3A_2422, %swap3A_2423], %swap3A_2426 {add = true, strides = array<i32>} : memref<3x200x128xf32, #tpu.memory_space<vmem>>, vector<1x1x16xf32>,
      }
      %scan3A_2105 = arith.constant 100 : i32
      %mul3A_2106 = arith.constant 200 : i32
      %mul3A_2107 = arith.muli %add3A_1864, %mul3A_2106 : i32
      %add3A_2108 = arith.addi %mul3A_6, %mul3A_2107 : i32
      %dma_start3A_2109 = arith.constant 2 : i32
      %dma_start3A_2110 = arith.constant 0 : i32
      %dma_start3A_2111 = arith.constant 0 : i32
      %dma_start3A_2112 = tpu.memref_slice %arg8[%dma_start3A_2109, %dma_start3A_2110, %dma_start3A_2111] : memref<3x200x128xf32, #tpu.memory_space<vmem>> -> memref<1x200x128xf32, #tpu.memory_space<vmem>>
      %dma_start3A_2113 = tpu.memref_squeeze %dma_start3A_2112 : memref<1x200x128xf32, #tpu.memory_space<vmem>> -> memref<200x128xf32, #tpu.memory_space<vmem>>
      %dma_start3A_2114 = arith.constant 0 : i32
      %dma_start3A_2115 = tpu.memref_slice %arg5[%add3A_2108, %dma_start3A_2114] : memref<204800x128xf32, #tpu.memory_space<hbm>> -> memref<200x128xf32, #tpu.memory_space<hbm>>
      %dma_start3A_2116 = arith.constant 0 : i32
      %dma_start3A_2117 = tpu.memref_slice %arg5[%add3A_2108, %dma_start3A_2116] : memref<204800x128xf32, #tpu.memory_space<hbm>> -> memref<200x128xf32, #tpu.memory_space<hbm>>
      %dma_start3A_2118 = arith.constant 0 : i32
      %dma_start3A_2119 = arith.constant 0 : i32
      %dma_start3A_2120 = tpu.memref_slice %arg8[%dma_start3A_2109, %dma_start3A_2118, %dma_start3A_2119] : memref<3x200x128xf32, #tpu.memory_space<vmem>> -> memref<1x200x128xf32, #tpu.memory_space<vmem>>
      %dma_start3A_2121 = tpu.memref_squeeze %dma_start3A_2120 : memref<1x200x128xf32, #tpu.memory_space<vmem>> -> memref<200x128xf32, #tpu.memory_space<vmem>>
      tpu.enqueue_dma source(%dma_start3A_2121 : memref<200x128xf32, #tpu.memory_space<vmem>>) target(%dma_start3A_2117 : memref<200x128xf32, #tpu.memory_space<hbm>>) target_semaphore(%arg17 : memref<!tpu.dma_semaphore, #tpu.memory_space<semaphore_mem>>)
    }
    %scan3A_983 = arith.constant 9 : i32
    %dma_wait3A_984 = arith.constant 1 : i32
    %dma_wait3A_985 = arith.constant 0 : i32
    %dma_wait3A_986 = arith.constant 0 : i32
    %dma_wait3A_987 = tpu.memref_slice %arg8[%dma_wait3A_984, %dma_wait3A_985, %dma_wait3A_986] : memref<3x200x128xf32, #tpu.memory_space<vmem>> -> memref<1x200x128xf32, #tpu.memory_space<vmem>>
    %dma_wait3A_988 = tpu.memref_squeeze %dma_wait3A_987 : memref<1x200x128xf32, #tpu.memory_space<vmem>> -> memref<200x128xf32, #tpu.memory_space<vmem>>
    %dma_wait3A_989 = arith.constant 0 : i32
    %dma_wait3A_990 = arith.constant 0 : i32
    %dma_wait3A_991 = tpu.memref_slice %arg5[%dma_wait3A_989, %dma_wait3A_990] : memref<204800x128xf32, #tpu.memory_space<hbm>> -> memref<200x128xf32, #tpu.memory_space<hbm>>
    %dma_wait3A_992 = arith.constant 0 : i32
    %dma_wait3A_993 = arith.constant 0 : i32
    %dma_wait3A_994 = tpu.memref_slice %arg5[%dma_wait3A_992, %dma_wait3A_993] : memref<204800x128xf32, #tpu.memory_space<hbm>> -> memref<200x128xf32, #tpu.memory_space<hbm>>
    %dma_wait3A_995 = arith.constant 0 : i32
    %dma_wait3A_996 = arith.constant 0 : i32
    %dma_wait3A_997 = tpu.memref_slice %arg8[%dma_wait3A_984, %dma_wait3A_995, %dma_wait3A_996] : memref<3x200x128xf32, #tpu.memory_space<vmem>> -> memref<1x200x128xf32, #tpu.memory_space<vmem>>
    %dma_wait3A_998 = tpu.memref_squeeze %dma_wait3A_997 : memref<1x200x128xf32, #tpu.memory_space<vmem>> -> memref<200x128xf32, #tpu.memory_space<vmem>>
    tpu.wait_dma2 semaphore(%arg16 : memref<!tpu.dma_semaphore, #tpu.memory_space<semaphore_mem>>) src(%dma_wait3A_998 : memref<200x128xf32, #tpu.memory_space<vmem>>) dst(%dma_wait3A_994 : memref<200x128xf32, #tpu.memory_space<hbm>>)
    %get3A_999 = arith.constant 31 : i32
    %get3A_1000 = arith.index_cast %get3A_999 : i32 to index
    %get3A_1001 = arith.constant 0 : index
    %get3A_1002 = tpu.vector_load %arg6[%get3A_1000, %get3A_1001] {strides = array<i32>} : memref<32x200xi32, #tpu.memory_space<vmem>>, vector<1x16xi32>,
    %get3A_1003 = vector.shape_cast %get3A_1002 : vector<1x16xi32> to vector<16xi32>
    %add3A_1004 = vector.broadcast %mul3A_8 : i32 to vector<16xi32>
    %add3A_1005 = arith.addi %get3A_1003, %add3A_1004 : vector<16xi32>
    %swap3A_1006 = arith.constant 1 : i32
    %swap3A_1007 = arith.index_cast %swap3A_1006 : i32 to index
    %swap3A_1008 = arith.constant 0 : index
    %swap3A_1009 = tpu.vector_load %arg9[%swap3A_1007, %swap3A_1008] {strides = array<i32>} : memref<3x100xi32, #tpu.memory_space<vmem>>, vector<1x16xi32>,
    %swap3A_1010 = vector.shape_cast %swap3A_1009 : vector<1x16xi32> to vector<16xi32>
    %swap3A_1011 = vector.shape_cast %add3A_1005 : vector<16xi32> to vector<1x16xi32>
    tpu.vector_store %arg9[%swap3A_1007, %swap3A_1008], %swap3A_1011 {strides = array<i32>} : memref<3x100xi32, #tpu.memory_space<vmem>>, vector<1x16xi32>,
    %get3A_1012 = arith.constant 31 : i32
    %get3A_1013 = arith.index_cast %get3A_1012 : i32 to index
    %get3A_1014 = arith.constant 16 : index
    %get3A_1015 = tpu.vector_load %arg6[%get3A_1013, %get3A_1014] {strides = array<i32>} : memref<32x200xi32, #tpu.memory_space<vmem>>, vector<1x16xi32>,
    %get3A_1016 = vector.shape_cast %get3A_1015 : vector<1x16xi32> to vector<16xi32>
    %add3A_1017 = vector.broadcast %mul3A_8 : i32 to vector<16xi32>
    %add3A_1018 = arith.addi %get3A_1016, %add3A_1017 : vector<16xi32>
    %swap3A_1019 = arith.constant 1 : i32
    %swap3A_1020 = arith.index_cast %swap3A_1019 : i32 to index
    %swap3A_1021 = arith.constant 16 : index
    %swap3A_1022 = tpu.vector_load %arg9[%swap3A_1020, %swap3A_1021] {strides = array<i32>} : memref<3x100xi32, #tpu.memory_space<vmem>>, vector<1x16xi32>,
    %swap3A_1023 = vector.shape_cast %swap3A_1022 : vector<1x16xi32> to vector<16xi32>
    %swap3A_1024 = vector.shape_cast %add3A_1018 : vector<16xi32> to vector<1x16xi32>
    tpu.vector_store %arg9[%swap3A_1020, %swap3A_1021], %swap3A_1024 {strides = array<i32>} : memref<3x100xi32, #tpu.memory_space<vmem>>, vector<1x16xi32>,
    %get3A_1025 = arith.constant 31 : i32
    %get3A_1026 = arith.index_cast %get3A_1025 : i32 to index
    %get3A_1027 = arith.constant 32 : index
    %get3A_1028 = tpu.vector_load %arg6[%get3A_1026, %get3A_1027] {strides = array<i32>} : memref<32x200xi32, #tpu.memory_space<vmem>>, vector<1x16xi32>,
    %get3A_1029 = vector.shape_cast %get3A_1028 : vector<1x16xi32> to vector<16xi32>
    %add3A_1030 = vector.broadcast %mul3A_8 : i32 to vector<16xi32>
    %add3A_1031 = arith.addi %get3A_1029, %add3A_1030 : vector<16xi32>
    %swap3A_1032 = arith.constant 1 : i32
    %swap3A_1033 = arith.index_cast %swap3A_1032 : i32 to index
    %swap3A_1034 = arith.constant 32 : index
    %swap3A_1035 = tpu.vector_load %arg9[%swap3A_1033, %swap3A_1034] {strides = array<i32>} : memref<3x100xi32, #tpu.memory_space<vmem>>, vector<1x16xi32>,
    %swap3A_1036 = vector.shape_cast %swap3A_1035 : vector<1x16xi32> to vector<16xi32>
    %swap3A_1037 = vector.shape_cast %add3A_1031 : vector<16xi32> to vector<1x16xi32>
    tpu.vector_store %arg9[%swap3A_1033, %swap3A_1034], %swap3A_1037 {strides = array<i32>} : memref<3x100xi32, #tpu.memory_space<vmem>>, vector<1x16xi32>,
    %get3A_1038 = arith.constant 31 : i32
    %get3A_1039 = arith.index_cast %get3A_1038 : i32 to index
    %get3A_1040 = arith.constant 48 : index
    %get3A_1041 = tpu.vector_load %arg6[%get3A_1039, %get3A_1040] {strides = array<i32>} : memref<32x200xi32, #tpu.memory_space<vmem>>, vector<1x16xi32>,
    %get3A_1042 = vector.shape_cast %get3A_1041 : vector<1x16xi32> to vector<16xi32>
    %add3A_1043 = vector.broadcast %mul3A_8 : i32 to vector<16xi32>
    %add3A_1044 = arith.addi %get3A_1042, %add3A_1043 : vector<16xi32>
    %swap3A_1045 = arith.constant 1 : i32
    %swap3A_1046 = arith.index_cast %swap3A_1045 : i32 to index
    %swap3A_1047 = arith.constant 48 : index
    %swap3A_1048 = tpu.vector_load %arg9[%swap3A_1046, %swap3A_1047] {strides = array<i32>} : memref<3x100xi32, #tpu.memory_space<vmem>>, vector<1x16xi32>,
    %swap3A_1049 = vector.shape_cast %swap3A_1048 : vector<1x16xi32> to vector<16xi32>
    %swap3A_1050 = vector.shape_cast %add3A_1044 : vector<16xi32> to vector<1x16xi32>
    tpu.vector_store %arg9[%swap3A_1046, %swap3A_1047], %swap3A_1050 {strides = array<i32>} : memref<3x100xi32, #tpu.memory_space<vmem>>, vector<1x16xi32>,
    %get3A_1051 = arith.constant 31 : i32
    %get3A_1052 = arith.index_cast %get3A_1051 : i32 to index
    %get3A_1053 = arith.constant 64 : index
    %get3A_1054 = tpu.vector_load %arg6[%get3A_1052, %get3A_1053] {strides = array<i32>} : memref<32x200xi32, #tpu.memory_space<vmem>>, vector<1x16xi32>,
    %get3A_1055 = vector.shape_cast %get3A_1054 : vector<1x16xi32> to vector<16xi32>
    %add3A_1056 = vector.broadcast %mul3A_8 : i32 to vector<16xi32>
    %add3A_1057 = arith.addi %get3A_1055, %add3A_1056 : vector<16xi32>
    %swap3A_1058 = arith.constant 1 : i32
    %swap3A_1059 = arith.index_cast %swap3A_1058 : i32 to index
    %swap3A_1060 = arith.constant 64 : index
    %swap3A_1061 = tpu.vector_load %arg9[%swap3A_1059, %swap3A_1060] {strides = array<i32>} : memref<3x100xi32, #tpu.memory_space<vmem>>, vector<1x16xi32>,
    %swap3A_1062 = vector.shape_cast %swap3A_1061 : vector<1x16xi32> to vector<16xi32>
    %swap3A_1063 = vector.shape_cast %add3A_1057 : vector<16xi32> to vector<1x16xi32>
    tpu.vector_store %arg9[%swap3A_1059, %swap3A_1060], %swap3A_1063 {strides = array<i32>} : memref<3x100xi32, #tpu.memory_space<vmem>>, vector<1x16xi32>,
    %get3A_1064 = arith.constant 31 : i32
    %get3A_1065 = arith.index_cast %get3A_1064 : i32 to index
    %get3A_1066 = arith.constant 80 : index
    %get3A_1067 = tpu.vector_load %arg6[%get3A_1065, %get3A_1066] {strides = array<i32>} : memref<32x200xi32, #tpu.memory_space<vmem>>, vector<1x16xi32>,
    %get3A_1068 = vector.shape_cast %get3A_1067 : vector<1x16xi32> to vector<16xi32>
    %add3A_1069 = vector.broadcast %mul3A_8 : i32 to vector<16xi32>
    %add3A_1070 = arith.addi %get3A_1068, %add3A_1069 : vector<16xi32>
    %swap3A_1071 = arith.constant 1 : i32
    %swap3A_1072 = arith.index_cast %swap3A_1071 : i32 to index
    %swap3A_1073 = arith.constant 80 : index
    %swap3A_1074 = tpu.vector_load %arg9[%swap3A_1072, %swap3A_1073] {strides = array<i32>} : memref<3x100xi32, #tpu.memory_space<vmem>>, vector<1x16xi32>,
    %swap3A_1075 = vector.shape_cast %swap3A_1074 : vector<1x16xi32> to vector<16xi32>
    %swap3A_1076 = vector.shape_cast %add3A_1070 : vector<16xi32> to vector<1x16xi32>
    tpu.vector_store %arg9[%swap3A_1072, %swap3A_1073], %swap3A_1076 {strides = array<i32>} : memref<3x100xi32, #tpu.memory_space<vmem>>, vector<1x16xi32>,
    %get3A_1077 = arith.constant 31 : i32
    %get3A_1078 = arith.index_cast %get3A_1077 : i32 to index
    %get3A_1079 = arith.constant 84 : index
    %get3A_1080 = tpu.vector_load %arg6[%get3A_1078, %get3A_1079] {strides = array<i32>} : memref<32x200xi32, #tpu.memory_space<vmem>>, vector<1x16xi32>,
    %get3A_1081 = vector.shape_cast %get3A_1080 : vector<1x16xi32> to vector<16xi32>
    %add3A_1082 = vector.broadcast %mul3A_8 : i32 to vector<16xi32>
    %add3A_1083 = arith.addi %get3A_1081, %add3A_1082 : vector<16xi32>
    %swap3A_1084 = arith.constant 1 : i32
    %swap3A_1085 = arith.index_cast %swap3A_1084 : i32 to index
    %swap3A_1086 = arith.constant 84 : index
    %swap3A_1087 = tpu.vector_load %arg9[%swap3A_1085, %swap3A_1086] {strides = array<i32>} : memref<3x100xi32, #tpu.memory_space<vmem>>, vector<1x16xi32>,
    %swap3A_1088 = vector.shape_cast %swap3A_1087 : vector<1x16xi32> to vector<16xi32>
    %swap3A_1089 = vector.shape_cast %add3A_1083 : vector<16xi32> to vector<1x16xi32>
    tpu.vector_store %arg9[%swap3A_1085, %swap3A_1086], %swap3A_1089 {strides = array<i32>} : memref<3x100xi32, #tpu.memory_space<vmem>>, vector<1x16xi32>,
    %get3A_1090 = arith.constant 31 : i32
    %get3A_1091 = arith.index_cast %get3A_1090 : i32 to index
    %get3A_1092 = arith.constant 100 : index
    %get3A_1093 = tpu.vector_load %arg6[%get3A_1091, %get3A_1092] {strides = array<i32>} : memref<32x200xi32, #tpu.memory_space<vmem>>, vector<1x16xi32>,
    %get3A_1094 = vector.shape_cast %get3A_1093 : vector<1x16xi32> to vector<16xi32>
    %add3A_1095 = vector.broadcast %mul3A_8 : i32 to vector<16xi32>
    %add3A_1096 = arith.addi %get3A_1094, %add3A_1095 : vector<16xi32>
    %swap3A_1097 = arith.constant 1 : i32
    %swap3A_1098 = arith.index_cast %swap3A_1097 : i32 to index
    %swap3A_1099 = arith.constant 0 : index
    %swap3A_1100 = tpu.vector_load %arg10[%swap3A_1098, %swap3A_1099] {strides = array<i32>} : memref<3x100xi32, #tpu.memory_space<vmem>>, vector<1x16xi32>,
    %swap3A_1101 = vector.shape_cast %swap3A_1100 : vector<1x16xi32> to vector<16xi32>
    %swap3A_1102 = vector.shape_cast %add3A_1096 : vector<16xi32> to vector<1x16xi32>
    tpu.vector_store %arg10[%swap3A_1098, %swap3A_1099], %swap3A_1102 {strides = array<i32>} : memref<3x100xi32, #tpu.memory_space<vmem>>, vector<1x16xi32>,
    %get3A_1103 = arith.constant 31 : i32
    %get3A_1104 = arith.index_cast %get3A_1103 : i32 to index
    %get3A_1105 = arith.constant 116 : index
    %get3A_1106 = tpu.vector_load %arg6[%get3A_1104, %get3A_1105] {strides = array<i32>} : memref<32x200xi32, #tpu.memory_space<vmem>>, vector<1x16xi32>,
    %get3A_1107 = vector.shape_cast %get3A_1106 : vector<1x16xi32> to vector<16xi32>
    %add3A_1108 = vector.broadcast %mul3A_8 : i32 to vector<16xi32>
    %add3A_1109 = arith.addi %get3A_1107, %add3A_1108 : vector<16xi32>
    %swap3A_1110 = arith.constant 1 : i32
    %swap3A_1111 = arith.index_cast %swap3A_1110 : i32 to index
    %swap3A_1112 = arith.constant 16 : index
    %swap3A_1113 = tpu.vector_load %arg10[%swap3A_1111, %swap3A_1112] {strides = array<i32>} : memref<3x100xi32, #tpu.memory_space<vmem>>, vector<1x16xi32>,
    %swap3A_1114 = vector.shape_cast %swap3A_1113 : vector<1x16xi32> to vector<16xi32>
    %swap3A_1115 = vector.shape_cast %add3A_1109 : vector<16xi32> to vector<1x16xi32>
    tpu.vector_store %arg10[%swap3A_1111, %swap3A_1112], %swap3A_1115 {strides = array<i32>} : memref<3x100xi32, #tpu.memory_space<vmem>>, vector<1x16xi32>,
    %get3A_1116 = arith.constant 31 : i32
    %get3A_1117 = arith.index_cast %get3A_1116 : i32 to index
    %get3A_1118 = arith.constant 132 : index
    %get3A_1119 = tpu.vector_load %arg6[%get3A_1117, %get3A_1118] {strides = array<i32>} : memref<32x200xi32, #tpu.memory_space<vmem>>, vector<1x16xi32>,
    %get3A_1120 = vector.shape_cast %get3A_1119 : vector<1x16xi32> to vector<16xi32>
    %add3A_1121 = vector.broadcast %mul3A_8 : i32 to vector<16xi32>
    %add3A_1122 = arith.addi %get3A_1120, %add3A_1121 : vector<16xi32>
    %swap3A_1123 = arith.constant 1 : i32
    %swap3A_1124 = arith.index_cast %swap3A_1123 : i32 to index
    %swap3A_1125 = arith.constant 32 : index
    %swap3A_1126 = tpu.vector_load %arg10[%swap3A_1124, %swap3A_1125] {strides = array<i32>} : memref<3x100xi32, #tpu.memory_space<vmem>>, vector<1x16xi32>,
    %swap3A_1127 = vector.shape_cast %swap3A_1126 : vector<1x16xi32> to vector<16xi32>
    %swap3A_1128 = vector.shape_cast %add3A_1122 : vector<16xi32> to vector<1x16xi32>
    tpu.vector_store %arg10[%swap3A_1124, %swap3A_1125], %swap3A_1128 {strides = array<i32>} : memref<3x100xi32, #tpu.memory_space<vmem>>, vector<1x16xi32>,
    %get3A_1129 = arith.constant 31 : i32
    %get3A_1130 = arith.index_cast %get3A_1129 : i32 to index
    %get3A_1131 = arith.constant 148 : index
    %get3A_1132 = tpu.vector_load %arg6[%get3A_1130, %get3A_1131] {strides = array<i32>} : memref<32x200xi32, #tpu.memory_space<vmem>>, vector<1x16xi32>,
    %get3A_1133 = vector.shape_cast %get3A_1132 : vector<1x16xi32> to vector<16xi32>
    %add3A_1134 = vector.broadcast %mul3A_8 : i32 to vector<16xi32>
    %add3A_1135 = arith.addi %get3A_1133, %add3A_1134 : vector<16xi32>
    %swap3A_1136 = arith.constant 1 : i32
    %swap3A_1137 = arith.index_cast %swap3A_1136 : i32 to index
    %swap3A_1138 = arith.constant 48 : index
    %swap3A_1139 = tpu.vector_load %arg10[%swap3A_1137, %swap3A_1138] {strides = array<i32>} : memref<3x100xi32, #tpu.memory_space<vmem>>, vector<1x16xi32>,
    %swap3A_1140 = vector.shape_cast %swap3A_1139 : vector<1x16xi32> to vector<16xi32>
    %swap3A_1141 = vector.shape_cast %add3A_1135 : vector<16xi32> to vector<1x16xi32>
    tpu.vector_store %arg10[%swap3A_1137, %swap3A_1138], %swap3A_1141 {strides = array<i32>} : memref<3x100xi32, #tpu.memory_space<vmem>>, vector<1x16xi32>,
    %get3A_1142 = arith.constant 31 : i32
    %get3A_1143 = arith.index_cast %get3A_1142 : i32 to index
    %get3A_1144 = arith.constant 164 : index
    %get3A_1145 = tpu.vector_load %arg6[%get3A_1143, %get3A_1144] {strides = array<i32>} : memref<32x200xi32, #tpu.memory_space<vmem>>, vector<1x16xi32>,
    %get3A_1146 = vector.shape_cast %get3A_1145 : vector<1x16xi32> to vector<16xi32>
    %add3A_1147 = vector.broadcast %mul3A_8 : i32 to vector<16xi32>
    %add3A_1148 = arith.addi %get3A_1146, %add3A_1147 : vector<16xi32>
    %swap3A_1149 = arith.constant 1 : i32
    %swap3A_1150 = arith.index_cast %swap3A_1149 : i32 to index
    %swap3A_1151 = arith.constant 64 : index
    %swap3A_1152 = tpu.vector_load %arg10[%swap3A_1150, %swap3A_1151] {strides = array<i32>} : memref<3x100xi32, #tpu.memory_space<vmem>>, vector<1x16xi32>,
    %swap3A_1153 = vector.shape_cast %swap3A_1152 : vector<1x16xi32> to vector<16xi32>
    %swap3A_1154 = vector.shape_cast %add3A_1148 : vector<16xi32> to vector<1x16xi32>
    tpu.vector_store %arg10[%swap3A_1150, %swap3A_1151], %swap3A_1154 {strides = array<i32>} : memref<3x100xi32, #tpu.memory_space<vmem>>, vector<1x16xi32>,
    %get3A_1155 = arith.constant 31 : i32
    %get3A_1156 = arith.index_cast %get3A_1155 : i32 to index
    %get3A_1157 = arith.constant 180 : index
    %get3A_1158 = tpu.vector_load %arg6[%get3A_1156, %get3A_1157] {strides = array<i32>} : memref<32x200xi32, #tpu.memory_space<vmem>>, vector<1x16xi32>,
    %get3A_1159 = vector.shape_cast %get3A_1158 : vector<1x16xi32> to vector<16xi32>
    %add3A_1160 = vector.broadcast %mul3A_8 : i32 to vector<16xi32>
    %add3A_1161 = arith.addi %get3A_1159, %add3A_1160 : vector<16xi32>
    %swap3A_1162 = arith.constant 1 : i32
    %swap3A_1163 = arith.index_cast %swap3A_1162 : i32 to index
    %swap3A_1164 = arith.constant 80 : index
    %swap3A_1165 = tpu.vector_load %arg10[%swap3A_1163, %swap3A_1164] {strides = array<i32>} : memref<3x100xi32, #tpu.memory_space<vmem>>, vector<1x16xi32>,
    %swap3A_1166 = vector.shape_cast %swap3A_1165 : vector<1x16xi32> to vector<16xi32>
    %swap3A_1167 = vector.shape_cast %add3A_1161 : vector<16xi32> to vector<1x16xi32>
    tpu.vector_store %arg10[%swap3A_1163, %swap3A_1164], %swap3A_1167 {strides = array<i32>} : memref<3x100xi32, #tpu.memory_space<vmem>>, vector<1x16xi32>,
    %get3A_1168 = arith.constant 31 : i32
    %get3A_1169 = arith.index_cast %get3A_1168 : i32 to index
    %get3A_1170 = arith.constant 184 : index
    %get3A_1171 = tpu.vector_load %arg6[%get3A_1169, %get3A_1170] {strides = array<i32>} : memref<32x200xi32, #tpu.memory_space<vmem>>, vector<1x16xi32>,
    %get3A_1172 = vector.shape_cast %get3A_1171 : vector<1x16xi32> to vector<16xi32>
    %add3A_1173 = vector.broadcast %mul3A_8 : i32 to vector<16xi32>
    %add3A_1174 = arith.addi %get3A_1172, %add3A_1173 : vector<16xi32>
    %swap3A_1175 = arith.constant 1 : i32
    %swap3A_1176 = arith.index_cast %swap3A_1175 : i32 to index
    %swap3A_1177 = arith.constant 84 : index
    %swap3A_1178 = tpu.vector_load %arg10[%swap3A_1176, %swap3A_1177] {strides = array<i32>} : memref<3x100xi32, #tpu.memory_space<vmem>>, vector<1x16xi32>,
    %swap3A_1179 = vector.shape_cast %swap3A_1178 : vector<1x16xi32> to vector<16xi32>
    %swap3A_1180 = vector.shape_cast %add3A_1174 : vector<16xi32> to vector<1x16xi32>
    tpu.vector_store %arg10[%swap3A_1176, %swap3A_1177], %swap3A_1180 {strides = array<i32>} : memref<3x100xi32, #tpu.memory_space<vmem>>, vector<1x16xi32>,
    %dma_start3A_1181 = arith.constant 1 : i32
    %dma_start3A_1182 = arith.constant 1 : i32
    %dma_start3A_1183 = arith.constant 0 : i32
    %dma_start3A_1184 = arith.constant 0 : i32
    %dma_start3A_1185 = tpu.memref_slice %arg8[%dma_start3A_1182, %dma_start3A_1183, %dma_start3A_1184] : memref<3x200x128xf32, #tpu.memory_space<vmem>> -> memref<1x100x128xf32, #tpu.memory_space<vmem>>
    %dma_start3A_1186 = tpu.memref_squeeze %dma_start3A_1185 : memref<1x100x128xf32, #tpu.memory_space<vmem>> -> memref<100x128xf32, #tpu.memory_space<vmem>>
    %dma_start3A_1187 = arith.constant 0 : i32
    %dma_start3A_1188 = tpu.memref_slice %arg9[%dma_start3A_1181, %dma_start3A_1187] : memref<3x100xi32, #tpu.memory_space<vmem>> -> memref<1x100xi32, #tpu.memory_space<vmem>>
    %dma_start3A_1189 = tpu.memref_squeeze %dma_start3A_1188 : memref<1x100xi32, #tpu.memory_space<vmem>> -> memref<100xi32, #tpu.memory_space<vmem>>
    %dma_start3A_1190 = arith.constant 0 : i32
    %dma_start3A_1191 = arith.constant 0 : i32
    %dma_start3A_1192 = tpu.memref_slice %arg11[%dma_start3A_1190, %dma_start3A_1191] : memref<2048x128xf32, #tpu.memory_space<vmem_shared>> -> memref<2048x128xf32, #tpu.memory_space<vmem_shared>>
    tpu.enqueue_indirect_dma source(%dma_start3A_1192 : memref<2048x128xf32, #tpu.memory_space<vmem_shared>>) target(%dma_start3A_1186 : memref<100x128xf32, #tpu.memory_space<vmem>>) offsets(%dma_start3A_1189 : memref<100xi32, #tpu.memory_space<vmem>>) semaphore(%arg13 : memref<!tpu.dma_semaphore, #tpu.memory_space<semaphore_mem>>)
    %dma_start3A_1193 = arith.constant 1 : i32
    %dma_start3A_1194 = arith.constant 1 : i32
    %dma_start3A_1195 = arith.constant 100 : i32
    %dma_start3A_1196 = arith.constant 0 : i32
    %dma_start3A_1197 = tpu.memref_slice %arg8[%dma_start3A_1194, %dma_start3A_1195, %dma_start3A_1196] : memref<3x200x128xf32, #tpu.memory_space<vmem>> -> memref<1x100x128xf32, #tpu.memory_space<vmem>>
    %dma_start3A_1198 = tpu.memref_squeeze %dma_start3A_1197 : memref<1x100x128xf32, #tpu.memory_space<vmem>> -> memref<100x128xf32, #tpu.memory_space<vmem>>
    %dma_start3A_1199 = arith.constant 0 : i32
    %dma_start3A_1200 = tpu.memref_slice %arg10[%dma_start3A_1193, %dma_start3A_1199] : memref<3x100xi32, #tpu.memory_space<vmem>> -> memref<1x100xi32, #tpu.memory_space<vmem>>
    %dma_start3A_1201 = tpu.memref_squeeze %dma_start3A_1200 : memref<1x100xi32, #tpu.memory_space<vmem>> -> memref<100xi32, #tpu.memory_space<vmem>>
    %dma_start3A_1202 = arith.constant 0 : i32
    %dma_start3A_1203 = arith.constant 0 : i32
    %dma_start3A_1204 = tpu.memref_slice %arg11[%dma_start3A_1202, %dma_start3A_1203] : memref<2048x128xf32, #tpu.memory_space<vmem_shared>> -> memref<2048x128xf32, #tpu.memory_space<vmem_shared>>
    tpu.enqueue_indirect_dma source(%dma_start3A_1204 : memref<2048x128xf32, #tpu.memory_space<vmem_shared>>) target(%dma_start3A_1198 : memref<100x128xf32, #tpu.memory_space<vmem>>) offsets(%dma_start3A_1201 : memref<100xi32, #tpu.memory_space<vmem>>) semaphore(%arg13 : memref<!tpu.dma_semaphore, #tpu.memory_space<semaphore_mem>>)
    %dma_wait3A_1205 = arith.constant 0 : i32
    %dma_wait3A_1206 = arith.constant 0 : i32
    %dma_wait3A_1207 = arith.constant 0 : i32
    %dma_wait3A_1208 = arith.constant 0 : i32
    %dma_wait3A_1209 = tpu.memref_slice %arg8[%dma_wait3A_1206, %dma_wait3A_1207, %dma_wait3A_1208] : memref<3x200x128xf32, #tpu.memory_space<vmem>> -> memref<1x100x128xf32, #tpu.memory_space<vmem>>
    %dma_wait3A_1210 = tpu.memref_squeeze %dma_wait3A_1209 : memref<1x100x128xf32, #tpu.memory_space<vmem>> -> memref<100x128xf32, #tpu.memory_space<vmem>>
    %dma_wait3A_1211 = arith.constant 0 : i32
    %dma_wait3A_1212 = tpu.memref_slice %arg9[%dma_wait3A_1205, %dma_wait3A_1211] : memref<3x100xi32, #tpu.memory_space<vmem>> -> memref<1x100xi32, #tpu.memory_space<vmem>>
    %dma_wait3A_1213 = tpu.memref_squeeze %dma_wait3A_1212 : memref<1x100xi32, #tpu.memory_space<vmem>> -> memref<100xi32, #tpu.memory_space<vmem>>
    %dma_wait3A_1214 = arith.constant 0 : i32
    %dma_wait3A_1215 = arith.constant 0 : i32
    %dma_wait3A_1216 = tpu.memref_slice %arg11[%dma_wait3A_1214, %dma_wait3A_1215] : memref<2048x128xf32, #tpu.memory_space<vmem_shared>> -> memref<2048x128xf32, #tpu.memory_space<vmem_shared>>
    tpu.wait_indirect_dma semaphore(%arg12 : memref<!tpu.dma_semaphore, #tpu.memory_space<semaphore_mem>>) src(%dma_wait3A_1216 : memref<2048x128xf32, #tpu.memory_space<vmem_shared>>) dst(%dma_wait3A_1210 : memref<100x128xf32, #tpu.memory_space<vmem>>)
    %dma_wait3A_1217 = arith.constant 0 : i32
    %dma_wait3A_1218 = arith.constant 0 : i32
    %dma_wait3A_1219 = arith.constant 100 : i32
    %dma_wait3A_1220 = arith.constant 0 : i32
    %dma_wait3A_1221 = tpu.memref_slice %arg8[%dma_wait3A_1218, %dma_wait3A_1219, %dma_wait3A_1220] : memref<3x200x128xf32, #tpu.memory_space<vmem>> -> memref<1x100x128xf32, #tpu.memory_space<vmem>>
    %dma_wait3A_1222 = tpu.memref_squeeze %dma_wait3A_1221 : memref<1x100x128xf32, #tpu.memory_space<vmem>> -> memref<100x128xf32, #tpu.memory_space<vmem>>
    %dma_wait3A_1223 = arith.constant 0 : i32
    %dma_wait3A_1224 = tpu.memref_slice %arg10[%dma_wait3A_1217, %dma_wait3A_1223] : memref<3x100xi32, #tpu.memory_space<vmem>> -> memref<1x100xi32, #tpu.memory_space<vmem>>
    %dma_wait3A_1225 = tpu.memref_squeeze %dma_wait3A_1224 : memref<1x100xi32, #tpu.memory_space<vmem>> -> memref<100xi32, #tpu.memory_space<vmem>>
    %dma_wait3A_1226 = arith.constant 0 : i32
    %dma_wait3A_1227 = arith.constant 0 : i32
    %dma_wait3A_1228 = tpu.memref_slice %arg11[%dma_wait3A_1226, %dma_wait3A_1227] : memref<2048x128xf32, #tpu.memory_space<vmem_shared>> -> memref<2048x128xf32, #tpu.memory_space<vmem_shared>>
    tpu.wait_indirect_dma semaphore(%arg12 : memref<!tpu.dma_semaphore, #tpu.memory_space<semaphore_mem>>) src(%dma_wait3A_1228 : memref<2048x128xf32, #tpu.memory_space<vmem_shared>>) dst(%dma_wait3A_1222 : memref<100x128xf32, #tpu.memory_space<vmem>>)
    %scan3A_1229 = arith.constant 0 : i32
    %scan3A_1230 = arith.constant 0 : i32
    %scan3A_1231 = arith.constant 100 : i32
    %scan3A_1232 = arith.addi %scan3A_1230, %scan3A_1231 : i32
    %scan3A_1233 = arith.constant 1 : i32
    scf.for %scan3A_1340 = %scan3A_1230 to %scan3A_1232 step %scan3A_1233  : i32 {
      %mul3A_1341 = arith.constant 2 : i32
      %mul3A_1342 = arith.muli %mul3A_1341, %scan3A_1340 : i32
      %add3A_1343 = arith.constant 0 : i32
      %add3A_1344 = arith.addi %mul3A_1342, %add3A_1343 : i32
      %mul3A_1345 = arith.constant 2 : i32
      %mul3A_1346 = arith.muli %mul3A_1345, %scan3A_1340 : i32
      %add3A_1347 = arith.constant 0 : i32
      %add3A_1348 = arith.addi %mul3A_1346, %add3A_1347 : i32
      %get3A_1349 = arith.index_cast %add3A_1348 : i32 to index
      %get3A_1350 = arith.constant 0 : index
      %get3A_1351 = tpu.vector_load %arg7[%get3A_1349, %get3A_1350] {strides = array<i32>} : memref<200x128xf32, #tpu.memory_space<vmem>>, vector<1x16xf32>,
      %get3A_1352 = vector.shape_cast %get3A_1351 : vector<1x16xf32> to vector<16xf32>
      %swap3A_1353 = arith.constant 0 : i32
      %swap3A_1354 = arith.index_cast %swap3A_1353 : i32 to index
      %swap3A_1355 = arith.index_cast %add3A_1344 : i32 to index
      %swap3A_1356 = arith.constant 0 : index
      %swap3A_1357 = tpu.vector_load %arg8[%swap3A_1354, %swap3A_1355, %swap3A_1356] {strides = array<i32>} : memref<3x200x128xf32, #tpu.memory_space<vmem>>, vector<1x1x16xf32>,
      %swap3A_1358 = vector.shape_cast %swap3A_1357 : vector<1x1x16xf32> to vector<16xf32>
      %swap3A_1359 = vector.shape_cast %get3A_1352 : vector<16xf32> to vector<1x1x16xf32>
      tpu.vector_store %arg8[%swap3A_1354, %swap3A_1355, %swap3A_1356], %swap3A_1359 {add = true, strides = array<i32>} : memref<3x200x128xf32, #tpu.memory_space<vmem>>, vector<1x1x16xf32>,
      %mul3A_1360 = arith.constant 2 : i32
      %mul3A_1361 = arith.muli %mul3A_1360, %scan3A_1340 : i32
      %add3A_1362 = arith.constant 0 : i32
      %add3A_1363 = arith.addi %mul3A_1361, %add3A_1362 : i32
      %mul3A_1364 = arith.constant 2 : i32
      %mul3A_1365 = arith.muli %mul3A_1364, %scan3A_1340 : i32
      %add3A_1366 = arith.constant 0 : i32
      %add3A_1367 = arith.addi %mul3A_1365, %add3A_1366 : i32
      %get3A_1368 = arith.index_cast %add3A_1367 : i32 to index
      %get3A_1369 = arith.constant 16 : index
      %get3A_1370 = tpu.vector_load %arg7[%get3A_1368, %get3A_1369] {strides = array<i32>} : memref<200x128xf32, #tpu.memory_space<vmem>>, vector<1x16xf32>,
      %get3A_1371 = vector.shape_cast %get3A_1370 : vector<1x16xf32> to vector<16xf32>
      %swap3A_1372 = arith.constant 0 : i32
      %swap3A_1373 = arith.index_cast %swap3A_1372 : i32 to index
      %swap3A_1374 = arith.index_cast %add3A_1363 : i32 to index
      %swap3A_1375 = arith.constant 16 : index
      %swap3A_1376 = tpu.vector_load %arg8[%swap3A_1373, %swap3A_1374, %swap3A_1375] {strides = array<i32>} : memref<3x200x128xf32, #tpu.memory_space<vmem>>, vector<1x1x16xf32>,
      %swap3A_1377 = vector.shape_cast %swap3A_1376 : vector<1x1x16xf32> to vector<16xf32>
      %swap3A_1378 = vector.shape_cast %get3A_1371 : vector<16xf32> to vector<1x1x16xf32>
      tpu.vector_store %arg8[%swap3A_1373, %swap3A_1374, %swap3A_1375], %swap3A_1378 {add = true, strides = array<i32>} : memref<3x200x128xf32, #tpu.memory_space<vmem>>, vector<1x1x16xf32>,
      %mul3A_1379 = arith.constant 2 : i32
      %mul3A_1380 = arith.muli %mul3A_1379, %scan3A_1340 : i32
      %add3A_1381 = arith.constant 0 : i32
      %add3A_1382 = arith.addi %mul3A_1380, %add3A_1381 : i32
      %mul3A_1383 = arith.constant 2 : i32
      %mul3A_1384 = arith.muli %mul3A_1383, %scan3A_1340 : i32
      %add3A_1385 = arith.constant 0 : i32
      %add3A_1386 = arith.addi %mul3A_1384, %add3A_1385 : i32
      %get3A_1387 = arith.index_cast %add3A_1386 : i32 to index
      %get3A_1388 = arith.constant 32 : index
      %get3A_1389 = tpu.vector_load %arg7[%get3A_1387, %get3A_1388] {strides = array<i32>} : memref<200x128xf32, #tpu.memory_space<vmem>>, vector<1x16xf32>,
      %get3A_1390 = vector.shape_cast %get3A_1389 : vector<1x16xf32> to vector<16xf32>
      %swap3A_1391 = arith.constant 0 : i32
      %swap3A_1392 = arith.index_cast %swap3A_1391 : i32 to index
      %swap3A_1393 = arith.index_cast %add3A_1382 : i32 to index
      %swap3A_1394 = arith.constant 32 : index
      %swap3A_1395 = tpu.vector_load %arg8[%swap3A_1392, %swap3A_1393, %swap3A_1394] {strides = array<i32>} : memref<3x200x128xf32, #tpu.memory_space<vmem>>, vector<1x1x16xf32>,
      %swap3A_1396 = vector.shape_cast %swap3A_1395 : vector<1x1x16xf32> to vector<16xf32>
      %swap3A_1397 = vector.shape_cast %get3A_1390 : vector<16xf32> to vector<1x1x16xf32>
      tpu.vector_store %arg8[%swap3A_1392, %swap3A_1393, %swap3A_1394], %swap3A_1397 {add = true, strides = array<i32>} : memref<3x200x128xf32, #tpu.memory_space<vmem>>, vector<1x1x16xf32>,
      %mul3A_1398 = arith.constant 2 : i32
      %mul3A_1399 = arith.muli %mul3A_1398, %scan3A_1340 : i32
      %add3A_1400 = arith.constant 0 : i32
      %add3A_1401 = arith.addi %mul3A_1399, %add3A_1400 : i32
      %mul3A_1402 = arith.constant 2 : i32
      %mul3A_1403 = arith.muli %mul3A_1402, %scan3A_1340 : i32
      %add3A_1404 = arith.constant 0 : i32
      %add3A_1405 = arith.addi %mul3A_1403, %add3A_1404 : i32
      %get3A_1406 = arith.index_cast %add3A_1405 : i32 to index
      %get3A_1407 = arith.constant 48 : index
      %get3A_1408 = tpu.vector_load %arg7[%get3A_1406, %get3A_1407] {strides = array<i32>} : memref<200x128xf32, #tpu.memory_space<vmem>>, vector<1x16xf32>,
      %get3A_1409 = vector.shape_cast %get3A_1408 : vector<1x16xf32> to vector<16xf32>
      %swap3A_1410 = arith.constant 0 : i32
      %swap3A_1411 = arith.index_cast %swap3A_1410 : i32 to index
      %swap3A_1412 = arith.index_cast %add3A_1401 : i32 to index
      %swap3A_1413 = arith.constant 48 : index
      %swap3A_1414 = tpu.vector_load %arg8[%swap3A_1411, %swap3A_1412, %swap3A_1413] {strides = array<i32>} : memref<3x200x128xf32, #tpu.memory_space<vmem>>, vector<1x1x16xf32>,
      %swap3A_1415 = vector.shape_cast %swap3A_1414 : vector<1x1x16xf32> to vector<16xf32>
      %swap3A_1416 = vector.shape_cast %get3A_1409 : vector<16xf32> to vector<1x1x16xf32>
      tpu.vector_store %arg8[%swap3A_1411, %swap3A_1412, %swap3A_1413], %swap3A_1416 {add = true, strides = array<i32>} : memref<3x200x128xf32, #tpu.memory_space<vmem>>, vector<1x1x16xf32>,
      %mul3A_1417 = arith.constant 2 : i32
      %mul3A_1418 = arith.muli %mul3A_1417, %scan3A_1340 : i32
      %add3A_1419 = arith.constant 0 : i32
      %add3A_1420 = arith.addi %mul3A_1418, %add3A_1419 : i32
      %mul3A_1421 = arith.constant 2 : i32
      %mul3A_1422 = arith.muli %mul3A_1421, %scan3A_1340 : i32
      %add3A_1423 = arith.constant 0 : i32
      %add3A_1424 = arith.addi %mul3A_1422, %add3A_1423 : i32
      %get3A_1425 = arith.index_cast %add3A_1424 : i32 to index
      %get3A_1426 = arith.constant 64 : index
      %get3A_1427 = tpu.vector_load %arg7[%get3A_1425, %get3A_1426] {strides = array<i32>} : memref<200x128xf32, #tpu.memory_space<vmem>>, vector<1x16xf32>,
      %get3A_1428 = vector.shape_cast %get3A_1427 : vector<1x16xf32> to vector<16xf32>
      %swap3A_1429 = arith.constant 0 : i32
      %swap3A_1430 = arith.index_cast %swap3A_1429 : i32 to index
      %swap3A_1431 = arith.index_cast %add3A_1420 : i32 to index
      %swap3A_1432 = arith.constant 64 : index
      %swap3A_1433 = tpu.vector_load %arg8[%swap3A_1430, %swap3A_1431, %swap3A_1432] {strides = array<i32>} : memref<3x200x128xf32, #tpu.memory_space<vmem>>, vector<1x1x16xf32>,
      %swap3A_1434 = vector.shape_cast %swap3A_1433 : vector<1x1x16xf32> to vector<16xf32>
      %swap3A_1435 = vector.shape_cast %get3A_1428 : vector<16xf32> to vector<1x1x16xf32>
      tpu.vector_store %arg8[%swap3A_1430, %swap3A_1431, %swap3A_1432], %swap3A_1435 {add = true, strides = array<i32>} : memref<3x200x128xf32, #tpu.memory_space<vmem>>, vector<1x1x16xf32>,
      %mul3A_1436 = arith.constant 2 : i32
      %mul3A_1437 = arith.muli %mul3A_1436, %scan3A_1340 : i32
      %add3A_1438 = arith.constant 0 : i32
      %add3A_1439 = arith.addi %mul3A_1437, %add3A_1438 : i32
      %mul3A_1440 = arith.constant 2 : i32
      %mul3A_1441 = arith.muli %mul3A_1440, %scan3A_1340 : i32
      %add3A_1442 = arith.constant 0 : i32
      %add3A_1443 = arith.addi %mul3A_1441, %add3A_1442 : i32
      %get3A_1444 = arith.index_cast %add3A_1443 : i32 to index
      %get3A_1445 = arith.constant 80 : index
      %get3A_1446 = tpu.vector_load %arg7[%get3A_1444, %get3A_1445] {strides = array<i32>} : memref<200x128xf32, #tpu.memory_space<vmem>>, vector<1x16xf32>,
      %get3A_1447 = vector.shape_cast %get3A_1446 : vector<1x16xf32> to vector<16xf32>
      %swap3A_1448 = arith.constant 0 : i32
      %swap3A_1449 = arith.index_cast %swap3A_1448 : i32 to index
      %swap3A_1450 = arith.index_cast %add3A_1439 : i32 to index
      %swap3A_1451 = arith.constant 80 : index
      %swap3A_1452 = tpu.vector_load %arg8[%swap3A_1449, %swap3A_1450, %swap3A_1451] {strides = array<i32>} : memref<3x200x128xf32, #tpu.memory_space<vmem>>, vector<1x1x16xf32>,
      %swap3A_1453 = vector.shape_cast %swap3A_1452 : vector<1x1x16xf32> to vector<16xf32>
      %swap3A_1454 = vector.shape_cast %get3A_1447 : vector<16xf32> to vector<1x1x16xf32>
      tpu.vector_store %arg8[%swap3A_1449, %swap3A_1450, %swap3A_1451], %swap3A_1454 {add = true, strides = array<i32>} : memref<3x200x128xf32, #tpu.memory_space<vmem>>, vector<1x1x16xf32>,
      %mul3A_1455 = arith.constant 2 : i32
      %mul3A_1456 = arith.muli %mul3A_1455, %scan3A_1340 : i32
      %add3A_1457 = arith.constant 0 : i32
      %add3A_1458 = arith.addi %mul3A_1456, %add3A_1457 : i32
      %mul3A_1459 = arith.constant 2 : i32
      %mul3A_1460 = arith.muli %mul3A_1459, %scan3A_1340 : i32
      %add3A_1461 = arith.constant 0 : i32
      %add3A_1462 = arith.addi %mul3A_1460, %add3A_1461 : i32
      %get3A_1463 = arith.index_cast %add3A_1462 : i32 to index
      %get3A_1464 = arith.constant 96 : index
      %get3A_1465 = tpu.vector_load %arg7[%get3A_1463, %get3A_1464] {strides = array<i32>} : memref<200x128xf32, #tpu.memory_space<vmem>>, vector<1x16xf32>,
      %get3A_1466 = vector.shape_cast %get3A_1465 : vector<1x16xf32> to vector<16xf32>
      %swap3A_1467 = arith.constant 0 : i32
      %swap3A_1468 = arith.index_cast %swap3A_1467 : i32 to index
      %swap3A_1469 = arith.index_cast %add3A_1458 : i32 to index
      %swap3A_1470 = arith.constant 96 : index
      %swap3A_1471 = tpu.vector_load %arg8[%swap3A_1468, %swap3A_1469, %swap3A_1470] {strides = array<i32>} : memref<3x200x128xf32, #tpu.memory_space<vmem>>, vector<1x1x16xf32>,
      %swap3A_1472 = vector.shape_cast %swap3A_1471 : vector<1x1x16xf32> to vector<16xf32>
      %swap3A_1473 = vector.shape_cast %get3A_1466 : vector<16xf32> to vector<1x1x16xf32>
      tpu.vector_store %arg8[%swap3A_1468, %swap3A_1469, %swap3A_1470], %swap3A_1473 {add = true, strides = array<i32>} : memref<3x200x128xf32, #tpu.memory_space<vmem>>, vector<1x1x16xf32>,
      %mul3A_1474 = arith.constant 2 : i32
      %mul3A_1475 = arith.muli %mul3A_1474, %scan3A_1340 : i32
      %add3A_1476 = arith.constant 0 : i32
      %add3A_1477 = arith.addi %mul3A_1475, %add3A_1476 : i32
      %mul3A_1478 = arith.constant 2 : i32
      %mul3A_1479 = arith.muli %mul3A_1478, %scan3A_1340 : i32
      %add3A_1480 = arith.constant 0 : i32
      %add3A_1481 = arith.addi %mul3A_1479, %add3A_1480 : i32
      %get3A_1482 = arith.index_cast %add3A_1481 : i32 to index
      %get3A_1483 = arith.constant 112 : index
      %get3A_1484 = tpu.vector_load %arg7[%get3A_1482, %get3A_1483] {strides = array<i32>} : memref<200x128xf32, #tpu.memory_space<vmem>>, vector<1x16xf32>,
      %get3A_1485 = vector.shape_cast %get3A_1484 : vector<1x16xf32> to vector<16xf32>
      %swap3A_1486 = arith.constant 0 : i32
      %swap3A_1487 = arith.index_cast %swap3A_1486 : i32 to index
      %swap3A_1488 = arith.index_cast %add3A_1477 : i32 to index
      %swap3A_1489 = arith.constant 112 : index
      %swap3A_1490 = tpu.vector_load %arg8[%swap3A_1487, %swap3A_1488, %swap3A_1489] {strides = array<i32>} : memref<3x200x128xf32, #tpu.memory_space<vmem>>, vector<1x1x16xf32>,
      %swap3A_1491 = vector.shape_cast %swap3A_1490 : vector<1x1x16xf32> to vector<16xf32>
      %swap3A_1492 = vector.shape_cast %get3A_1485 : vector<16xf32> to vector<1x1x16xf32>
      tpu.vector_store %arg8[%swap3A_1487, %swap3A_1488, %swap3A_1489], %swap3A_1492 {add = true, strides = array<i32>} : memref<3x200x128xf32, #tpu.memory_space<vmem>>, vector<1x1x16xf32>,
      %mul3A_1493 = arith.constant 2 : i32
      %mul3A_1494 = arith.muli %mul3A_1493, %scan3A_1340 : i32
      %add3A_1495 = arith.constant 1 : i32
      %add3A_1496 = arith.addi %mul3A_1494, %add3A_1495 : i32
      %mul3A_1497 = arith.constant 2 : i32
      %mul3A_1498 = arith.muli %mul3A_1497, %scan3A_1340 : i32
      %add3A_1499 = arith.constant 1 : i32
      %add3A_1500 = arith.addi %mul3A_1498, %add3A_1499 : i32
      %get3A_1501 = arith.index_cast %add3A_1500 : i32 to index
      %get3A_1502 = arith.constant 0 : index
      %get3A_1503 = tpu.vector_load %arg7[%get3A_1501, %get3A_1502] {strides = array<i32>} : memref<200x128xf32, #tpu.memory_space<vmem>>, vector<1x16xf32>,
      %get3A_1504 = vector.shape_cast %get3A_1503 : vector<1x16xf32> to vector<16xf32>
      %swap3A_1505 = arith.constant 0 : i32
      %swap3A_1506 = arith.index_cast %swap3A_1505 : i32 to index
      %swap3A_1507 = arith.index_cast %add3A_1496 : i32 to index
      %swap3A_1508 = arith.constant 0 : index
      %swap3A_1509 = tpu.vector_load %arg8[%swap3A_1506, %swap3A_1507, %swap3A_1508] {strides = array<i32>} : memref<3x200x128xf32, #tpu.memory_space<vmem>>, vector<1x1x16xf32>,
      %swap3A_1510 = vector.shape_cast %swap3A_1509 : vector<1x1x16xf32> to vector<16xf32>
      %swap3A_1511 = vector.shape_cast %get3A_1504 : vector<16xf32> to vector<1x1x16xf32>
      tpu.vector_store %arg8[%swap3A_1506, %swap3A_1507, %swap3A_1508], %swap3A_1511 {add = true, strides = array<i32>} : memref<3x200x128xf32, #tpu.memory_space<vmem>>, vector<1x1x16xf32>,
      %mul3A_1512 = arith.constant 2 : i32
      %mul3A_1513 = arith.muli %mul3A_1512, %scan3A_1340 : i32
      %add3A_1514 = arith.constant 1 : i32
      %add3A_1515 = arith.addi %mul3A_1513, %add3A_1514 : i32
      %mul3A_1516 = arith.constant 2 : i32
      %mul3A_1517 = arith.muli %mul3A_1516, %scan3A_1340 : i32
      %add3A_1518 = arith.constant 1 : i32
      %add3A_1519 = arith.addi %mul3A_1517, %add3A_1518 : i32
      %get3A_1520 = arith.index_cast %add3A_1519 : i32 to index
      %get3A_1521 = arith.constant 16 : index
      %get3A_1522 = tpu.vector_load %arg7[%get3A_1520, %get3A_1521] {strides = array<i32>} : memref<200x128xf32, #tpu.memory_space<vmem>>, vector<1x16xf32>,
      %get3A_1523 = vector.shape_cast %get3A_1522 : vector<1x16xf32> to vector<16xf32>
      %swap3A_1524 = arith.constant 0 : i32
      %swap3A_1525 = arith.index_cast %swap3A_1524 : i32 to index
      %swap3A_1526 = arith.index_cast %add3A_1515 : i32 to index
      %swap3A_1527 = arith.constant 16 : index
      %swap3A_1528 = tpu.vector_load %arg8[%swap3A_1525, %swap3A_1526, %swap3A_1527] {strides = array<i32>} : memref<3x200x128xf32, #tpu.memory_space<vmem>>, vector<1x1x16xf32>,
      %swap3A_1529 = vector.shape_cast %swap3A_1528 : vector<1x1x16xf32> to vector<16xf32>
      %swap3A_1530 = vector.shape_cast %get3A_1523 : vector<16xf32> to vector<1x1x16xf32>
      tpu.vector_store %arg8[%swap3A_1525, %swap3A_1526, %swap3A_1527], %swap3A_1530 {add = true, strides = array<i32>} : memref<3x200x128xf32, #tpu.memory_space<vmem>>, vector<1x1x16xf32>,
      %mul3A_1531 = arith.constant 2 : i32
      %mul3A_1532 = arith.muli %mul3A_1531, %scan3A_1340 : i32
      %add3A_1533 = arith.constant 1 : i32
      %add3A_1534 = arith.addi %mul3A_1532, %add3A_1533 : i32
      %mul3A_1535 = arith.constant 2 : i32
      %mul3A_1536 = arith.muli %mul3A_1535, %scan3A_1340 : i32
      %add3A_1537 = arith.constant 1 : i32
      %add3A_1538 = arith.addi %mul3A_1536, %add3A_1537 : i32
      %get3A_1539 = arith.index_cast %add3A_1538 : i32 to index
      %get3A_1540 = arith.constant 32 : index
      %get3A_1541 = tpu.vector_load %arg7[%get3A_1539, %get3A_1540] {strides = array<i32>} : memref<200x128xf32, #tpu.memory_space<vmem>>, vector<1x16xf32>,
      %get3A_1542 = vector.shape_cast %get3A_1541 : vector<1x16xf32> to vector<16xf32>
      %swap3A_1543 = arith.constant 0 : i32
      %swap3A_1544 = arith.index_cast %swap3A_1543 : i32 to index
      %swap3A_1545 = arith.index_cast %add3A_1534 : i32 to index
      %swap3A_1546 = arith.constant 32 : index
      %swap3A_1547 = tpu.vector_load %arg8[%swap3A_1544, %swap3A_1545, %swap3A_1546] {strides = array<i32>} : memref<3x200x128xf32, #tpu.memory_space<vmem>>, vector<1x1x16xf32>,
      %swap3A_1548 = vector.shape_cast %swap3A_1547 : vector<1x1x16xf32> to vector<16xf32>
      %swap3A_1549 = vector.shape_cast %get3A_1542 : vector<16xf32> to vector<1x1x16xf32>
      tpu.vector_store %arg8[%swap3A_1544, %swap3A_1545, %swap3A_1546], %swap3A_1549 {add = true, strides = array<i32>} : memref<3x200x128xf32, #tpu.memory_space<vmem>>, vector<1x1x16xf32>,
      %mul3A_1550 = arith.constant 2 : i32
      %mul3A_1551 = arith.muli %mul3A_1550, %scan3A_1340 : i32
      %add3A_1552 = arith.constant 1 : i32
      %add3A_1553 = arith.addi %mul3A_1551, %add3A_1552 : i32
      %mul3A_1554 = arith.constant 2 : i32
      %mul3A_1555 = arith.muli %mul3A_1554, %scan3A_1340 : i32
      %add3A_1556 = arith.constant 1 : i32
      %add3A_1557 = arith.addi %mul3A_1555, %add3A_1556 : i32
      %get3A_1558 = arith.index_cast %add3A_1557 : i32 to index
      %get3A_1559 = arith.constant 48 : index
      %get3A_1560 = tpu.vector_load %arg7[%get3A_1558, %get3A_1559] {strides = array<i32>} : memref<200x128xf32, #tpu.memory_space<vmem>>, vector<1x16xf32>,
      %get3A_1561 = vector.shape_cast %get3A_1560 : vector<1x16xf32> to vector<16xf32>
      %swap3A_1562 = arith.constant 0 : i32
      %swap3A_1563 = arith.index_cast %swap3A_1562 : i32 to index
      %swap3A_1564 = arith.index_cast %add3A_1553 : i32 to index
      %swap3A_1565 = arith.constant 48 : index
      %swap3A_1566 = tpu.vector_load %arg8[%swap3A_1563, %swap3A_1564, %swap3A_1565] {strides = array<i32>} : memref<3x200x128xf32, #tpu.memory_space<vmem>>, vector<1x1x16xf32>,
      %swap3A_1567 = vector.shape_cast %swap3A_1566 : vector<1x1x16xf32> to vector<16xf32>
      %swap3A_1568 = vector.shape_cast %get3A_1561 : vector<16xf32> to vector<1x1x16xf32>
      tpu.vector_store %arg8[%swap3A_1563, %swap3A_1564, %swap3A_1565], %swap3A_1568 {add = true, strides = array<i32>} : memref<3x200x128xf32, #tpu.memory_space<vmem>>, vector<1x1x16xf32>,
      %mul3A_1569 = arith.constant 2 : i32
      %mul3A_1570 = arith.muli %mul3A_1569, %scan3A_1340 : i32
      %add3A_1571 = arith.constant 1 : i32
      %add3A_1572 = arith.addi %mul3A_1570, %add3A_1571 : i32
      %mul3A_1573 = arith.constant 2 : i32
      %mul3A_1574 = arith.muli %mul3A_1573, %scan3A_1340 : i32
      %add3A_1575 = arith.constant 1 : i32
      %add3A_1576 = arith.addi %mul3A_1574, %add3A_1575 : i32
      %get3A_1577 = arith.index_cast %add3A_1576 : i32 to index
      %get3A_1578 = arith.constant 64 : index
      %get3A_1579 = tpu.vector_load %arg7[%get3A_1577, %get3A_1578] {strides = array<i32>} : memref<200x128xf32, #tpu.memory_space<vmem>>, vector<1x16xf32>,
      %get3A_1580 = vector.shape_cast %get3A_1579 : vector<1x16xf32> to vector<16xf32>
      %swap3A_1581 = arith.constant 0 : i32
      %swap3A_1582 = arith.index_cast %swap3A_1581 : i32 to index
      %swap3A_1583 = arith.index_cast %add3A_1572 : i32 to index
      %swap3A_1584 = arith.constant 64 : index
      %swap3A_1585 = tpu.vector_load %arg8[%swap3A_1582, %swap3A_1583, %swap3A_1584] {strides = array<i32>} : memref<3x200x128xf32, #tpu.memory_space<vmem>>, vector<1x1x16xf32>,
      %swap3A_1586 = vector.shape_cast %swap3A_1585 : vector<1x1x16xf32> to vector<16xf32>
      %swap3A_1587 = vector.shape_cast %get3A_1580 : vector<16xf32> to vector<1x1x16xf32>
      tpu.vector_store %arg8[%swap3A_1582, %swap3A_1583, %swap3A_1584], %swap3A_1587 {add = true, strides = array<i32>} : memref<3x200x128xf32, #tpu.memory_space<vmem>>, vector<1x1x16xf32>,
      %mul3A_1588 = arith.constant 2 : i32
      %mul3A_1589 = arith.muli %mul3A_1588, %scan3A_1340 : i32
      %add3A_1590 = arith.constant 1 : i32
      %add3A_1591 = arith.addi %mul3A_1589, %add3A_1590 : i32
      %mul3A_1592 = arith.constant 2 : i32
      %mul3A_1593 = arith.muli %mul3A_1592, %scan3A_1340 : i32
      %add3A_1594 = arith.constant 1 : i32
      %add3A_1595 = arith.addi %mul3A_1593, %add3A_1594 : i32
      %get3A_1596 = arith.index_cast %add3A_1595 : i32 to index
      %get3A_1597 = arith.constant 80 : index
      %get3A_1598 = tpu.vector_load %arg7[%get3A_1596, %get3A_1597] {strides = array<i32>} : memref<200x128xf32, #tpu.memory_space<vmem>>, vector<1x16xf32>,
      %get3A_1599 = vector.shape_cast %get3A_1598 : vector<1x16xf32> to vector<16xf32>
      %swap3A_1600 = arith.constant 0 : i32
      %swap3A_1601 = arith.index_cast %swap3A_1600 : i32 to index
      %swap3A_1602 = arith.index_cast %add3A_1591 : i32 to index
      %swap3A_1603 = arith.constant 80 : index
      %swap3A_1604 = tpu.vector_load %arg8[%swap3A_1601, %swap3A_1602, %swap3A_1603] {strides = array<i32>} : memref<3x200x128xf32, #tpu.memory_space<vmem>>, vector<1x1x16xf32>,
      %swap3A_1605 = vector.shape_cast %swap3A_1604 : vector<1x1x16xf32> to vector<16xf32>
      %swap3A_1606 = vector.shape_cast %get3A_1599 : vector<16xf32> to vector<1x1x16xf32>
      tpu.vector_store %arg8[%swap3A_1601, %swap3A_1602, %swap3A_1603], %swap3A_1606 {add = true, strides = array<i32>} : memref<3x200x128xf32, #tpu.memory_space<vmem>>, vector<1x1x16xf32>,
      %mul3A_1607 = arith.constant 2 : i32
      %mul3A_1608 = arith.muli %mul3A_1607, %scan3A_1340 : i32
      %add3A_1609 = arith.constant 1 : i32
      %add3A_1610 = arith.addi %mul3A_1608, %add3A_1609 : i32
      %mul3A_1611 = arith.constant 2 : i32
      %mul3A_1612 = arith.muli %mul3A_1611, %scan3A_1340 : i32
      %add3A_1613 = arith.constant 1 : i32
      %add3A_1614 = arith.addi %mul3A_1612, %add3A_1613 : i32
      %get3A_1615 = arith.index_cast %add3A_1614 : i32 to index
      %get3A_1616 = arith.constant 96 : index
      %get3A_1617 = tpu.vector_load %arg7[%get3A_1615, %get3A_1616] {strides = array<i32>} : memref<200x128xf32, #tpu.memory_space<vmem>>, vector<1x16xf32>,
      %get3A_1618 = vector.shape_cast %get3A_1617 : vector<1x16xf32> to vector<16xf32>
      %swap3A_1619 = arith.constant 0 : i32
      %swap3A_1620 = arith.index_cast %swap3A_1619 : i32 to index
      %swap3A_1621 = arith.index_cast %add3A_1610 : i32 to index
      %swap3A_1622 = arith.constant 96 : index
      %swap3A_1623 = tpu.vector_load %arg8[%swap3A_1620, %swap3A_1621, %swap3A_1622] {strides = array<i32>} : memref<3x200x128xf32, #tpu.memory_space<vmem>>, vector<1x1x16xf32>,
      %swap3A_1624 = vector.shape_cast %swap3A_1623 : vector<1x1x16xf32> to vector<16xf32>
      %swap3A_1625 = vector.shape_cast %get3A_1618 : vector<16xf32> to vector<1x1x16xf32>
      tpu.vector_store %arg8[%swap3A_1620, %swap3A_1621, %swap3A_1622], %swap3A_1625 {add = true, strides = array<i32>} : memref<3x200x128xf32, #tpu.memory_space<vmem>>, vector<1x1x16xf32>,
      %mul3A_1626 = arith.constant 2 : i32
      %mul3A_1627 = arith.muli %mul3A_1626, %scan3A_1340 : i32
      %add3A_1628 = arith.constant 1 : i32
      %add3A_1629 = arith.addi %mul3A_1627, %add3A_1628 : i32
      %mul3A_1630 = arith.constant 2 : i32
      %mul3A_1631 = arith.muli %mul3A_1630, %scan3A_1340 : i32
      %add3A_1632 = arith.constant 1 : i32
      %add3A_1633 = arith.addi %mul3A_1631, %add3A_1632 : i32
      %get3A_1634 = arith.index_cast %add3A_1633 : i32 to index
      %get3A_1635 = arith.constant 112 : index
      %get3A_1636 = tpu.vector_load %arg7[%get3A_1634, %get3A_1635] {strides = array<i32>} : memref<200x128xf32, #tpu.memory_space<vmem>>, vector<1x16xf32>,
      %get3A_1637 = vector.shape_cast %get3A_1636 : vector<1x16xf32> to vector<16xf32>
      %swap3A_1638 = arith.constant 0 : i32
      %swap3A_1639 = arith.index_cast %swap3A_1638 : i32 to index
      %swap3A_1640 = arith.index_cast %add3A_1629 : i32 to index
      %swap3A_1641 = arith.constant 112 : index
      %swap3A_1642 = tpu.vector_load %arg8[%swap3A_1639, %swap3A_1640, %swap3A_1641] {strides = array<i32>} : memref<3x200x128xf32, #tpu.memory_space<vmem>>, vector<1x1x16xf32>,
      %swap3A_1643 = vector.shape_cast %swap3A_1642 : vector<1x1x16xf32> to vector<16xf32>
      %swap3A_1644 = vector.shape_cast %get3A_1637 : vector<16xf32> to vector<1x1x16xf32>
      tpu.vector_store %arg8[%swap3A_1639, %swap3A_1640, %swap3A_1641], %swap3A_1644 {add = true, strides = array<i32>} : memref<3x200x128xf32, #tpu.memory_space<vmem>>, vector<1x1x16xf32>,
    }
    %scan3A_1234 = arith.constant 100 : i32
    %add3A_1235 = arith.constant 6000 : i32
    %add3A_1236 = arith.addi %mul3A_6, %add3A_1235 : i32
    %dma_start3A_1237 = arith.constant 0 : i32
    %dma_start3A_1238 = arith.constant 0 : i32
    %dma_start3A_1239 = arith.constant 0 : i32
    %dma_start3A_1240 = tpu.memref_slice %arg8[%dma_start3A_1237, %dma_start3A_1238, %dma_start3A_1239] : memref<3x200x128xf32, #tpu.memory_space<vmem>> -> memref<1x200x128xf32, #tpu.memory_space<vmem>>
    %dma_start3A_1241 = tpu.memref_squeeze %dma_start3A_1240 : memref<1x200x128xf32, #tpu.memory_space<vmem>> -> memref<200x128xf32, #tpu.memory_space<vmem>>
    %dma_start3A_1242 = arith.constant 0 : i32
    %dma_start3A_1243 = tpu.memref_slice %arg5[%add3A_1236, %dma_start3A_1242] : memref<204800x128xf32, #tpu.memory_space<hbm>> -> memref<200x128xf32, #tpu.memory_space<hbm>>
    %dma_start3A_1244 = arith.constant 0 : i32
    %dma_start3A_1245 = tpu.memref_slice %arg5[%add3A_1236, %dma_start3A_1244] : memref<204800x128xf32, #tpu.memory_space<hbm>> -> memref<200x128xf32, #tpu.memory_space<hbm>>
    %dma_start3A_1246 = arith.constant 0 : i32
    %dma_start3A_1247 = arith.constant 0 : i32
    %dma_start3A_1248 = tpu.memref_slice %arg8[%dma_start3A_1237, %dma_start3A_1246, %dma_start3A_1247] : memref<3x200x128xf32, #tpu.memory_space<vmem>> -> memref<1x200x128xf32, #tpu.memory_space<vmem>>
    %dma_start3A_1249 = tpu.memref_squeeze %dma_start3A_1248 : memref<1x200x128xf32, #tpu.memory_space<vmem>> -> memref<200x128xf32, #tpu.memory_space<vmem>>
    tpu.enqueue_dma source(%dma_start3A_1249 : memref<200x128xf32, #tpu.memory_space<vmem>>) target(%dma_start3A_1245 : memref<200x128xf32, #tpu.memory_space<hbm>>) target_semaphore(%arg15 : memref<!tpu.dma_semaphore, #tpu.memory_space<semaphore_mem>>)
    %dma_wait3A_1250 = arith.constant 2 : i32
    %dma_wait3A_1251 = arith.constant 0 : i32
    %dma_wait3A_1252 = arith.constant 0 : i32
    %dma_wait3A_1253 = tpu.memref_slice %arg8[%dma_wait3A_1250, %dma_wait3A_1251, %dma_wait3A_1252] : memref<3x200x128xf32, #tpu.memory_space<vmem>> -> memref<1x200x128xf32, #tpu.memory_space<vmem>>
    %dma_wait3A_1254 = tpu.memref_squeeze %dma_wait3A_1253 : memref<1x200x128xf32, #tpu.memory_space<vmem>> -> memref<200x128xf32, #tpu.memory_space<vmem>>
    %dma_wait3A_1255 = arith.constant 0 : i32
    %dma_wait3A_1256 = arith.constant 0 : i32
    %dma_wait3A_1257 = tpu.memref_slice %arg5[%dma_wait3A_1255, %dma_wait3A_1256] : memref<204800x128xf32, #tpu.memory_space<hbm>> -> memref<200x128xf32, #tpu.memory_space<hbm>>
    %dma_wait3A_1258 = arith.constant 0 : i32
    %dma_wait3A_1259 = arith.constant 0 : i32
    %dma_wait3A_1260 = tpu.memref_slice %arg5[%dma_wait3A_1258, %dma_wait3A_1259] : memref<204800x128xf32, #tpu.memory_space<hbm>> -> memref<200x128xf32, #tpu.memory_space<hbm>>
    %dma_wait3A_1261 = arith.constant 0 : i32
    %dma_wait3A_1262 = arith.constant 0 : i32
    %dma_wait3A_1263 = tpu.memref_slice %arg8[%dma_wait3A_1250, %dma_wait3A_1261, %dma_wait3A_1262] : memref<3x200x128xf32, #tpu.memory_space<vmem>> -> memref<1x200x128xf32, #tpu.memory_space<vmem>>
    %dma_wait3A_1264 = tpu.memref_squeeze %dma_wait3A_1263 : memref<1x200x128xf32, #tpu.memory_space<vmem>> -> memref<200x128xf32, #tpu.memory_space<vmem>>
    tpu.wait_dma2 semaphore(%arg17 : memref<!tpu.dma_semaphore, #tpu.memory_space<semaphore_mem>>) src(%dma_wait3A_1264 : memref<200x128xf32, #tpu.memory_space<vmem>>) dst(%dma_wait3A_1260 : memref<200x128xf32, #tpu.memory_space<hbm>>)
    %dma_wait3A_1265 = arith.constant 1 : i32
    %dma_wait3A_1266 = arith.constant 1 : i32
    %dma_wait3A_1267 = arith.constant 0 : i32
    %dma_wait3A_1268 = arith.constant 0 : i32
    %dma_wait3A_1269 = tpu.memref_slice %arg8[%dma_wait3A_1266, %dma_wait3A_1267, %dma_wait3A_1268] : memref<3x200x128xf32, #tpu.memory_space<vmem>> -> memref<1x100x128xf32, #tpu.memory_space<vmem>>
    %dma_wait3A_1270 = tpu.memref_squeeze %dma_wait3A_1269 : memref<1x100x128xf32, #tpu.memory_space<vmem>> -> memref<100x128xf32, #tpu.memory_space<vmem>>
    %dma_wait3A_1271 = arith.constant 0 : i32
    %dma_wait3A_1272 = tpu.memref_slice %arg9[%dma_wait3A_1265, %dma_wait3A_1271] : memref<3x100xi32, #tpu.memory_space<vmem>> -> memref<1x100xi32, #tpu.memory_space<vmem>>
    %dma_wait3A_1273 = tpu.memref_squeeze %dma_wait3A_1272 : memref<1x100xi32, #tpu.memory_space<vmem>> -> memref<100xi32, #tpu.memory_space<vmem>>
    %dma_wait3A_1274 = arith.constant 0 : i32
    %dma_wait3A_1275 = arith.constant 0 : i32
    %dma_wait3A_1276 = tpu.memref_slice %arg11[%dma_wait3A_1274, %dma_wait3A_1275] : memref<2048x128xf32, #tpu.memory_space<vmem_shared>> -> memref<2048x128xf32, #tpu.memory_space<vmem_shared>>
    tpu.wait_indirect_dma semaphore(%arg13 : memref<!tpu.dma_semaphore, #tpu.memory_space<semaphore_mem>>) src(%dma_wait3A_1276 : memref<2048x128xf32, #tpu.memory_space<vmem_shared>>) dst(%dma_wait3A_1270 : memref<100x128xf32, #tpu.memory_space<vmem>>)
    %dma_wait3A_1277 = arith.constant 1 : i32
    %dma_wait3A_1278 = arith.constant 1 : i32
    %dma_wait3A_1279 = arith.constant 100 : i32
    %dma_wait3A_1280 = arith.constant 0 : i32
    %dma_wait3A_1281 = tpu.memref_slice %arg8[%dma_wait3A_1278, %dma_wait3A_1279, %dma_wait3A_1280] : memref<3x200x128xf32, #tpu.memory_space<vmem>> -> memref<1x100x128xf32, #tpu.memory_space<vmem>>
    %dma_wait3A_1282 = tpu.memref_squeeze %dma_wait3A_1281 : memref<1x100x128xf32, #tpu.memory_space<vmem>> -> memref<100x128xf32, #tpu.memory_space<vmem>>
    %dma_wait3A_1283 = arith.constant 0 : i32
    %dma_wait3A_1284 = tpu.memref_slice %arg10[%dma_wait3A_1277, %dma_wait3A_1283] : memref<3x100xi32, #tpu.memory_space<vmem>> -> memref<1x100xi32, #tpu.memory_space<vmem>>
    %dma_wait3A_1285 = tpu.memref_squeeze %dma_wait3A_1284 : memref<1x100xi32, #tpu.memory_space<vmem>> -> memref<100xi32, #tpu.memory_space<vmem>>
    %dma_wait3A_1286 = arith.constant 0 : i32
    %dma_wait3A_1287 = arith.constant 0 : i32
    %dma_wait3A_1288 = tpu.memref_slice %arg11[%dma_wait3A_1286, %dma_wait3A_1287] : memref<2048x128xf32, #tpu.memory_space<vmem_shared>> -> memref<2048x128xf32, #tpu.memory_space<vmem_shared>>
    tpu.wait_indirect_dma semaphore(%arg13 : memref<!tpu.dma_semaphore, #tpu.memory_space<semaphore_mem>>) src(%dma_wait3A_1288 : memref<2048x128xf32, #tpu.memory_space<vmem_shared>>) dst(%dma_wait3A_1282 : memref<100x128xf32, #tpu.memory_space<vmem>>)
    %scan3A_1289 = arith.constant 0 : i32
    %scan3A_1290 = arith.constant 0 : i32
    %scan3A_1291 = arith.constant 100 : i32
    %scan3A_1292 = arith.addi %scan3A_1290, %scan3A_1291 : i32
    %scan3A_1293 = arith.constant 1 : i32
    scf.for %scan3A_1340 = %scan3A_1290 to %scan3A_1292 step %scan3A_1293  : i32 {
      %mul3A_1341 = arith.constant 2 : i32
      %mul3A_1342 = arith.muli %mul3A_1341, %scan3A_1340 : i32
      %add3A_1343 = arith.constant 0 : i32
      %add3A_1344 = arith.addi %mul3A_1342, %add3A_1343 : i32
      %mul3A_1345 = arith.constant 2 : i32
      %mul3A_1346 = arith.muli %mul3A_1345, %scan3A_1340 : i32
      %add3A_1347 = arith.constant 0 : i32
      %add3A_1348 = arith.addi %mul3A_1346, %add3A_1347 : i32
      %get3A_1349 = arith.index_cast %add3A_1348 : i32 to index
      %get3A_1350 = arith.constant 0 : index
      %get3A_1351 = tpu.vector_load %arg7[%get3A_1349, %get3A_1350] {strides = array<i32>} : memref<200x128xf32, #tpu.memory_space<vmem>>, vector<1x16xf32>,
      %get3A_1352 = vector.shape_cast %get3A_1351 : vector<1x16xf32> to vector<16xf32>
      %swap3A_1353 = arith.constant 1 : i32
      %swap3A_1354 = arith.index_cast %swap3A_1353 : i32 to index
      %swap3A_1355 = arith.index_cast %add3A_1344 : i32 to index
      %swap3A_1356 = arith.constant 0 : index
      %swap3A_1357 = tpu.vector_load %arg8[%swap3A_1354, %swap3A_1355, %swap3A_1356] {strides = array<i32>} : memref<3x200x128xf32, #tpu.memory_space<vmem>>, vector<1x1x16xf32>,
      %swap3A_1358 = vector.shape_cast %swap3A_1357 : vector<1x1x16xf32> to vector<16xf32>
      %swap3A_1359 = vector.shape_cast %get3A_1352 : vector<16xf32> to vector<1x1x16xf32>
      tpu.vector_store %arg8[%swap3A_1354, %swap3A_1355, %swap3A_1356], %swap3A_1359 {add = true, strides = array<i32>} : memref<3x200x128xf32, #tpu.memory_space<vmem>>, vector<1x1x16xf32>,
      %mul3A_1360 = arith.constant 2 : i32
      %mul3A_1361 = arith.muli %mul3A_1360, %scan3A_1340 : i32
      %add3A_1362 = arith.constant 0 : i32
      %add3A_1363 = arith.addi %mul3A_1361, %add3A_1362 : i32
      %mul3A_1364 = arith.constant 2 : i32
      %mul3A_1365 = arith.muli %mul3A_1364, %scan3A_1340 : i32
      %add3A_1366 = arith.constant 0 : i32
      %add3A_1367 = arith.addi %mul3A_1365, %add3A_1366 : i32
      %get3A_1368 = arith.index_cast %add3A_1367 : i32 to index
      %get3A_1369 = arith.constant 16 : index
      %get3A_1370 = tpu.vector_load %arg7[%get3A_1368, %get3A_1369] {strides = array<i32>} : memref<200x128xf32, #tpu.memory_space<vmem>>, vector<1x16xf32>,
      %get3A_1371 = vector.shape_cast %get3A_1370 : vector<1x16xf32> to vector<16xf32>
      %swap3A_1372 = arith.constant 1 : i32
      %swap3A_1373 = arith.index_cast %swap3A_1372 : i32 to index
      %swap3A_1374 = arith.index_cast %add3A_1363 : i32 to index
      %swap3A_1375 = arith.constant 16 : index
      %swap3A_1376 = tpu.vector_load %arg8[%swap3A_1373, %swap3A_1374, %swap3A_1375] {strides = array<i32>} : memref<3x200x128xf32, #tpu.memory_space<vmem>>, vector<1x1x16xf32>,
      %swap3A_1377 = vector.shape_cast %swap3A_1376 : vector<1x1x16xf32> to vector<16xf32>
      %swap3A_1378 = vector.shape_cast %get3A_1371 : vector<16xf32> to vector<1x1x16xf32>
      tpu.vector_store %arg8[%swap3A_1373, %swap3A_1374, %swap3A_1375], %swap3A_1378 {add = true, strides = array<i32>} : memref<3x200x128xf32, #tpu.memory_space<vmem>>, vector<1x1x16xf32>,
      %mul3A_1379 = arith.constant 2 : i32
      %mul3A_1380 = arith.muli %mul3A_1379, %scan3A_1340 : i32
      %add3A_1381 = arith.constant 0 : i32
      %add3A_1382 = arith.addi %mul3A_1380, %add3A_1381 : i32
      %mul3A_1383 = arith.constant 2 : i32
      %mul3A_1384 = arith.muli %mul3A_1383, %scan3A_1340 : i32
      %add3A_1385 = arith.constant 0 : i32
      %add3A_1386 = arith.addi %mul3A_1384, %add3A_1385 : i32
      %get3A_1387 = arith.index_cast %add3A_1386 : i32 to index
      %get3A_1388 = arith.constant 32 : index
      %get3A_1389 = tpu.vector_load %arg7[%get3A_1387, %get3A_1388] {strides = array<i32>} : memref<200x128xf32, #tpu.memory_space<vmem>>, vector<1x16xf32>,
      %get3A_1390 = vector.shape_cast %get3A_1389 : vector<1x16xf32> to vector<16xf32>
      %swap3A_1391 = arith.constant 1 : i32
      %swap3A_1392 = arith.index_cast %swap3A_1391 : i32 to index
      %swap3A_1393 = arith.index_cast %add3A_1382 : i32 to index
      %swap3A_1394 = arith.constant 32 : index
      %swap3A_1395 = tpu.vector_load %arg8[%swap3A_1392, %swap3A_1393, %swap3A_1394] {strides = array<i32>} : memref<3x200x128xf32, #tpu.memory_space<vmem>>, vector<1x1x16xf32>,
      %swap3A_1396 = vector.shape_cast %swap3A_1395 : vector<1x1x16xf32> to vector<16xf32>
      %swap3A_1397 = vector.shape_cast %get3A_1390 : vector<16xf32> to vector<1x1x16xf32>
      tpu.vector_store %arg8[%swap3A_1392, %swap3A_1393, %swap3A_1394], %swap3A_1397 {add = true, strides = array<i32>} : memref<3x200x128xf32, #tpu.memory_space<vmem>>, vector<1x1x16xf32>,
      %mul3A_1398 = arith.constant 2 : i32
      %mul3A_1399 = arith.muli %mul3A_1398, %scan3A_1340 : i32
      %add3A_1400 = arith.constant 0 : i32
      %add3A_1401 = arith.addi %mul3A_1399, %add3A_1400 : i32
      %mul3A_1402 = arith.constant 2 : i32
      %mul3A_1403 = arith.muli %mul3A_1402, %scan3A_1340 : i32
      %add3A_1404 = arith.constant 0 : i32
      %add3A_1405 = arith.addi %mul3A_1403, %add3A_1404 : i32
      %get3A_1406 = arith.index_cast %add3A_1405 : i32 to index
      %get3A_1407 = arith.constant 48 : index
      %get3A_1408 = tpu.vector_load %arg7[%get3A_1406, %get3A_1407] {strides = array<i32>} : memref<200x128xf32, #tpu.memory_space<vmem>>, vector<1x16xf32>,
      %get3A_1409 = vector.shape_cast %get3A_1408 : vector<1x16xf32> to vector<16xf32>
      %swap3A_1410 = arith.constant 1 : i32
      %swap3A_1411 = arith.index_cast %swap3A_1410 : i32 to index
      %swap3A_1412 = arith.index_cast %add3A_1401 : i32 to index
      %swap3A_1413 = arith.constant 48 : index
      %swap3A_1414 = tpu.vector_load %arg8[%swap3A_1411, %swap3A_1412, %swap3A_1413] {strides = array<i32>} : memref<3x200x128xf32, #tpu.memory_space<vmem>>, vector<1x1x16xf32>,
      %swap3A_1415 = vector.shape_cast %swap3A_1414 : vector<1x1x16xf32> to vector<16xf32>
      %swap3A_1416 = vector.shape_cast %get3A_1409 : vector<16xf32> to vector<1x1x16xf32>
      tpu.vector_store %arg8[%swap3A_1411, %swap3A_1412, %swap3A_1413], %swap3A_1416 {add = true, strides = array<i32>} : memref<3x200x128xf32, #tpu.memory_space<vmem>>, vector<1x1x16xf32>,
      %mul3A_1417 = arith.constant 2 : i32
      %mul3A_1418 = arith.muli %mul3A_1417, %scan3A_1340 : i32
      %add3A_1419 = arith.constant 0 : i32
      %add3A_1420 = arith.addi %mul3A_1418, %add3A_1419 : i32
      %mul3A_1421 = arith.constant 2 : i32
      %mul3A_1422 = arith.muli %mul3A_1421, %scan3A_1340 : i32
      %add3A_1423 = arith.constant 0 : i32
      %add3A_1424 = arith.addi %mul3A_1422, %add3A_1423 : i32
      %get3A_1425 = arith.index_cast %add3A_1424 : i32 to index
      %get3A_1426 = arith.constant 64 : index
      %get3A_1427 = tpu.vector_load %arg7[%get3A_1425, %get3A_1426] {strides = array<i32>} : memref<200x128xf32, #tpu.memory_space<vmem>>, vector<1x16xf32>,
      %get3A_1428 = vector.shape_cast %get3A_1427 : vector<1x16xf32> to vector<16xf32>
      %swap3A_1429 = arith.constant 1 : i32
      %swap3A_1430 = arith.index_cast %swap3A_1429 : i32 to index
      %swap3A_1431 = arith.index_cast %add3A_1420 : i32 to index
      %swap3A_1432 = arith.constant 64 : index
      %swap3A_1433 = tpu.vector_load %arg8[%swap3A_1430, %swap3A_1431, %swap3A_1432] {strides = array<i32>} : memref<3x200x128xf32, #tpu.memory_space<vmem>>, vector<1x1x16xf32>,
      %swap3A_1434 = vector.shape_cast %swap3A_1433 : vector<1x1x16xf32> to vector<16xf32>
      %swap3A_1435 = vector.shape_cast %get3A_1428 : vector<16xf32> to vector<1x1x16xf32>
      tpu.vector_store %arg8[%swap3A_1430, %swap3A_1431, %swap3A_1432], %swap3A_1435 {add = true, strides = array<i32>} : memref<3x200x128xf32, #tpu.memory_space<vmem>>, vector<1x1x16xf32>,
      %mul3A_1436 = arith.constant 2 : i32
      %mul3A_1437 = arith.muli %mul3A_1436, %scan3A_1340 : i32
      %add3A_1438 = arith.constant 0 : i32
      %add3A_1439 = arith.addi %mul3A_1437, %add3A_1438 : i32
      %mul3A_1440 = arith.constant 2 : i32
      %mul3A_1441 = arith.muli %mul3A_1440, %scan3A_1340 : i32
      %add3A_1442 = arith.constant 0 : i32
      %add3A_1443 = arith.addi %mul3A_1441, %add3A_1442 : i32
      %get3A_1444 = arith.index_cast %add3A_1443 : i32 to index
      %get3A_1445 = arith.constant 80 : index
      %get3A_1446 = tpu.vector_load %arg7[%get3A_1444, %get3A_1445] {strides = array<i32>} : memref<200x128xf32, #tpu.memory_space<vmem>>, vector<1x16xf32>,
      %get3A_1447 = vector.shape_cast %get3A_1446 : vector<1x16xf32> to vector<16xf32>
      %swap3A_1448 = arith.constant 1 : i32
      %swap3A_1449 = arith.index_cast %swap3A_1448 : i32 to index
      %swap3A_1450 = arith.index_cast %add3A_1439 : i32 to index
      %swap3A_1451 = arith.constant 80 : index
      %swap3A_1452 = tpu.vector_load %arg8[%swap3A_1449, %swap3A_1450, %swap3A_1451] {strides = array<i32>} : memref<3x200x128xf32, #tpu.memory_space<vmem>>, vector<1x1x16xf32>,
      %swap3A_1453 = vector.shape_cast %swap3A_1452 : vector<1x1x16xf32> to vector<16xf32>
      %swap3A_1454 = vector.shape_cast %get3A_1447 : vector<16xf32> to vector<1x1x16xf32>
      tpu.vector_store %arg8[%swap3A_1449, %swap3A_1450, %swap3A_1451], %swap3A_1454 {add = true, strides = array<i32>} : memref<3x200x128xf32, #tpu.memory_space<vmem>>, vector<1x1x16xf32>,
      %mul3A_1455 = arith.constant 2 : i32
      %mul3A_1456 = arith.muli %mul3A_1455, %scan3A_1340 : i32
      %add3A_1457 = arith.constant 0 : i32
      %add3A_1458 = arith.addi %mul3A_1456, %add3A_1457 : i32
      %mul3A_1459 = arith.constant 2 : i32
      %mul3A_1460 = arith.muli %mul3A_1459, %scan3A_1340 : i32
      %add3A_1461 = arith.constant 0 : i32
      %add3A_1462 = arith.addi %mul3A_1460, %add3A_1461 : i32
      %get3A_1463 = arith.index_cast %add3A_1462 : i32 to index
      %get3A_1464 = arith.constant 96 : index
      %get3A_1465 = tpu.vector_load %arg7[%get3A_1463, %get3A_1464] {strides = array<i32>} : memref<200x128xf32, #tpu.memory_space<vmem>>, vector<1x16xf32>,
      %get3A_1466 = vector.shape_cast %get3A_1465 : vector<1x16xf32> to vector<16xf32>
      %swap3A_1467 = arith.constant 1 : i32
      %swap3A_1468 = arith.index_cast %swap3A_1467 : i32 to index
      %swap3A_1469 = arith.index_cast %add3A_1458 : i32 to index
      %swap3A_1470 = arith.constant 96 : index
      %swap3A_1471 = tpu.vector_load %arg8[%swap3A_1468, %swap3A_1469, %swap3A_1470] {strides = array<i32>} : memref<3x200x128xf32, #tpu.memory_space<vmem>>, vector<1x1x16xf32>,
      %swap3A_1472 = vector.shape_cast %swap3A_1471 : vector<1x1x16xf32> to vector<16xf32>
      %swap3A_1473 = vector.shape_cast %get3A_1466 : vector<16xf32> to vector<1x1x16xf32>
      tpu.vector_store %arg8[%swap3A_1468, %swap3A_1469, %swap3A_1470], %swap3A_1473 {add = true, strides = array<i32>} : memref<3x200x128xf32, #tpu.memory_space<vmem>>, vector<1x1x16xf32>,
      %mul3A_1474 = arith.constant 2 : i32
      %mul3A_1475 = arith.muli %mul3A_1474, %scan3A_1340 : i32
      %add3A_1476 = arith.constant 0 : i32
      %add3A_1477 = arith.addi %mul3A_1475, %add3A_1476 : i32
      %mul3A_1478 = arith.constant 2 : i32
      %mul3A_1479 = arith.muli %mul3A_1478, %scan3A_1340 : i32
      %add3A_1480 = arith.constant 0 : i32
      %add3A_1481 = arith.addi %mul3A_1479, %add3A_1480 : i32
      %get3A_1482 = arith.index_cast %add3A_1481 : i32 to index
      %get3A_1483 = arith.constant 112 : index
      %get3A_1484 = tpu.vector_load %arg7[%get3A_1482, %get3A_1483] {strides = array<i32>} : memref<200x128xf32, #tpu.memory_space<vmem>>, vector<1x16xf32>,
      %get3A_1485 = vector.shape_cast %get3A_1484 : vector<1x16xf32> to vector<16xf32>
      %swap3A_1486 = arith.constant 1 : i32
      %swap3A_1487 = arith.index_cast %swap3A_1486 : i32 to index
      %swap3A_1488 = arith.index_cast %add3A_1477 : i32 to index
      %swap3A_1489 = arith.constant 112 : index
      %swap3A_1490 = tpu.vector_load %arg8[%swap3A_1487, %swap3A_1488, %swap3A_1489] {strides = array<i32>} : memref<3x200x128xf32, #tpu.memory_space<vmem>>, vector<1x1x16xf32>,
      %swap3A_1491 = vector.shape_cast %swap3A_1490 : vector<1x1x16xf32> to vector<16xf32>
      %swap3A_1492 = vector.shape_cast %get3A_1485 : vector<16xf32> to vector<1x1x16xf32>
      tpu.vector_store %arg8[%swap3A_1487, %swap3A_1488, %swap3A_1489], %swap3A_1492 {add = true, strides = array<i32>} : memref<3x200x128xf32, #tpu.memory_space<vmem>>, vector<1x1x16xf32>,
      %mul3A_1493 = arith.constant 2 : i32
      %mul3A_1494 = arith.muli %mul3A_1493, %scan3A_1340 : i32
      %add3A_1495 = arith.constant 1 : i32
      %add3A_1496 = arith.addi %mul3A_1494, %add3A_1495 : i32
      %mul3A_1497 = arith.constant 2 : i32
      %mul3A_1498 = arith.muli %mul3A_1497, %scan3A_1340 : i32
      %add3A_1499 = arith.constant 1 : i32
      %add3A_1500 = arith.addi %mul3A_1498, %add3A_1499 : i32
      %get3A_1501 = arith.index_cast %add3A_1500 : i32 to index
      %get3A_1502 = arith.constant 0 : index
      %get3A_1503 = tpu.vector_load %arg7[%get3A_1501, %get3A_1502] {strides = array<i32>} : memref<200x128xf32, #tpu.memory_space<vmem>>, vector<1x16xf32>,
      %get3A_1504 = vector.shape_cast %get3A_1503 : vector<1x16xf32> to vector<16xf32>
      %swap3A_1505 = arith.constant 1 : i32
      %swap3A_1506 = arith.index_cast %swap3A_1505 : i32 to index
      %swap3A_1507 = arith.index_cast %add3A_1496 : i32 to index
      %swap3A_1508 = arith.constant 0 : index
      %swap3A_1509 = tpu.vector_load %arg8[%swap3A_1506, %swap3A_1507, %swap3A_1508] {strides = array<i32>} : memref<3x200x128xf32, #tpu.memory_space<vmem>>, vector<1x1x16xf32>,
      %swap3A_1510 = vector.shape_cast %swap3A_1509 : vector<1x1x16xf32> to vector<16xf32>
      %swap3A_1511 = vector.shape_cast %get3A_1504 : vector<16xf32> to vector<1x1x16xf32>
      tpu.vector_store %arg8[%swap3A_1506, %swap3A_1507, %swap3A_1508], %swap3A_1511 {add = true, strides = array<i32>} : memref<3x200x128xf32, #tpu.memory_space<vmem>>, vector<1x1x16xf32>,
      %mul3A_1512 = arith.constant 2 : i32
      %mul3A_1513 = arith.muli %mul3A_1512, %scan3A_1340 : i32
      %add3A_1514 = arith.constant 1 : i32
      %add3A_1515 = arith.addi %mul3A_1513, %add3A_1514 : i32
      %mul3A_1516 = arith.constant 2 : i32
      %mul3A_1517 = arith.muli %mul3A_1516, %scan3A_1340 : i32
      %add3A_1518 = arith.constant 1 : i32
      %add3A_1519 = arith.addi %mul3A_1517, %add3A_1518 : i32
      %get3A_1520 = arith.index_cast %add3A_1519 : i32 to index
      %get3A_1521 = arith.constant 16 : index
      %get3A_1522 = tpu.vector_load %arg7[%get3A_1520, %get3A_1521] {strides = array<i32>} : memref<200x128xf32, #tpu.memory_space<vmem>>, vector<1x16xf32>,
      %get3A_1523 = vector.shape_cast %get3A_1522 : vector<1x16xf32> to vector<16xf32>
      %swap3A_1524 = arith.constant 1 : i32
      %swap3A_1525 = arith.index_cast %swap3A_1524 : i32 to index
      %swap3A_1526 = arith.index_cast %add3A_1515 : i32 to index
      %swap3A_1527 = arith.constant 16 : index
      %swap3A_1528 = tpu.vector_load %arg8[%swap3A_1525, %swap3A_1526, %swap3A_1527] {strides = array<i32>} : memref<3x200x128xf32, #tpu.memory_space<vmem>>, vector<1x1x16xf32>,
      %swap3A_1529 = vector.shape_cast %swap3A_1528 : vector<1x1x16xf32> to vector<16xf32>
      %swap3A_1530 = vector.shape_cast %get3A_1523 : vector<16xf32> to vector<1x1x16xf32>
      tpu.vector_store %arg8[%swap3A_1525, %swap3A_1526, %swap3A_1527], %swap3A_1530 {add = true, strides = array<i32>} : memref<3x200x128xf32, #tpu.memory_space<vmem>>, vector<1x1x16xf32>,
      %mul3A_1531 = arith.constant 2 : i32
      %mul3A_1532 = arith.muli %mul3A_1531, %scan3A_1340 : i32
      %add3A_1533 = arith.constant 1 : i32
      %add3A_1534 = arith.addi %mul3A_1532, %add3A_1533 : i32
      %mul3A_1535 = arith.constant 2 : i32
      %mul3A_1536 = arith.muli %mul3A_1535, %scan3A_1340 : i32
      %add3A_1537 = arith.constant 1 : i32
      %add3A_1538 = arith.addi %mul3A_1536, %add3A_1537 : i32
      %get3A_1539 = arith.index_cast %add3A_1538 : i32 to index
      %get3A_1540 = arith.constant 32 : index
      %get3A_1541 = tpu.vector_load %arg7[%get3A_1539, %get3A_1540] {strides = array<i32>} : memref<200x128xf32, #tpu.memory_space<vmem>>, vector<1x16xf32>,
      %get3A_1542 = vector.shape_cast %get3A_1541 : vector<1x16xf32> to vector<16xf32>
      %swap3A_1543 = arith.constant 1 : i32
      %swap3A_1544 = arith.index_cast %swap3A_1543 : i32 to index
      %swap3A_1545 = arith.index_cast %add3A_1534 : i32 to index
      %swap3A_1546 = arith.constant 32 : index
      %swap3A_1547 = tpu.vector_load %arg8[%swap3A_1544, %swap3A_1545, %swap3A_1546] {strides = array<i32>} : memref<3x200x128xf32, #tpu.memory_space<vmem>>, vector<1x1x16xf32>,
      %swap3A_1548 = vector.shape_cast %swap3A_1547 : vector<1x1x16xf32> to vector<16xf32>
      %swap3A_1549 = vector.shape_cast %get3A_1542 : vector<16xf32> to vector<1x1x16xf32>
      tpu.vector_store %arg8[%swap3A_1544, %swap3A_1545, %swap3A_1546], %swap3A_1549 {add = true, strides = array<i32>} : memref<3x200x128xf32, #tpu.memory_space<vmem>>, vector<1x1x16xf32>,
      %mul3A_1550 = arith.constant 2 : i32
      %mul3A_1551 = arith.muli %mul3A_1550, %scan3A_1340 : i32
      %add3A_1552 = arith.constant 1 : i32
      %add3A_1553 = arith.addi %mul3A_1551, %add3A_1552 : i32
      %mul3A_1554 = arith.constant 2 : i32
      %mul3A_1555 = arith.muli %mul3A_1554, %scan3A_1340 : i32
      %add3A_1556 = arith.constant 1 : i32
      %add3A_1557 = arith.addi %mul3A_1555, %add3A_1556 : i32
      %get3A_1558 = arith.index_cast %add3A_1557 : i32 to index
      %get3A_1559 = arith.constant 48 : index
      %get3A_1560 = tpu.vector_load %arg7[%get3A_1558, %get3A_1559] {strides = array<i32>} : memref<200x128xf32, #tpu.memory_space<vmem>>, vector<1x16xf32>,
      %get3A_1561 = vector.shape_cast %get3A_1560 : vector<1x16xf32> to vector<16xf32>
      %swap3A_1562 = arith.constant 1 : i32
      %swap3A_1563 = arith.index_cast %swap3A_1562 : i32 to index
      %swap3A_1564 = arith.index_cast %add3A_1553 : i32 to index
      %swap3A_1565 = arith.constant 48 : index
      %swap3A_1566 = tpu.vector_load %arg8[%swap3A_1563, %swap3A_1564, %swap3A_1565] {strides = array<i32>} : memref<3x200x128xf32, #tpu.memory_space<vmem>>, vector<1x1x16xf32>,
      %swap3A_1567 = vector.shape_cast %swap3A_1566 : vector<1x1x16xf32> to vector<16xf32>
      %swap3A_1568 = vector.shape_cast %get3A_1561 : vector<16xf32> to vector<1x1x16xf32>
      tpu.vector_store %arg8[%swap3A_1563, %swap3A_1564, %swap3A_1565], %swap3A_1568 {add = true, strides = array<i32>} : memref<3x200x128xf32, #tpu.memory_space<vmem>>, vector<1x1x16xf32>,
      %mul3A_1569 = arith.constant 2 : i32
      %mul3A_1570 = arith.muli %mul3A_1569, %scan3A_1340 : i32
      %add3A_1571 = arith.constant 1 : i32
      %add3A_1572 = arith.addi %mul3A_1570, %add3A_1571 : i32
      %mul3A_1573 = arith.constant 2 : i32
      %mul3A_1574 = arith.muli %mul3A_1573, %scan3A_1340 : i32
      %add3A_1575 = arith.constant 1 : i32
      %add3A_1576 = arith.addi %mul3A_1574, %add3A_1575 : i32
      %get3A_1577 = arith.index_cast %add3A_1576 : i32 to index
      %get3A_1578 = arith.constant 64 : index
      %get3A_1579 = tpu.vector_load %arg7[%get3A_1577, %get3A_1578] {strides = array<i32>} : memref<200x128xf32, #tpu.memory_space<vmem>>, vector<1x16xf32>,
      %get3A_1580 = vector.shape_cast %get3A_1579 : vector<1x16xf32> to vector<16xf32>
      %swap3A_1581 = arith.constant 1 : i32
      %swap3A_1582 = arith.index_cast %swap3A_1581 : i32 to index
      %swap3A_1583 = arith.index_cast %add3A_1572 : i32 to index
      %swap3A_1584 = arith.constant 64 : index
      %swap3A_1585 = tpu.vector_load %arg8[%swap3A_1582, %swap3A_1583, %swap3A_1584] {strides = array<i32>} : memref<3x200x128xf32, #tpu.memory_space<vmem>>, vector<1x1x16xf32>,
      %swap3A_1586 = vector.shape_cast %swap3A_1585 : vector<1x1x16xf32> to vector<16xf32>
      %swap3A_1587 = vector.shape_cast %get3A_1580 : vector<16xf32> to vector<1x1x16xf32>
      tpu.vector_store %arg8[%swap3A_1582, %swap3A_1583, %swap3A_1584], %swap3A_1587 {add = true, strides = array<i32>} : memref<3x200x128xf32, #tpu.memory_space<vmem>>, vector<1x1x16xf32>,
      %mul3A_1588 = arith.constant 2 : i32
      %mul3A_1589 = arith.muli %mul3A_1588, %scan3A_1340 : i32
      %add3A_1590 = arith.constant 1 : i32
      %add3A_1591 = arith.addi %mul3A_1589, %add3A_1590 : i32
      %mul3A_1592 = arith.constant 2 : i32
      %mul3A_1593 = arith.muli %mul3A_1592, %scan3A_1340 : i32
      %add3A_1594 = arith.constant 1 : i32
      %add3A_1595 = arith.addi %mul3A_1593, %add3A_1594 : i32
      %get3A_1596 = arith.index_cast %add3A_1595 : i32 to index
      %get3A_1597 = arith.constant 80 : index
      %get3A_1598 = tpu.vector_load %arg7[%get3A_1596, %get3A_1597] {strides = array<i32>} : memref<200x128xf32, #tpu.memory_space<vmem>>, vector<1x16xf32>,
      %get3A_1599 = vector.shape_cast %get3A_1598 : vector<1x16xf32> to vector<16xf32>
      %swap3A_1600 = arith.constant 1 : i32
      %swap3A_1601 = arith.index_cast %swap3A_1600 : i32 to index
      %swap3A_1602 = arith.index_cast %add3A_1591 : i32 to index
      %swap3A_1603 = arith.constant 80 : index
      %swap3A_1604 = tpu.vector_load %arg8[%swap3A_1601, %swap3A_1602, %swap3A_1603] {strides = array<i32>} : memref<3x200x128xf32, #tpu.memory_space<vmem>>, vector<1x1x16xf32>,
      %swap3A_1605 = vector.shape_cast %swap3A_1604 : vector<1x1x16xf32> to vector<16xf32>
      %swap3A_1606 = vector.shape_cast %get3A_1599 : vector<16xf32> to vector<1x1x16xf32>
      tpu.vector_store %arg8[%swap3A_1601, %swap3A_1602, %swap3A_1603], %swap3A_1606 {add = true, strides = array<i32>} : memref<3x200x128xf32, #tpu.memory_space<vmem>>, vector<1x1x16xf32>,
      %mul3A_1607 = arith.constant 2 : i32
      %mul3A_1608 = arith.muli %mul3A_1607, %scan3A_1340 : i32
      %add3A_1609 = arith.constant 1 : i32
      %add3A_1610 = arith.addi %mul3A_1608, %add3A_1609 : i32
      %mul3A_1611 = arith.constant 2 : i32
      %mul3A_1612 = arith.muli %mul3A_1611, %scan3A_1340 : i32
      %add3A_1613 = arith.constant 1 : i32
      %add3A_1614 = arith.addi %mul3A_1612, %add3A_1613 : i32
      %get3A_1615 = arith.index_cast %add3A_1614 : i32 to index
      %get3A_1616 = arith.constant 96 : index
      %get3A_1617 = tpu.vector_load %arg7[%get3A_1615, %get3A_1616] {strides = array<i32>} : memref<200x128xf32, #tpu.memory_space<vmem>>, vector<1x16xf32>,
      %get3A_1618 = vector.shape_cast %get3A_1617 : vector<1x16xf32> to vector<16xf32>
      %swap3A_1619 = arith.constant 1 : i32
      %swap3A_1620 = arith.index_cast %swap3A_1619 : i32 to index
      %swap3A_1621 = arith.index_cast %add3A_1610 : i32 to index
      %swap3A_1622 = arith.constant 96 : index
      %swap3A_1623 = tpu.vector_load %arg8[%swap3A_1620, %swap3A_1621, %swap3A_1622] {strides = array<i32>} : memref<3x200x128xf32, #tpu.memory_space<vmem>>, vector<1x1x16xf32>,
      %swap3A_1624 = vector.shape_cast %swap3A_1623 : vector<1x1x16xf32> to vector<16xf32>
      %swap3A_1625 = vector.shape_cast %get3A_1618 : vector<16xf32> to vector<1x1x16xf32>
      tpu.vector_store %arg8[%swap3A_1620, %swap3A_1621, %swap3A_1622], %swap3A_1625 {add = true, strides = array<i32>} : memref<3x200x128xf32, #tpu.memory_space<vmem>>, vector<1x1x16xf32>,
      %mul3A_1626 = arith.constant 2 : i32
      %mul3A_1627 = arith.muli %mul3A_1626, %scan3A_1340 : i32
      %add3A_1628 = arith.constant 1 : i32
      %add3A_1629 = arith.addi %mul3A_1627, %add3A_1628 : i32
      %mul3A_1630 = arith.constant 2 : i32
      %mul3A_1631 = arith.muli %mul3A_1630, %scan3A_1340 : i32
      %add3A_1632 = arith.constant 1 : i32
      %add3A_1633 = arith.addi %mul3A_1631, %add3A_1632 : i32
      %get3A_1634 = arith.index_cast %add3A_1633 : i32 to index
      %get3A_1635 = arith.constant 112 : index
      %get3A_1636 = tpu.vector_load %arg7[%get3A_1634, %get3A_1635] {strides = array<i32>} : memref<200x128xf32, #tpu.memory_space<vmem>>, vector<1x16xf32>,
      %get3A_1637 = vector.shape_cast %get3A_1636 : vector<1x16xf32> to vector<16xf32>
      %swap3A_1638 = arith.constant 1 : i32
      %swap3A_1639 = arith.index_cast %swap3A_1638 : i32 to index
      %swap3A_1640 = arith.index_cast %add3A_1629 : i32 to index
      %swap3A_1641 = arith.constant 112 : index
      %swap3A_1642 = tpu.vector_load %arg8[%swap3A_1639, %swap3A_1640, %swap3A_1641] {strides = array<i32>} : memref<3x200x128xf32, #tpu.memory_space<vmem>>, vector<1x1x16xf32>,
      %swap3A_1643 = vector.shape_cast %swap3A_1642 : vector<1x1x16xf32> to vector<16xf32>
      %swap3A_1644 = vector.shape_cast %get3A_1637 : vector<16xf32> to vector<1x1x16xf32>
      tpu.vector_store %arg8[%swap3A_1639, %swap3A_1640, %swap3A_1641], %swap3A_1644 {add = true, strides = array<i32>} : memref<3x200x128xf32, #tpu.memory_space<vmem>>, vector<1x1x16xf32>,
    }
    %scan3A_1294 = arith.constant 100 : i32
    %add3A_1295 = arith.constant 6200 : i32
    %add3A_1296 = arith.addi %mul3A_6, %add3A_1295 : i32
    %dma_start3A_1297 = arith.constant 1 : i32
    %dma_start3A_1298 = arith.constant 0 : i32
    %dma_start3A_1299 = arith.constant 0 : i32
    %dma_start3A_1300 = tpu.memref_slice %arg8[%dma_start3A_1297, %dma_start3A_1298, %dma_start3A_1299] : memref<3x200x128xf32, #tpu.memory_space<vmem>> -> memref<1x200x128xf32, #tpu.memory_space<vmem>>
    %dma_start3A_1301 = tpu.memref_squeeze %dma_start3A_1300 : memref<1x200x128xf32, #tpu.memory_space<vmem>> -> memref<200x128xf32, #tpu.memory_space<vmem>>
    %dma_start3A_1302 = arith.constant 0 : i32
    %dma_start3A_1303 = tpu.memref_slice %arg5[%add3A_1296, %dma_start3A_1302] : memref<204800x128xf32, #tpu.memory_space<hbm>> -> memref<200x128xf32, #tpu.memory_space<hbm>>
    %dma_start3A_1304 = arith.constant 0 : i32
    %dma_start3A_1305 = tpu.memref_slice %arg5[%add3A_1296, %dma_start3A_1304] : memref<204800x128xf32, #tpu.memory_space<hbm>> -> memref<200x128xf32, #tpu.memory_space<hbm>>
    %dma_start3A_1306 = arith.constant 0 : i32
    %dma_start3A_1307 = arith.constant 0 : i32
    %dma_start3A_1308 = tpu.memref_slice %arg8[%dma_start3A_1297, %dma_start3A_1306, %dma_start3A_1307] : memref<3x200x128xf32, #tpu.memory_space<vmem>> -> memref<1x200x128xf32, #tpu.memory_space<vmem>>
    %dma_start3A_1309 = tpu.memref_squeeze %dma_start3A_1308 : memref<1x200x128xf32, #tpu.memory_space<vmem>> -> memref<200x128xf32, #tpu.memory_space<vmem>>
    tpu.enqueue_dma source(%dma_start3A_1309 : memref<200x128xf32, #tpu.memory_space<vmem>>) target(%dma_start3A_1305 : memref<200x128xf32, #tpu.memory_space<hbm>>) target_semaphore(%arg16 : memref<!tpu.dma_semaphore, #tpu.memory_space<semaphore_mem>>)
    %dma_wait3A_1310 = arith.constant 0 : i32
    %dma_wait3A_1311 = arith.constant 0 : i32
    %dma_wait3A_1312 = arith.constant 0 : i32
    %dma_wait3A_1313 = tpu.memref_slice %arg8[%dma_wait3A_1310, %dma_wait3A_1311, %dma_wait3A_1312] : memref<3x200x128xf32, #tpu.memory_space<vmem>> -> memref<1x200x128xf32, #tpu.memory_space<vmem>>
    %dma_wait3A_1314 = tpu.memref_squeeze %dma_wait3A_1313 : memref<1x200x128xf32, #tpu.memory_space<vmem>> -> memref<200x128xf32, #tpu.memory_space<vmem>>
    %dma_wait3A_1315 = arith.constant 0 : i32
    %dma_wait3A_1316 = arith.constant 0 : i32
    %dma_wait3A_1317 = tpu.memref_slice %arg5[%dma_wait3A_1315, %dma_wait3A_1316] : memref<204800x128xf32, #tpu.memory_space<hbm>> -> memref<200x128xf32, #tpu.memory_space<hbm>>
    %dma_wait3A_1318 = arith.constant 0 : i32
    %dma_wait3A_1319 = arith.constant 0 : i32
    %dma_wait3A_1320 = tpu.memref_slice %arg5[%dma_wait3A_1318, %dma_wait3A_1319] : memref<204800x128xf32, #tpu.memory_space<hbm>> -> memref<200x128xf32, #tpu.memory_space<hbm>>
    %dma_wait3A_1321 = arith.constant 0 : i32
    %dma_wait3A_1322 = arith.constant 0 : i32
    %dma_wait3A_1323 = tpu.memref_slice %arg8[%dma_wait3A_1310, %dma_wait3A_1321, %dma_wait3A_1322] : memref<3x200x128xf32, #tpu.memory_space<vmem>> -> memref<1x200x128xf32, #tpu.memory_space<vmem>>
    %dma_wait3A_1324 = tpu.memref_squeeze %dma_wait3A_1323 : memref<1x200x128xf32, #tpu.memory_space<vmem>> -> memref<200x128xf32, #tpu.memory_space<vmem>>
    tpu.wait_dma2 semaphore(%arg15 : memref<!tpu.dma_semaphore, #tpu.memory_space<semaphore_mem>>) src(%dma_wait3A_1324 : memref<200x128xf32, #tpu.memory_space<vmem>>) dst(%dma_wait3A_1320 : memref<200x128xf32, #tpu.memory_space<hbm>>)
    %dma_wait3A_1325 = arith.constant 1 : i32
    %dma_wait3A_1326 = arith.constant 0 : i32
    %dma_wait3A_1327 = arith.constant 0 : i32
    %dma_wait3A_1328 = tpu.memref_slice %arg8[%dma_wait3A_1325, %dma_wait3A_1326, %dma_wait3A_1327] : memref<3x200x128xf32, #tpu.memory_space<vmem>> -> memref<1x200x128xf32, #tpu.memory_space<vmem>>
    %dma_wait3A_1329 = tpu.memref_squeeze %dma_wait3A_1328 : memref<1x200x128xf32, #tpu.memory_space<vmem>> -> memref<200x128xf32, #tpu.memory_space<vmem>>
    %dma_wait3A_1330 = arith.constant 0 : i32
    %dma_wait3A_1331 = arith.constant 0 : i32
    %dma_wait3A_1332 = tpu.memref_slice %arg5[%dma_wait3A_1330, %dma_wait3A_1331] : memref<204800x128xf32, #tpu.memory_space<hbm>> -> memref<200x128xf32, #tpu.memory_space<hbm>>
    %dma_wait3A_1333 = arith.constant 0 : i32
    %dma_wait3A_1334 = arith.constant 0 : i32
    %dma_wait3A_1335 = tpu.memref_slice %arg5[%dma_wait3A_1333, %dma_wait3A_1334] : memref<204800x128xf32, #tpu.memory_space<hbm>> -> memref<200x128xf32, #tpu.memory_space<hbm>>
    %dma_wait3A_1336 = arith.constant 0 : i32
    %dma_wait3A_1337 = arith.constant 0 : i32
    %dma_wait3A_1338 = tpu.memref_slice %arg8[%dma_wait3A_1325, %dma_wait3A_1336, %dma_wait3A_1337] : memref<3x200x128xf32, #tpu.memory_space<vmem>> -> memref<1x200x128xf32, #tpu.memory_space<vmem>>
    %dma_wait3A_1339 = tpu.memref_squeeze %dma_wait3A_1338 : memref<1x200x128xf32, #tpu.memory_space<vmem>> -> memref<200x128xf32, #tpu.memory_space<vmem>>
    tpu.wait_dma2 semaphore(%arg16 : memref<!tpu.dma_semaphore, #tpu.memory_space<semaphore_mem>>) src(%dma_wait3A_1339 : memref<200x128xf32, #tpu.memory_space<vmem>>) dst(%dma_wait3A_1335 : memref<200x128xf32, #tpu.memory_space<hbm>>)
    return
  }
}

module attributes {stable_mosaic.version = 14 : i64} {
  func.func @_pe_body(%arg0: memref<200x128xf32, #tpu.memory_space<vmem>>) attributes {dimension_semantics = [], scalar_prefetch = 0 : i64, scratch_operands = 0 : i64, tpu.core_type = #tpu.core_type<tc>} {
    %iota3A = tpu.iota {dimensions = array<i32: 0>} : vector<200x128xi32>
    %convert_element_type3A = arith.sitofp %iota3A : vector<200x128xi32> to vector<200x128xf32>
    %iota3A_0 = tpu.iota {dimensions = array<i32: 1>} : vector<200x128xi32>
    %jit3A = arith.constant 2 : i32
    %div3A = vector.broadcast %jit3A : i32 to vector<200x128xi32>
    %div3A_1 = arith.divsi %iota3A_0, %div3A : vector<200x128xi32>
    %sign3A = arith.constant 0 : i32
    %sign3A_2 = vector.broadcast %sign3A : i32 to vector<200x128xi32>
    %sign3A_3 = arith.cmpi sgt, %iota3A_0, %sign3A_2 : vector<200x128xi32>
    %sign3A_4 = arith.extui %sign3A_3 : vector<200x128xi1> to vector<200x128xi32>
    %sign3A_5 = arith.constant 0 : i32
    %sign3A_6 = vector.broadcast %sign3A_5 : i32 to vector<200x128xi32>
    %sign3A_7 = arith.cmpi slt, %iota3A_0, %sign3A_6 : vector<200x128xi32>
    %sign3A_8 = arith.extui %sign3A_7 : vector<200x128xi1> to vector<200x128xi32>
    %sign3A_9 = arith.subi %sign3A_4, %sign3A_8 : vector<200x128xi32>
    %sign3A_10 = arith.constant 0 : i32
    %sign3A_11 = arith.cmpi sgt, %jit3A, %sign3A_10 : i32
    %sign3A_12 = arith.extui %sign3A_11 : i1 to i32
    %sign3A_13 = arith.constant 0 : i32
    %sign3A_14 = arith.cmpi slt, %jit3A, %sign3A_13 : i32
    %sign3A_15 = arith.extui %sign3A_14 : i1 to i32
    %sign3A_16 = arith.subi %sign3A_12, %sign3A_15 : i32
    %ne3A = vector.broadcast %sign3A_16 : i32 to vector<200x128xi32>
    %ne3A_17 = arith.cmpi ne, %sign3A_9, %ne3A : vector<200x128xi32>
    %rem3A = vector.broadcast %jit3A : i32 to vector<200x128xi32>
    %rem3A_18 = arith.remsi %iota3A_0, %rem3A : vector<200x128xi32>
    %ne3A_19 = arith.constant 0 : i32
    %ne3A_20 = vector.broadcast %ne3A_19 : i32 to vector<200x128xi32>
    %ne3A_21 = arith.cmpi ne, %rem3A_18, %ne3A_20 : vector<200x128xi32>
    %and3A = arith.andi %ne3A_17, %ne3A_21 : vector<200x128xi1>
    %sub3A = arith.constant 1 : i32
    %sub3A_22 = vector.broadcast %sub3A : i32 to vector<200x128xi32>
    %sub3A_23 = arith.subi %div3A_1, %sub3A_22 : vector<200x128xi32>
    %select_n3A = arith.select %and3A, %sub3A_23, %div3A_1 : vector<200x128xi1>, vector<200x128xi32>
    %mul3A = arith.constant 2 : i32
    %mul3A_24 = vector.broadcast %mul3A : i32 to vector<200x128xi32>
    %mul3A_25 = arith.muli %select_n3A, %mul3A_24 : vector<200x128xi32>
    %convert_element_type3A_26 = arith.sitofp %mul3A_25 : vector<200x128xi32> to vector<200x128xf32>
    %log3A = arith.constant 1.000000e+04 : f32
    %log3A_27 = math.log %log3A : f32
    %div3A_28 = arith.constant 1.280000e+02 : f32
    %div3A_29 = arith.divf %log3A_27, %div3A_28 : f32
    %neg3A = arith.constant 0.000000e+00 : f32
    %neg3A_30 = arith.subf %neg3A, %div3A_29 : f32
    %mul3A_31 = vector.broadcast %neg3A_30 : f32 to vector<200x128xf32>
    %mul3A_32 = arith.mulf %mul3A_31, %convert_element_type3A_26 : vector<200x128xf32>
    %exp3A = math.exp %mul3A_32 : vector<200x128xf32>
    %mul3A_33 = arith.mulf %convert_element_type3A, %exp3A : vector<200x128xf32>
    %jit3A_34 = arith.constant 2 : i32
    %eq3A = arith.constant 0 : i32
    %eq3A_35 = arith.cmpi eq, %jit3A_34, %eq3A : i32
    %jit3A_36 = arith.constant 1 : i32
    %select_n3A_37 = arith.select %eq3A_35, %jit3A_36, %jit3A_34 : i32
    %rem3A_38 = vector.broadcast %select_n3A_37 : i32 to vector<200x128xi32>
    %rem3A_39 = arith.remsi %iota3A_0, %rem3A_38 : vector<200x128xi32>
    %ne3A_40 = arith.constant 0 : i32
    %ne3A_41 = vector.broadcast %ne3A_40 : i32 to vector<200x128xi32>
    %ne3A_42 = arith.cmpi ne, %rem3A_39, %ne3A_41 : vector<200x128xi32>
    %lt3A = arith.constant 0 : i32
    %lt3A_43 = vector.broadcast %lt3A : i32 to vector<200x128xi32>
    %lt3A_44 = arith.cmpi slt, %rem3A_39, %lt3A_43 : vector<200x128xi32>
    %lt3A_45 = arith.constant 0 : i32
    %lt3A_46 = arith.cmpi slt, %select_n3A_37, %lt3A_45 : i32
    %ne3A_47 = vector.broadcast %lt3A_46 : i1 to vector<200x128xi1>
    %ne3A_48 = vector.broadcast %ne3A_47 : vector<200x128xi1> to vector<200x128xi1>
    %ne3A_49 = arith.xori %lt3A_44, %ne3A_48 : vector<200x128xi1>
    %and3A_50 = arith.andi %ne3A_49, %ne3A_42 : vector<200x128xi1>
    %add3A = vector.broadcast %select_n3A_37 : i32 to vector<200x128xi32>
    %add3A_51 = arith.addi %rem3A_39, %add3A : vector<200x128xi32>
    %select_n3A_52 = arith.select %and3A_50, %add3A_51, %rem3A_39 : vector<200x128xi1>, vector<200x128xi32>
    %eq3A_53 = arith.constant 0 : i32
    %eq3A_54 = vector.broadcast %eq3A_53 : i32 to vector<200x128xi32>
    %eq3A_55 = arith.cmpi eq, %select_n3A_52, %eq3A_54 : vector<200x128xi32>
    %sin3A = math.sin %mul3A_33 : vector<200x128xf32>
    %cos3A = math.cos %mul3A_33 : vector<200x128xf32>
    %select_n3A_56 = arith.select %eq3A_55, %sin3A, %cos3A : vector<200x128xi1>, vector<200x128xf32>
    %swap3A = arith.constant 0 : index
    %swap3A_57 = arith.constant 0 : index
    %swap3A_58 = vector.load %arg0[%swap3A, %swap3A_57] : memref<200x128xf32, #tpu.memory_space<vmem>>, vector<200x128xf32>
    tpu.vector_store %arg0[%swap3A, %swap3A_57], %select_n3A_56 {strides = array<i32>} : memref<200x128xf32, #tpu.memory_space<vmem>>, vector<200x128xf32>,
    return
  }
}

</mosaic_0001>

<sc_bundles>
// kernel: kernel.4.cloned.1.call-start
scs
__scs_entry_jumppad:
0x0: {  	(pc) =	sbr.rel $0x88, $3  }
0x1: {  	(tag) =	ssettag $0x0;
	lr =	simm.s32 $0x1  }
0x2: {  	[smem:$0x3F9F] =	sst lr;
	_ =	strace $0xD0000000  }
0x3: {  	_ = 	snop  }
0x4: {  	_ = 	snop  }
0x5: {  	_ = 	snop  }
0x6: {  	_ = 	snop  }
0x7: {  	_ = 	snop  }
__scs_overlays_trampoline_lowered:
0x8: {  	[smem:$0x3FAE] =	sst s0  }
0x9: {  	[smem:$0x3FAF] =	sst s1  }
0xa: {  	[smem:$0x3FB0] =	sst s2  }
0xb: {  	[smem:$0x3FB1] =	sst s3  }
0xc: {  	[smem:$0x3FB2] =	sst s4  }
0xd: {  	[smem:$0x3FB3] =	sst s5  }
0xe: {  	[smem:$0x3FB4] =	sst s6  }
0xf: {  	[smem:$0x3FB5] =	sst s7  }
0x10: {  	[smem:$0x3FB6] =	sst s8  }
0x11: {  	[smem:$0x3FB7] =	sst s9;
	s0 =	simm.s32 @!p0 $0x0  }
0x12: {  	s1 =	sld [smem:$0x3F9D];
	s0 =	simm.s32 @p0 $0x1  }
0x13: {  	[smem:$0x3FB8] =	sst s0;
	s0 =	simm.s32 @!p1 $0x0  }
0x14: {  	s2 =	sld [smem:$0x3F9C];
	s0 =	simm.s32 @p1 $0x1  }
0x15: {  	[smem:$0x3FB9] =	sst s0;
	s0 =	simm.s32 @!p2 $0x0  }
0x16: {  	s3 =	sld [smem:$0x3FDB];
	s0 =	simm.s32 @p2 $0x1  }
0x17: {  	s4 =	simm.s32 $0x1BF5;
	[smem:$0x3FBB] =	sst s0  }
0x18: {  	s0 =	sld [smem:$0x3F9E];
	_ =	swait.ge [sflag:s4], $0x0  }
0x19: {  	s7 =	sld [smem:$0x3F9F]  }
0x1a: {  	s8 =	sadd.s32 $0xFFFFE003, lr  }
0x1b: {  	s9 =	sadd.s32 $0xFFFFFEF7, lr;
	s5 =	simm.s32 $0xFFFFFFFF;
	p2 =	slt.u32 s8, $0xFFFFF086  }
0x1c: {  	p1 =	slt.u32 s9, $0xF7A;
	s5 =	simm.s32 @!p2 $0x0  }
0x1d: {  	s5 =	simm.s32 @p1 $0x1;
	p0 =	seq.s32 s7, s2  }
0x1e: {  	s7 =	smul.u32 @!p0 $0xF7A, s2;
	p2 =	seq.s32 @!p0 s5, $0x0  }
0x1f: {  	s9 =	smul.u32 $0xF7A, s1;
	s8 =	simm.s32 @!p0 $0x1BF5;
	p2 =	por !p2, p0  }
0x20: {  	[sflag:s8] =	ssyncset.s32 @!p0 $0xFFFFF086;
	s6 =	sadd.s32 @!p0 s3, s7;
	s7 =	simm.s32 @!p0 $0x108  }
0x21: {  	s3 =	sadd.s32 s3, s9;
	s6 =	sadd.s32 @!p0 $0x88, s6;
	s7 =	simm.s32 @p2 $0x1082  }
0x22: {  	[simem:s7], [sflag:s8] =	dma.local @!p0 [hbm:s6], $0xF7A  }
0x23: {  	s9 =	sor.u32 $0xD0000000, s2;
	s6 =	simm.s32 $0x108;
	_ =	swait.ge @!p0 [sflag:s8], $0x0  }
0x24: {  	s3 =	sadd.s32 $0x88, s3;
	s6 =	simm.s32 @!p1 $0x1082;
	[sflag:s4] =	ssyncset.s32 $0xFFFFF086  }
0x25: {  	[simem:s6], [sflag:s4] =	dma.local [hbm:s3], $0xF7A  }
0x26: {  	[smem:$0x3F9F] =	sst s1;
	(tag) =	ssettag s2;
	_ =	strace s9  }
0x27: {  	s1 =	sld [smem:$0x3FAF]  }
0x28: {  	s2 =	sld [smem:$0x3FB0]  }
0x29: {  	s4 =	sld [smem:$0x3FB2]  }
0x2a: {  	p0 =	seq.s32 s5, $0x0;
	s5 =	sld [smem:$0x3FB3]  }
0x2b: {  	s6 =	sld [smem:$0x3FB4]  }
0x2c: {  	s7 =	sld [smem:$0x3FB5]  }
0x2d: {  	s3 =	simm.s32 $0x108;
	s8 =	sld [smem:$0x3FB6]  }
0x2e: {  	s3 =	simm.s32 @!p0 $0x1082;
	s9 =	sld [smem:$0x3FB7]  }
0x2f: {  	lr =	sadd.s32 s0, s3;
	s0 =	sld [smem:$0x3FAE]  }
0x30: {  	s3 =	sld [smem:$0x3FB1]  }
0x31: {  	[smem:$0x3FBA] =	sst s10  }
0x32: {  	s10 =	sld [smem:$0x3FB8];
	_ =	sdelay $0x3  }
0x33: {  	p0 =	seq.s32 s10, $0x1;
	s10 =	sld [smem:$0x3FBA];
	_ =	sdelay $0x3  }
0x34: {  	[smem:$0x3FBA] =	sst s10  }
0x35: {  	s10 =	sld [smem:$0x3FB9];
	_ =	sdelay $0x3  }
0x36: {  	p1 =	seq.s32 s10, $0x1;
	s10 =	sld [smem:$0x3FBA];
	_ =	sdelay $0x3  }
0x37: {  	[smem:$0x3FBA] =	sst s10  }
0x38: {  	s10 =	sld [smem:$0x3FBB]  }
0x39: {  	_ = 	snop;
	(pc) =	sbr.ind lr, $3  }
0x3a: {  	_ = 	snop  }
0x3b: {  	_ = 	snop  }
0x3c: {  	p2 =	seq.s32 s10, $0x1;
	s10 =	sld [smem:$0x3FBA]  }
0x3d: {  	_ =	shalt  }
0x3e: {  	_ =	shalt  }
0x3f: {  	_ =	shalt  }
0x40: {  	_ =	shalt  }
0x41: {  	_ =	shalt  }
0x42: {  	_ =	shalt  }
0x43: {  	_ =	shalt  }
0x44: {  	_ =	shalt  }
0x45: {  	_ =	shalt  }
0x46: {  	_ =	shalt  }
0x47: {  	_ =	shalt  }
0x48: {  	_ =	shalt  }
0x49: {  	_ =	shalt  }
0x4a: {  	_ =	shalt  }
0x4b: {  	_ =	shalt  }
0x4c: {  	_ =	shalt  }
0x4d: {  	_ =	shalt  }
0x4e: {  	_ =	shalt  }
0x4f: {  	_ =	shalt  }
0x50: {  	_ =	shalt  }
0x51: {  	_ =	shalt  }
0x52: {  	_ =	shalt  }
0x53: {  	_ =	shalt  }
0x54: {  	_ =	shalt  }
0x55: {  	_ =	shalt  }
0x56: {  	_ =	shalt  }
0x57: {  	_ =	shalt  }
0x58: {  	_ =	shalt  }
0x59: {  	_ =	shalt  }
0x5a: {  	_ =	shalt  }
0x5b: {  	_ =	shalt  }
0x5c: {  	_ =	shalt  }
0x5d: {  	_ =	shalt  }
0x5e: {  	_ =	shalt  }
0x5f: {  	_ =	shalt  }
0x60: {  	_ =	shalt  }
0x61: {  	_ =	shalt  }
0x62: {  	_ =	shalt  }
0x63: {  	_ =	shalt  }
0x64: {  	_ =	shalt  }
0x65: {  	_ =	shalt  }
0x66: {  	_ =	shalt  }
0x67: {  	_ =	shalt  }
0x68: {  	_ =	shalt  }
0x69: {  	_ =	shalt  }
0x6a: {  	_ =	shalt  }
0x6b: {  	_ =	shalt  }
0x6c: {  	_ =	shalt  }
0x6d: {  	_ =	shalt  }
0x6e: {  	_ =	shalt  }
0x6f: {  	_ =	shalt  }
0x70: {  	_ =	shalt  }
0x71: {  	_ =	shalt  }
0x72: {  	_ =	shalt  }
0x73: {  	_ =	shalt  }
0x74: {  	_ =	shalt  }
0x75: {  	_ =	shalt  }
0x76: {  	_ =	shalt  }
0x77: {  	_ =	shalt  }
0x78: {  	_ =	shalt  }
0x79: {  	_ =	shalt  }
0x7a: {  	_ =	shalt  }
0x7b: {  	_ =	shalt  }
0x7c: {  	_ =	shalt  }
0x7d: {  	_ =	shalt  }
0x7e: {  	_ =	shalt  }
0x7f: {  	_ =	shalt  }
0x80: {  	_ =	shalt  }
0x81: {  	_ =	shalt  }
0x82: {  	_ =	shalt  }
0x83: {  	_ =	shalt  }
0x84: {  	_ =	shalt  }
0x85: {  	_ =	shalt  }
0x86: {  	_ =	shalt  }
0x87: {  	_ =	shalt  }
.Lfunc_end0:
.L_simem_size_0:
called_computation_lowered:
.L_overlay_start_0:
0x88: {  	s2 =	sld [smem:$0x3FD9]  }
0x89: {  	s3 =	sld [smem:$0x3FFE];
	_ =	sdelay $0x1  }
0x8a: {  	s1 =	srdreg.scid  }
0x8b: {  	s0 =	sand.u32 $0x1, s1  }
0x8c: {  	s17 =	sshll.u32 s0, $0xA;
	s2 =	sadd.s32 s3, s2  }
0x8d: {  	s2 =	sadd.s32 s2, s17  }
0x8e: {  	[smem:$0x3FC6] =	sst s2  }
0x8f: {  	_ = 	snop  }
0x90: {  	s2 =	sld [smem:$0x3FC8]  }
0x91: {  	s18 =	sld [smem:$0x3FD0];
	(tm) =	ssettm $0x1  }
0x92: {  	s4 =	sld [smem:$0x3FFB];
	_ =	sdelay $0x3  }
0x93: {  	_ =	strace s4  }
0x94: {  	s4 =	sld [smem:$0x3FFC];
	_ =	sdelay $0x3  }
0x95: {  	_ =	strace s4  }
0x96: {  	s4 =	sld [smem:$0x3FFD];
	_ =	sdelay $0x3  }
0x97: {  	_ =	strace s4  }
0x98: {  	_ =	strace $0x8FFFFFFF  }
0x99: {  	s19 =	sld [smem:$0x3FDB];
	_ =	sdelay $0x1  }
0x9a: {  	s5 =	simm.s32 $_scs_section_size  }
0x9b: {  	s6 =	simm.s32 $_size__tile_overlayer_lowered;
	s7 =	simm.s32 $_tile_overlayer_lowered  }
0x9c: {  	s22 =	simm.s32 $0x1BFF;
	s21 =	sshll.u32 s7, $0x1;
	s4 =	sadd.s32 s5, s19  }
0x9d: {  	s8 =	simm.s32 $0x0;
	s20 =	sshll.u32 s6, $0x1;
	s6 =	sadd.s32 s21, s4  }
0x9e: {  	[timem:s8], [sflag:s22] =	dma.local [hbm:s6], s20  }
0x9f: {  	_ =	swait.ge [sflag:s22], s20  }
0xa0: {  	s5 =	ssub.s32 $0x0, s20;
	[sflag:s22] =	ssyncset.done $0x0  }
0xa1: {  	[sflag:s22] =	ssyncadd.s32 s5;
	_ =	sdelay $0x1  }
0xa2: {  	s23 =	simm.s32 $0x1B8B  }
0xa3: {  	_ =	swait.ge [sflag:s23], $0x1  }
0xa4: {  	[sflag:s23] =	ssyncset.done $0x0  }
0xa5: {  	s25 =	simm.s32 $0x1B8E;
	s24 =	sld [smem:$0x3FFE];
	[sflag:s23] =	ssyncadd.s32 $0xFFFFFFFF  }
0xa6: {  	s26 =	simm.s32 $execute0_lowered;
	[smem:$0x3FD2] =	sst s25  }
0xa7: {  	s6 =	sshll.u32 s26, $0x1;
	_ =	strace $0x80000046;
	[dreg:$0x1] =	wrdreg $0xFFFFFFFF  }
0xa8: {  	s28 =	simm.s32 $_size_execute0_lowered;
	s4 =	sadd.s32 s4, s6;
	[dreg:$0x0] =	wrdreg $0x0  }
0xa9: {  	s6 =	sshll.u32 s28, $0x1;
	[dreg:$0x2] =	wrdreg s4  }
0xaa: {  	[dreg:$0x3] =	wrdreg s6  }
0xab: {  	[dreg:$0x4] =	wrdreg $0xC0  }
0xac: {  	_ =	task [dreg:s8], $0x5FFFF  }
0xad: {  	[dreg:$0x1] =	wrdreg $0xFFFFFFFF  }
0xae: {  	[dreg:$0x0] =	wrdreg $0x60  }
0xaf: {  	[dreg:$0x2] =	wrdreg s24  }
0xb0: {  	[dreg:$0x3] =	wrdreg s2  }
0xb1: {  	[dreg:$0x4] =	wrdreg s18  }
0xb2: {  	[dreg:$0x5] =	wrdreg $0x1B4000  }
0xb3: {  	[dreg:$0x6] =	wrdreg $0x9  }
0xb4: {  	_ =	task.clear_ibuf [dreg:s8], $0x7FFFF;
	_ =	strace $0x90000046  }
0xb5: {  	s29 =	simm.s32 $0x9;
	_ =	strace $0x80000048  }
0xb6: {  	_ =	swait.ge [sflag:s29], $0x1  }
0xb7: {  	[sflag:s29] =	ssyncadd.s32 $0xFFFFFFFF  }
0xb8: {  	_ =	strace $0x90000048  }
0xb9: {  	_ =	sfence  }
0xba: {  	s30 =	sld [smem:$0x0];
	_ =	sdelay $0x2  }
0xbb: {  	s31 =	sshll.u32 s1, $0xD;
	s1 =	sshrl.u32 s1, $0x2  }
0xbc: {  	s3 =	sand.u32 $0x4000, s31;
	s1 =	sadd.s32 s1, s30  }
0xbd: {  	s0 =	sor.u32 s3, s0;
	s1 =	sshll.u32 s1, $0x11  }
0xbe: {  	s0 =	sor.u32 s1, s0  }
0xbf: {  	s0 =	sadd.s32 $0x8F2B, s0  }
0xc0: {  	[sflag:s0] =	ssyncadd.remote.s32 $0x1  }
0xc1: {  	_ =	sfence.sel $0xFFFF  }
0xc2: {  	[dreg:$0x0] =	wrdreg $0xFFFFFFFF;
	(pc) =	sbr.abs _section_cstart, $3  }
0xc3: {  	[dreg:$0x1] =	wrdreg $0xFFFFFFFF  }
0xc4: {  	_ =	task.clear_ibuf [dreg:s8], $0x2FFFF;
	_ =	strace $0x9FFFFFFF  }
0xc5: {  	(tm) =	ssettm $0x7FFFFFFF  }
tec
execute0_lowered:
.L_overlay_start_1:
0x0: {  	(tag) =	ssettag $0x1  }
0x1: {  	s0 =	rddreg [dreg:$0x0]  }
0x2: {  	s3 =	rddreg [dreg:$0x2]  }
0x3: {  	s4 =	rddreg [dreg:$0x3]  }
0x4: {  	s1 =	srdreg.scid;
	s10 =	stileid.u32;
	s5 =	simm.s32 $0x0  }
0x5: {  	s28 =	simm.s32 $0x1B280;
	s29 =	simm.s32 $0x11A00;
	s30 =	simm.s32 $0x1  }
0x6: {  	s31 =	simm.s32 $0x1B100;
	s11 =	simm.s32 $0x6;
	s13 =	simm.s32 $0x0  }
0x7: {  	s1 =	sand.u32 $0x1, s1;
	s2 =	sshll.u32 s10, $0x1;
	[smem:$0x7FF] =	sst s5  }
0x8: {  	s19 =	sshll.u32 s10, $0x7;
	s20 =	sshll.u32 s10, $0xE;
	s25 =	sshll.u32 s10, $0x6  }
0x9: {  	s10 =	simm.s32 $0x5;
	s2 =	sor.u32 s1, s2;
	_ =	strace $0x80000047  }
0xa: {  	s1 =	ssub.s32 $0x2, s1;
	s21 =	sadd.s32 s20, s4;
	s9 =	smul.u32 $0x19000, s2  }
0xb: {  	s20 =	simm.s32 $0x64;
	s6 =	sshll.u32 s2, $0xA;
	s18 =	smul.u32 $0xC8000, s2  }
0xc: {  	s7 =	sshrl.u32 s1, $0x1;
	s8 =	smul.u32 $0x1900, s2;
	s26 =	sshrl.u32 s21, $0x3  }
0xd: {  	s21 =	simm.s32 $0x1B000;
	s2 =	simm.s32 $0x1B300;
	s6 =	sadd.s32 s6, s0  }
0xe: {  	s0 =	sadd.s32 $0x600, s0;
	s17 =	ssub.s32 s1, s7;
	[dreg:$0xe] =	wrdreg s26  }
0xf: {  	s26 =	simm.s32 $0xE800;
	[dreg:$0x5] =	wrdreg s0;
	s6 =	sadd.s32 $0x1400, s6  }
0x10: {  	s7 =	simm.s32 $0x3;
	s9 =	sadd.s32 s3, s9;
	[dreg:$0x6] =	wrdreg s6  }
0x11: {  	v0 =	vimm.s32 $0x3210FEDC;
	v1 =	vimm.s32 $0xBA987654;
	s1 =	sshrl.u32 s18, $0x3;
	s0 =	smax.u32 s17, $0x1;
	[dreg:$0x7] =	wrdreg s9  }
0x12: {  	v2 =	vimm.s32 $0xFEDCBA98;
	v0 =	vunpack.c.l.s4.s8 v0;
	v1 =	vunpack.c.l.s4.s8 v1;
	s12 =	sadd.s32 $0x258, s8;
	s22 =	sadd.s32 $0xC80, s9;
	[dreg:$0xc] =	wrdreg s0  }
0x13: {  	v3 =	vimm.s32 $0x76543210;
	v2 =	vunpack.c.l.s4.s8 v2;
	s1 =	sadd.s32 s3, s1;
	s0 =	sor.u32 $0x1C07, s25;
	[dreg:$0x8] =	wrdreg s22  }
0x14: {  	v3 =	vunpack.c.l.s4.s8 v3;
	v0 =	vunpack.c.0.s8.s32 v0;
	v1 =	vunpack.c.0.s8.s32 v1;
	s17 =	simm.s32 $0x2;
	s23 =	sadd.s32 $0x1900, s1;
	[dreg:$0xd] =	wrdreg s0  }
0x15: {  	v2 =	vunpack.c.0.s8.s32 v2;
	s25 =	simm.s32 $0x1B080;
	s24 =	sadd.s32 $0x17700, s1;
	[dreg:$0x9] =	wrdreg s23  }
0x16: {  	v3 =	vunpack.c.0.s8.s32 v3;
	v1 =	vcombine.low v1, v0;
	s6 =	simm.s32 $0x4;
	s1 =	sadd.s32 $0x18380, s1;
	[dreg:$0xa] =	wrdreg s24  }
0x17: {  	vm0 =	vmmov $0xfff;
	vm1 =	vmmov $0xff;
	v2 =	vand.u32 $0xF, v2;
	s22 =	simm.s32 $0x8400;
	s0 =	simm.s32 $0x14C00;
	[dreg:$0xb] =	wrdreg s1  }
0x18: {  	v0 =	vmov s19;
	v2 =	vcombine.low v2, v3;
	v1 =	vand.u32 $0xF, v1;
	s23 =	simm.s32 $0x1B200;
	s24 =	simm.s32 $0xB600;
	s1 =	simm.s32 $0x17E00  }
.LBB2_1:
0x19: {  	s9 =	rddreg [dreg:$0x6];
	s14 =	simm.s32 $0x7  }
0x1a: {  	[tilespmem:s5], [sflag:$0x7] =	stream.linear.gather [hbm4b:s9+s5], $0x2000, $0x38;
	[tilespmem:$0x1F400] =	vst v63  }
0x1b: {  	_ =	swait.ge [sflag:s14], $0x2000  }
0x1c: {  	[sflag:s14] =	ssyncset.done $0x0  }
0x1d: {  	s15 =	simm.s32 $0x2000;
	s16 =	rddreg [dreg:$0x5];
	[sflag:s14] =	ssyncadd.s32 $0xFFFFE000  }
0x1e: {  	[tilespmem:s15], [sflag:$0x7] =	stream.linear.gather [hbm4b:s16+s5], $0x6400, $0x38;
	[tilespmem:$0x1F400] =	vst v63  }
0x1f: {  	_ =	swait.ge [sflag:s14], $0x6400  }
0x20: {  	[sflag:s14] =	ssyncset.done $0x0;
	s19 =	rddreg [dreg:$0xd]  }
0x21: {  	s16 =	rddreg [dreg:$0xe];
	[sflag:s14] =	ssyncadd.s32 $0xFFFF9C00  }
0x22: {  	s18 =	rddreg [dreg:$0x1]  }
0x23: {  	[spmem:s16], [sflag:s19] =	dma.local [hbm:s18], $0x800  }
0x24: {  	_ =	swait.ge [sflag:s14], $0x800  }
0x25: {  	[sflag:s14] =	ssyncset.done $0x0  }
0x26: {  	[sflag:s14] =	ssyncadd.s32 $0xFFFFF800  }
0x27: {  	[bflag:$0x0] =	sbarrier.arrive $0xFFFF  }
0x28: {  	v3 =	vld [tilespmem:$0x0]  }
0x29: {  	v4 =	vld [tilespmem:$0x10]  }
0x2a: {  	v5 =	vld [tilespmem:$0x20]  }
0x2b: {  	v6 =	vld [tilespmem:$0x30]  }
0x2c: {  	v7 =	vld [tilespmem:$0x40]  }
0x2d: {  	v8 =	vld [tilespmem:$0x50]  }
0x2e: {  	v9 =	vld [tilespmem:$0x50]  }
0x2f: {  	v10 =	vld.msk [tilespmem:$0x60], $0xf  }
0x30: {  	v11 =	vld [tilespmem:$0x60]  }
0x31: {  	v12 =	vld.msk [tilespmem:$0x70], $0xf  }
0x32: {  	v13 =	vld [tilespmem:$0x70]  }
0x33: {  	v14 =	vld.msk [tilespmem:$0x400], $0xf  }
0x34: {  	v15 =	vld [tilespmem:$0x400]  }
0x35: {  	v16 =	vld.msk [tilespmem:$0x410], $0xf  }
0x36: {  	v17 =	vld [tilespmem:$0x410]  }
0x37: {  	v18 =	vld.msk [tilespmem:$0x420], $0xf  }
0x38: {  	v19 =	vld [tilespmem:$0x420]  }
0x39: {  	v55 =	vld [tilespmem:$0x430];
	v3 =	vadd.s32 v0, v3;
	v4 =	vadd.s32 v0, v4  }
0x3a: {  	v57 =	vld.msk [tilespmem:$0x440], $0xf;
	v5 =	vadd.s32 v0, v5;
	v6 =	vadd.s32 v0, v6;
	v9 =	vadd.s32 v0, v9  }
0x3b: {  	v60 =	vld [tilespmem:$0x430];
	v7 =	vadd.s32 v0, v7;
	v10 =	vadd.s32 v0, v10;
	v11 =	vadd.s32 v0, v11  }
0x3c: {  	v63 =	vld.msk [tilespmem:$0x440], $0xff;
	v12 =	vadd.s32 v0, v12;
	v51 =	vadd.s32 v0, v13;
	v53 =	vadd.s32 v0, v14  }
0x3d: {  	v54 =	vadd.s32 v0, v15;
	v56 =	vadd.s32 v0, v16;
	v58 =	vadd.s32 v0, v17;
	[tilespmem:$0x1B000] =	vst v3  }
0x3e: {  	v59 =	vadd.s32 v0, v18;
	v61 =	vadd.s32 v0, v8;
	v21 =	vadd.s32 v0, v19;
	[tilespmem:$0x1B010] =	vst v4  }
0x3f: {  	v52 =	vld.msk [tilespmem:$0x430], $0xf;
	v22 =	vadd.s32 v0, v55;
	v23 =	vadd.s32 v0, v57;
	v9 =	vperm.xlane v9, v1;
	[tilespmem:$0x1B020] =	vst v5  }
0x40: {  	v24 =	vadd.s32 v0, v60;
	v10 =	vperm.xlane v10, v1;
	v3 =	vperm.xlane v11, v1;
	[tilespmem:$0x1B030] =	vst v6  }
0x41: {  	v25 =	vadd.s32 v0, v63;
	v50 =	vperm.xlane v12, v1;
	v12 =	vperm.xlane v51, v1;
	[tilespmem:$0x1B040] =	vst v7  }
0x42: {  	v4 =	vperm.xlane v53, v1;
	v14 =	vperm.xlane v54, v1;
	[tilespmem:$0x1B050] =	vst v61;
	v20 =	vsel vm0, v9, v10  }
0x43: {  	v5 =	vperm.xlane v56, v1;
	v6 =	vperm.xlane v58, v1;
	v3 =	vsel vm0, v3, v50;
	[tilespmem:$0x1B054] =	vst v20  }
0x44: {  	v62 =	vperm.xlane v59, v1;
	v4 =	vsel vm0, v12, v4;
	[tilespmem:$0x1B200] =	vst v3;
	v3 =	vadd.s32 v0, v52  }
0x45: {  	v7 =	vperm.xlane v21, v1;
	v5 =	vsel vm0, v14, v5;
	[tilespmem:$0x1B210] =	vst v4;
	v3 =	vperm.xlane v3, v1  }
0x46: {  	v8 =	vperm.xlane v22, v1;
	v6 =	vsel vm0, v6, v62;
	[tilespmem:$0x1B220] =	vst v5;
	v4 =	vperm.xlane v23, v1  }
0x47: {  	v26 =	vperm.xlane v25, v2;
	[tilespmem:$0x1B230] =	vst v6;
	v5 =	vperm.xlane v24, v2;
	v3 =	vsel vm0, v7, v3  }
0x48: {  	[tilespmem:$0x1B240] =	vst v3;
	v3 =	vsel vm0, v8, v4  }
0x49: {  	[tilespmem:$0x1B250] =	vst v3;
	v3 =	vsel vm1, v5, v26  }
0x4a: {  	[tilespmem:$0x1B254] =	vst v3  }
0x4b: {  	[tilespmem:s22], [sflag:$0x1] =	stream.indirect.gather [spmem:s4], $0x80, s21, s20, $0xb8;
	[tilespmem:$0x1F400] =	vst v63  }
0x4c: {  	_ = 	snop  }
0x4d: {  	[tilespmem:s24], [sflag:$0x1] =	stream.indirect.gather [spmem:s4], $0x80, s23, s20, $0xb8;
	[tilespmem:$0x1F400] =	vst v63  }
0x4e: {  	v3 =	vld [tilespmem:$0x80]  }
0x4f: {  	v27 =	vld [tilespmem:$0x90]  }
0x50: {  	v28 =	vld [tilespmem:$0xA0]  }
0x51: {  	v29 =	vld [tilespmem:$0xB0]  }
0x52: {  	v30 =	vld [tilespmem:$0xC0]  }
0x53: {  	v31 =	vld [tilespmem:$0xD0]  }
0x54: {  	v32 =	vld [tilespmem:$0xD0]  }
0x55: {  	v33 =	vld.msk [tilespmem:$0xE0], $0xf  }
0x56: {  	v34 =	vld [tilespmem:$0xE0]  }
0x57: {  	v35 =	vld.msk [tilespmem:$0xF0], $0xf  }
0x58: {  	v36 =	vld [tilespmem:$0xF0]  }
0x59: {  	v37 =	vld.msk [tilespmem:$0x480], $0xf  }
0x5a: {  	v38 =	vld [tilespmem:$0x480]  }
0x5b: {  	v39 =	vld.msk [tilespmem:$0x490], $0xf  }
0x5c: {  	v40 =	vld [tilespmem:$0x490]  }
0x5d: {  	v41 =	vld.msk [tilespmem:$0x4A0], $0xf  }
0x5e: {  	v42 =	vld [tilespmem:$0x4A0]  }
0x5f: {  	v48 =	vld [tilespmem:$0x4B0];
	v3 =	vadd.s32 v0, v3;
	v4 =	vadd.s32 v0, v27  }
0x60: {  	v50 =	vld.msk [tilespmem:$0x4C0], $0xf;
	v5 =	vadd.s32 v0, v28;
	v6 =	vadd.s32 v0, v29;
	v9 =	vadd.s32 v0, v32  }
0x61: {  	v53 =	vld [tilespmem:$0x4B0];
	v7 =	vadd.s32 v0, v30;
	v10 =	vadd.s32 v0, v33;
	v11 =	vadd.s32 v0, v34  }
0x62: {  	v56 =	vld.msk [tilespmem:$0x4C0], $0xff;
	v12 =	vadd.s32 v0, v35;
	v44 =	vadd.s32 v0, v36;
	v46 =	vadd.s32 v0, v37  }
0x63: {  	v47 =	vadd.s32 v0, v38;
	v49 =	vadd.s32 v0, v39;
	v51 =	vadd.s32 v0, v40;
	[tilespmem:$0x1B080] =	vst v3  }
0x64: {  	v52 =	vadd.s32 v0, v41;
	v54 =	vadd.s32 v0, v31;
	v58 =	vadd.s32 v0, v42;
	[tilespmem:$0x1B090] =	vst v4  }
0x65: {  	v45 =	vld.msk [tilespmem:$0x4B0], $0xf;
	v59 =	vadd.s32 v0, v48;
	v60 =	vadd.s32 v0, v50;
	v9 =	vperm.xlane v9, v1;
	[tilespmem:$0x1B0A0] =	vst v5  }
0x66: {  	v61 =	vadd.s32 v0, v53;
	v10 =	vperm.xlane v10, v1;
	v3 =	vperm.xlane v11, v1;
	[tilespmem:$0x1B0B0] =	vst v6  }
0x67: {  	v62 =	vadd.s32 v0, v56;
	v43 =	vperm.xlane v12, v1;
	v12 =	vperm.xlane v44, v1;
	[tilespmem:$0x1B0C0] =	vst v7  }
0x68: {  	v4 =	vperm.xlane v46, v1;
	v14 =	vperm.xlane v47, v1;
	[tilespmem:$0x1B0D0] =	vst v54;
	v57 =	vsel vm0, v9, v10  }
0x69: {  	v5 =	vperm.xlane v49, v1;
	v6 =	vperm.xlane v51, v1;
	v3 =	vsel vm0, v3, v43;
	[tilespmem:$0x1B0D4] =	vst v57  }
0x6a: {  	v55 =	vperm.xlane v52, v1;
	v4 =	vsel vm0, v12, v4;
	[tilespmem:$0x1B280] =	vst v3;
	v3 =	vadd.s32 v0, v45  }
0x6b: {  	v7 =	vperm.xlane v58, v1;
	v5 =	vsel vm0, v14, v5;
	[tilespmem:$0x1B290] =	vst v4;
	v3 =	vperm.xlane v3, v1  }
0x6c: {  	v8 =	vperm.xlane v59, v1;
	v6 =	vsel vm0, v6, v55;
	[tilespmem:$0x1B2A0] =	vst v5;
	v4 =	vperm.xlane v60, v1  }
0x6d: {  	v63 =	vperm.xlane v62, v2;
	[tilespmem:$0x1B2B0] =	vst v6;
	v5 =	vperm.xlane v61, v2;
	v3 =	vsel vm0, v7, v3  }
0x6e: {  	[tilespmem:$0x1B2C0] =	vst v3;
	v3 =	vsel vm0, v8, v4  }
0x6f: {  	[tilespmem:$0x1B2D0] =	vst v3;
	v3 =	vsel vm1, v5, v63  }
0x70: {  	[tilespmem:$0x1B2D4] =	vst v3  }
0x71: {  	[tilespmem:s26], [sflag:$0x2] =	stream.indirect.gather [spmem:s4], $0x80, s25, s20, $0xb8;
	[tilespmem:$0x1F400] =	vst v63  }
0x72: {  	_ = 	snop  }
0x73: {  	[tilespmem:s29], [sflag:$0x2] =	stream.indirect.gather [spmem:s4], $0x80, s28, s20, $0xb8;
	[tilespmem:$0x1F400] =	vst v63  }
0x74: {  	_ =	swait.ge [sflag:s30], $0x3200  }
0x75: {  	[sflag:s30] =	ssyncset.done $0x0  }
0x76: {  	[sflag:s30] =	ssyncadd.s32 $0xFFFFCE00  }
0x77: {  	_ =	swait.ge [sflag:s30], $0x3200  }
0x78: {  	[sflag:s30] =	ssyncset.done $0x0  }
0x79: {  	s9 =	simm.s32 $0x0;
	s14 =	simm.s32 $0x400;
	[sflag:s30] =	ssyncadd.s32 $0xFFFFCE00  }
.LBB2_2:
0x7a: {  	p0 =	sne.s32 s14, $0x18C00;
	v3 =	vld [tilespmem:s9+$0x20F0]  }
0x7b: {  	v4 =	vld [tilespmem:s9+$0x2000]  }
0x7c: {  	v5 =	vld [tilespmem:s9+$0x2010]  }
0x7d: {  	v6 =	vld [tilespmem:s9+$0x2020]  }
0x7e: {  	v7 =	vld [tilespmem:s9+$0x2030]  }
0x7f: {  	[tilespmem:s9+$0x84F0] =	vst.add.f32.msk $0xffff, v3  }
0x80: {  	v3 =	vld [tilespmem:s9+$0x2040]  }
0x81: {  	v8 =	vld [tilespmem:s9+$0x2050]  }
0x82: {  	v9 =	vld [tilespmem:s9+$0x2060]  }
0x83: {  	v10 =	vld [tilespmem:s9+$0x2070]  }
0x84: {  	v11 =	vld [tilespmem:s9+$0x2080]  }
0x85: {  	v12 =	vld [tilespmem:s9+$0x2090]  }
0x86: {  	v13 =	vld [tilespmem:s9+$0x20A0]  }
0x87: {  	v14 =	vld [tilespmem:s9+$0x20B0]  }
0x88: {  	v15 =	vld [tilespmem:s9+$0x20C0]  }
0x89: {  	v16 =	vld [tilespmem:s9+$0x20D0]  }
0x8a: {  	v17 =	vld [tilespmem:s9+$0x20E0]  }
0x8b: {  	[tilespmem:s9+$0x8400] =	vst.add.f32.msk $0xffff, v4  }
0x8c: {  	[tilespmem:s9+$0x8410] =	vst.add.f32.msk $0xffff, v5  }
0x8d: {  	[tilespmem:s9+$0x8420] =	vst.add.f32.msk $0xffff, v6  }
0x8e: {  	[tilespmem:s9+$0x8430] =	vst.add.f32.msk $0xffff, v7  }
0x8f: {  	[tilespmem:s9+$0x8440] =	vst.add.f32.msk $0xffff, v3  }
0x90: {  	[tilespmem:s9+$0x8450] =	vst.add.f32.msk $0xffff, v8  }
0x91: {  	[tilespmem:s9+$0x8460] =	vst.add.f32.msk $0xffff, v9  }
0x92: {  	[tilespmem:s9+$0x8470] =	vst.add.f32.msk $0xffff, v10  }
0x93: {  	[tilespmem:s9+$0x8480] =	vst.add.f32.msk $0xffff, v11  }
0x94: {  	[tilespmem:s9+$0x8490] =	vst.add.f32.msk $0xffff, v12  }
.Ltmp0:
0x95: {  	[tilespmem:s9+$0x84A0] =	vst.add.f32.msk $0xffff, v13;
	(pc) =	sbr.rel @p0 .LBB2_2-.Ltmp0, $4  }
0x96: {  	[tilespmem:s9+$0x84B0] =	vst.add.f32.msk $0xffff, v14  }
0x97: {  	[tilespmem:s9+$0x84C0] =	vst.add.f32.msk $0xffff, v15  }
0x98: {  	[tilespmem:s9+$0x84D0] =	vst.add.f32.msk $0xffff, v16  }
0x99: {  	[tilespmem:s9+$0x84E0] =	vst.add.f32.msk $0xffff, v17;
	s9 =	sshra.s32 s14, $0x2;
	s14 =	sadd.s32 $0x400, s14  }
0x9a: {  	v3 =	vld [tilespmem:s9+$0x20F0]  }
0x9b: {  	v4 =	vld [tilespmem:s9+$0x2000]  }
0x9c: {  	v5 =	vld [tilespmem:s9+$0x2010]  }
0x9d: {  	v6 =	vld [tilespmem:s9+$0x2020]  }
0x9e: {  	v7 =	vld [tilespmem:s9+$0x2030]  }
0x9f: {  	v8 =	vld [tilespmem:s9+$0x2050]  }
0xa0: {  	v9 =	vld [tilespmem:s9+$0x2060]  }
0xa1: {  	v10 =	vld [tilespmem:s9+$0x2070]  }
0xa2: {  	v11 =	vld [tilespmem:s9+$0x2080]  }
0xa3: {  	v12 =	vld [tilespmem:s9+$0x2090]  }
0xa4: {  	v13 =	vld [tilespmem:s9+$0x20A0]  }
0xa5: {  	v14 =	vld [tilespmem:s9+$0x20B0]  }
0xa6: {  	v15 =	vld [tilespmem:s9+$0x20C0]  }
0xa7: {  	v16 =	vld [tilespmem:s9+$0x20D0]  }
0xa8: {  	v17 =	vld [tilespmem:s9+$0x20E0]  }
0xa9: {  	[tilespmem:s9+$0x84F0] =	vst.add.f32.msk $0xffff, v3  }
0xaa: {  	v3 =	vld [tilespmem:s9+$0x2040]  }
0xab: {  	[tilespmem:s9+$0x8400] =	vst.add.f32.msk $0xffff, v4  }
0xac: {  	[tilespmem:s9+$0x8410] =	vst.add.f32.msk $0xffff, v5  }
0xad: {  	[tilespmem:s9+$0x8420] =	vst.add.f32.msk $0xffff, v6  }
0xae: {  	[tilespmem:s9+$0x8430] =	vst.add.f32.msk $0xffff, v7  }
0xaf: {  	[tilespmem:s9+$0x8450] =	vst.add.f32.msk $0xffff, v8  }
0xb0: {  	[tilespmem:s9+$0x8460] =	vst.add.f32.msk $0xffff, v9  }
0xb1: {  	[tilespmem:s9+$0x8470] =	vst.add.f32.msk $0xffff, v10  }
0xb2: {  	[tilespmem:s9+$0x8480] =	vst.add.f32.msk $0xffff, v11  }
0xb3: {  	[tilespmem:s9+$0x8490] =	vst.add.f32.msk $0xffff, v12  }
0xb4: {  	[tilespmem:s9+$0x84A0] =	vst.add.f32.msk $0xffff, v13  }
0xb5: {  	[tilespmem:s9+$0x84B0] =	vst.add.f32.msk $0xffff, v14  }
0xb6: {  	[tilespmem:s9+$0x84C0] =	vst.add.f32.msk $0xffff, v15  }
0xb7: {  	[tilespmem:s9+$0x84D0] =	vst.add.f32.msk $0xffff, v16  }
0xb8: {  	[tilespmem:s9+$0x84E0] =	vst.add.f32.msk $0xffff, v17  }
0xb9: {  	s19 =	simm.s32 $0x0;
	s14 =	rddreg [dreg:$0x7];
	[tilespmem:s9+$0x8440] =	vst.add.f32.msk $0xffff, v3  }
0xba: {  	[hbm4b:s14+s19] =	stream.linear.scatter [tilespmem:s22], [sflag:$0x4], $0x6400, $0x38;
	[tilespmem:$0x1F400] =	vst v63  }
0xbb: {  	v3 =	vld [tilespmem:$0x100]  }
0xbc: {  	v4 =	vld [tilespmem:$0x110]  }
0xbd: {  	v5 =	vld [tilespmem:$0x120]  }
0xbe: {  	v6 =	vld [tilespmem:$0x130]  }
0xbf: {  	v7 =	vld [tilespmem:$0x140]  }
0xc0: {  	v8 =	vld [tilespmem:$0x150]  }
0xc1: {  	v9 =	vld [tilespmem:$0x150]  }
0xc2: {  	v10 =	vld.msk [tilespmem:$0x160], $0xf  }
0xc3: {  	v11 =	vld [tilespmem:$0x160]  }
0xc4: {  	v12 =	vld.msk [tilespmem:$0x170], $0xf  }
0xc5: {  	v13 =	vld [tilespmem:$0x170]  }
0xc6: {  	v14 =	vld.msk [tilespmem:$0x500], $0xf  }
0xc7: {  	v15 =	vld [tilespmem:$0x500]  }
0xc8: {  	v16 =	vld.msk [tilespmem:$0x510], $0xf  }
0xc9: {  	v17 =	vld [tilespmem:$0x510]  }
0xca: {  	v18 =	vld.msk [tilespmem:$0x520], $0xf  }
0xcb: {  	v19 =	vld [tilespmem:$0x520]  }
0xcc: {  	v48 =	vld [tilespmem:$0x530];
	v3 =	vadd.s32 v0, v3;
	v4 =	vadd.s32 v0, v4  }
0xcd: {  	v50 =	vld.msk [tilespmem:$0x540], $0xf;
	v5 =	vadd.s32 v0, v5;
	v6 =	vadd.s32 v0, v6;
	v9 =	vadd.s32 v0, v9  }
0xce: {  	v53 =	vld [tilespmem:$0x530];
	v7 =	vadd.s32 v0, v7;
	v10 =	vadd.s32 v0, v10;
	v11 =	vadd.s32 v0, v11  }
0xcf: {  	v56 =	vld.msk [tilespmem:$0x540], $0xff;
	v12 =	vadd.s32 v0, v12;
	v44 =	vadd.s32 v0, v13;
	v46 =	vadd.s32 v0, v14  }
0xd0: {  	v47 =	vadd.s32 v0, v15;
	v49 =	vadd.s32 v0, v16;
	v51 =	vadd.s32 v0, v17;
	[tilespmem:$0x1B100] =	vst v3  }
0xd1: {  	v52 =	vadd.s32 v0, v18;
	v54 =	vadd.s32 v0, v8;
	v58 =	vadd.s32 v0, v19;
	[tilespmem:$0x1B110] =	vst v4  }
0xd2: {  	v45 =	vld.msk [tilespmem:$0x530], $0xf;
	v59 =	vadd.s32 v0, v48;
	v60 =	vadd.s32 v0, v50;
	v9 =	vperm.xlane v9, v1;
	[tilespmem:$0x1B120] =	vst v5  }
0xd3: {  	v61 =	vadd.s32 v0, v53;
	v10 =	vperm.xlane v10, v1;
	v3 =	vperm.xlane v11, v1;
	[tilespmem:$0x1B130] =	vst v6  }
0xd4: {  	v62 =	vadd.s32 v0, v56;
	v43 =	vperm.xlane v12, v1;
	v12 =	vperm.xlane v44, v1;
	[tilespmem:$0x1B140] =	vst v7  }
0xd5: {  	v4 =	vperm.xlane v46, v1;
	v14 =	vperm.xlane v47, v1;
	[tilespmem:$0x1B150] =	vst v54;
	v57 =	vsel vm0, v9, v10  }
0xd6: {  	v5 =	vperm.xlane v49, v1;
	v6 =	vperm.xlane v51, v1;
	v3 =	vsel vm0, v3, v43;
	[tilespmem:$0x1B154] =	vst v57  }
0xd7: {  	v55 =	vperm.xlane v52, v1;
	v4 =	vsel vm0, v12, v4;
	[tilespmem:$0x1B300] =	vst v3;
	v3 =	vadd.s32 v0, v45  }
0xd8: {  	v7 =	vperm.xlane v58, v1;
	v5 =	vsel vm0, v14, v5;
	[tilespmem:$0x1B310] =	vst v4;
	v3 =	vperm.xlane v3, v1  }
0xd9: {  	v8 =	vperm.xlane v59, v1;
	v6 =	vsel vm0, v6, v55;
	[tilespmem:$0x1B320] =	vst v5;
	v4 =	vperm.xlane v60, v1  }
0xda: {  	v63 =	vperm.xlane v62, v2;
	[tilespmem:$0x1B330] =	vst v6;
	v5 =	vperm.xlane v61, v2;
	v3 =	vsel vm0, v7, v3  }
0xdb: {  	[tilespmem:$0x1B340] =	vst v3;
	v3 =	vsel vm0, v8, v4  }
0xdc: {  	[tilespmem:$0x1B350] =	vst v3;
	v3 =	vsel vm1, v5, v63  }
0xdd: {  	[tilespmem:$0x1B354] =	vst v3  }
0xde: {  	[tilespmem:s0], [sflag:$0x3] =	stream.indirect.gather [spmem:s4], $0x80, s31, s20, $0xb8;
	[tilespmem:$0x1F400] =	vst v63  }
0xdf: {  	_ = 	snop  }
0xe0: {  	[tilespmem:s1], [sflag:$0x3] =	stream.indirect.gather [spmem:s4], $0x80, s2, s20, $0xb8;
	[tilespmem:$0x1F400] =	vst v63  }
0xe1: {  	_ =	swait.ge [sflag:s17], $0x3200  }
0xe2: {  	[sflag:s17] =	ssyncset.done $0x0  }
0xe3: {  	[sflag:s17] =	ssyncadd.s32 $0xFFFFCE00  }
0xe4: {  	_ =	swait.ge [sflag:s17], $0x3200  }
0xe5: {  	[sflag:s17] =	ssyncset.done $0x0  }
0xe6: {  	s9 =	simm.s32 $0x0;
	s14 =	simm.s32 $0x400;
	[sflag:s17] =	ssyncadd.s32 $0xFFFFCE00  }
.LBB2_4:
0xe7: {  	p0 =	sne.s32 s14, $0x18C00;
	v3 =	vld [tilespmem:s9+$0x20F0]  }
0xe8: {  	v4 =	vld [tilespmem:s9+$0x2000]  }
0xe9: {  	v5 =	vld [tilespmem:s9+$0x2010]  }
0xea: {  	v6 =	vld [tilespmem:s9+$0x2020]  }
0xeb: {  	v7 =	vld [tilespmem:s9+$0x2030]  }
0xec: {  	[tilespmem:s9+$0xE8F0] =	vst.add.f32.msk $0xffff, v3  }
0xed: {  	v3 =	vld [tilespmem:s9+$0x2040]  }
0xee: {  	v8 =	vld [tilespmem:s9+$0x2050]  }
0xef: {  	v9 =	vld [tilespmem:s9+$0x2060]  }
0xf0: {  	v10 =	vld [tilespmem:s9+$0x2070]  }
0xf1: {  	v11 =	vld [tilespmem:s9+$0x2080]  }
0xf2: {  	v12 =	vld [tilespmem:s9+$0x2090]  }
0xf3: {  	v13 =	vld [tilespmem:s9+$0x20A0]  }
0xf4: {  	v14 =	vld [tilespmem:s9+$0x20B0]  }
0xf5: {  	v15 =	vld [tilespmem:s9+$0x20C0]  }
0xf6: {  	v16 =	vld [tilespmem:s9+$0x20D0]  }
0xf7: {  	v17 =	vld [tilespmem:s9+$0x20E0]  }
0xf8: {  	[tilespmem:s9+$0xE800] =	vst.add.f32.msk $0xffff, v4  }
0xf9: {  	[tilespmem:s9+$0xE810] =	vst.add.f32.msk $0xffff, v5  }
0xfa: {  	[tilespmem:s9+$0xE820] =	vst.add.f32.msk $0xffff, v6  }
0xfb: {  	[tilespmem:s9+$0xE830] =	vst.add.f32.msk $0xffff, v7  }
0xfc: {  	[tilespmem:s9+$0xE840] =	vst.add.f32.msk $0xffff, v3  }
0xfd: {  	[tilespmem:s9+$0xE850] =	vst.add.f32.msk $0xffff, v8  }
0xfe: {  	[tilespmem:s9+$0xE860] =	vst.add.f32.msk $0xffff, v9  }
0xff: {  	[tilespmem:s9+$0xE870] =	vst.add.f32.msk $0xffff, v10  }
0x100: {  	[tilespmem:s9+$0xE880] =	vst.add.f32.msk $0xffff, v11  }
0x101: {  	[tilespmem:s9+$0xE890] =	vst.add.f32.msk $0xffff, v12  }
.Ltmp1:
0x102: {  	[tilespmem:s9+$0xE8A0] =	vst.add.f32.msk $0xffff, v13;
	(pc) =	sbr.rel @p0 .LBB2_4-.Ltmp1, $4  }
0x103: {  	[tilespmem:s9+$0xE8B0] =	vst.add.f32.msk $0xffff, v14  }
0x104: {  	[tilespmem:s9+$0xE8C0] =	vst.add.f32.msk $0xffff, v15  }
0x105: {  	[tilespmem:s9+$0xE8D0] =	vst.add.f32.msk $0xffff, v16  }
0x106: {  	[tilespmem:s9+$0xE8E0] =	vst.add.f32.msk $0xffff, v17;
	s9 =	sshra.s32 s14, $0x2;
	s14 =	sadd.s32 $0x400, s14  }
0x107: {  	v3 =	vld [tilespmem:s9+$0x20F0]  }
0x108: {  	v4 =	vld [tilespmem:s9+$0x2000]  }
0x109: {  	v5 =	vld [tilespmem:s9+$0x2010]  }
0x10a: {  	v6 =	vld [tilespmem:s9+$0x2020]  }
0x10b: {  	v7 =	vld [tilespmem:s9+$0x2030]  }
0x10c: {  	v8 =	vld [tilespmem:s9+$0x2050]  }
0x10d: {  	v9 =	vld [tilespmem:s9+$0x2060]  }
0x10e: {  	v10 =	vld [tilespmem:s9+$0x2070]  }
0x10f: {  	v11 =	vld [tilespmem:s9+$0x2080]  }
0x110: {  	v12 =	vld [tilespmem:s9+$0x2090]  }
0x111: {  	v13 =	vld [tilespmem:s9+$0x20A0]  }
0x112: {  	v14 =	vld [tilespmem:s9+$0x20B0]  }
0x113: {  	v15 =	vld [tilespmem:s9+$0x20C0]  }
0x114: {  	v16 =	vld [tilespmem:s9+$0x20D0]  }
0x115: {  	v17 =	vld [tilespmem:s9+$0x20E0]  }
0x116: {  	[tilespmem:s9+$0xE8F0] =	vst.add.f32.msk $0xffff, v3  }
0x117: {  	v3 =	vld [tilespmem:s9+$0x2040]  }
0x118: {  	[tilespmem:s9+$0xE800] =	vst.add.f32.msk $0xffff, v4  }
0x119: {  	[tilespmem:s9+$0xE810] =	vst.add.f32.msk $0xffff, v5  }
0x11a: {  	[tilespmem:s9+$0xE820] =	vst.add.f32.msk $0xffff, v6  }
0x11b: {  	[tilespmem:s9+$0xE830] =	vst.add.f32.msk $0xffff, v7  }
0x11c: {  	[tilespmem:s9+$0xE850] =	vst.add.f32.msk $0xffff, v8  }
0x11d: {  	[tilespmem:s9+$0xE860] =	vst.add.f32.msk $0xffff, v9  }
0x11e: {  	[tilespmem:s9+$0xE870] =	vst.add.f32.msk $0xffff, v10  }
0x11f: {  	[tilespmem:s9+$0xE880] =	vst.add.f32.msk $0xffff, v11  }
0x120: {  	[tilespmem:s9+$0xE890] =	vst.add.f32.msk $0xffff, v12  }
0x121: {  	[tilespmem:s9+$0xE8A0] =	vst.add.f32.msk $0xffff, v13  }
0x122: {  	[tilespmem:s9+$0xE8B0] =	vst.add.f32.msk $0xffff, v14  }
0x123: {  	[tilespmem:s9+$0xE8C0] =	vst.add.f32.msk $0xffff, v15  }
0x124: {  	[tilespmem:s9+$0xE8D0] =	vst.add.f32.msk $0xffff, v16  }
0x125: {  	[tilespmem:s9+$0xE8E0] =	vst.add.f32.msk $0xffff, v17  }
0x126: {  	s19 =	simm.s32 $0x0;
	s14 =	rddreg [dreg:$0x8];
	[tilespmem:s9+$0xE840] =	vst.add.f32.msk $0xffff, v3  }
0x127: {  	[hbm4b:s14+s19] =	stream.linear.scatter [tilespmem:s26], [sflag:$0x5], $0x6400, $0x38;
	[tilespmem:$0x1F400] =	vst v63  }
0x128: {  	_ =	swait.ge [sflag:s6], $0x6400  }
0x129: {  	[sflag:s6] =	ssyncset.done $0x0  }
0x12a: {  	[sflag:s6] =	ssyncadd.s32 $0xFFFF9C00  }
0x12b: {  	v3 =	vld [tilespmem:$0x180]  }
0x12c: {  	v29 =	vld [tilespmem:$0x190]  }
0x12d: {  	v30 =	vld [tilespmem:$0x1A0]  }
0x12e: {  	v31 =	vld [tilespmem:$0x1B0]  }
0x12f: {  	v32 =	vld [tilespmem:$0x1C0]  }
0x130: {  	v33 =	vld [tilespmem:$0x1D0]  }
0x131: {  	v34 =	vld [tilespmem:$0x1D0]  }
0x132: {  	v35 =	vld.msk [tilespmem:$0x1E0], $0xf  }
0x133: {  	v36 =	vld [tilespmem:$0x1E0]  }
0x134: {  	v37 =	vld.msk [tilespmem:$0x1F0], $0xf  }
0x135: {  	v38 =	vld [tilespmem:$0x1F0]  }
0x136: {  	v39 =	vld.msk [tilespmem:$0x580], $0xf  }
0x137: {  	v40 =	vld [tilespmem:$0x580]  }
0x138: {  	v41 =	vld.msk [tilespmem:$0x590], $0xf  }
0x139: {  	v42 =	vld [tilespmem:$0x590]  }
0x13a: {  	v18 =	vld.msk [tilespmem:$0x5A0], $0xf  }
0x13b: {  	v19 =	vld [tilespmem:$0x5A0]  }
0x13c: {  	v48 =	vld [tilespmem:$0x5B0];
	v3 =	vadd.s32 v0, v3;
	v4 =	vadd.s32 v0, v29  }
0x13d: {  	v50 =	vld.msk [tilespmem:$0x5C0], $0xf;
	v5 =	vadd.s32 v0, v30;
	v6 =	vadd.s32 v0, v31;
	v9 =	vadd.s32 v0, v34  }
0x13e: {  	v53 =	vld [tilespmem:$0x5B0];
	v7 =	vadd.s32 v0, v32;
	v10 =	vadd.s32 v0, v35;
	v11 =	vadd.s32 v0, v36  }
0x13f: {  	v56 =	vld.msk [tilespmem:$0x5C0], $0xff;
	v12 =	vadd.s32 v0, v37;
	v44 =	vadd.s32 v0, v38;
	v46 =	vadd.s32 v0, v39  }
0x140: {  	v47 =	vadd.s32 v0, v40;
	v49 =	vadd.s32 v0, v41;
	v51 =	vadd.s32 v0, v42;
	[tilespmem:$0x1B000] =	vst v3  }
0x141: {  	v52 =	vadd.s32 v0, v18;
	v54 =	vadd.s32 v0, v33;
	v58 =	vadd.s32 v0, v19;
	[tilespmem:$0x1B010] =	vst v4  }
0x142: {  	v45 =	vld.msk [tilespmem:$0x5B0], $0xf;
	v59 =	vadd.s32 v0, v48;
	v60 =	vadd.s32 v0, v50;
	v9 =	vperm.xlane v9, v1;
	[tilespmem:$0x1B020] =	vst v5  }
0x143: {  	v61 =	vadd.s32 v0, v53;
	v10 =	vperm.xlane v10, v1;
	v3 =	vperm.xlane v11, v1;
	[tilespmem:$0x1B030] =	vst v6  }
0x144: {  	v62 =	vadd.s32 v0, v56;
	v43 =	vperm.xlane v12, v1;
	v12 =	vperm.xlane v44, v1;
	[tilespmem:$0x1B040] =	vst v7  }
0x145: {  	v4 =	vperm.xlane v46, v1;
	v14 =	vperm.xlane v47, v1;
	[tilespmem:$0x1B050] =	vst v54;
	v57 =	vsel vm0, v9, v10  }
0x146: {  	v5 =	vperm.xlane v49, v1;
	v6 =	vperm.xlane v51, v1;
	v3 =	vsel vm0, v3, v43;
	[tilespmem:$0x1B054] =	vst v57  }
0x147: {  	v55 =	vperm.xlane v52, v1;
	v4 =	vsel vm0, v12, v4;
	[tilespmem:$0x1B200] =	vst v3;
	v3 =	vadd.s32 v0, v45  }
0x148: {  	v7 =	vperm.xlane v58, v1;
	v5 =	vsel vm0, v14, v5;
	[tilespmem:$0x1B210] =	vst v4;
	v3 =	vperm.xlane v3, v1  }
0x149: {  	v8 =	vperm.xlane v59, v1;
	v6 =	vsel vm0, v6, v55;
	[tilespmem:$0x1B220] =	vst v5;
	v4 =	vperm.xlane v60, v1  }
0x14a: {  	v63 =	vperm.xlane v62, v2;
	[tilespmem:$0x1B230] =	vst v6;
	v5 =	vperm.xlane v61, v2;
	v3 =	vsel vm0, v7, v3  }
0x14b: {  	[tilespmem:$0x1B240] =	vst v3;
	v3 =	vsel vm0, v8, v4  }
0x14c: {  	[tilespmem:$0x1B250] =	vst v3;
	v3 =	vsel vm1, v5, v63  }
0x14d: {  	[tilespmem:$0x1B254] =	vst v3  }
0x14e: {  	[tilespmem:s22], [sflag:$0x1] =	stream.indirect.gather [spmem:s4], $0x80, s21, s20, $0xb8;
	[tilespmem:$0x1F400] =	vst v63  }
0x14f: {  	_ = 	snop  }
0x150: {  	[tilespmem:s24], [sflag:$0x1] =	stream.indirect.gather [spmem:s4], $0x80, s23, s20, $0xb8;
	[tilespmem:$0x1F400] =	vst v63  }
0x151: {  	_ =	swait.ge [sflag:s7], $0x3200  }
0x152: {  	[sflag:s7] =	ssyncset.done $0x0  }
0x153: {  	[sflag:s7] =	ssyncadd.s32 $0xFFFFCE00  }
0x154: {  	_ =	swait.ge [sflag:s7], $0x3200  }
0x155: {  	[sflag:s7] =	ssyncset.done $0x0  }
0x156: {  	s9 =	simm.s32 $0x0;
	s14 =	simm.s32 $0x400;
	[sflag:s7] =	ssyncadd.s32 $0xFFFFCE00  }
.LBB2_6:
0x157: {  	p0 =	sne.s32 s14, $0x18C00;
	v3 =	vld [tilespmem:s9+$0x20F0]  }
0x158: {  	v4 =	vld [tilespmem:s9+$0x2000]  }
0x159: {  	v5 =	vld [tilespmem:s9+$0x2010]  }
0x15a: {  	v6 =	vld [tilespmem:s9+$0x2020]  }
0x15b: {  	v7 =	vld [tilespmem:s9+$0x2030]  }
0x15c: {  	[tilespmem:s9+$0x14CF0] =	vst.add.f32.msk $0xffff, v3  }
0x15d: {  	v3 =	vld [tilespmem:s9+$0x2040]  }
0x15e: {  	v8 =	vld [tilespmem:s9+$0x2050]  }
0x15f: {  	v9 =	vld [tilespmem:s9+$0x2060]  }
0x160: {  	v10 =	vld [tilespmem:s9+$0x2070]  }
0x161: {  	v11 =	vld [tilespmem:s9+$0x2080]  }
0x162: {  	v12 =	vld [tilespmem:s9+$0x2090]  }
0x163: {  	v13 =	vld [tilespmem:s9+$0x20A0]  }
0x164: {  	v14 =	vld [tilespmem:s9+$0x20B0]  }
0x165: {  	v15 =	vld [tilespmem:s9+$0x20C0]  }
0x166: {  	v16 =	vld [tilespmem:s9+$0x20D0]  }
0x167: {  	v17 =	vld [tilespmem:s9+$0x20E0]  }
0x168: {  	[tilespmem:s9+$0x14C00] =	vst.add.f32.msk $0xffff, v4  }
0x169: {  	[tilespmem:s9+$0x14C10] =	vst.add.f32.msk $0xffff, v5  }
0x16a: {  	[tilespmem:s9+$0x14C20] =	vst.add.f32.msk $0xffff, v6  }
0x16b: {  	[tilespmem:s9+$0x14C30] =	vst.add.f32.msk $0xffff, v7  }
0x16c: {  	[tilespmem:s9+$0x14C40] =	vst.add.f32.msk $0xffff, v3  }
0x16d: {  	[tilespmem:s9+$0x14C50] =	vst.add.f32.msk $0xffff, v8  }
0x16e: {  	[tilespmem:s9+$0x14C60] =	vst.add.f32.msk $0xffff, v9  }
0x16f: {  	[tilespmem:s9+$0x14C70] =	vst.add.f32.msk $0xffff, v10  }
0x170: {  	[tilespmem:s9+$0x14C80] =	vst.add.f32.msk $0xffff, v11  }
0x171: {  	[tilespmem:s9+$0x14C90] =	vst.add.f32.msk $0xffff, v12  }
.Ltmp2:
0x172: {  	[tilespmem:s9+$0x14CA0] =	vst.add.f32.msk $0xffff, v13;
	(pc) =	sbr.rel @p0 .LBB2_6-.Ltmp2, $4  }
0x173: {  	[tilespmem:s9+$0x14CB0] =	vst.add.f32.msk $0xffff, v14  }
0x174: {  	[tilespmem:s9+$0x14CC0] =	vst.add.f32.msk $0xffff, v15  }
0x175: {  	[tilespmem:s9+$0x14CD0] =	vst.add.f32.msk $0xffff, v16  }
0x176: {  	[tilespmem:s9+$0x14CE0] =	vst.add.f32.msk $0xffff, v17;
	s9 =	sshra.s32 s14, $0x2;
	s14 =	sadd.s32 $0x400, s14  }
0x177: {  	v3 =	vld [tilespmem:s9+$0x20F0]  }
0x178: {  	v4 =	vld [tilespmem:s9+$0x2000]  }
0x179: {  	v5 =	vld [tilespmem:s9+$0x2010]  }
0x17a: {  	v6 =	vld [tilespmem:s9+$0x2020]  }
0x17b: {  	v7 =	vld [tilespmem:s9+$0x2030]  }
0x17c: {  	v8 =	vld [tilespmem:s9+$0x2050]  }
0x17d: {  	v9 =	vld [tilespmem:s9+$0x2060]  }
0x17e: {  	v10 =	vld [tilespmem:s9+$0x2070]  }
0x17f: {  	v11 =	vld [tilespmem:s9+$0x2080]  }
0x180: {  	v12 =	vld [tilespmem:s9+$0x2090]  }
0x181: {  	v13 =	vld [tilespmem:s9+$0x20A0]  }
0x182: {  	v14 =	vld [tilespmem:s9+$0x20B0]  }
0x183: {  	v15 =	vld [tilespmem:s9+$0x20C0]  }
0x184: {  	v16 =	vld [tilespmem:s9+$0x20D0]  }
0x185: {  	v17 =	vld [tilespmem:s9+$0x20E0]  }
0x186: {  	[tilespmem:s9+$0x14CF0] =	vst.add.f32.msk $0xffff, v3  }
0x187: {  	v3 =	vld [tilespmem:s9+$0x2040]  }
0x188: {  	[tilespmem:s9+$0x14C00] =	vst.add.f32.msk $0xffff, v4  }
0x189: {  	[tilespmem:s9+$0x14C10] =	vst.add.f32.msk $0xffff, v5  }
0x18a: {  	[tilespmem:s9+$0x14C20] =	vst.add.f32.msk $0xffff, v6  }
0x18b: {  	[tilespmem:s9+$0x14C30] =	vst.add.f32.msk $0xffff, v7  }
0x18c: {  	[tilespmem:s9+$0x14C50] =	vst.add.f32.msk $0xffff, v8  }
0x18d: {  	[tilespmem:s9+$0x14C60] =	vst.add.f32.msk $0xffff, v9  }
0x18e: {  	[tilespmem:s9+$0x14C70] =	vst.add.f32.msk $0xffff, v10  }
0x18f: {  	[tilespmem:s9+$0x14C80] =	vst.add.f32.msk $0xffff, v11  }
0x190: {  	[tilespmem:s9+$0x14C90] =	vst.add.f32.msk $0xffff, v12  }
0x191: {  	[tilespmem:s9+$0x14CA0] =	vst.add.f32.msk $0xffff, v13  }
0x192: {  	[tilespmem:s9+$0x14CB0] =	vst.add.f32.msk $0xffff, v14  }
0x193: {  	[tilespmem:s9+$0x14CC0] =	vst.add.f32.msk $0xffff, v15  }
0x194: {  	[tilespmem:s9+$0x14CD0] =	vst.add.f32.msk $0xffff, v16  }
0x195: {  	[tilespmem:s9+$0x14CE0] =	vst.add.f32.msk $0xffff, v17  }
0x196: {  	s14 =	simm.s32 $0x0;
	s19 =	rddreg [dreg:$0x9];
	[tilespmem:s9+$0x14C40] =	vst.add.f32.msk $0xffff, v3  }
0x197: {  	[hbm4b:s19+s14] =	stream.linear.scatter [tilespmem:s0], [sflag:$0x6], $0x6400, $0x38;
	[tilespmem:$0x1F400] =	vst v63  }
.LBB2_8:
0x198: {  	s15 =	smul.u32 $0x3, s14;
	_ =	sdelay $0x1  }
0x199: {  	s18 =	sadd.s32 $0x4, s15  }
0x19a: {  	_ =	swait.ge [sflag:s10], $0x6400;
	s9 =	sshll.u32 s18, $0x8;
	s16 =	sshll.u32 s18, $0x7  }
0x19b: {  	[sflag:s10] =	ssyncset.done $0x0;
	s9 =	sand.u32 $0x7800, s9;
	s16 =	sand.u32 $0x380, s16  }
0x19c: {  	[sflag:s10] =	ssyncadd.s32 $0xFFFF9C00;
	s9 =	sor.u32 s16, s9  }
0x19d: {  	v3 =	vld [tilespmem:s9+$0x0];
	_ =	sdelay $0x4  }
0x19e: {  	v3 =	vadd.s32 v0, v3  }
0x19f: {  	[tilespmem:$0x1B080] =	vst v3  }
0x1a0: {  	v3 =	vld [tilespmem:s9+$0x10];
	_ =	sdelay $0x4  }
0x1a1: {  	v3 =	vadd.s32 v0, v3  }
0x1a2: {  	[tilespmem:$0x1B090] =	vst v3  }
0x1a3: {  	v3 =	vld [tilespmem:s9+$0x20];
	_ =	sdelay $0x4  }
0x1a4: {  	v3 =	vadd.s32 v0, v3  }
0x1a5: {  	[tilespmem:$0x1B0A0] =	vst v3  }
0x1a6: {  	v3 =	vld [tilespmem:s9+$0x30];
	_ =	sdelay $0x4  }
0x1a7: {  	v3 =	vadd.s32 v0, v3  }
0x1a8: {  	[tilespmem:$0x1B0B0] =	vst v3  }
0x1a9: {  	v3 =	vld [tilespmem:s9+$0x40];
	_ =	sdelay $0x4  }
0x1aa: {  	v3 =	vadd.s32 v0, v3  }
0x1ab: {  	[tilespmem:$0x1B0C0] =	vst v3  }
0x1ac: {  	v3 =	vld [tilespmem:s9+$0x50];
	_ =	sdelay $0x4  }
0x1ad: {  	v3 =	vadd.s32 v0, v3  }
0x1ae: {  	[tilespmem:$0x1B0D0] =	vst v3  }
0x1af: {  	s16 =	sor.u32 $0x60, s9;
	v3 =	vld [tilespmem:s9+$0x50]  }
0x1b0: {  	v4 =	vld.msk [tilespmem:s16+$0x0], $0xf;
	_ =	sdelay $0x4  }
0x1b1: {  	v3 =	vadd.s32 v0, v3;
	v4 =	vadd.s32 v0, v4  }
0x1b2: {  	v3 =	vperm.xlane v3, v1;
	v4 =	vperm.xlane v4, v1;
	_ =	sdelay $0x1  }
0x1b3: {  	v3 =	vsel vm0, v3, v4  }
0x1b4: {  	[tilespmem:$0x1B0D4] =	vst v3  }
0x1b5: {  	s19 =	sor.u32 $0x70, s9;
	v3 =	vld [tilespmem:s9+$0x60]  }
0x1b6: {  	v57 =	vld.msk [tilespmem:s19+$0x0], $0xf;
	_ =	sdelay $0x4  }
0x1b7: {  	v3 =	vadd.s32 v0, v3;
	v4 =	vadd.s32 v0, v57  }
0x1b8: {  	v3 =	vperm.xlane v3, v1;
	v4 =	vperm.xlane v4, v1;
	_ =	sdelay $0x1  }
0x1b9: {  	v3 =	vsel vm0, v3, v4  }
0x1ba: {  	[tilespmem:$0x1B280] =	vst v3  }
0x1bb: {  	s19 =	sor.u32 $0x400, s9;
	v3 =	vld [tilespmem:s9+$0x70]  }
0x1bc: {  	v58 =	vld.msk [tilespmem:s19+$0x0], $0xf;
	_ =	sdelay $0x4  }
0x1bd: {  	v3 =	vadd.s32 v0, v3;
	v4 =	vadd.s32 v0, v58  }
0x1be: {  	v3 =	vperm.xlane v3, v1;
	v4 =	vperm.xlane v4, v1;
	_ =	sdelay $0x1  }
0x1bf: {  	v3 =	vsel vm0, v3, v4  }
0x1c0: {  	[tilespmem:$0x1B290] =	vst v3  }
0x1c1: {  	s19 =	sor.u32 $0x410, s9;
	v3 =	vld [tilespmem:s9+$0x400]  }
0x1c2: {  	v59 =	vld.msk [tilespmem:s19+$0x0], $0xf;
	_ =	sdelay $0x4  }
0x1c3: {  	v3 =	vadd.s32 v0, v3;
	v4 =	vadd.s32 v0, v59  }
0x1c4: {  	v3 =	vperm.xlane v3, v1;
	v4 =	vperm.xlane v4, v1;
	_ =	sdelay $0x1  }
0x1c5: {  	v3 =	vsel vm0, v3, v4  }
0x1c6: {  	[tilespmem:$0x1B2A0] =	vst v3  }
0x1c7: {  	s19 =	sor.u32 $0x420, s9;
	v3 =	vld [tilespmem:s9+$0x410]  }
0x1c8: {  	v60 =	vld.msk [tilespmem:s19+$0x0], $0xf;
	_ =	sdelay $0x4  }
0x1c9: {  	v3 =	vadd.s32 v0, v3;
	v4 =	vadd.s32 v0, v60  }
0x1ca: {  	v3 =	vperm.xlane v3, v1;
	v4 =	vperm.xlane v4, v1;
	_ =	sdelay $0x1  }
0x1cb: {  	v3 =	vsel vm0, v3, v4  }
0x1cc: {  	[tilespmem:$0x1B2B0] =	vst v3  }
0x1cd: {  	s19 =	sor.u32 $0x430, s9;
	v3 =	vld [tilespmem:s9+$0x420]  }
0x1ce: {  	v61 =	vld.msk [tilespmem:s19+$0x0], $0xf;
	_ =	sdelay $0x4  }
0x1cf: {  	v3 =	vadd.s32 v0, v3;
	v4 =	vadd.s32 v0, v61  }
0x1d0: {  	v3 =	vperm.xlane v3, v1;
	v4 =	vperm.xlane v4, v1;
	_ =	sdelay $0x1  }
0x1d1: {  	v3 =	vsel vm0, v3, v4  }
0x1d2: {  	[tilespmem:$0x1B2C0] =	vst v3  }
0x1d3: {  	s19 =	sor.u32 $0x440, s9;
	v3 =	vld [tilespmem:s9+$0x430]  }
0x1d4: {  	v62 =	vld.msk [tilespmem:s19+$0x0], $0xf;
	_ =	sdelay $0x4  }
0x1d5: {  	v3 =	vadd.s32 v0, v3;
	v4 =	vadd.s32 v0, v62  }
0x1d6: {  	v3 =	vperm.xlane v3, v1;
	v4 =	vperm.xlane v4, v1;
	_ =	sdelay $0x1  }
0x1d7: {  	v3 =	vsel vm0, v3, v4  }
0x1d8: {  	[tilespmem:$0x1B2D0] =	vst v3  }
0x1d9: {  	v3 =	vld [tilespmem:s9+$0x430]  }
0x1da: {  	v63 =	vld.msk [tilespmem:s19+$0x0], $0xff;
	_ =	sdelay $0x4  }
0x1db: {  	v3 =	vadd.s32 v0, v3;
	v4 =	vadd.s32 v0, v63  }
0x1dc: {  	v3 =	vperm.xlane v3, v2;
	v4 =	vperm.xlane v4, v2;
	_ =	sdelay $0x1  }
0x1dd: {  	v3 =	vsel vm1, v3, v4  }
0x1de: {  	[tilespmem:$0x1B2D4] =	vst v3  }
0x1df: {  	[tilespmem:s26], [sflag:$0x2] =	stream.indirect.gather [spmem:s4], $0x80, s25, s20, $0xb8;
	[tilespmem:$0x1F400] =	vst v63  }
0x1e0: {  	_ = 	snop  }
0x1e1: {  	[tilespmem:s29], [sflag:$0x2] =	stream.indirect.gather [spmem:s4], $0x80, s28, s20, $0xb8;
	[tilespmem:$0x1F400] =	vst v63  }
0x1e2: {  	_ =	swait.ge [sflag:s30], $0x3200  }
0x1e3: {  	[sflag:s30] =	ssyncset.done $0x0  }
0x1e4: {  	[sflag:s30] =	ssyncadd.s32 $0xFFFFCE00  }
0x1e5: {  	_ =	swait.ge [sflag:s30], $0x3200  }
0x1e6: {  	[sflag:s30] =	ssyncset.done $0x0  }
0x1e7: {  	s19 =	simm.s32 $0x0;
	s9 =	simm.s32 $0x400;
	[sflag:s30] =	ssyncadd.s32 $0xFFFFCE00  }
.LBB2_9:
0x1e8: {  	p0 =	sne.s32 s9, $0x18C00;
	v3 =	vld [tilespmem:s19+$0x20F0]  }
0x1e9: {  	v4 =	vld [tilespmem:s19+$0x2000]  }
0x1ea: {  	v5 =	vld [tilespmem:s19+$0x2010]  }
0x1eb: {  	v6 =	vld [tilespmem:s19+$0x2020]  }
0x1ec: {  	v7 =	vld [tilespmem:s19+$0x2030]  }
0x1ed: {  	[tilespmem:s19+$0x84F0] =	vst.add.f32.msk $0xffff, v3  }
0x1ee: {  	v3 =	vld [tilespmem:s19+$0x2040]  }
0x1ef: {  	v8 =	vld [tilespmem:s19+$0x2050]  }
0x1f0: {  	v9 =	vld [tilespmem:s19+$0x2060]  }
0x1f1: {  	v10 =	vld [tilespmem:s19+$0x2070]  }
0x1f2: {  	v11 =	vld [tilespmem:s19+$0x2080]  }
0x1f3: {  	v12 =	vld [tilespmem:s19+$0x2090]  }
0x1f4: {  	v13 =	vld [tilespmem:s19+$0x20A0]  }
0x1f5: {  	v14 =	vld [tilespmem:s19+$0x20B0]  }
0x1f6: {  	v15 =	vld [tilespmem:s19+$0x20C0]  }
0x1f7: {  	v16 =	vld [tilespmem:s19+$0x20D0]  }
0x1f8: {  	v17 =	vld [tilespmem:s19+$0x20E0]  }
0x1f9: {  	[tilespmem:s19+$0x8400] =	vst.add.f32.msk $0xffff, v4  }
0x1fa: {  	[tilespmem:s19+$0x8410] =	vst.add.f32.msk $0xffff, v5  }
0x1fb: {  	[tilespmem:s19+$0x8420] =	vst.add.f32.msk $0xffff, v6  }
0x1fc: {  	[tilespmem:s19+$0x8430] =	vst.add.f32.msk $0xffff, v7  }
0x1fd: {  	[tilespmem:s19+$0x8440] =	vst.add.f32.msk $0xffff, v3  }
0x1fe: {  	[tilespmem:s19+$0x8450] =	vst.add.f32.msk $0xffff, v8  }
0x1ff: {  	[tilespmem:s19+$0x8460] =	vst.add.f32.msk $0xffff, v9  }
0x200: {  	[tilespmem:s19+$0x8470] =	vst.add.f32.msk $0xffff, v10  }
0x201: {  	[tilespmem:s19+$0x8480] =	vst.add.f32.msk $0xffff, v11  }
0x202: {  	[tilespmem:s19+$0x8490] =	vst.add.f32.msk $0xffff, v12  }
.Ltmp3:
0x203: {  	[tilespmem:s19+$0x84A0] =	vst.add.f32.msk $0xffff, v13;
	(pc) =	sbr.rel @p0 .LBB2_9-.Ltmp3, $4  }
0x204: {  	[tilespmem:s19+$0x84B0] =	vst.add.f32.msk $0xffff, v14  }
0x205: {  	[tilespmem:s19+$0x84C0] =	vst.add.f32.msk $0xffff, v15  }
0x206: {  	[tilespmem:s19+$0x84D0] =	vst.add.f32.msk $0xffff, v16  }
0x207: {  	[tilespmem:s19+$0x84E0] =	vst.add.f32.msk $0xffff, v17;
	s19 =	sshra.s32 s9, $0x2;
	s9 =	sadd.s32 $0x400, s9  }
0x208: {  	v3 =	vld [tilespmem:s19+$0x20F0]  }
0x209: {  	v4 =	vld [tilespmem:s19+$0x2000]  }
0x20a: {  	v5 =	vld [tilespmem:s19+$0x2010]  }
0x20b: {  	v6 =	vld [tilespmem:s19+$0x2020]  }
0x20c: {  	v7 =	vld [tilespmem:s19+$0x2030]  }
0x20d: {  	v8 =	vld [tilespmem:s19+$0x2050]  }
0x20e: {  	v9 =	vld [tilespmem:s19+$0x2060]  }
0x20f: {  	v10 =	vld [tilespmem:s19+$0x2070]  }
0x210: {  	v11 =	vld [tilespmem:s19+$0x2080]  }
0x211: {  	v12 =	vld [tilespmem:s19+$0x2090]  }
0x212: {  	v13 =	vld [tilespmem:s19+$0x20A0]  }
0x213: {  	v14 =	vld [tilespmem:s19+$0x20B0]  }
0x214: {  	v15 =	vld [tilespmem:s19+$0x20C0]  }
0x215: {  	v16 =	vld [tilespmem:s19+$0x20D0]  }
0x216: {  	v17 =	vld [tilespmem:s19+$0x20E0]  }
0x217: {  	[tilespmem:s19+$0x84F0] =	vst.add.f32.msk $0xffff, v3  }
0x218: {  	v3 =	vld [tilespmem:s19+$0x2040]  }
0x219: {  	[tilespmem:s19+$0x8400] =	vst.add.f32.msk $0xffff, v4  }
0x21a: {  	[tilespmem:s19+$0x8410] =	vst.add.f32.msk $0xffff, v5  }
0x21b: {  	[tilespmem:s19+$0x8420] =	vst.add.f32.msk $0xffff, v6  }
0x21c: {  	[tilespmem:s19+$0x8430] =	vst.add.f32.msk $0xffff, v7  }
0x21d: {  	[tilespmem:s19+$0x8450] =	vst.add.f32.msk $0xffff, v8  }
0x21e: {  	[tilespmem:s19+$0x8460] =	vst.add.f32.msk $0xffff, v9  }
0x21f: {  	[tilespmem:s19+$0x8470] =	vst.add.f32.msk $0xffff, v10  }
0x220: {  	[tilespmem:s19+$0x8480] =	vst.add.f32.msk $0xffff, v11  }
0x221: {  	[tilespmem:s19+$0x8490] =	vst.add.f32.msk $0xffff, v12  }
0x222: {  	[tilespmem:s19+$0x84A0] =	vst.add.f32.msk $0xffff, v13  }
0x223: {  	s9 =	smul.u32 $0x258, s14;
	[tilespmem:s19+$0x84B0] =	vst.add.f32.msk $0xffff, v14  }
0x224: {  	[tilespmem:s19+$0x84C0] =	vst.add.f32.msk $0xffff, v15  }
0x225: {  	s9 =	sadd.s32 s9, s12;
	[tilespmem:s19+$0x84D0] =	vst.add.f32.msk $0xffff, v16  }
0x226: {  	s9 =	sshll.u32 s9, $0x4;
	[tilespmem:s19+$0x84E0] =	vst.add.f32.msk $0xffff, v17  }
0x227: {  	s16 =	simm.s32 $0x0;
	s9 =	sadd.s32 s3, s9;
	[tilespmem:s19+$0x8440] =	vst.add.f32.msk $0xffff, v3;
	s19 =	sadd.s32 $0x5, s15  }
0x228: {  	[hbm4b:s9+s16] =	stream.linear.scatter [tilespmem:s22], [sflag:$0x4], $0x6400, $0x38;
	[tilespmem:$0x1F400] =	vst v63  }
0x229: {  	s9 =	sshll.u32 s19, $0x8;
	s16 =	sshll.u32 s19, $0x7;
	_ =	swait.ge [sflag:s11], $0x6400  }
0x22a: {  	s9 =	sand.u32 $0x7800, s9;
	s16 =	sand.u32 $0x380, s16;
	[sflag:s11] =	ssyncset.done $0x0  }
0x22b: {  	s9 =	sor.u32 s16, s9;
	[sflag:s11] =	ssyncadd.s32 $0xFFFF9C00  }
0x22c: {  	v3 =	vld [tilespmem:s9+$0x0];
	_ =	sdelay $0x4  }
0x22d: {  	v3 =	vadd.s32 v0, v3  }
0x22e: {  	[tilespmem:$0x1B100] =	vst v3  }
0x22f: {  	v3 =	vld [tilespmem:s9+$0x10];
	_ =	sdelay $0x4  }
0x230: {  	v3 =	vadd.s32 v0, v3  }
0x231: {  	[tilespmem:$0x1B110] =	vst v3  }
0x232: {  	v3 =	vld [tilespmem:s9+$0x20];
	_ =	sdelay $0x4  }
0x233: {  	v3 =	vadd.s32 v0, v3  }
0x234: {  	[tilespmem:$0x1B120] =	vst v3  }
0x235: {  	v3 =	vld [tilespmem:s9+$0x30];
	_ =	sdelay $0x4  }
0x236: {  	v3 =	vadd.s32 v0, v3  }
0x237: {  	[tilespmem:$0x1B130] =	vst v3  }
0x238: {  	v3 =	vld [tilespmem:s9+$0x40];
	_ =	sdelay $0x4  }
0x239: {  	v3 =	vadd.s32 v0, v3  }
0x23a: {  	[tilespmem:$0x1B140] =	vst v3  }
0x23b: {  	v3 =	vld [tilespmem:s9+$0x50];
	_ =	sdelay $0x4  }
0x23c: {  	v3 =	vadd.s32 v0, v3  }
0x23d: {  	[tilespmem:$0x1B150] =	vst v3  }
0x23e: {  	s16 =	sor.u32 $0x60, s9;
	v3 =	vld [tilespmem:s9+$0x50]  }
0x23f: {  	v56 =	vld.msk [tilespmem:s16+$0x0], $0xf;
	_ =	sdelay $0x4  }
0x240: {  	v3 =	vadd.s32 v0, v3;
	v4 =	vadd.s32 v0, v56  }
0x241: {  	v3 =	vperm.xlane v3, v1;
	v4 =	vperm.xlane v4, v1;
	_ =	sdelay $0x1  }
0x242: {  	v3 =	vsel vm0, v3, v4  }
0x243: {  	[tilespmem:$0x1B154] =	vst v3  }
0x244: {  	s16 =	sor.u32 $0x70, s9;
	v3 =	vld [tilespmem:s9+$0x60]  }
0x245: {  	v57 =	vld.msk [tilespmem:s16+$0x0], $0xf;
	_ =	sdelay $0x4  }
0x246: {  	v3 =	vadd.s32 v0, v3;
	v4 =	vadd.s32 v0, v57  }
0x247: {  	v3 =	vperm.xlane v3, v1;
	v4 =	vperm.xlane v4, v1;
	_ =	sdelay $0x1  }
0x248: {  	v3 =	vsel vm0, v3, v4  }
0x249: {  	[tilespmem:$0x1B300] =	vst v3  }
0x24a: {  	s16 =	sor.u32 $0x400, s9;
	v3 =	vld [tilespmem:s9+$0x70]  }
0x24b: {  	v58 =	vld.msk [tilespmem:s16+$0x0], $0xf;
	_ =	sdelay $0x4  }
0x24c: {  	v3 =	vadd.s32 v0, v3;
	v4 =	vadd.s32 v0, v58  }
0x24d: {  	v3 =	vperm.xlane v3, v1;
	v4 =	vperm.xlane v4, v1;
	_ =	sdelay $0x1  }
0x24e: {  	v3 =	vsel vm0, v3, v4  }
0x24f: {  	[tilespmem:$0x1B310] =	vst v3  }
0x250: {  	s16 =	sor.u32 $0x410, s9;
	v3 =	vld [tilespmem:s9+$0x400]  }
0x251: {  	v59 =	vld.msk [tilespmem:s16+$0x0], $0xf;
	_ =	sdelay $0x4  }
0x252: {  	v3 =	vadd.s32 v0, v3;
	v4 =	vadd.s32 v0, v59  }
0x253: {  	v3 =	vperm.xlane v3, v1;
	v4 =	vperm.xlane v4, v1;
	_ =	sdelay $0x1  }
0x254: {  	v3 =	vsel vm0, v3, v4  }
0x255: {  	[tilespmem:$0x1B320] =	vst v3  }
0x256: {  	s16 =	sor.u32 $0x420, s9;
	v3 =	vld [tilespmem:s9+$0x410]  }
0x257: {  	v60 =	vld.msk [tilespmem:s16+$0x0], $0xf;
	_ =	sdelay $0x4  }
0x258: {  	v3 =	vadd.s32 v0, v3;
	v4 =	vadd.s32 v0, v60  }
0x259: {  	v3 =	vperm.xlane v3, v1;
	v4 =	vperm.xlane v4, v1;
	_ =	sdelay $0x1  }
0x25a: {  	v3 =	vsel vm0, v3, v4  }
0x25b: {  	[tilespmem:$0x1B330] =	vst v3  }
0x25c: {  	s16 =	sor.u32 $0x430, s9;
	v3 =	vld [tilespmem:s9+$0x420]  }
0x25d: {  	v61 =	vld.msk [tilespmem:s16+$0x0], $0xf;
	_ =	sdelay $0x4  }
0x25e: {  	v3 =	vadd.s32 v0, v3;
	v4 =	vadd.s32 v0, v61  }
0x25f: {  	v3 =	vperm.xlane v3, v1;
	v4 =	vperm.xlane v4, v1;
	_ =	sdelay $0x1  }
0x260: {  	v3 =	vsel vm0, v3, v4  }
0x261: {  	[tilespmem:$0x1B340] =	vst v3  }
0x262: {  	s16 =	sor.u32 $0x440, s9;
	v3 =	vld [tilespmem:s9+$0x430]  }
0x263: {  	v62 =	vld.msk [tilespmem:s16+$0x0], $0xf;
	_ =	sdelay $0x4  }
0x264: {  	v3 =	vadd.s32 v0, v3;
	v4 =	vadd.s32 v0, v62  }
0x265: {  	v3 =	vperm.xlane v3, v1;
	v4 =	vperm.xlane v4, v1;
	_ =	sdelay $0x1  }
0x266: {  	v3 =	vsel vm0, v3, v4  }
0x267: {  	[tilespmem:$0x1B350] =	vst v3  }
0x268: {  	v3 =	vld [tilespmem:s9+$0x430]  }
0x269: {  	v63 =	vld.msk [tilespmem:s16+$0x0], $0xff;
	_ =	sdelay $0x4  }
0x26a: {  	v3 =	vadd.s32 v0, v3;
	v4 =	vadd.s32 v0, v63  }
0x26b: {  	v3 =	vperm.xlane v3, v2;
	v4 =	vperm.xlane v4, v2;
	_ =	sdelay $0x1  }
0x26c: {  	v3 =	vsel vm1, v3, v4  }
0x26d: {  	[tilespmem:$0x1B354] =	vst v3  }
0x26e: {  	[tilespmem:s0], [sflag:$0x3] =	stream.indirect.gather [spmem:s4], $0x80, s31, s20, $0xb8;
	[tilespmem:$0x1F400] =	vst v63  }
0x26f: {  	_ = 	snop  }
0x270: {  	[tilespmem:s1], [sflag:$0x3] =	stream.indirect.gather [spmem:s4], $0x80, s2, s20, $0xb8;
	[tilespmem:$0x1F400] =	vst v63  }
0x271: {  	_ =	swait.ge [sflag:s17], $0x3200  }
0x272: {  	[sflag:s17] =	ssyncset.done $0x0  }
0x273: {  	[sflag:s17] =	ssyncadd.s32 $0xFFFFCE00  }
0x274: {  	_ =	swait.ge [sflag:s17], $0x3200  }
0x275: {  	[sflag:s17] =	ssyncset.done $0x0  }
0x276: {  	s9 =	simm.s32 $0x0;
	s16 =	simm.s32 $0x400;
	[sflag:s17] =	ssyncadd.s32 $0xFFFFCE00  }
.LBB2_11:
0x277: {  	p0 =	sne.s32 s16, $0x18C00;
	v3 =	vld [tilespmem:s9+$0x20F0]  }
0x278: {  	v4 =	vld [tilespmem:s9+$0x2000]  }
0x279: {  	v5 =	vld [tilespmem:s9+$0x2010]  }
0x27a: {  	v6 =	vld [tilespmem:s9+$0x2020]  }
0x27b: {  	v7 =	vld [tilespmem:s9+$0x2030]  }
0x27c: {  	[tilespmem:s9+$0xE8F0] =	vst.add.f32.msk $0xffff, v3  }
0x27d: {  	v3 =	vld [tilespmem:s9+$0x2040]  }
0x27e: {  	v8 =	vld [tilespmem:s9+$0x2050]  }
0x27f: {  	v9 =	vld [tilespmem:s9+$0x2060]  }
0x280: {  	v10 =	vld [tilespmem:s9+$0x2070]  }
0x281: {  	v11 =	vld [tilespmem:s9+$0x2080]  }
0x282: {  	v12 =	vld [tilespmem:s9+$0x2090]  }
0x283: {  	v13 =	vld [tilespmem:s9+$0x20A0]  }
0x284: {  	v14 =	vld [tilespmem:s9+$0x20B0]  }
0x285: {  	v15 =	vld [tilespmem:s9+$0x20C0]  }
0x286: {  	v16 =	vld [tilespmem:s9+$0x20D0]  }
0x287: {  	v17 =	vld [tilespmem:s9+$0x20E0]  }
0x288: {  	[tilespmem:s9+$0xE800] =	vst.add.f32.msk $0xffff, v4  }
0x289: {  	[tilespmem:s9+$0xE810] =	vst.add.f32.msk $0xffff, v5  }
0x28a: {  	[tilespmem:s9+$0xE820] =	vst.add.f32.msk $0xffff, v6  }
0x28b: {  	[tilespmem:s9+$0xE830] =	vst.add.f32.msk $0xffff, v7  }
0x28c: {  	[tilespmem:s9+$0xE840] =	vst.add.f32.msk $0xffff, v3  }
0x28d: {  	[tilespmem:s9+$0xE850] =	vst.add.f32.msk $0xffff, v8  }
0x28e: {  	[tilespmem:s9+$0xE860] =	vst.add.f32.msk $0xffff, v9  }
0x28f: {  	[tilespmem:s9+$0xE870] =	vst.add.f32.msk $0xffff, v10  }
0x290: {  	[tilespmem:s9+$0xE880] =	vst.add.f32.msk $0xffff, v11  }
0x291: {  	[tilespmem:s9+$0xE890] =	vst.add.f32.msk $0xffff, v12  }
.Ltmp4:
0x292: {  	[tilespmem:s9+$0xE8A0] =	vst.add.f32.msk $0xffff, v13;
	(pc) =	sbr.rel @p0 .LBB2_11-.Ltmp4, $4  }
0x293: {  	[tilespmem:s9+$0xE8B0] =	vst.add.f32.msk $0xffff, v14  }
0x294: {  	[tilespmem:s9+$0xE8C0] =	vst.add.f32.msk $0xffff, v15  }
0x295: {  	[tilespmem:s9+$0xE8D0] =	vst.add.f32.msk $0xffff, v16  }
0x296: {  	[tilespmem:s9+$0xE8E0] =	vst.add.f32.msk $0xffff, v17;
	s9 =	sshra.s32 s16, $0x2;
	s16 =	sadd.s32 $0x400, s16  }
0x297: {  	v3 =	vld [tilespmem:s9+$0x20F0]  }
0x298: {  	v4 =	vld [tilespmem:s9+$0x2000]  }
0x299: {  	v5 =	vld [tilespmem:s9+$0x2010]  }
0x29a: {  	v6 =	vld [tilespmem:s9+$0x2020]  }
0x29b: {  	v7 =	vld [tilespmem:s9+$0x2030]  }
0x29c: {  	v8 =	vld [tilespmem:s9+$0x2050]  }
0x29d: {  	v9 =	vld [tilespmem:s9+$0x2060]  }
0x29e: {  	v10 =	vld [tilespmem:s9+$0x2070]  }
0x29f: {  	v11 =	vld [tilespmem:s9+$0x2080]  }
0x2a0: {  	v12 =	vld [tilespmem:s9+$0x2090]  }
0x2a1: {  	v13 =	vld [tilespmem:s9+$0x20A0]  }
0x2a2: {  	v14 =	vld [tilespmem:s9+$0x20B0]  }
0x2a3: {  	v15 =	vld [tilespmem:s9+$0x20C0]  }
0x2a4: {  	v16 =	vld [tilespmem:s9+$0x20D0]  }
0x2a5: {  	v17 =	vld [tilespmem:s9+$0x20E0]  }
0x2a6: {  	[tilespmem:s9+$0xE8F0] =	vst.add.f32.msk $0xffff, v3  }
0x2a7: {  	v3 =	vld [tilespmem:s9+$0x2040]  }
0x2a8: {  	[tilespmem:s9+$0xE800] =	vst.add.f32.msk $0xffff, v4  }
0x2a9: {  	[tilespmem:s9+$0xE810] =	vst.add.f32.msk $0xffff, v5  }
0x2aa: {  	[tilespmem:s9+$0xE820] =	vst.add.f32.msk $0xffff, v6  }
0x2ab: {  	[tilespmem:s9+$0xE830] =	vst.add.f32.msk $0xffff, v7  }
0x2ac: {  	[tilespmem:s9+$0xE850] =	vst.add.f32.msk $0xffff, v8  }
0x2ad: {  	[tilespmem:s9+$0xE860] =	vst.add.f32.msk $0xffff, v9  }
0x2ae: {  	[tilespmem:s9+$0xE870] =	vst.add.f32.msk $0xffff, v10  }
0x2af: {  	[tilespmem:s9+$0xE880] =	vst.add.f32.msk $0xffff, v11  }
0x2b0: {  	[tilespmem:s9+$0xE890] =	vst.add.f32.msk $0xffff, v12  }
0x2b1: {  	[tilespmem:s9+$0xE8A0] =	vst.add.f32.msk $0xffff, v13  }
0x2b2: {  	s16 =	smul.u32 $0xC8, s18;
	[tilespmem:s9+$0xE8B0] =	vst.add.f32.msk $0xffff, v14  }
0x2b3: {  	[tilespmem:s9+$0xE8C0] =	vst.add.f32.msk $0xffff, v15  }
0x2b4: {  	s16 =	sadd.s32 s8, s16;
	[tilespmem:s9+$0xE8D0] =	vst.add.f32.msk $0xffff, v16  }
0x2b5: {  	s16 =	sshll.u32 s16, $0x4;
	[tilespmem:s9+$0xE8E0] =	vst.add.f32.msk $0xffff, v17  }
0x2b6: {  	s18 =	simm.s32 $0x0;
	s16 =	sadd.s32 s3, s16;
	[tilespmem:s9+$0xE840] =	vst.add.f32.msk $0xffff, v3  }
0x2b7: {  	[hbm4b:s16+s18] =	stream.linear.scatter [tilespmem:s26], [sflag:$0x5], $0x6400, $0x38;
	[tilespmem:$0x1F400] =	vst v63  }
0x2b8: {  	s18 =	sadd.s32 $0x6, s15  }
0x2b9: {  	_ =	swait.ge [sflag:s6], $0x6400;
	s15 =	sshll.u32 s18, $0x8;
	s9 =	sshll.u32 s18, $0x7  }
0x2ba: {  	[sflag:s6] =	ssyncset.done $0x0;
	s15 =	sand.u32 $0x7800, s15;
	s9 =	sand.u32 $0x380, s9  }
0x2bb: {  	[sflag:s6] =	ssyncadd.s32 $0xFFFF9C00;
	s9 =	sor.u32 s9, s15  }
0x2bc: {  	v3 =	vld [tilespmem:s9+$0x0];
	_ =	sdelay $0x4  }
0x2bd: {  	v3 =	vadd.s32 v0, v3  }
0x2be: {  	[tilespmem:$0x1B000] =	vst v3  }
0x2bf: {  	v3 =	vld [tilespmem:s9+$0x10];
	_ =	sdelay $0x4  }
0x2c0: {  	v3 =	vadd.s32 v0, v3  }
0x2c1: {  	[tilespmem:$0x1B010] =	vst v3  }
0x2c2: {  	v3 =	vld [tilespmem:s9+$0x20];
	_ =	sdelay $0x4  }
0x2c3: {  	v3 =	vadd.s32 v0, v3  }
0x2c4: {  	[tilespmem:$0x1B020] =	vst v3  }
0x2c5: {  	v3 =	vld [tilespmem:s9+$0x30];
	_ =	sdelay $0x4  }
0x2c6: {  	v3 =	vadd.s32 v0, v3  }
0x2c7: {  	[tilespmem:$0x1B030] =	vst v3  }
0x2c8: {  	v3 =	vld [tilespmem:s9+$0x40];
	_ =	sdelay $0x4  }
0x2c9: {  	v3 =	vadd.s32 v0, v3  }
0x2ca: {  	[tilespmem:$0x1B040] =	vst v3  }
0x2cb: {  	v3 =	vld [tilespmem:s9+$0x50];
	_ =	sdelay $0x4  }
0x2cc: {  	v3 =	vadd.s32 v0, v3  }
0x2cd: {  	[tilespmem:$0x1B050] =	vst v3  }
0x2ce: {  	s15 =	sor.u32 $0x60, s9;
	v3 =	vld [tilespmem:s9+$0x50]  }
0x2cf: {  	v56 =	vld.msk [tilespmem:s15+$0x0], $0xf;
	_ =	sdelay $0x4  }
0x2d0: {  	v3 =	vadd.s32 v0, v3;
	v4 =	vadd.s32 v0, v56  }
0x2d1: {  	v3 =	vperm.xlane v3, v1;
	v4 =	vperm.xlane v4, v1;
	_ =	sdelay $0x1  }
0x2d2: {  	v3 =	vsel vm0, v3, v4  }
0x2d3: {  	[tilespmem:$0x1B054] =	vst v3  }
0x2d4: {  	s16 =	sor.u32 $0x70, s9;
	v3 =	vld [tilespmem:s9+$0x60]  }
0x2d5: {  	v57 =	vld.msk [tilespmem:s16+$0x0], $0xf;
	_ =	sdelay $0x4  }
0x2d6: {  	v3 =	vadd.s32 v0, v3;
	v4 =	vadd.s32 v0, v57  }
0x2d7: {  	v3 =	vperm.xlane v3, v1;
	v4 =	vperm.xlane v4, v1;
	_ =	sdelay $0x1  }
0x2d8: {  	v3 =	vsel vm0, v3, v4  }
0x2d9: {  	[tilespmem:$0x1B200] =	vst v3  }
0x2da: {  	s18 =	sor.u32 $0x400, s9;
	v3 =	vld [tilespmem:s9+$0x70]  }
0x2db: {  	v58 =	vld.msk [tilespmem:s18+$0x0], $0xf;
	_ =	sdelay $0x4  }
0x2dc: {  	v3 =	vadd.s32 v0, v3;
	v4 =	vadd.s32 v0, v58  }
0x2dd: {  	v3 =	vperm.xlane v3, v1;
	v4 =	vperm.xlane v4, v1;
	_ =	sdelay $0x1  }
0x2de: {  	v3 =	vsel vm0, v3, v4  }
0x2df: {  	[tilespmem:$0x1B210] =	vst v3  }
0x2e0: {  	s16 =	sor.u32 $0x410, s9;
	v3 =	vld [tilespmem:s9+$0x400]  }
0x2e1: {  	v59 =	vld.msk [tilespmem:s16+$0x0], $0xf;
	_ =	sdelay $0x4  }
0x2e2: {  	v3 =	vadd.s32 v0, v3;
	v4 =	vadd.s32 v0, v59  }
0x2e3: {  	v3 =	vperm.xlane v3, v1;
	v4 =	vperm.xlane v4, v1;
	_ =	sdelay $0x1  }
0x2e4: {  	v3 =	vsel vm0, v3, v4  }
0x2e5: {  	[tilespmem:$0x1B220] =	vst v3  }
0x2e6: {  	s18 =	sor.u32 $0x420, s9;
	v3 =	vld [tilespmem:s9+$0x410]  }
0x2e7: {  	v60 =	vld.msk [tilespmem:s18+$0x0], $0xf;
	_ =	sdelay $0x4  }
0x2e8: {  	v3 =	vadd.s32 v0, v3;
	v4 =	vadd.s32 v0, v60  }
0x2e9: {  	v3 =	vperm.xlane v3, v1;
	v4 =	vperm.xlane v4, v1;
	_ =	sdelay $0x1  }
0x2ea: {  	v3 =	vsel vm0, v3, v4  }
0x2eb: {  	[tilespmem:$0x1B230] =	vst v3  }
0x2ec: {  	s16 =	sor.u32 $0x430, s9;
	v3 =	vld [tilespmem:s9+$0x420]  }
0x2ed: {  	v61 =	vld.msk [tilespmem:s16+$0x0], $0xf;
	_ =	sdelay $0x4  }
0x2ee: {  	v3 =	vadd.s32 v0, v3;
	v4 =	vadd.s32 v0, v61  }
0x2ef: {  	v3 =	vperm.xlane v3, v1;
	v4 =	vperm.xlane v4, v1;
	_ =	sdelay $0x1  }
0x2f0: {  	v3 =	vsel vm0, v3, v4  }
0x2f1: {  	[tilespmem:$0x1B240] =	vst v3  }
0x2f2: {  	s18 =	sor.u32 $0x440, s9;
	v3 =	vld [tilespmem:s9+$0x430]  }
0x2f3: {  	v62 =	vld.msk [tilespmem:s18+$0x0], $0xf;
	_ =	sdelay $0x4  }
0x2f4: {  	v3 =	vadd.s32 v0, v3;
	v4 =	vadd.s32 v0, v62  }
0x2f5: {  	v3 =	vperm.xlane v3, v1;
	v4 =	vperm.xlane v4, v1;
	_ =	sdelay $0x1  }
0x2f6: {  	v3 =	vsel vm0, v3, v4  }
0x2f7: {  	[tilespmem:$0x1B250] =	vst v3  }
0x2f8: {  	v3 =	vld [tilespmem:s9+$0x430]  }
0x2f9: {  	v63 =	vld.msk [tilespmem:s18+$0x0], $0xff;
	_ =	sdelay $0x4  }
0x2fa: {  	v3 =	vadd.s32 v0, v3;
	v4 =	vadd.s32 v0, v63  }
0x2fb: {  	v3 =	vperm.xlane v3, v2;
	v4 =	vperm.xlane v4, v2;
	_ =	sdelay $0x1  }
0x2fc: {  	v3 =	vsel vm1, v3, v4  }
0x2fd: {  	[tilespmem:$0x1B254] =	vst v3  }
0x2fe: {  	[tilespmem:s22], [sflag:$0x1] =	stream.indirect.gather [spmem:s4], $0x80, s21, s20, $0xb8;
	[tilespmem:$0x1F400] =	vst v63  }
0x2ff: {  	_ = 	snop  }
0x300: {  	[tilespmem:s24], [sflag:$0x1] =	stream.indirect.gather [spmem:s4], $0x80, s23, s20, $0xb8;
	[tilespmem:$0x1F400] =	vst v63  }
0x301: {  	_ =	swait.ge [sflag:s7], $0x3200  }
0x302: {  	[sflag:s7] =	ssyncset.done $0x0  }
0x303: {  	[sflag:s7] =	ssyncadd.s32 $0xFFFFCE00  }
0x304: {  	_ =	swait.ge [sflag:s7], $0x3200  }
0x305: {  	[sflag:s7] =	ssyncset.done $0x0  }
0x306: {  	s15 =	simm.s32 $0x400;
	s9 =	simm.s32 $0x0;
	[sflag:s7] =	ssyncadd.s32 $0xFFFFCE00  }
.LBB2_13:
0x307: {  	p0 =	sne.s32 s15, $0x18C00;
	v3 =	vld [tilespmem:s9+$0x20F0]  }
0x308: {  	v4 =	vld [tilespmem:s9+$0x2000]  }
0x309: {  	v5 =	vld [tilespmem:s9+$0x2010]  }
0x30a: {  	v6 =	vld [tilespmem:s9+$0x2020]  }
0x30b: {  	v7 =	vld [tilespmem:s9+$0x2030]  }
0x30c: {  	[tilespmem:s9+$0x14CF0] =	vst.add.f32.msk $0xffff, v3  }
0x30d: {  	v3 =	vld [tilespmem:s9+$0x2040]  }
0x30e: {  	v8 =	vld [tilespmem:s9+$0x2050]  }
0x30f: {  	v9 =	vld [tilespmem:s9+$0x2060]  }
0x310: {  	v10 =	vld [tilespmem:s9+$0x2070]  }
0x311: {  	v11 =	vld [tilespmem:s9+$0x2080]  }
0x312: {  	v12 =	vld [tilespmem:s9+$0x2090]  }
0x313: {  	v13 =	vld [tilespmem:s9+$0x20A0]  }
0x314: {  	v14 =	vld [tilespmem:s9+$0x20B0]  }
0x315: {  	v15 =	vld [tilespmem:s9+$0x20C0]  }
0x316: {  	v16 =	vld [tilespmem:s9+$0x20D0]  }
0x317: {  	v17 =	vld [tilespmem:s9+$0x20E0]  }
0x318: {  	[tilespmem:s9+$0x14C00] =	vst.add.f32.msk $0xffff, v4  }
0x319: {  	[tilespmem:s9+$0x14C10] =	vst.add.f32.msk $0xffff, v5  }
0x31a: {  	[tilespmem:s9+$0x14C20] =	vst.add.f32.msk $0xffff, v6  }
0x31b: {  	[tilespmem:s9+$0x14C30] =	vst.add.f32.msk $0xffff, v7  }
0x31c: {  	[tilespmem:s9+$0x14C40] =	vst.add.f32.msk $0xffff, v3  }
0x31d: {  	[tilespmem:s9+$0x14C50] =	vst.add.f32.msk $0xffff, v8  }
0x31e: {  	[tilespmem:s9+$0x14C60] =	vst.add.f32.msk $0xffff, v9  }
0x31f: {  	[tilespmem:s9+$0x14C70] =	vst.add.f32.msk $0xffff, v10  }
0x320: {  	[tilespmem:s9+$0x14C80] =	vst.add.f32.msk $0xffff, v11  }
0x321: {  	[tilespmem:s9+$0x14C90] =	vst.add.f32.msk $0xffff, v12  }
.Ltmp5:
0x322: {  	[tilespmem:s9+$0x14CA0] =	vst.add.f32.msk $0xffff, v13;
	(pc) =	sbr.rel @p0 .LBB2_13-.Ltmp5, $4  }
0x323: {  	[tilespmem:s9+$0x14CB0] =	vst.add.f32.msk $0xffff, v14  }
0x324: {  	[tilespmem:s9+$0x14CC0] =	vst.add.f32.msk $0xffff, v15  }
0x325: {  	[tilespmem:s9+$0x14CD0] =	vst.add.f32.msk $0xffff, v16  }
0x326: {  	[tilespmem:s9+$0x14CE0] =	vst.add.f32.msk $0xffff, v17;
	s9 =	sshra.s32 s15, $0x2;
	s15 =	sadd.s32 $0x400, s15  }
0x327: {  	v3 =	vld [tilespmem:s9+$0x20F0]  }
0x328: {  	v4 =	vld [tilespmem:s9+$0x2000]  }
0x329: {  	v5 =	vld [tilespmem:s9+$0x2010]  }
0x32a: {  	v6 =	vld [tilespmem:s9+$0x2020]  }
0x32b: {  	v7 =	vld [tilespmem:s9+$0x2030]  }
0x32c: {  	v8 =	vld [tilespmem:s9+$0x2050]  }
0x32d: {  	v9 =	vld [tilespmem:s9+$0x2060]  }
0x32e: {  	v10 =	vld [tilespmem:s9+$0x2070]  }
0x32f: {  	v11 =	vld [tilespmem:s9+$0x2080]  }
0x330: {  	v12 =	vld [tilespmem:s9+$0x2090]  }
0x331: {  	v13 =	vld [tilespmem:s9+$0x20A0]  }
0x332: {  	v14 =	vld [tilespmem:s9+$0x20B0]  }
0x333: {  	v15 =	vld [tilespmem:s9+$0x20C0]  }
0x334: {  	v16 =	vld [tilespmem:s9+$0x20D0]  }
0x335: {  	v17 =	vld [tilespmem:s9+$0x20E0]  }
0x336: {  	[tilespmem:s9+$0x14CF0] =	vst.add.f32.msk $0xffff, v3  }
0x337: {  	v3 =	vld [tilespmem:s9+$0x2040]  }
0x338: {  	[tilespmem:s9+$0x14C00] =	vst.add.f32.msk $0xffff, v4  }
0x339: {  	[tilespmem:s9+$0x14C10] =	vst.add.f32.msk $0xffff, v5  }
0x33a: {  	[tilespmem:s9+$0x14C20] =	vst.add.f32.msk $0xffff, v6  }
0x33b: {  	[tilespmem:s9+$0x14C30] =	vst.add.f32.msk $0xffff, v7  }
0x33c: {  	[tilespmem:s9+$0x14C50] =	vst.add.f32.msk $0xffff, v8  }
0x33d: {  	[tilespmem:s9+$0x14C60] =	vst.add.f32.msk $0xffff, v9  }
0x33e: {  	[tilespmem:s9+$0x14C70] =	vst.add.f32.msk $0xffff, v10  }
0x33f: {  	[tilespmem:s9+$0x14C80] =	vst.add.f32.msk $0xffff, v11  }
0x340: {  	[tilespmem:s9+$0x14C90] =	vst.add.f32.msk $0xffff, v12  }
0x341: {  	s14 =	sadd.s32 $0x1, s14;
	[tilespmem:s9+$0x14CA0] =	vst.add.f32.msk $0xffff, v13  }
0x342: {  	s15 =	smul.u32 $0xC8, s19;
	p0 =	sne.s32 s14, $0x9;
	[tilespmem:s9+$0x14CB0] =	vst.add.f32.msk $0xffff, v14  }
.Ltmp6:
0x343: {  	[tilespmem:s9+$0x14CC0] =	vst.add.f32.msk $0xffff, v15;
	(pc) =	sbr.rel @p0 .LBB2_8-.Ltmp6, $4  }
0x344: {  	s15 =	sadd.s32 s8, s15;
	[tilespmem:s9+$0x14CD0] =	vst.add.f32.msk $0xffff, v16  }
0x345: {  	s15 =	sshll.u32 s15, $0x4;
	[tilespmem:s9+$0x14CE0] =	vst.add.f32.msk $0xffff, v17  }
0x346: {  	s19 =	sadd.s32 s3, s15;
	[tilespmem:s9+$0x14C40] =	vst.add.f32.msk $0xffff, v3  }
0x347: {  	[hbm4b:s19+s5] =	stream.linear.scatter [tilespmem:s0], [sflag:$0x6], $0x6400, $0x38;
	[tilespmem:$0x1F400] =	vst v63  }
0x348: {  	_ =	swait.ge [sflag:s10], $0x6400  }
0x349: {  	[sflag:s10] =	ssyncset.done $0x0  }
0x34a: {  	[sflag:s10] =	ssyncadd.s32 $0xFFFF9C00  }
0x34b: {  	v3 =	vld [tilespmem:$0x1B80]  }
0x34c: {  	v4 =	vld [tilespmem:$0x1B90]  }
0x34d: {  	v5 =	vld [tilespmem:$0x1BA0]  }
0x34e: {  	v6 =	vld [tilespmem:$0x1BB0]  }
0x34f: {  	v7 =	vld [tilespmem:$0x1BC0]  }
0x350: {  	v8 =	vld [tilespmem:$0x1BD0]  }
0x351: {  	v9 =	vld [tilespmem:$0x1BD0]  }
0x352: {  	v10 =	vld.msk [tilespmem:$0x1BE0], $0xf  }
0x353: {  	v11 =	vld [tilespmem:$0x1BE0]  }
0x354: {  	v12 =	vld.msk [tilespmem:$0x1BF0], $0xf  }
0x355: {  	v13 =	vld [tilespmem:$0x1BF0]  }
0x356: {  	v14 =	vld.msk [tilespmem:$0x1F80], $0xf  }
0x357: {  	v15 =	vld [tilespmem:$0x1F80]  }
0x358: {  	v16 =	vld.msk [tilespmem:$0x1F90], $0xf  }
0x359: {  	v17 =	vld [tilespmem:$0x1F90]  }
0x35a: {  	v18 =	vld.msk [tilespmem:$0x1FA0], $0xf  }
0x35b: {  	v19 =	vld [tilespmem:$0x1FA0]  }
0x35c: {  	v48 =	vld [tilespmem:$0x1FB0];
	v3 =	vadd.s32 v0, v3;
	v4 =	vadd.s32 v0, v4  }
0x35d: {  	v50 =	vld.msk [tilespmem:$0x1FC0], $0xf;
	v5 =	vadd.s32 v0, v5;
	v6 =	vadd.s32 v0, v6;
	v9 =	vadd.s32 v0, v9  }
0x35e: {  	v53 =	vld [tilespmem:$0x1FB0];
	v7 =	vadd.s32 v0, v7;
	v10 =	vadd.s32 v0, v10;
	v11 =	vadd.s32 v0, v11  }
0x35f: {  	v56 =	vld.msk [tilespmem:$0x1FC0], $0xff;
	v12 =	vadd.s32 v0, v12;
	v44 =	vadd.s32 v0, v13;
	v46 =	vadd.s32 v0, v14  }
0x360: {  	v47 =	vadd.s32 v0, v15;
	v49 =	vadd.s32 v0, v16;
	v51 =	vadd.s32 v0, v17;
	[tilespmem:$0x1B080] =	vst v3  }
0x361: {  	v52 =	vadd.s32 v0, v18;
	v54 =	vadd.s32 v0, v8;
	v58 =	vadd.s32 v0, v19;
	[tilespmem:$0x1B090] =	vst v4  }
0x362: {  	v45 =	vld.msk [tilespmem:$0x1FB0], $0xf;
	v59 =	vadd.s32 v0, v48;
	v60 =	vadd.s32 v0, v50;
	v9 =	vperm.xlane v9, v1;
	[tilespmem:$0x1B0A0] =	vst v5  }
0x363: {  	v61 =	vadd.s32 v0, v53;
	v10 =	vperm.xlane v10, v1;
	v3 =	vperm.xlane v11, v1;
	[tilespmem:$0x1B0B0] =	vst v6  }
0x364: {  	v62 =	vadd.s32 v0, v56;
	v43 =	vperm.xlane v12, v1;
	v12 =	vperm.xlane v44, v1;
	[tilespmem:$0x1B0C0] =	vst v7  }
0x365: {  	v4 =	vperm.xlane v46, v1;
	v14 =	vperm.xlane v47, v1;
	[tilespmem:$0x1B0D0] =	vst v54;
	v57 =	vsel vm0, v9, v10  }
0x366: {  	v5 =	vperm.xlane v49, v1;
	v6 =	vperm.xlane v51, v1;
	v3 =	vsel vm0, v3, v43;
	[tilespmem:$0x1B0D4] =	vst v57  }
0x367: {  	v55 =	vperm.xlane v52, v1;
	v4 =	vsel vm0, v12, v4;
	[tilespmem:$0x1B280] =	vst v3;
	v3 =	vadd.s32 v0, v45  }
0x368: {  	v7 =	vperm.xlane v58, v1;
	v5 =	vsel vm0, v14, v5;
	[tilespmem:$0x1B290] =	vst v4;
	v3 =	vperm.xlane v3, v1  }
0x369: {  	v8 =	vperm.xlane v59, v1;
	v6 =	vsel vm0, v6, v55;
	[tilespmem:$0x1B2A0] =	vst v5;
	v4 =	vperm.xlane v60, v1  }
0x36a: {  	v63 =	vperm.xlane v62, v2;
	[tilespmem:$0x1B2B0] =	vst v6;
	v5 =	vperm.xlane v61, v2;
	v3 =	vsel vm0, v7, v3  }
0x36b: {  	[tilespmem:$0x1B2C0] =	vst v3;
	v3 =	vsel vm0, v8, v4  }
0x36c: {  	[tilespmem:$0x1B2D0] =	vst v3;
	v3 =	vsel vm1, v5, v63  }
0x36d: {  	[tilespmem:$0x1B2D4] =	vst v3  }
0x36e: {  	[tilespmem:s26], [sflag:$0x2] =	stream.indirect.gather [spmem:s4], $0x80, s25, s20, $0xb8;
	[tilespmem:$0x1F400] =	vst v63  }
0x36f: {  	_ = 	snop  }
0x370: {  	[tilespmem:s29], [sflag:$0x2] =	stream.indirect.gather [spmem:s4], $0x80, s28, s20, $0xb8;
	[tilespmem:$0x1F400] =	vst v63  }
0x371: {  	_ =	swait.ge [sflag:s30], $0x3200  }
0x372: {  	[sflag:s30] =	ssyncset.done $0x0  }
0x373: {  	[sflag:s30] =	ssyncadd.s32 $0xFFFFCE00  }
0x374: {  	_ =	swait.ge [sflag:s30], $0x3200  }
0x375: {  	[sflag:s30] =	ssyncset.done $0x0  }
0x376: {  	s9 =	simm.s32 $0x0;
	s14 =	simm.s32 $0x400;
	[sflag:s30] =	ssyncadd.s32 $0xFFFFCE00  }
.LBB2_16:
0x377: {  	p0 =	sne.s32 s14, $0x18C00;
	v3 =	vld [tilespmem:s9+$0x20F0]  }
0x378: {  	v4 =	vld [tilespmem:s9+$0x2000]  }
0x379: {  	v5 =	vld [tilespmem:s9+$0x2010]  }
0x37a: {  	v6 =	vld [tilespmem:s9+$0x2020]  }
0x37b: {  	v7 =	vld [tilespmem:s9+$0x2030]  }
0x37c: {  	[tilespmem:s9+$0x84F0] =	vst.add.f32.msk $0xffff, v3  }
0x37d: {  	v3 =	vld [tilespmem:s9+$0x2040]  }
0x37e: {  	v8 =	vld [tilespmem:s9+$0x2050]  }
0x37f: {  	v9 =	vld [tilespmem:s9+$0x2060]  }
0x380: {  	v10 =	vld [tilespmem:s9+$0x2070]  }
0x381: {  	v11 =	vld [tilespmem:s9+$0x2080]  }
0x382: {  	v12 =	vld [tilespmem:s9+$0x2090]  }
0x383: {  	v13 =	vld [tilespmem:s9+$0x20A0]  }
0x384: {  	v14 =	vld [tilespmem:s9+$0x20B0]  }
0x385: {  	v15 =	vld [tilespmem:s9+$0x20C0]  }
0x386: {  	v16 =	vld [tilespmem:s9+$0x20D0]  }
0x387: {  	v17 =	vld [tilespmem:s9+$0x20E0]  }
0x388: {  	[tilespmem:s9+$0x8400] =	vst.add.f32.msk $0xffff, v4  }
0x389: {  	[tilespmem:s9+$0x8410] =	vst.add.f32.msk $0xffff, v5  }
0x38a: {  	[tilespmem:s9+$0x8420] =	vst.add.f32.msk $0xffff, v6  }
0x38b: {  	[tilespmem:s9+$0x8430] =	vst.add.f32.msk $0xffff, v7  }
0x38c: {  	[tilespmem:s9+$0x8440] =	vst.add.f32.msk $0xffff, v3  }
0x38d: {  	[tilespmem:s9+$0x8450] =	vst.add.f32.msk $0xffff, v8  }
0x38e: {  	[tilespmem:s9+$0x8460] =	vst.add.f32.msk $0xffff, v9  }
0x38f: {  	[tilespmem:s9+$0x8470] =	vst.add.f32.msk $0xffff, v10  }
0x390: {  	[tilespmem:s9+$0x8480] =	vst.add.f32.msk $0xffff, v11  }
0x391: {  	[tilespmem:s9+$0x8490] =	vst.add.f32.msk $0xffff, v12  }
.Ltmp7:
0x392: {  	[tilespmem:s9+$0x84A0] =	vst.add.f32.msk $0xffff, v13;
	(pc) =	sbr.rel @p0 .LBB2_16-.Ltmp7, $4  }
0x393: {  	[tilespmem:s9+$0x84B0] =	vst.add.f32.msk $0xffff, v14  }
0x394: {  	[tilespmem:s9+$0x84C0] =	vst.add.f32.msk $0xffff, v15  }
0x395: {  	[tilespmem:s9+$0x84D0] =	vst.add.f32.msk $0xffff, v16  }
0x396: {  	[tilespmem:s9+$0x84E0] =	vst.add.f32.msk $0xffff, v17;
	s9 =	sshra.s32 s14, $0x2;
	s14 =	sadd.s32 $0x400, s14  }
0x397: {  	v3 =	vld [tilespmem:s9+$0x20F0]  }
0x398: {  	v4 =	vld [tilespmem:s9+$0x2000]  }
0x399: {  	v5 =	vld [tilespmem:s9+$0x2010]  }
0x39a: {  	v6 =	vld [tilespmem:s9+$0x2020]  }
0x39b: {  	v7 =	vld [tilespmem:s9+$0x2030]  }
0x39c: {  	v8 =	vld [tilespmem:s9+$0x2050]  }
0x39d: {  	v9 =	vld [tilespmem:s9+$0x2060]  }
0x39e: {  	v10 =	vld [tilespmem:s9+$0x2070]  }
0x39f: {  	v11 =	vld [tilespmem:s9+$0x2080]  }
0x3a0: {  	v12 =	vld [tilespmem:s9+$0x2090]  }
0x3a1: {  	v13 =	vld [tilespmem:s9+$0x20A0]  }
0x3a2: {  	v14 =	vld [tilespmem:s9+$0x20B0]  }
0x3a3: {  	v15 =	vld [tilespmem:s9+$0x20C0]  }
0x3a4: {  	v16 =	vld [tilespmem:s9+$0x20D0]  }
0x3a5: {  	v17 =	vld [tilespmem:s9+$0x20E0]  }
0x3a6: {  	[tilespmem:s9+$0x84F0] =	vst.add.f32.msk $0xffff, v3  }
0x3a7: {  	v3 =	vld [tilespmem:s9+$0x2040]  }
0x3a8: {  	[tilespmem:s9+$0x8400] =	vst.add.f32.msk $0xffff, v4  }
0x3a9: {  	[tilespmem:s9+$0x8410] =	vst.add.f32.msk $0xffff, v5  }
0x3aa: {  	[tilespmem:s9+$0x8420] =	vst.add.f32.msk $0xffff, v6  }
0x3ab: {  	[tilespmem:s9+$0x8430] =	vst.add.f32.msk $0xffff, v7  }
0x3ac: {  	[tilespmem:s9+$0x8450] =	vst.add.f32.msk $0xffff, v8  }
0x3ad: {  	[tilespmem:s9+$0x8460] =	vst.add.f32.msk $0xffff, v9  }
0x3ae: {  	[tilespmem:s9+$0x8470] =	vst.add.f32.msk $0xffff, v10  }
0x3af: {  	[tilespmem:s9+$0x8480] =	vst.add.f32.msk $0xffff, v11  }
0x3b0: {  	[tilespmem:s9+$0x8490] =	vst.add.f32.msk $0xffff, v12  }
0x3b1: {  	[tilespmem:s9+$0x84A0] =	vst.add.f32.msk $0xffff, v13  }
0x3b2: {  	[tilespmem:s9+$0x84B0] =	vst.add.f32.msk $0xffff, v14  }
0x3b3: {  	[tilespmem:s9+$0x84C0] =	vst.add.f32.msk $0xffff, v15  }
0x3b4: {  	[tilespmem:s9+$0x84D0] =	vst.add.f32.msk $0xffff, v16  }
0x3b5: {  	[tilespmem:s9+$0x84E0] =	vst.add.f32.msk $0xffff, v17  }
0x3b6: {  	s19 =	simm.s32 $0x0;
	s14 =	rddreg [dreg:$0xa];
	[tilespmem:s9+$0x8440] =	vst.add.f32.msk $0xffff, v3  }
0x3b7: {  	[hbm4b:s14+s19] =	stream.linear.scatter [tilespmem:s22], [sflag:$0x4], $0x6400, $0x38;
	[tilespmem:$0x1F400] =	vst v63  }
0x3b8: {  	_ =	swait.ge [sflag:s11], $0x6400  }
0x3b9: {  	[sflag:s11] =	ssyncset.done $0x0  }
0x3ba: {  	[sflag:s11] =	ssyncadd.s32 $0xFFFF9C00  }
0x3bb: {  	_ =	swait.ge [sflag:s17], $0x3200  }
0x3bc: {  	[sflag:s17] =	ssyncset.done $0x0  }
0x3bd: {  	[sflag:s17] =	ssyncadd.s32 $0xFFFFCE00  }
0x3be: {  	_ =	swait.ge [sflag:s17], $0x3200  }
0x3bf: {  	[sflag:s17] =	ssyncset.done $0x0  }
0x3c0: {  	s9 =	simm.s32 $0x0;
	s14 =	simm.s32 $0x400;
	[sflag:s17] =	ssyncadd.s32 $0xFFFFCE00  }
.LBB2_18:
0x3c1: {  	p0 =	sne.s32 s14, $0x18C00;
	v3 =	vld [tilespmem:s9+$0x20F0]  }
0x3c2: {  	v4 =	vld [tilespmem:s9+$0x2000]  }
0x3c3: {  	v5 =	vld [tilespmem:s9+$0x2010]  }
0x3c4: {  	v6 =	vld [tilespmem:s9+$0x2020]  }
0x3c5: {  	v7 =	vld [tilespmem:s9+$0x2030]  }
0x3c6: {  	[tilespmem:s9+$0xE8F0] =	vst.add.f32.msk $0xffff, v3  }
0x3c7: {  	v3 =	vld [tilespmem:s9+$0x2040]  }
0x3c8: {  	v8 =	vld [tilespmem:s9+$0x2050]  }
0x3c9: {  	v9 =	vld [tilespmem:s9+$0x2060]  }
0x3ca: {  	v10 =	vld [tilespmem:s9+$0x2070]  }
0x3cb: {  	v11 =	vld [tilespmem:s9+$0x2080]  }
0x3cc: {  	v12 =	vld [tilespmem:s9+$0x2090]  }
0x3cd: {  	v13 =	vld [tilespmem:s9+$0x20A0]  }
0x3ce: {  	v14 =	vld [tilespmem:s9+$0x20B0]  }
0x3cf: {  	v15 =	vld [tilespmem:s9+$0x20C0]  }
0x3d0: {  	v16 =	vld [tilespmem:s9+$0x20D0]  }
0x3d1: {  	v17 =	vld [tilespmem:s9+$0x20E0]  }
0x3d2: {  	[tilespmem:s9+$0xE800] =	vst.add.f32.msk $0xffff, v4  }
0x3d3: {  	[tilespmem:s9+$0xE810] =	vst.add.f32.msk $0xffff, v5  }
0x3d4: {  	[tilespmem:s9+$0xE820] =	vst.add.f32.msk $0xffff, v6  }
0x3d5: {  	[tilespmem:s9+$0xE830] =	vst.add.f32.msk $0xffff, v7  }
0x3d6: {  	[tilespmem:s9+$0xE840] =	vst.add.f32.msk $0xffff, v3  }
0x3d7: {  	[tilespmem:s9+$0xE850] =	vst.add.f32.msk $0xffff, v8  }
0x3d8: {  	[tilespmem:s9+$0xE860] =	vst.add.f32.msk $0xffff, v9  }
0x3d9: {  	[tilespmem:s9+$0xE870] =	vst.add.f32.msk $0xffff, v10  }
0x3da: {  	[tilespmem:s9+$0xE880] =	vst.add.f32.msk $0xffff, v11  }
0x3db: {  	[tilespmem:s9+$0xE890] =	vst.add.f32.msk $0xffff, v12  }
.Ltmp8:
0x3dc: {  	[tilespmem:s9+$0xE8A0] =	vst.add.f32.msk $0xffff, v13;
	(pc) =	sbr.rel @p0 .LBB2_18-.Ltmp8, $4  }
0x3dd: {  	[tilespmem:s9+$0xE8B0] =	vst.add.f32.msk $0xffff, v14  }
0x3de: {  	[tilespmem:s9+$0xE8C0] =	vst.add.f32.msk $0xffff, v15  }
0x3df: {  	[tilespmem:s9+$0xE8D0] =	vst.add.f32.msk $0xffff, v16  }
0x3e0: {  	[tilespmem:s9+$0xE8E0] =	vst.add.f32.msk $0xffff, v17;
	s9 =	sshra.s32 s14, $0x2;
	s14 =	sadd.s32 $0x400, s14  }
0x3e1: {  	v3 =	vld [tilespmem:s9+$0x20F0]  }
0x3e2: {  	v4 =	vld [tilespmem:s9+$0x2000]  }
0x3e3: {  	v5 =	vld [tilespmem:s9+$0x2010]  }
0x3e4: {  	v6 =	vld [tilespmem:s9+$0x2020]  }
0x3e5: {  	v7 =	vld [tilespmem:s9+$0x2030]  }
0x3e6: {  	v8 =	vld [tilespmem:s9+$0x2050]  }
0x3e7: {  	v9 =	vld [tilespmem:s9+$0x2060]  }
0x3e8: {  	v10 =	vld [tilespmem:s9+$0x2070]  }
0x3e9: {  	v11 =	vld [tilespmem:s9+$0x2080]  }
0x3ea: {  	v12 =	vld [tilespmem:s9+$0x2090]  }
0x3eb: {  	v13 =	vld [tilespmem:s9+$0x20A0]  }
0x3ec: {  	v14 =	vld [tilespmem:s9+$0x20B0]  }
0x3ed: {  	v15 =	vld [tilespmem:s9+$0x20C0]  }
0x3ee: {  	v16 =	vld [tilespmem:s9+$0x20D0]  }
0x3ef: {  	v17 =	vld [tilespmem:s9+$0x20E0]  }
0x3f0: {  	[tilespmem:s9+$0xE8F0] =	vst.add.f32.msk $0xffff, v3  }
0x3f1: {  	v3 =	vld [tilespmem:s9+$0x2040]  }
0x3f2: {  	[tilespmem:s9+$0xE800] =	vst.add.f32.msk $0xffff, v4  }
0x3f3: {  	[tilespmem:s9+$0xE810] =	vst.add.f32.msk $0xffff, v5  }
0x3f4: {  	[tilespmem:s9+$0xE820] =	vst.add.f32.msk $0xffff, v6  }
0x3f5: {  	[tilespmem:s9+$0xE830] =	vst.add.f32.msk $0xffff, v7  }
0x3f6: {  	[tilespmem:s9+$0xE850] =	vst.add.f32.msk $0xffff, v8  }
0x3f7: {  	[tilespmem:s9+$0xE860] =	vst.add.f32.msk $0xffff, v9  }
0x3f8: {  	[tilespmem:s9+$0xE870] =	vst.add.f32.msk $0xffff, v10  }
0x3f9: {  	[tilespmem:s9+$0xE880] =	vst.add.f32.msk $0xffff, v11  }
0x3fa: {  	[tilespmem:s9+$0xE890] =	vst.add.f32.msk $0xffff, v12  }
0x3fb: {  	[tilespmem:s9+$0xE8A0] =	vst.add.f32.msk $0xffff, v13  }
0x3fc: {  	[tilespmem:s9+$0xE8B0] =	vst.add.f32.msk $0xffff, v14  }
0x3fd: {  	[tilespmem:s9+$0xE8C0] =	vst.add.f32.msk $0xffff, v15  }
0x3fe: {  	[tilespmem:s9+$0xE8D0] =	vst.add.f32.msk $0xffff, v16  }
0x3ff: {  	[tilespmem:s9+$0xE8E0] =	vst.add.f32.msk $0xffff, v17  }
0x400: {  	s18 =	rddreg [dreg:$0xb];
	[tilespmem:s9+$0xE840] =	vst.add.f32.msk $0xffff, v3  }
0x401: {  	[hbm4b:s18+s5] =	stream.linear.scatter [tilespmem:s26], [sflag:$0x5], $0x6400, $0x38;
	[tilespmem:$0x1F400] =	vst v63  }
0x402: {  	_ =	swait.ge [sflag:s6], $0x6400  }
0x403: {  	[sflag:s6] =	ssyncset.done $0x0  }
0x404: {  	[sflag:s6] =	ssyncadd.s32 $0xFFFF9C00  }
0x405: {  	_ =	swait.ge [sflag:s10], $0x6400  }
0x406: {  	s13 =	sadd.s32 $0x1, s13;
	s19 =	rddreg [dreg:$0xc]  }
0x407: {  	p0 =	sne.s32 s13, s19  }
.Ltmp9:
0x408: {  	_ = 	snop;
	(pc) =	sbr.rel @p0 .LBB2_1-.Ltmp9, $3  }
0x409: {  	_ =	sdelay $0x1  }
0x40a: {  	[sflag:s10] =	ssyncset.done $0x0  }
0x40b: {  	[sflag:s10] =	ssyncadd.s32 $0xFFFF9C00  }
0x40c: {  	_ =	sfence.sel $0x180000  }
0x40d: {  	[bflag:$0x0] =	sbarrier.arrive $0xFFFF  }
0x40e: {  	_ =	strace $0x90000047  }
0x40f: {  	s0 =	stileid.u32;
	[bflag:$0x2] =	sbarrier.arrive $0xFFFF  }
0x410: {  	p0 =	sne.s32 s0, $0x0;
	s0 =	rddreg [dreg:$0x4]  }
0x411: {  	s0 =	sadd.s32 @!p0 $0x100000, s0  }
0x412: {  	[sflag:s0] =	ssyncadd.tile.s32 @!p0 $0x1;
	_ =	shalt  }
.Lfunc_end2:
_tile_overlayer_lowered:
.L_overlay_start_2:
0x413: {  	(tag) =	ssettag $0x2  }
0x414: {  	s0 =	rddreg [dreg:$0x0];
	s2 =	stileid.u32  }
0x415: {  	s1 =	rddreg [dreg:$0x1];
	p0 =	sne.s32 s2, $0x0  }
0x416: {  	s3 =	rddreg [dreg:$0x2];
	[bflag:$0x3] =	sbarrier.arrive $0xFFFF;
	s2 =	simm.s32 @!p0 $0x1C07  }
0x417: {  	[timem:s3], [sflag:s2] =	dma.local @!p0 [hbm:s0], s1  }
0x418: {  	s0 =	simm.s32 @!p0 $0x7  }
0x419: {  	_ =	swait.ge @!p0 [sflag:s0], s1  }
0x41a: {  	s1 =	ssub.s32 @!p0 $0x0, s1;
	[sflag:s0] =	ssyncset.done @!p0 $0x0  }
0x41b: {  	[sflag:s0] =	ssyncadd.s32 @!p0 s1  }
0x41c: {  	[bflag:$0x3] =	sbarrier.arrive $0xFFFF  }
0x41d: {  	_ =	shalt  }

</sc_bundles>
